<compile_context>
chip_gen: v7x
topology: tpu7x:2x2x1
jax: 0.10.2.dev20260603
libtpu: 0.0.44.dev20260713+nightly
codegen_flags: <defaults>
</compile_context>

<pallas_src>
import functools

import jax
import jax.numpy as jnp
from jax import lax
from jax.experimental import pallas as pl
from jax.experimental.pallas import tpu as pltpu
from jax.experimental.pallas import tpu_sc as plsc

_B, _N, _C, _K = 8, 2048, 7, 16
_R = _B * _N
_BLK = 32
_HI = lax.Precision.HIGHEST
_F32 = jnp.float32

_NC, _NS, _L = 2, 16, 16
_NW = _NC * _NS


def _knn_mlp1_body(pts_ref, ptst_ref, w1a, b1a, w1b, b1b, w1c, b1c, x1_ref,
                   idx_ref, s_ref):
    b = pl.program_id(0)
    i = pl.program_id(1)
    p_all = pts_ref[0]
    p_t = ptst_ref[0]
    p_blk = pts_ref[0, pl.ds(i * _BLK, _BLK), :]

    xx_lane = jnp.sum(p_t * p_t, axis=0, keepdims=True)
    xx_blk = jnp.sum(p_blk * p_blk, axis=1)
    dotp = lax.dot_general(p_blk, p_t, (((1,), (0,)), ((), ())),
                           precision=_HI, preferred_element_type=_F32)
    inner = -2.0 * dotp
    s = (-xx_lane) - inner
    s_ref[...] = s - xx_blk[:, None]

    iota = lax.broadcasted_iota(jnp.int32, (_BLK, _N), 1)
    kiota = lax.broadcasted_iota(jnp.int32, (_BLK, _K), 1)
    neg_inf = jnp.float32(-jnp.inf)

    def step(k, picks_acc):
        s = s_ref[...]
        m = jnp.max(s, axis=1, keepdims=True)
        key = jnp.where(s == m, iota, _N)
        a = jnp.min(key, axis=1, keepdims=True)
        s_ref[...] = jnp.where(iota == a, neg_inf, s)
        return jnp.where(kiota == k, a, picks_acc)

    picks = lax.fori_loop(0, _K, step,
                          jnp.zeros((_BLK, _K), jnp.int32))
    idx_ref[0] = picks + b * _N

    oh0 = (iota == picks[:, 0:1]).astype(_F32)
    oh1 = (iota == picks[:, 1:2]).astype(_F32)
    g0 = lax.dot_general(oh0, p_all, (((1,), (0,)), ((), ())),
                         precision=_HI, preferred_element_type=_F32)
    g1 = lax.dot_general(oh1, p_all, (((1,), (0,)), ((), ())),
                         precision=_HI, preferred_element_type=_F32)
    parts = [p_blk] + [g0[:, a:a + 1] * g1 for a in range(_C)]
    f56 = jnp.concatenate(parts, axis=1)

    def dense(x, w, bb):
        return lax.dot_general(x, w[...], (((1,), (1,)), ((), ())),
                               precision=_HI, preferred_element_type=_F32) + bb[...]

    h = jnp.maximum(dense(f56, w1a, b1a), 0.0)
    h = jnp.maximum(dense(h, w1b, b1b), 0.0)
    h = jnp.maximum(dense(h, w1c, b1c), 0.0)
    x1_ref[0] = jnp.concatenate([h, jnp.zeros((_BLK, 64), _F32)], axis=1)


def _knn_mlp1(pts, W1a, b1a, W1b, b1b, W1c, b1c):
    grid = (_B, _N // _BLK)
    full = lambda shape: pl.BlockSpec(shape, lambda b, i: tuple(0 for _ in shape))
    return pl.pallas_call(
        _knn_mlp1_body,
        grid=grid,
        in_specs=[
            pl.BlockSpec((1, _N, _C), lambda b, i: (b, 0, 0)),
            pl.BlockSpec((1, _C, _N), lambda b, i: (b, 0, 0)),
            full((64, 56)), full((1, 64)),
            full((64, 64)), full((1, 64)),
            full((64, 64)), full((1, 64)),
        ],
        out_specs=[
            pl.BlockSpec((1, _BLK, 128), lambda b, i: (b, i, 0)),
            pl.BlockSpec((1, _BLK, _K), lambda b, i: (b, i, 0)),
        ],
        out_shape=[
            jax.ShapeDtypeStruct((_B, _N, 128), _F32),
            jax.ShapeDtypeStruct((_B, _N, _K), jnp.int32),
        ],
        scratch_shapes=[pltpu.VMEM((_BLK, _N), _F32)],
    )(pts, jnp.swapaxes(pts, 1, 2), W1a, b1a.reshape(1, -1),
      W1b, b1b.reshape(1, -1), W1c, b1c.reshape(1, -1))


def _sc_maxpool(x, idx2d, d):
    rpw = _R // _NW
    nch = rpw // 8
    mesh = plsc.VectorSubcoreMesh(core_axis_name="c", subcore_axis_name="s")

    @functools.partial(
        pl.kernel,
        out_type=jax.ShapeDtypeStruct((_R, 128), _F32),
        mesh=mesh,
        scratch_types=[
            pltpu.VMEM((nch, 128), jnp.int32),
            pltpu.VMEM((128, 128), _F32),
            pltpu.VMEM((128, 128), _F32),
            pltpu.VMEM((rpw, 128), _F32),
            pltpu.SemaphoreType.DMA,
            pltpu.SemaphoreType.DMA,
        ],
    )
    def mp(x_hbm, idx_hbm, out_hbm, idx_v, rows0, rows1, out_v, sem0, sem1):
        wid = lax.axis_index("s") * _NC + lax.axis_index("c")
        base = wid * rpw
        pltpu.sync_copy(idx_hbm.at[pl.ds(wid * nch, nch)], idx_v)
        rows = (rows0, rows1)
        sems = (sem0, sem1)

        def fire(ci, bb):
            pltpu.async_copy(x_hbm.at[idx_v.at[ci]], rows[bb], sems[bb])

        fire(0, 0)
        fire(1, 1)

        def chunk(g, carry):
            for bb in range(2):
                ci = g * 2 + bb
                pltpu.make_async_copy(x_hbm.at[idx_v.at[ci]], rows[bb],
                                      sems[bb]).wait()
                rv = rows[bb]

                def row(r, c2):
                    for c in range(d // _L):
                        acc = rv[r * _K, pl.ds(c * _L, _L)]
                        for nn in range(1, _K):
                            acc = jnp.maximum(
                                acc, rv[r * _K + nn, pl.ds(c * _L, _L)])
                        out_v[ci * 8 + r, pl.ds(c * _L, _L)] = acc
                    return c2

                lax.fori_loop(0, 8, row, 0)

                @pl.when(ci + 2 < nch)
                def _():
                    fire(ci + 2, bb)
            return carry

        lax.fori_loop(0, nch // 2, chunk, 0)
        pltpu.sync_copy(out_v, out_hbm.at[pl.ds(base, rpw)])

    return mp(x, idx2d)


def _mlp2_body(x_ref, wl, bl, wc, bc, o_ref):
    h = lax.dot_general(x_ref[:, :64], wl[...], (((1,), (1,)), ((), ())),
                        precision=_HI, preferred_element_type=_F32) + bl[...]
    h = lax.dot_general(h, wc[...], (((1,), (1,)), ((), ())),
                        precision=_HI, preferred_element_type=_F32) + bc[...]
    o_ref[...] = jnp.maximum(h, 0.0)


def _mlp3_body(x_ref, wl, bl, wc, bc, o_ref):
    h = lax.dot_general(x_ref[...], wl[...], (((1,), (1,)), ((), ())),
                        precision=_HI, preferred_element_type=_F32) + bl[...]
    o_ref[...] = lax.dot_general(h, wc[...], (((1,), (1,)), ((), ())),
                                 precision=_HI, preferred_element_type=_F32) + bc[...]


def _mlp_call(body, x, wl, bl, wc, bc, dmid, dout, blk=2048):
    din = x.shape[1]
    full = lambda shape: pl.BlockSpec(shape, lambda i: tuple(0 for _ in shape))
    return pl.pallas_call(
        body,
        grid=(_R // blk,),
        in_specs=[
            pl.BlockSpec((blk, din), lambda i: (i, 0)),
            full(wl.shape), full((1, dmid)),
            full(wc.shape), full((1, dout)),
        ],
        out_specs=pl.BlockSpec((blk, dout), lambda i: (i, 0)),
        out_shape=jax.ShapeDtypeStruct((_R, dout), _F32),
    )(x, wl, bl.reshape(1, -1), wc, bc.reshape(1, -1))


def kernel(pts, W1a, b1a, W1b, b1b, W1c, b1c, Wl1, bl1, Wc1, bc1,
           Wl2, bl2, Wc2, bc2):
    x1, idx = _knn_mlp1(pts, W1a, b1a, W1b, b1b, W1c, b1c)
    idx2d = idx.reshape(-1, 128)
    m1 = _sc_maxpool(x1.reshape(_R, 128), idx2d, 64)
    x2 = _mlp_call(_mlp2_body, m1, Wl1, bl1, Wc1, bc1, 64, 128)
    m2 = _sc_maxpool(x2, idx2d, 128)
    out = _mlp_call(_mlp3_body, m2, Wl2, bl2, Wc2, bc2, 128, 512)
    return out.reshape(_B, _N, 512)

# --- scband reference (transcript-rebuilt; emitter-appended) ---
"""Pipeline reference for scband-fold-net-encoder-17222818857145 (READ-ONLY COPY).

The authoritative reference and input builder live on the scoring server;
editing this copy changes nothing except your own understanding.
"""

import jax, jax.numpy as jnp
import numpy as np

B, N, C, K = 8, 2048, 7, 16
FEAT = 512


def setup_inputs(seed: int = 0) -> dict:
    key = jax.random.key(seed)
    ks = jax.random.split(key, 16)

    def w(k, shape):
        return jax.random.normal(k, shape, dtype=jnp.float32) * 0.05

    return {
        "pts": jax.random.normal(ks[0], (B, N, C), dtype=jnp.float32),
        # mlp1: Conv1d(56,64,1) -> ReLU -> Conv1d(64,64,1) -> ReLU -> Conv1d(64,64,1) -> ReLU
        "W1a": w(ks[1], (64, 56)), "b1a": w(ks[2], (64,)),
        "W1b": w(ks[3], (64, 64)), "b1b": w(ks[4], (64,)),
        "W1c": w(ks[5], (64, 64)), "b1c": w(ks[6], (64,)),
        # graph layer params
        "Wl1": w(ks[7], (64, 64)), "bl1": w(ks[8], (64,)),      # linear1
        "Wc1": w(ks[9], (128, 64)), "bc1": w(ks[10], (128,)),   # conv1
        "Wl2": w(ks[11], (128, 128)), "bl2": w(ks[12], (128,)), # linear2
        "Wc2": w(ks[13], (FEAT, 128)), "bc2": w(ks[14], (FEAT,)),  # conv2
    }


def _knn(p, k):
    # p: [B, C, N]
    inner = -2.0 * jnp.matmul(jnp.swapaxes(p, 1, 2), p)          # [B, N, N]
    xx = jnp.sum(p ** 2, axis=1, keepdims=True)                  # [B, 1, N]
    pairwise = -xx - inner - jnp.swapaxes(xx, 1, 2)              # [B, N, N]
    idx = jax.lax.top_k(pairwise, k)[1]                          # [B, N, k]
    idx_base = (jnp.arange(B) * N).reshape(-1, 1, 1)
    return (idx + idx_base).reshape(-1)                          # [B*N*k]


def _local_maxpool(x, idx):
    # x: [B, C, N]
    d = x.shape[1]
    xt = jnp.swapaxes(x, 1, 2).reshape(B * N, d)[idx]            # gather
    xt = xt.reshape(B, N, K, d)
    return jnp.max(xt, axis=2)                                   # [B, N, d]


def _local_cov(p, idx):
    # p: [B, C, N]
    x = jnp.swapaxes(p, 1, 2).reshape(B * N, C)[idx]             # gather
    x = x.reshape(B, N, K, C)
    m = jnp.matmul(x[:, :, 0][..., None], x[:, :, 1][:, :, None, :])  # [B,N,C,C]
    m = jnp.swapaxes(m.reshape(B, N, C * C), 1, 2)               # [B, C*C, N]
    return jnp.concatenate([p, m], axis=1)                       # [B, 56, N]


def _conv1d(x, W, b):
    # pointwise conv1d: x [B, Cin, N], W [Cout, Cin]
    return jnp.einsum('bcn,oc->bon', x, W) + b[None, :, None]


def _linear(x, W, b):
    # x: [B, N, Cin], W: [Cout, Cin]
    return x @ W.T + b


def reference(pts, W1a, b1a, W1b, b1b, W1c, b1c, Wl1, bl1, Wc1, bc1, Wl2, bl2, Wc2, bc2):
    p = jnp.swapaxes(pts, 1, 2)                                  # [B, 7, N]
    idx = _knn(p, K)
    x = _local_cov(p, idx)                                       # [B, 56, N]
    # mlp1
    x = jax.nn.relu(_conv1d(x, W1a, b1a))
    x = jax.nn.relu(_conv1d(x, W1b, b1b))
    x = jax.nn.relu(_conv1d(x, W1c, b1c))                        # [B, 64, N]
    # graph_layer
    x = _local_maxpool(x, idx)                                   # [B, N, 64]
    x = _linear(x, Wl1, bl1)
    x = jnp.swapaxes(x, 1, 2)                                    # [B, 64, N]
    x = jax.nn.relu(_conv1d(x, Wc1, bc1))                        # [B, 128, N]
    x = _local_maxpool(x, idx)                                   # [B, N, 128]
    x = _linear(x, Wl2, bl2)
    x = jnp.swapaxes(x, 1, 2)                                    # [B, 128, N]
    x = _conv1d(x, Wc2, bc2)                                     # [B, FEAT, N]
    feat = jnp.swapaxes(x, 1, 2)                                 # [B, N, FEAT]
    return feat

if __name__ == "__main__":
    import jax
    _d = setup_inputs()
    print(jax.jit(kernel)(*tuple(_d.values())))

</pallas_src>

<mosaic_0001>
#map = affine_map<(d0, d1) -> (0, 0)>
module attributes {stable_mosaic.version = 14 : i64} {
  func.func @mp(%arg0: i32, %arg1: i32, %arg2: memref<16384x128xf32, #tpu.memory_space<hbm>>, %arg3: memref<2048x128xi32, #tpu.memory_space<hbm>>, %arg4: memref<16384x128xf32, #tpu.memory_space<hbm>>, %arg5: memref<64x128xi32, #tpu.memory_space<vmem>>, %arg6: memref<128x128xf32, #tpu.memory_space<vmem>>, %arg7: memref<128x128xf32, #tpu.memory_space<vmem>>, %arg8: memref<512x128xf32, #tpu.memory_space<vmem>>, %arg9: memref<!tpu.dma_semaphore, #tpu.memory_space<semaphore_mem>>, %arg10: memref<!tpu.dma_semaphore, #tpu.memory_space<semaphore_mem>>) attributes {dimension_semantics = [#tpu.dimension_semantics<core_parallel>, #tpu.dimension_semantics<subcore_parallel>], iteration_bounds = array<i64: 2, 16>, scalar_prefetch = 0 : i64, scratch_operands = 6 : i64, tpu.core_type = #tpu.core_type<sc_vector_subcore>, window_params = [{transform_indices = #map}, {transform_indices = #map}, {transform_indices = #map}]} {
    %mul3A = arith.constant 2 : i32
    %mul3A_0 = arith.muli %arg1, %mul3A : i32
    %add3A = arith.addi %mul3A_0, %arg0 : i32
    %mul3A_1 = arith.constant 512 : i32
    %mul3A_2 = arith.muli %add3A, %mul3A_1 : i32
    %mul3A_3 = arith.constant 64 : i32
    %mul3A_4 = arith.muli %add3A, %mul3A_3 : i32
    "tpu.region"() ({
      %run_scoped3A = tpu.sem_alloc : memref<!tpu.dma_semaphore, #tpu.memory_space<semaphore_mem>>
      %dma_start3A_23 = arith.constant 0 : i32
      %dma_start3A_24 = tpu.memref_slice %arg3[%mul3A_4, %dma_start3A_23] : memref<2048x128xi32, #tpu.memory_space<hbm>> -> memref<64x128xi32, #tpu.memory_space<hbm>>
      %dma_start3A_25 = arith.constant 0 : i32
      %dma_start3A_26 = tpu.memref_slice %arg3[%mul3A_4, %dma_start3A_25] : memref<2048x128xi32, #tpu.memory_space<hbm>> -> memref<64x128xi32, #tpu.memory_space<hbm>>
      tpu.enqueue_dma source(%dma_start3A_26 : memref<64x128xi32, #tpu.memory_space<hbm>>) target(%arg5 : memref<64x128xi32, #tpu.memory_space<vmem>>) target_semaphore(%run_scoped3A : memref<!tpu.dma_semaphore, #tpu.memory_space<semaphore_mem>>)
      %dma_wait3A = arith.constant 0 : i32
      %dma_wait3A_27 = tpu.memref_slice %arg3[%mul3A_4, %dma_wait3A] : memref<2048x128xi32, #tpu.memory_space<hbm>> -> memref<64x128xi32, #tpu.memory_space<hbm>>
      %dma_wait3A_28 = arith.constant 0 : i32
      %dma_wait3A_29 = tpu.memref_slice %arg3[%mul3A_4, %dma_wait3A_28] : memref<2048x128xi32, #tpu.memory_space<hbm>> -> memref<64x128xi32, #tpu.memory_space<hbm>>
      tpu.wait_dma2 semaphore(%run_scoped3A : memref<!tpu.dma_semaphore, #tpu.memory_space<semaphore_mem>>) src(%dma_wait3A_29 : memref<64x128xi32, #tpu.memory_space<hbm>>) dst(%arg5 : memref<64x128xi32, #tpu.memory_space<vmem>>)
      tpu.yield
    }) : () -> ()
    %dma_start3A = arith.constant 0 : i32
    %dma_start3A_5 = arith.constant 0 : i32
    %dma_start3A_6 = tpu.memref_slice %arg5[%dma_start3A, %dma_start3A_5] : memref<64x128xi32, #tpu.memory_space<vmem>> -> memref<1x128xi32, #tpu.memory_space<vmem>>
    %dma_start3A_7 = tpu.memref_squeeze %dma_start3A_6 : memref<1x128xi32, #tpu.memory_space<vmem>> -> memref<128xi32, #tpu.memory_space<vmem>>
    %dma_start3A_8 = arith.constant 0 : i32
    %dma_start3A_9 = arith.constant 0 : i32
    %dma_start3A_10 = tpu.memref_slice %arg2[%dma_start3A_8, %dma_start3A_9] : memref<16384x128xf32, #tpu.memory_space<hbm>> -> memref<16384x128xf32, #tpu.memory_space<hbm>>
    tpu.enqueue_indirect_dma source(%dma_start3A_10 : memref<16384x128xf32, #tpu.memory_space<hbm>>) target(%arg6 : memref<128x128xf32, #tpu.memory_space<vmem>>) offsets(%dma_start3A_7 : memref<128xi32, #tpu.memory_space<vmem>>) semaphore(%arg9 : memref<!tpu.dma_semaphore, #tpu.memory_space<semaphore_mem>>)
    %dma_start3A_11 = arith.constant 1 : i32
    %dma_start3A_12 = arith.constant 0 : i32
    %dma_start3A_13 = tpu.memref_slice %arg5[%dma_start3A_11, %dma_start3A_12] : memref<64x128xi32, #tpu.memory_space<vmem>> -> memref<1x128xi32, #tpu.memory_space<vmem>>
    %dma_start3A_14 = tpu.memref_squeeze %dma_start3A_13 : memref<1x128xi32, #tpu.memory_space<vmem>> -> memref<128xi32, #tpu.memory_space<vmem>>
    %dma_start3A_15 = arith.constant 0 : i32
    %dma_start3A_16 = arith.constant 0 : i32
    %dma_start3A_17 = tpu.memref_slice %arg2[%dma_start3A_15, %dma_start3A_16] : memref<16384x128xf32, #tpu.memory_space<hbm>> -> memref<16384x128xf32, #tpu.memory_space<hbm>>
    tpu.enqueue_indirect_dma source(%dma_start3A_17 : memref<16384x128xf32, #tpu.memory_space<hbm>>) target(%arg7 : memref<128x128xf32, #tpu.memory_space<vmem>>) offsets(%dma_start3A_14 : memref<128xi32, #tpu.memory_space<vmem>>) semaphore(%arg10 : memref<!tpu.dma_semaphore, #tpu.memory_space<semaphore_mem>>)
    %scan3A = arith.constant 0 : i32
    %scan3A_18 = arith.constant 0 : i32
    %scan3A_19 = arith.constant 32 : i32
    %scan3A_20 = arith.addi %scan3A_18, %scan3A_19 : i32
    %scan3A_21 = arith.constant 1 : i32
    scf.for %scan3A_23 = %scan3A_18 to %scan3A_20 step %scan3A_21  : i32 {
      %mul3A_24 = arith.constant 2 : i32
      %mul3A_25 = arith.muli %scan3A_23, %mul3A_24 : i32
      %add3A_26 = arith.constant 0 : i32
      %add3A_27 = arith.addi %mul3A_25, %add3A_26 : i32
      %dma_wait3A = arith.constant 0 : i32
      %dma_wait3A_28 = tpu.memref_slice %arg5[%add3A_27, %dma_wait3A] : memref<64x128xi32, #tpu.memory_space<vmem>> -> memref<1x128xi32, #tpu.memory_space<vmem>>
      %dma_wait3A_29 = tpu.memref_squeeze %dma_wait3A_28 : memref<1x128xi32, #tpu.memory_space<vmem>> -> memref<128xi32, #tpu.memory_space<vmem>>
      %dma_wait3A_30 = arith.constant 0 : i32
      %dma_wait3A_31 = arith.constant 0 : i32
      %dma_wait3A_32 = tpu.memref_slice %arg2[%dma_wait3A_30, %dma_wait3A_31] : memref<16384x128xf32, #tpu.memory_space<hbm>> -> memref<16384x128xf32, #tpu.memory_space<hbm>>
      tpu.wait_indirect_dma semaphore(%arg9 : memref<!tpu.dma_semaphore, #tpu.memory_space<semaphore_mem>>) src(%dma_wait3A_32 : memref<16384x128xf32, #tpu.memory_space<hbm>>) dst(%arg6 : memref<128x128xf32, #tpu.memory_space<vmem>>)
      %scan3A_33 = arith.constant 0 : i32
      %scan3A_34 = arith.constant 0 : i32
      %scan3A_35 = arith.constant 8 : i32
      %scan3A_36 = arith.addi %scan3A_34, %scan3A_35 : i32
      %scan3A_37 = arith.constant 1 : i32
      scf.for %scan3A_66 = %scan3A_34 to %scan3A_36 step %scan3A_37  : i32 {
        %mul3A_67 = arith.constant 16 : i32
        %mul3A_68 = arith.muli %scan3A_66, %mul3A_67 : i32
        %get3A = arith.index_cast %mul3A_68 : i32 to index
        %get3A_69 = arith.constant 0 : index
        %get3A_70 = tpu.vector_load %arg6[%get3A, %get3A_69] {strides = array<i32>} : memref<128x128xf32, #tpu.memory_space<vmem>>, vector<1x16xf32>,
        %get3A_71 = vector.shape_cast %get3A_70 : vector<1x16xf32> to vector<16xf32>
        %mul3A_72 = arith.constant 16 : i32
        %mul3A_73 = arith.muli %scan3A_66, %mul3A_72 : i32
        %add3A_74 = arith.constant 1 : i32
        %add3A_75 = arith.addi %mul3A_73, %add3A_74 : i32
        %get3A_76 = arith.index_cast %add3A_75 : i32 to index
        %get3A_77 = arith.constant 0 : index
        %get3A_78 = tpu.vector_load %arg6[%get3A_76, %get3A_77] {strides = array<i32>} : memref<128x128xf32, #tpu.memory_space<vmem>>, vector<1x16xf32>,
        %get3A_79 = vector.shape_cast %get3A_78 : vector<1x16xf32> to vector<16xf32>
        %max3A = arith.maximumf %get3A_71, %get3A_79 : vector<16xf32>
        %mul3A_80 = arith.constant 16 : i32
        %mul3A_81 = arith.muli %scan3A_66, %mul3A_80 : i32
        %add3A_82 = arith.constant 2 : i32
        %add3A_83 = arith.addi %mul3A_81, %add3A_82 : i32
        %get3A_84 = arith.index_cast %add3A_83 : i32 to index
        %get3A_85 = arith.constant 0 : index
        %get3A_86 = tpu.vector_load %arg6[%get3A_84, %get3A_85] {strides = array<i32>} : memref<128x128xf32, #tpu.memory_space<vmem>>, vector<1x16xf32>,
        %get3A_87 = vector.shape_cast %get3A_86 : vector<1x16xf32> to vector<16xf32>
        %max3A_88 = arith.maximumf %max3A, %get3A_87 : vector<16xf32>
        %mul3A_89 = arith.constant 16 : i32
        %mul3A_90 = arith.muli %scan3A_66, %mul3A_89 : i32
        %add3A_91 = arith.constant 3 : i32
        %add3A_92 = arith.addi %mul3A_90, %add3A_91 : i32
        %get3A_93 = arith.index_cast %add3A_92 : i32 to index
        %get3A_94 = arith.constant 0 : index
        %get3A_95 = tpu.vector_load %arg6[%get3A_93, %get3A_94] {strides = array<i32>} : memref<128x128xf32, #tpu.memory_space<vmem>>, vector<1x16xf32>,
        %get3A_96 = vector.shape_cast %get3A_95 : vector<1x16xf32> to vector<16xf32>
        %max3A_97 = arith.maximumf %max3A_88, %get3A_96 : vector<16xf32>
        %mul3A_98 = arith.constant 16 : i32
        %mul3A_99 = arith.muli %scan3A_66, %mul3A_98 : i32
        %add3A_100 = arith.constant 4 : i32
        %add3A_101 = arith.addi %mul3A_99, %add3A_100 : i32
        %get3A_102 = arith.index_cast %add3A_101 : i32 to index
        %get3A_103 = arith.constant 0 : index
        %get3A_104 = tpu.vector_load %arg6[%get3A_102, %get3A_103] {strides = array<i32>} : memref<128x128xf32, #tpu.memory_space<vmem>>, vector<1x16xf32>,
        %get3A_105 = vector.shape_cast %get3A_104 : vector<1x16xf32> to vector<16xf32>
        %max3A_106 = arith.maximumf %max3A_97, %get3A_105 : vector<16xf32>
        %mul3A_107 = arith.constant 16 : i32
        %mul3A_108 = arith.muli %scan3A_66, %mul3A_107 : i32
        %add3A_109 = arith.constant 5 : i32
        %add3A_110 = arith.addi %mul3A_108, %add3A_109 : i32
        %get3A_111 = arith.index_cast %add3A_110 : i32 to index
        %get3A_112 = arith.constant 0 : index
        %get3A_113 = tpu.vector_load %arg6[%get3A_111, %get3A_112] {strides = array<i32>} : memref<128x128xf32, #tpu.memory_space<vmem>>, vector<1x16xf32>,
        %get3A_114 = vector.shape_cast %get3A_113 : vector<1x16xf32> to vector<16xf32>
        %max3A_115 = arith.maximumf %max3A_106, %get3A_114 : vector<16xf32>
        %mul3A_116 = arith.constant 16 : i32
        %mul3A_117 = arith.muli %scan3A_66, %mul3A_116 : i32
        %add3A_118 = arith.constant 6 : i32
        %add3A_119 = arith.addi %mul3A_117, %add3A_118 : i32
        %get3A_120 = arith.index_cast %add3A_119 : i32 to index
        %get3A_121 = arith.constant 0 : index
        %get3A_122 = tpu.vector_load %arg6[%get3A_120, %get3A_121] {strides = array<i32>} : memref<128x128xf32, #tpu.memory_space<vmem>>, vector<1x16xf32>,
        %get3A_123 = vector.shape_cast %get3A_122 : vector<1x16xf32> to vector<16xf32>
        %max3A_124 = arith.maximumf %max3A_115, %get3A_123 : vector<16xf32>
        %mul3A_125 = arith.constant 16 : i32
        %mul3A_126 = arith.muli %scan3A_66, %mul3A_125 : i32
        %add3A_127 = arith.constant 7 : i32
        %add3A_128 = arith.addi %mul3A_126, %add3A_127 : i32
        %get3A_129 = arith.index_cast %add3A_128 : i32 to index
        %get3A_130 = arith.constant 0 : index
        %get3A_131 = tpu.vector_load %arg6[%get3A_129, %get3A_130] {strides = array<i32>} : memref<128x128xf32, #tpu.memory_space<vmem>>, vector<1x16xf32>,
        %get3A_132 = vector.shape_cast %get3A_131 : vector<1x16xf32> to vector<16xf32>
        %max3A_133 = arith.maximumf %max3A_124, %get3A_132 : vector<16xf32>
        %mul3A_134 = arith.constant 16 : i32
        %mul3A_135 = arith.muli %scan3A_66, %mul3A_134 : i32
        %add3A_136 = arith.constant 8 : i32
        %add3A_137 = arith.addi %mul3A_135, %add3A_136 : i32
        %get3A_138 = arith.index_cast %add3A_137 : i32 to index
        %get3A_139 = arith.constant 0 : index
        %get3A_140 = tpu.vector_load %arg6[%get3A_138, %get3A_139] {strides = array<i32>} : memref<128x128xf32, #tpu.memory_space<vmem>>, vector<1x16xf32>,
        %get3A_141 = vector.shape_cast %get3A_140 : vector<1x16xf32> to vector<16xf32>
        %max3A_142 = arith.maximumf %max3A_133, %get3A_141 : vector<16xf32>
        %mul3A_143 = arith.constant 16 : i32
        %mul3A_144 = arith.muli %scan3A_66, %mul3A_143 : i32
        %add3A_145 = arith.constant 9 : i32
        %add3A_146 = arith.addi %mul3A_144, %add3A_145 : i32
        %get3A_147 = arith.index_cast %add3A_146 : i32 to index
        %get3A_148 = arith.constant 0 : index
        %get3A_149 = tpu.vector_load %arg6[%get3A_147, %get3A_148] {strides = array<i32>} : memref<128x128xf32, #tpu.memory_space<vmem>>, vector<1x16xf32>,
        %get3A_150 = vector.shape_cast %get3A_149 : vector<1x16xf32> to vector<16xf32>
        %max3A_151 = arith.maximumf %max3A_142, %get3A_150 : vector<16xf32>
        %mul3A_152 = arith.constant 16 : i32
        %mul3A_153 = arith.muli %scan3A_66, %mul3A_152 : i32
        %add3A_154 = arith.constant 10 : i32
        %add3A_155 = arith.addi %mul3A_153, %add3A_154 : i32
        %get3A_156 = arith.index_cast %add3A_155 : i32 to index
        %get3A_157 = arith.constant 0 : index
        %get3A_158 = tpu.vector_load %arg6[%get3A_156, %get3A_157] {strides = array<i32>} : memref<128x128xf32, #tpu.memory_space<vmem>>, vector<1x16xf32>,
        %get3A_159 = vector.shape_cast %get3A_158 : vector<1x16xf32> to vector<16xf32>
        %max3A_160 = arith.maximumf %max3A_151, %get3A_159 : vector<16xf32>
        %mul3A_161 = arith.constant 16 : i32
        %mul3A_162 = arith.muli %scan3A_66, %mul3A_161 : i32
        %add3A_163 = arith.constant 11 : i32
        %add3A_164 = arith.addi %mul3A_162, %add3A_163 : i32
        %get3A_165 = arith.index_cast %add3A_164 : i32 to index
        %get3A_166 = arith.constant 0 : index
        %get3A_167 = tpu.vector_load %arg6[%get3A_165, %get3A_166] {strides = array<i32>} : memref<128x128xf32, #tpu.memory_space<vmem>>, vector<1x16xf32>,
        %get3A_168 = vector.shape_cast %get3A_167 : vector<1x16xf32> to vector<16xf32>
        %max3A_169 = arith.maximumf %max3A_160, %get3A_168 : vector<16xf32>
        %mul3A_170 = arith.constant 16 : i32
        %mul3A_171 = arith.muli %scan3A_66, %mul3A_170 : i32
        %add3A_172 = arith.constant 12 : i32
        %add3A_173 = arith.addi %mul3A_171, %add3A_172 : i32
        %get3A_174 = arith.index_cast %add3A_173 : i32 to index
        %get3A_175 = arith.constant 0 : index
        %get3A_176 = tpu.vector_load %arg6[%get3A_174, %get3A_175] {strides = array<i32>} : memref<128x128xf32, #tpu.memory_space<vmem>>, vector<1x16xf32>,
        %get3A_177 = vector.shape_cast %get3A_176 : vector<1x16xf32> to vector<16xf32>
        %max3A_178 = arith.maximumf %max3A_169, %get3A_177 : vector<16xf32>
        %mul3A_179 = arith.constant 16 : i32
        %mul3A_180 = arith.muli %scan3A_66, %mul3A_179 : i32
        %add3A_181 = arith.constant 13 : i32
        %add3A_182 = arith.addi %mul3A_180, %add3A_181 : i32
        %get3A_183 = arith.index_cast %add3A_182 : i32 to index
        %get3A_184 = arith.constant 0 : index
        %get3A_185 = tpu.vector_load %arg6[%get3A_183, %get3A_184] {strides = array<i32>} : memref<128x128xf32, #tpu.memory_space<vmem>>, vector<1x16xf32>,
        %get3A_186 = vector.shape_cast %get3A_185 : vector<1x16xf32> to vector<16xf32>
        %max3A_187 = arith.maximumf %max3A_178, %get3A_186 : vector<16xf32>
        %mul3A_188 = arith.constant 16 : i32
        %mul3A_189 = arith.muli %scan3A_66, %mul3A_188 : i32
        %add3A_190 = arith.constant 14 : i32
        %add3A_191 = arith.addi %mul3A_189, %add3A_190 : i32
        %get3A_192 = arith.index_cast %add3A_191 : i32 to index
        %get3A_193 = arith.constant 0 : index
        %get3A_194 = tpu.vector_load %arg6[%get3A_192, %get3A_193] {strides = array<i32>} : memref<128x128xf32, #tpu.memory_space<vmem>>, vector<1x16xf32>,
        %get3A_195 = vector.shape_cast %get3A_194 : vector<1x16xf32> to vector<16xf32>
        %max3A_196 = arith.maximumf %max3A_187, %get3A_195 : vector<16xf32>
        %mul3A_197 = arith.constant 16 : i32
        %mul3A_198 = arith.muli %scan3A_66, %mul3A_197 : i32
        %add3A_199 = arith.constant 15 : i32
        %add3A_200 = arith.addi %mul3A_198, %add3A_199 : i32
        %get3A_201 = arith.index_cast %add3A_200 : i32 to index
        %get3A_202 = arith.constant 0 : index
        %get3A_203 = tpu.vector_load %arg6[%get3A_201, %get3A_202] {strides = array<i32>} : memref<128x128xf32, #tpu.memory_space<vmem>>, vector<1x16xf32>,
        %get3A_204 = vector.shape_cast %get3A_203 : vector<1x16xf32> to vector<16xf32>
        %max3A_205 = arith.maximumf %max3A_196, %get3A_204 : vector<16xf32>
        %mul3A_206 = arith.constant 8 : i32
        %mul3A_207 = arith.muli %add3A_27, %mul3A_206 : i32
        %add3A_208 = arith.addi %mul3A_207, %scan3A_66 : i32
        %swap3A = arith.index_cast %add3A_208 : i32 to index
        %swap3A_209 = arith.constant 0 : index
        %swap3A_210 = tpu.vector_load %arg8[%swap3A, %swap3A_209] {strides = array<i32>} : memref<512x128xf32, #tpu.memory_space<vmem>>, vector<1x16xf32>,
        %swap3A_211 = vector.shape_cast %swap3A_210 : vector<1x16xf32> to vector<16xf32>
        %swap3A_212 = vector.shape_cast %max3A_205 : vector<16xf32> to vector<1x16xf32>
        tpu.vector_store %arg8[%swap3A, %swap3A_209], %swap3A_212 {strides = array<i32>} : memref<512x128xf32, #tpu.memory_space<vmem>>, vector<1x16xf32>,
        %mul3A_213 = arith.constant 16 : i32
        %mul3A_214 = arith.muli %scan3A_66, %mul3A_213 : i32
        %get3A_215 = arith.index_cast %mul3A_214 : i32 to index
        %get3A_216 = arith.constant 16 : index
        %get3A_217 = tpu.vector_load %arg6[%get3A_215, %get3A_216] {strides = array<i32>} : memref<128x128xf32, #tpu.memory_space<vmem>>, vector<1x16xf32>,
        %get3A_218 = vector.shape_cast %get3A_217 : vector<1x16xf32> to vector<16xf32>
        %mul3A_219 = arith.constant 16 : i32
        %mul3A_220 = arith.muli %scan3A_66, %mul3A_219 : i32
        %add3A_221 = arith.constant 1 : i32
        %add3A_222 = arith.addi %mul3A_220, %add3A_221 : i32
        %get3A_223 = arith.index_cast %add3A_222 : i32 to index
        %get3A_224 = arith.constant 16 : index
        %get3A_225 = tpu.vector_load %arg6[%get3A_223, %get3A_224] {strides = array<i32>} : memref<128x128xf32, #tpu.memory_space<vmem>>, vector<1x16xf32>,
        %get3A_226 = vector.shape_cast %get3A_225 : vector<1x16xf32> to vector<16xf32>
        %max3A_227 = arith.maximumf %get3A_218, %get3A_226 : vector<16xf32>
        %mul3A_228 = arith.constant 16 : i32
        %mul3A_229 = arith.muli %scan3A_66, %mul3A_228 : i32
        %add3A_230 = arith.constant 2 : i32
        %add3A_231 = arith.addi %mul3A_229, %add3A_230 : i32
        %get3A_232 = arith.index_cast %add3A_231 : i32 to index
        %get3A_233 = arith.constant 16 : index
        %get3A_234 = tpu.vector_load %arg6[%get3A_232, %get3A_233] {strides = array<i32>} : memref<128x128xf32, #tpu.memory_space<vmem>>, vector<1x16xf32>,
        %get3A_235 = vector.shape_cast %get3A_234 : vector<1x16xf32> to vector<16xf32>
        %max3A_236 = arith.maximumf %max3A_227, %get3A_235 : vector<16xf32>
        %mul3A_237 = arith.constant 16 : i32
        %mul3A_238 = arith.muli %scan3A_66, %mul3A_237 : i32
        %add3A_239 = arith.constant 3 : i32
        %add3A_240 = arith.addi %mul3A_238, %add3A_239 : i32
        %get3A_241 = arith.index_cast %add3A_240 : i32 to index
        %get3A_242 = arith.constant 16 : index
        %get3A_243 = tpu.vector_load %arg6[%get3A_241, %get3A_242] {strides = array<i32>} : memref<128x128xf32, #tpu.memory_space<vmem>>, vector<1x16xf32>,
        %get3A_244 = vector.shape_cast %get3A_243 : vector<1x16xf32> to vector<16xf32>
        %max3A_245 = arith.maximumf %max3A_236, %get3A_244 : vector<16xf32>
        %mul3A_246 = arith.constant 16 : i32
        %mul3A_247 = arith.muli %scan3A_66, %mul3A_246 : i32
        %add3A_248 = arith.constant 4 : i32
        %add3A_249 = arith.addi %mul3A_247, %add3A_248 : i32
        %get3A_250 = arith.index_cast %add3A_249 : i32 to index
        %get3A_251 = arith.constant 16 : index
        %get3A_252 = tpu.vector_load %arg6[%get3A_250, %get3A_251] {strides = array<i32>} : memref<128x128xf32, #tpu.memory_space<vmem>>, vector<1x16xf32>,
        %get3A_253 = vector.shape_cast %get3A_252 : vector<1x16xf32> to vector<16xf32>
        %max3A_254 = arith.maximumf %max3A_245, %get3A_253 : vector<16xf32>
        %mul3A_255 = arith.constant 16 : i32
        %mul3A_256 = arith.muli %scan3A_66, %mul3A_255 : i32
        %add3A_257 = arith.constant 5 : i32
        %add3A_258 = arith.addi %mul3A_256, %add3A_257 : i32
        %get3A_259 = arith.index_cast %add3A_258 : i32 to index
        %get3A_260 = arith.constant 16 : index
        %get3A_261 = tpu.vector_load %arg6[%get3A_259, %get3A_260] {strides = array<i32>} : memref<128x128xf32, #tpu.memory_space<vmem>>, vector<1x16xf32>,
        %get3A_262 = vector.shape_cast %get3A_261 : vector<1x16xf32> to vector<16xf32>
        %max3A_263 = arith.maximumf %max3A_254, %get3A_262 : vector<16xf32>
        %mul3A_264 = arith.constant 16 : i32
        %mul3A_265 = arith.muli %scan3A_66, %mul3A_264 : i32
        %add3A_266 = arith.constant 6 : i32
        %add3A_267 = arith.addi %mul3A_265, %add3A_266 : i32
        %get3A_268 = arith.index_cast %add3A_267 : i32 to index
        %get3A_269 = arith.constant 16 : index
        %get3A_270 = tpu.vector_load %arg6[%get3A_268, %get3A_269] {strides = array<i32>} : memref<128x128xf32, #tpu.memory_space<vmem>>, vector<1x16xf32>,
        %get3A_271 = vector.shape_cast %get3A_270 : vector<1x16xf32> to vector<16xf32>
        %max3A_272 = arith.maximumf %max3A_263, %get3A_271 : vector<16xf32>
        %mul3A_273 = arith.constant 16 : i32
        %mul3A_274 = arith.muli %scan3A_66, %mul3A_273 : i32
        %add3A_275 = arith.constant 7 : i32
        %add3A_276 = arith.addi %mul3A_274, %add3A_275 : i32
        %get3A_277 = arith.index_cast %add3A_276 : i32 to index
        %get3A_278 = arith.constant 16 : index
        %get3A_279 = tpu.vector_load %arg6[%get3A_277, %get3A_278] {strides = array<i32>} : memref<128x128xf32, #tpu.memory_space<vmem>>, vector<1x16xf32>,
        %get3A_280 = vector.shape_cast %get3A_279 : vector<1x16xf32> to vector<16xf32>
        %max3A_281 = arith.maximumf %max3A_272, %get3A_280 : vector<16xf32>
        %mul3A_282 = arith.constant 16 : i32
        %mul3A_283 = arith.muli %scan3A_66, %mul3A_282 : i32
        %add3A_284 = arith.constant 8 : i32
        %add3A_285 = arith.addi %mul3A_283, %add3A_284 : i32
        %get3A_286 = arith.index_cast %add3A_285 : i32 to index
        %get3A_287 = arith.constant 16 : index
        %get3A_288 = tpu.vector_load %arg6[%get3A_286, %get3A_287] {strides = array<i32>} : memref<128x128xf32, #tpu.memory_space<vmem>>, vector<1x16xf32>,
        %get3A_289 = vector.shape_cast %get3A_288 : vector<1x16xf32> to vector<16xf32>
        %max3A_290 = arith.maximumf %max3A_281, %get3A_289 : vector<16xf32>
        %mul3A_291 = arith.constant 16 : i32
        %mul3A_292 = arith.muli %scan3A_66, %mul3A_291 : i32
        %add3A_293 = arith.constant 9 : i32
        %add3A_294 = arith.addi %mul3A_292, %add3A_293 : i32
        %get3A_295 = arith.index_cast %add3A_294 : i32 to index
        %get3A_296 = arith.constant 16 : index
        %get3A_297 = tpu.vector_load %arg6[%get3A_295, %get3A_296] {strides = array<i32>} : memref<128x128xf32, #tpu.memory_space<vmem>>, vector<1x16xf32>,
        %get3A_298 = vector.shape_cast %get3A_297 : vector<1x16xf32> to vector<16xf32>
        %max3A_299 = arith.maximumf %max3A_290, %get3A_298 : vector<16xf32>
        %mul3A_300 = arith.constant 16 : i32
        %mul3A_301 = arith.muli %scan3A_66, %mul3A_300 : i32
        %add3A_302 = arith.constant 10 : i32
        %add3A_303 = arith.addi %mul3A_301, %add3A_302 : i32
        %get3A_304 = arith.index_cast %add3A_303 : i32 to index
        %get3A_305 = arith.constant 16 : index
        %get3A_306 = tpu.vector_load %arg6[%get3A_304, %get3A_305] {strides = array<i32>} : memref<128x128xf32, #tpu.memory_space<vmem>>, vector<1x16xf32>,
        %get3A_307 = vector.shape_cast %get3A_306 : vector<1x16xf32> to vector<16xf32>
        %max3A_308 = arith.maximumf %max3A_299, %get3A_307 : vector<16xf32>
        %mul3A_309 = arith.constant 16 : i32
        %mul3A_310 = arith.muli %scan3A_66, %mul3A_309 : i32
        %add3A_311 = arith.constant 11 : i32
        %add3A_312 = arith.addi %mul3A_310, %add3A_311 : i32
        %get3A_313 = arith.index_cast %add3A_312 : i32 to index
        %get3A_314 = arith.constant 16 : index
        %get3A_315 = tpu.vector_load %arg6[%get3A_313, %get3A_314] {strides = array<i32>} : memref<128x128xf32, #tpu.memory_space<vmem>>, vector<1x16xf32>,
        %get3A_316 = vector.shape_cast %get3A_315 : vector<1x16xf32> to vector<16xf32>
        %max3A_317 = arith.maximumf %max3A_308, %get3A_316 : vector<16xf32>
        %mul3A_318 = arith.constant 16 : i32
        %mul3A_319 = arith.muli %scan3A_66, %mul3A_318 : i32
        %add3A_320 = arith.constant 12 : i32
        %add3A_321 = arith.addi %mul3A_319, %add3A_320 : i32
        %get3A_322 = arith.index_cast %add3A_321 : i32 to index
        %get3A_323 = arith.constant 16 : index
        %get3A_324 = tpu.vector_load %arg6[%get3A_322, %get3A_323] {strides = array<i32>} : memref<128x128xf32, #tpu.memory_space<vmem>>, vector<1x16xf32>,
        %get3A_325 = vector.shape_cast %get3A_324 : vector<1x16xf32> to vector<16xf32>
        %max3A_326 = arith.maximumf %max3A_317, %get3A_325 : vector<16xf32>
        %mul3A_327 = arith.constant 16 : i32
        %mul3A_328 = arith.muli %scan3A_66, %mul3A_327 : i32
        %add3A_329 = arith.constant 13 : i32
        %add3A_330 = arith.addi %mul3A_328, %add3A_329 : i32
        %get3A_331 = arith.index_cast %add3A_330 : i32 to index
        %get3A_332 = arith.constant 16 : index
        %get3A_333 = tpu.vector_load %arg6[%get3A_331, %get3A_332] {strides = array<i32>} : memref<128x128xf32, #tpu.memory_space<vmem>>, vector<1x16xf32>,
        %get3A_334 = vector.shape_cast %get3A_333 : vector<1x16xf32> to vector<16xf32>
        %max3A_335 = arith.maximumf %max3A_326, %get3A_334 : vector<16xf32>
        %mul3A_336 = arith.constant 16 : i32
        %mul3A_337 = arith.muli %scan3A_66, %mul3A_336 : i32
        %add3A_338 = arith.constant 14 : i32
        %add3A_339 = arith.addi %mul3A_337, %add3A_338 : i32
        %get3A_340 = arith.index_cast %add3A_339 : i32 to index
        %get3A_341 = arith.constant 16 : index
        %get3A_342 = tpu.vector_load %arg6[%get3A_340, %get3A_341] {strides = array<i32>} : memref<128x128xf32, #tpu.memory_space<vmem>>, vector<1x16xf32>,
        %get3A_343 = vector.shape_cast %get3A_342 : vector<1x16xf32> to vector<16xf32>
        %max3A_344 = arith.maximumf %max3A_335, %get3A_343 : vector<16xf32>
        %mul3A_345 = arith.constant 16 : i32
        %mul3A_346 = arith.muli %scan3A_66, %mul3A_345 : i32
        %add3A_347 = arith.constant 15 : i32
        %add3A_348 = arith.addi %mul3A_346, %add3A_347 : i32
        %get3A_349 = arith.index_cast %add3A_348 : i32 to index
        %get3A_350 = arith.constant 16 : index
        %get3A_351 = tpu.vector_load %arg6[%get3A_349, %get3A_350] {strides = array<i32>} : memref<128x128xf32, #tpu.memory_space<vmem>>, vector<1x16xf32>,
        %get3A_352 = vector.shape_cast %get3A_351 : vector<1x16xf32> to vector<16xf32>
        %max3A_353 = arith.maximumf %max3A_344, %get3A_352 : vector<16xf32>
        %mul3A_354 = arith.constant 8 : i32
        %mul3A_355 = arith.muli %add3A_27, %mul3A_354 : i32
        %add3A_356 = arith.addi %mul3A_355, %scan3A_66 : i32
        %swap3A_357 = arith.index_cast %add3A_356 : i32 to index
        %swap3A_358 = arith.constant 16 : index
        %swap3A_359 = tpu.vector_load %arg8[%swap3A_357, %swap3A_358] {strides = array<i32>} : memref<512x128xf32, #tpu.memory_space<vmem>>, vector<1x16xf32>,
        %swap3A_360 = vector.shape_cast %swap3A_359 : vector<1x16xf32> to vector<16xf32>
        %swap3A_361 = vector.shape_cast %max3A_353 : vector<16xf32> to vector<1x16xf32>
        tpu.vector_store %arg8[%swap3A_357, %swap3A_358], %swap3A_361 {strides = array<i32>} : memref<512x128xf32, #tpu.memory_space<vmem>>, vector<1x16xf32>,
        %mul3A_362 = arith.constant 16 : i32
        %mul3A_363 = arith.muli %scan3A_66, %mul3A_362 : i32
        %get3A_364 = arith.index_cast %mul3A_363 : i32 to index
        %get3A_365 = arith.constant 32 : index
        %get3A_366 = tpu.vector_load %arg6[%get3A_364, %get3A_365] {strides = array<i32>} : memref<128x128xf32, #tpu.memory_space<vmem>>, vector<1x16xf32>,
        %get3A_367 = vector.shape_cast %get3A_366 : vector<1x16xf32> to vector<16xf32>
        %mul3A_368 = arith.constant 16 : i32
        %mul3A_369 = arith.muli %scan3A_66, %mul3A_368 : i32
        %add3A_370 = arith.constant 1 : i32
        %add3A_371 = arith.addi %mul3A_369, %add3A_370 : i32
        %get3A_372 = arith.index_cast %add3A_371 : i32 to index
        %get3A_373 = arith.constant 32 : index
        %get3A_374 = tpu.vector_load %arg6[%get3A_372, %get3A_373] {strides = array<i32>} : memref<128x128xf32, #tpu.memory_space<vmem>>, vector<1x16xf32>,
        %get3A_375 = vector.shape_cast %get3A_374 : vector<1x16xf32> to vector<16xf32>
        %max3A_376 = arith.maximumf %get3A_367, %get3A_375 : vector<16xf32>
        %mul3A_377 = arith.constant 16 : i32
        %mul3A_378 = arith.muli %scan3A_66, %mul3A_377 : i32
        %add3A_379 = arith.constant 2 : i32
        %add3A_380 = arith.addi %mul3A_378, %add3A_379 : i32
        %get3A_381 = arith.index_cast %add3A_380 : i32 to index
        %get3A_382 = arith.constant 32 : index
        %get3A_383 = tpu.vector_load %arg6[%get3A_381, %get3A_382] {strides = array<i32>} : memref<128x128xf32, #tpu.memory_space<vmem>>, vector<1x16xf32>,
        %get3A_384 = vector.shape_cast %get3A_383 : vector<1x16xf32> to vector<16xf32>
        %max3A_385 = arith.maximumf %max3A_376, %get3A_384 : vector<16xf32>
        %mul3A_386 = arith.constant 16 : i32
        %mul3A_387 = arith.muli %scan3A_66, %mul3A_386 : i32
        %add3A_388 = arith.constant 3 : i32
        %add3A_389 = arith.addi %mul3A_387, %add3A_388 : i32
        %get3A_390 = arith.index_cast %add3A_389 : i32 to index
        %get3A_391 = arith.constant 32 : index
        %get3A_392 = tpu.vector_load %arg6[%get3A_390, %get3A_391] {strides = array<i32>} : memref<128x128xf32, #tpu.memory_space<vmem>>, vector<1x16xf32>,
        %get3A_393 = vector.shape_cast %get3A_392 : vector<1x16xf32> to vector<16xf32>
        %max3A_394 = arith.maximumf %max3A_385, %get3A_393 : vector<16xf32>
        %mul3A_395 = arith.constant 16 : i32
        %mul3A_396 = arith.muli %scan3A_66, %mul3A_395 : i32
        %add3A_397 = arith.constant 4 : i32
        %add3A_398 = arith.addi %mul3A_396, %add3A_397 : i32
        %get3A_399 = arith.index_cast %add3A_398 : i32 to index
        %get3A_400 = arith.constant 32 : index
        %get3A_401 = tpu.vector_load %arg6[%get3A_399, %get3A_400] {strides = array<i32>} : memref<128x128xf32, #tpu.memory_space<vmem>>, vector<1x16xf32>,
        %get3A_402 = vector.shape_cast %get3A_401 : vector<1x16xf32> to vector<16xf32>
        %max3A_403 = arith.maximumf %max3A_394, %get3A_402 : vector<16xf32>
        %mul3A_404 = arith.constant 16 : i32
        %mul3A_405 = arith.muli %scan3A_66, %mul3A_404 : i32
        %add3A_406 = arith.constant 5 : i32
        %add3A_407 = arith.addi %mul3A_405, %add3A_406 : i32
        %get3A_408 = arith.index_cast %add3A_407 : i32 to index
        %get3A_409 = arith.constant 32 : index
        %get3A_410 = tpu.vector_load %arg6[%get3A_408, %get3A_409] {strides = array<i32>} : memref<128x128xf32, #tpu.memory_space<vmem>>, vector<1x16xf32>,
        %get3A_411 = vector.shape_cast %get3A_410 : vector<1x16xf32> to vector<16xf32>
        %max3A_412 = arith.maximumf %max3A_403, %get3A_411 : vector<16xf32>
        %mul3A_413 = arith.constant 16 : i32
        %mul3A_414 = arith.muli %scan3A_66, %mul3A_413 : i32
        %add3A_415 = arith.constant 6 : i32
        %add3A_416 = arith.addi %mul3A_414, %add3A_415 : i32
        %get3A_417 = arith.index_cast %add3A_416 : i32 to index
        %get3A_418 = arith.constant 32 : index
        %get3A_419 = tpu.vector_load %arg6[%get3A_417, %get3A_418] {strides = array<i32>} : memref<128x128xf32, #tpu.memory_space<vmem>>, vector<1x16xf32>,
        %get3A_420 = vector.shape_cast %get3A_419 : vector<1x16xf32> to vector<16xf32>
        %max3A_421 = arith.maximumf %max3A_412, %get3A_420 : vector<16xf32>
        %mul3A_422 = arith.constant 16 : i32
        %mul3A_423 = arith.muli %scan3A_66, %mul3A_422 : i32
        %add3A_424 = arith.constant 7 : i32
        %add3A_425 = arith.addi %mul3A_423, %add3A_424 : i32
        %get3A_426 = arith.index_cast %add3A_425 : i32 to index
        %get3A_427 = arith.constant 32 : index
        %get3A_428 = tpu.vector_load %arg6[%get3A_426, %get3A_427] {strides = array<i32>} : memref<128x128xf32, #tpu.memory_space<vmem>>, vector<1x16xf32>,
        %get3A_429 = vector.shape_cast %get3A_428 : vector<1x16xf32> to vector<16xf32>
        %max3A_430 = arith.maximumf %max3A_421, %get3A_429 : vector<16xf32>
        %mul3A_431 = arith.constant 16 : i32
        %mul3A_432 = arith.muli %scan3A_66, %mul3A_431 : i32
        %add3A_433 = arith.constant 8 : i32
        %add3A_434 = arith.addi %mul3A_432, %add3A_433 : i32
        %get3A_435 = arith.index_cast %add3A_434 : i32 to index
        %get3A_436 = arith.constant 32 : index
        %get3A_437 = tpu.vector_load %arg6[%get3A_435, %get3A_436] {strides = array<i32>} : memref<128x128xf32, #tpu.memory_space<vmem>>, vector<1x16xf32>,
        %get3A_438 = vector.shape_cast %get3A_437 : vector<1x16xf32> to vector<16xf32>
        %max3A_439 = arith.maximumf %max3A_430, %get3A_438 : vector<16xf32>
        %mul3A_440 = arith.constant 16 : i32
        %mul3A_441 = arith.muli %scan3A_66, %mul3A_440 : i32
        %add3A_442 = arith.constant 9 : i32
        %add3A_443 = arith.addi %mul3A_441, %add3A_442 : i32
        %get3A_444 = arith.index_cast %add3A_443 : i32 to index
        %get3A_445 = arith.constant 32 : index
        %get3A_446 = tpu.vector_load %arg6[%get3A_444, %get3A_445] {strides = array<i32>} : memref<128x128xf32, #tpu.memory_space<vmem>>, vector<1x16xf32>,
        %get3A_447 = vector.shape_cast %get3A_446 : vector<1x16xf32> to vector<16xf32>
        %max3A_448 = arith.maximumf %max3A_439, %get3A_447 : vector<16xf32>
        %mul3A_449 = arith.constant 16 : i32
        %mul3A_450 = arith.muli %scan3A_66, %mul3A_449 : i32
        %add3A_451 = arith.constant 10 : i32
        %add3A_452 = arith.addi %mul3A_450, %add3A_451 : i32
        %get3A_453 = arith.index_cast %add3A_452 : i32 to index
        %get3A_454 = arith.constant 32 : index
        %get3A_455 = tpu.vector_load %arg6[%get3A_453, %get3A_454] {strides = array<i32>} : memref<128x128xf32, #tpu.memory_space<vmem>>, vector<1x16xf32>,
        %get3A_456 = vector.shape_cast %get3A_455 : vector<1x16xf32> to vector<16xf32>
        %max3A_457 = arith.maximumf %max3A_448, %get3A_456 : vector<16xf32>
        %mul3A_458 = arith.constant 16 : i32
        %mul3A_459 = arith.muli %scan3A_66, %mul3A_458 : i32
        %add3A_460 = arith.constant 11 : i32
        %add3A_461 = arith.addi %mul3A_459, %add3A_460 : i32
        %get3A_462 = arith.index_cast %add3A_461 : i32 to index
        %get3A_463 = arith.constant 32 : index
        %get3A_464 = tpu.vector_load %arg6[%get3A_462, %get3A_463] {strides = array<i32>} : memref<128x128xf32, #tpu.memory_space<vmem>>, vector<1x16xf32>,
        %get3A_465 = vector.shape_cast %get3A_464 : vector<1x16xf32> to vector<16xf32>
        %max3A_466 = arith.maximumf %max3A_457, %get3A_465 : vector<16xf32>
        %mul3A_467 = arith.constant 16 : i32
        %mul3A_468 = arith.muli %scan3A_66, %mul3A_467 : i32
        %add3A_469 = arith.constant 12 : i32
        %add3A_470 = arith.addi %mul3A_468, %add3A_469 : i32
        %get3A_471 = arith.index_cast %add3A_470 : i32 to index
        %get3A_472 = arith.constant 32 : index
        %get3A_473 = tpu.vector_load %arg6[%get3A_471, %get3A_472] {strides = array<i32>} : memref<128x128xf32, #tpu.memory_space<vmem>>, vector<1x16xf32>,
        %get3A_474 = vector.shape_cast %get3A_473 : vector<1x16xf32> to vector<16xf32>
        %max3A_475 = arith.maximumf %max3A_466, %get3A_474 : vector<16xf32>
        %mul3A_476 = arith.constant 16 : i32
        %mul3A_477 = arith.muli %scan3A_66, %mul3A_476 : i32
        %add3A_478 = arith.constant 13 : i32
        %add3A_479 = arith.addi %mul3A_477, %add3A_478 : i32
        %get3A_480 = arith.index_cast %add3A_479 : i32 to index
        %get3A_481 = arith.constant 32 : index
        %get3A_482 = tpu.vector_load %arg6[%get3A_480, %get3A_481] {strides = array<i32>} : memref<128x128xf32, #tpu.memory_space<vmem>>, vector<1x16xf32>,
        %get3A_483 = vector.shape_cast %get3A_482 : vector<1x16xf32> to vector<16xf32>
        %max3A_484 = arith.maximumf %max3A_475, %get3A_483 : vector<16xf32>
        %mul3A_485 = arith.constant 16 : i32
        %mul3A_486 = arith.muli %scan3A_66, %mul3A_485 : i32
        %add3A_487 = arith.constant 14 : i32
        %add3A_488 = arith.addi %mul3A_486, %add3A_487 : i32
        %get3A_489 = arith.index_cast %add3A_488 : i32 to index
        %get3A_490 = arith.constant 32 : index
        %get3A_491 = tpu.vector_load %arg6[%get3A_489, %get3A_490] {strides = array<i32>} : memref<128x128xf32, #tpu.memory_space<vmem>>, vector<1x16xf32>,
        %get3A_492 = vector.shape_cast %get3A_491 : vector<1x16xf32> to vector<16xf32>
        %max3A_493 = arith.maximumf %max3A_484, %get3A_492 : vector<16xf32>
        %mul3A_494 = arith.constant 16 : i32
        %mul3A_495 = arith.muli %scan3A_66, %mul3A_494 : i32
        %add3A_496 = arith.constant 15 : i32
        %add3A_497 = arith.addi %mul3A_495, %add3A_496 : i32
        %get3A_498 = arith.index_cast %add3A_497 : i32 to index
        %get3A_499 = arith.constant 32 : index
        %get3A_500 = tpu.vector_load %arg6[%get3A_498, %get3A_499] {strides = array<i32>} : memref<128x128xf32, #tpu.memory_space<vmem>>, vector<1x16xf32>,
        %get3A_501 = vector.shape_cast %get3A_500 : vector<1x16xf32> to vector<16xf32>
        %max3A_502 = arith.maximumf %max3A_493, %get3A_501 : vector<16xf32>
        %mul3A_503 = arith.constant 8 : i32
        %mul3A_504 = arith.muli %add3A_27, %mul3A_503 : i32
        %add3A_505 = arith.addi %mul3A_504, %scan3A_66 : i32
        %swap3A_506 = arith.index_cast %add3A_505 : i32 to index
        %swap3A_507 = arith.constant 32 : index
        %swap3A_508 = tpu.vector_load %arg8[%swap3A_506, %swap3A_507] {strides = array<i32>} : memref<512x128xf32, #tpu.memory_space<vmem>>, vector<1x16xf32>,
        %swap3A_509 = vector.shape_cast %swap3A_508 : vector<1x16xf32> to vector<16xf32>
        %swap3A_510 = vector.shape_cast %max3A_502 : vector<16xf32> to vector<1x16xf32>
        tpu.vector_store %arg8[%swap3A_506, %swap3A_507], %swap3A_510 {strides = array<i32>} : memref<512x128xf32, #tpu.memory_space<vmem>>, vector<1x16xf32>,
        %mul3A_511 = arith.constant 16 : i32
        %mul3A_512 = arith.muli %scan3A_66, %mul3A_511 : i32
        %get3A_513 = arith.index_cast %mul3A_512 : i32 to index
        %get3A_514 = arith.constant 48 : index
        %get3A_515 = tpu.vector_load %arg6[%get3A_513, %get3A_514] {strides = array<i32>} : memref<128x128xf32, #tpu.memory_space<vmem>>, vector<1x16xf32>,
        %get3A_516 = vector.shape_cast %get3A_515 : vector<1x16xf32> to vector<16xf32>
        %mul3A_517 = arith.constant 16 : i32
        %mul3A_518 = arith.muli %scan3A_66, %mul3A_517 : i32
        %add3A_519 = arith.constant 1 : i32
        %add3A_520 = arith.addi %mul3A_518, %add3A_519 : i32
        %get3A_521 = arith.index_cast %add3A_520 : i32 to index
        %get3A_522 = arith.constant 48 : index
        %get3A_523 = tpu.vector_load %arg6[%get3A_521, %get3A_522] {strides = array<i32>} : memref<128x128xf32, #tpu.memory_space<vmem>>, vector<1x16xf32>,
        %get3A_524 = vector.shape_cast %get3A_523 : vector<1x16xf32> to vector<16xf32>
        %max3A_525 = arith.maximumf %get3A_516, %get3A_524 : vector<16xf32>
        %mul3A_526 = arith.constant 16 : i32
        %mul3A_527 = arith.muli %scan3A_66, %mul3A_526 : i32
        %add3A_528 = arith.constant 2 : i32
        %add3A_529 = arith.addi %mul3A_527, %add3A_528 : i32
        %get3A_530 = arith.index_cast %add3A_529 : i32 to index
        %get3A_531 = arith.constant 48 : index
        %get3A_532 = tpu.vector_load %arg6[%get3A_530, %get3A_531] {strides = array<i32>} : memref<128x128xf32, #tpu.memory_space<vmem>>, vector<1x16xf32>,
        %get3A_533 = vector.shape_cast %get3A_532 : vector<1x16xf32> to vector<16xf32>
        %max3A_534 = arith.maximumf %max3A_525, %get3A_533 : vector<16xf32>
        %mul3A_535 = arith.constant 16 : i32
        %mul3A_536 = arith.muli %scan3A_66, %mul3A_535 : i32
        %add3A_537 = arith.constant 3 : i32
        %add3A_538 = arith.addi %mul3A_536, %add3A_537 : i32
        %get3A_539 = arith.index_cast %add3A_538 : i32 to index
        %get3A_540 = arith.constant 48 : index
        %get3A_541 = tpu.vector_load %arg6[%get3A_539, %get3A_540] {strides = array<i32>} : memref<128x128xf32, #tpu.memory_space<vmem>>, vector<1x16xf32>,
        %get3A_542 = vector.shape_cast %get3A_541 : vector<1x16xf32> to vector<16xf32>
        %max3A_543 = arith.maximumf %max3A_534, %get3A_542 : vector<16xf32>
        %mul3A_544 = arith.constant 16 : i32
        %mul3A_545 = arith.muli %scan3A_66, %mul3A_544 : i32
        %add3A_546 = arith.constant 4 : i32
        %add3A_547 = arith.addi %mul3A_545, %add3A_546 : i32
        %get3A_548 = arith.index_cast %add3A_547 : i32 to index
        %get3A_549 = arith.constant 48 : index
        %get3A_550 = tpu.vector_load %arg6[%get3A_548, %get3A_549] {strides = array<i32>} : memref<128x128xf32, #tpu.memory_space<vmem>>, vector<1x16xf32>,
        %get3A_551 = vector.shape_cast %get3A_550 : vector<1x16xf32> to vector<16xf32>
        %max3A_552 = arith.maximumf %max3A_543, %get3A_551 : vector<16xf32>
        %mul3A_553 = arith.constant 16 : i32
        %mul3A_554 = arith.muli %scan3A_66, %mul3A_553 : i32
        %add3A_555 = arith.constant 5 : i32
        %add3A_556 = arith.addi %mul3A_554, %add3A_555 : i32
        %get3A_557 = arith.index_cast %add3A_556 : i32 to index
        %get3A_558 = arith.constant 48 : index
        %get3A_559 = tpu.vector_load %arg6[%get3A_557, %get3A_558] {strides = array<i32>} : memref<128x128xf32, #tpu.memory_space<vmem>>, vector<1x16xf32>,
        %get3A_560 = vector.shape_cast %get3A_559 : vector<1x16xf32> to vector<16xf32>
        %max3A_561 = arith.maximumf %max3A_552, %get3A_560 : vector<16xf32>
        %mul3A_562 = arith.constant 16 : i32
        %mul3A_563 = arith.muli %scan3A_66, %mul3A_562 : i32
        %add3A_564 = arith.constant 6 : i32
        %add3A_565 = arith.addi %mul3A_563, %add3A_564 : i32
        %get3A_566 = arith.index_cast %add3A_565 : i32 to index
        %get3A_567 = arith.constant 48 : index
        %get3A_568 = tpu.vector_load %arg6[%get3A_566, %get3A_567] {strides = array<i32>} : memref<128x128xf32, #tpu.memory_space<vmem>>, vector<1x16xf32>,
        %get3A_569 = vector.shape_cast %get3A_568 : vector<1x16xf32> to vector<16xf32>
        %max3A_570 = arith.maximumf %max3A_561, %get3A_569 : vector<16xf32>
        %mul3A_571 = arith.constant 16 : i32
        %mul3A_572 = arith.muli %scan3A_66, %mul3A_571 : i32
        %add3A_573 = arith.constant 7 : i32
        %add3A_574 = arith.addi %mul3A_572, %add3A_573 : i32
        %get3A_575 = arith.index_cast %add3A_574 : i32 to index
        %get3A_576 = arith.constant 48 : index
        %get3A_577 = tpu.vector_load %arg6[%get3A_575, %get3A_576] {strides = array<i32>} : memref<128x128xf32, #tpu.memory_space<vmem>>, vector<1x16xf32>,
        %get3A_578 = vector.shape_cast %get3A_577 : vector<1x16xf32> to vector<16xf32>
        %max3A_579 = arith.maximumf %max3A_570, %get3A_578 : vector<16xf32>
        %mul3A_580 = arith.constant 16 : i32
        %mul3A_581 = arith.muli %scan3A_66, %mul3A_580 : i32
        %add3A_582 = arith.constant 8 : i32
        %add3A_583 = arith.addi %mul3A_581, %add3A_582 : i32
        %get3A_584 = arith.index_cast %add3A_583 : i32 to index
        %get3A_585 = arith.constant 48 : index
        %get3A_586 = tpu.vector_load %arg6[%get3A_584, %get3A_585] {strides = array<i32>} : memref<128x128xf32, #tpu.memory_space<vmem>>, vector<1x16xf32>,
        %get3A_587 = vector.shape_cast %get3A_586 : vector<1x16xf32> to vector<16xf32>
        %max3A_588 = arith.maximumf %max3A_579, %get3A_587 : vector<16xf32>
        %mul3A_589 = arith.constant 16 : i32
        %mul3A_590 = arith.muli %scan3A_66, %mul3A_589 : i32
        %add3A_591 = arith.constant 9 : i32
        %add3A_592 = arith.addi %mul3A_590, %add3A_591 : i32
        %get3A_593 = arith.index_cast %add3A_592 : i32 to index
        %get3A_594 = arith.constant 48 : index
        %get3A_595 = tpu.vector_load %arg6[%get3A_593, %get3A_594] {strides = array<i32>} : memref<128x128xf32, #tpu.memory_space<vmem>>, vector<1x16xf32>,
        %get3A_596 = vector.shape_cast %get3A_595 : vector<1x16xf32> to vector<16xf32>
        %max3A_597 = arith.maximumf %max3A_588, %get3A_596 : vector<16xf32>
        %mul3A_598 = arith.constant 16 : i32
        %mul3A_599 = arith.muli %scan3A_66, %mul3A_598 : i32
        %add3A_600 = arith.constant 10 : i32
        %add3A_601 = arith.addi %mul3A_599, %add3A_600 : i32
        %get3A_602 = arith.index_cast %add3A_601 : i32 to index
        %get3A_603 = arith.constant 48 : index
        %get3A_604 = tpu.vector_load %arg6[%get3A_602, %get3A_603] {strides = array<i32>} : memref<128x128xf32, #tpu.memory_space<vmem>>, vector<1x16xf32>,
        %get3A_605 = vector.shape_cast %get3A_604 : vector<1x16xf32> to vector<16xf32>
        %max3A_606 = arith.maximumf %max3A_597, %get3A_605 : vector<16xf32>
        %mul3A_607 = arith.constant 16 : i32
        %mul3A_608 = arith.muli %scan3A_66, %mul3A_607 : i32
        %add3A_609 = arith.constant 11 : i32
        %add3A_610 = arith.addi %mul3A_608, %add3A_609 : i32
        %get3A_611 = arith.index_cast %add3A_610 : i32 to index
        %get3A_612 = arith.constant 48 : index
        %get3A_613 = tpu.vector_load %arg6[%get3A_611, %get3A_612] {strides = array<i32>} : memref<128x128xf32, #tpu.memory_space<vmem>>, vector<1x16xf32>,
        %get3A_614 = vector.shape_cast %get3A_613 : vector<1x16xf32> to vector<16xf32>
        %max3A_615 = arith.maximumf %max3A_606, %get3A_614 : vector<16xf32>
        %mul3A_616 = arith.constant 16 : i32
        %mul3A_617 = arith.muli %scan3A_66, %mul3A_616 : i32
        %add3A_618 = arith.constant 12 : i32
        %add3A_619 = arith.addi %mul3A_617, %add3A_618 : i32
        %get3A_620 = arith.index_cast %add3A_619 : i32 to index
        %get3A_621 = arith.constant 48 : index
        %get3A_622 = tpu.vector_load %arg6[%get3A_620, %get3A_621] {strides = array<i32>} : memref<128x128xf32, #tpu.memory_space<vmem>>, vector<1x16xf32>,
        %get3A_623 = vector.shape_cast %get3A_622 : vector<1x16xf32> to vector<16xf32>
        %max3A_624 = arith.maximumf %max3A_615, %get3A_623 : vector<16xf32>
        %mul3A_625 = arith.constant 16 : i32
        %mul3A_626 = arith.muli %scan3A_66, %mul3A_625 : i32
        %add3A_627 = arith.constant 13 : i32
        %add3A_628 = arith.addi %mul3A_626, %add3A_627 : i32
        %get3A_629 = arith.index_cast %add3A_628 : i32 to index
        %get3A_630 = arith.constant 48 : index
        %get3A_631 = tpu.vector_load %arg6[%get3A_629, %get3A_630] {strides = array<i32>} : memref<128x128xf32, #tpu.memory_space<vmem>>, vector<1x16xf32>,
        %get3A_632 = vector.shape_cast %get3A_631 : vector<1x16xf32> to vector<16xf32>
        %max3A_633 = arith.maximumf %max3A_624, %get3A_632 : vector<16xf32>
        %mul3A_634 = arith.constant 16 : i32
        %mul3A_635 = arith.muli %scan3A_66, %mul3A_634 : i32
        %add3A_636 = arith.constant 14 : i32
        %add3A_637 = arith.addi %mul3A_635, %add3A_636 : i32
        %get3A_638 = arith.index_cast %add3A_637 : i32 to index
        %get3A_639 = arith.constant 48 : index
        %get3A_640 = tpu.vector_load %arg6[%get3A_638, %get3A_639] {strides = array<i32>} : memref<128x128xf32, #tpu.memory_space<vmem>>, vector<1x16xf32>,
        %get3A_641 = vector.shape_cast %get3A_640 : vector<1x16xf32> to vector<16xf32>
        %max3A_642 = arith.maximumf %max3A_633, %get3A_641 : vector<16xf32>
        %mul3A_643 = arith.constant 16 : i32
        %mul3A_644 = arith.muli %scan3A_66, %mul3A_643 : i32
        %add3A_645 = arith.constant 15 : i32
        %add3A_646 = arith.addi %mul3A_644, %add3A_645 : i32
        %get3A_647 = arith.index_cast %add3A_646 : i32 to index
        %get3A_648 = arith.constant 48 : index
        %get3A_649 = tpu.vector_load %arg6[%get3A_647, %get3A_648] {strides = array<i32>} : memref<128x128xf32, #tpu.memory_space<vmem>>, vector<1x16xf32>,
        %get3A_650 = vector.shape_cast %get3A_649 : vector<1x16xf32> to vector<16xf32>
        %max3A_651 = arith.maximumf %max3A_642, %get3A_650 : vector<16xf32>
        %mul3A_652 = arith.constant 8 : i32
        %mul3A_653 = arith.muli %add3A_27, %mul3A_652 : i32
        %add3A_654 = arith.addi %mul3A_653, %scan3A_66 : i32
        %swap3A_655 = arith.index_cast %add3A_654 : i32 to index
        %swap3A_656 = arith.constant 48 : index
        %swap3A_657 = tpu.vector_load %arg8[%swap3A_655, %swap3A_656] {strides = array<i32>} : memref<512x128xf32, #tpu.memory_space<vmem>>, vector<1x16xf32>,
        %swap3A_658 = vector.shape_cast %swap3A_657 : vector<1x16xf32> to vector<16xf32>
        %swap3A_659 = vector.shape_cast %max3A_651 : vector<16xf32> to vector<1x16xf32>
        tpu.vector_store %arg8[%swap3A_655, %swap3A_656], %swap3A_659 {strides = array<i32>} : memref<512x128xf32, #tpu.memory_space<vmem>>, vector<1x16xf32>,
      }
      %scan3A_38 = arith.constant 8 : i32
      %add3A_39 = arith.constant 2 : i32
      %add3A_40 = arith.addi %add3A_27, %add3A_39 : i32
      %lt3A = arith.constant 64 : i32
      %lt3A_41 = arith.cmpi slt, %add3A_40, %lt3A : i32
      %convert_element_type3A = arith.extui %lt3A_41 : i1 to i32
      %cond3A = arith.constant 0 : i32
      %cond3A_42 = arith.cmpi ne, %convert_element_type3A, %cond3A : i32
      scf.if %cond3A_42 {
        %add3A_66 = arith.constant 2 : i32
        %add3A_67 = arith.addi %add3A_27, %add3A_66 : i32
        %dma_start3A_68 = arith.constant 0 : i32
        %dma_start3A_69 = tpu.memref_slice %arg5[%add3A_67, %dma_start3A_68] : memref<64x128xi32, #tpu.memory_space<vmem>> -> memref<1x128xi32, #tpu.memory_space<vmem>>
        %dma_start3A_70 = tpu.memref_squeeze %dma_start3A_69 : memref<1x128xi32, #tpu.memory_space<vmem>> -> memref<128xi32, #tpu.memory_space<vmem>>
        %dma_start3A_71 = arith.constant 0 : i32
        %dma_start3A_72 = arith.constant 0 : i32
        %dma_start3A_73 = tpu.memref_slice %arg2[%dma_start3A_71, %dma_start3A_72] : memref<16384x128xf32, #tpu.memory_space<hbm>> -> memref<16384x128xf32, #tpu.memory_space<hbm>>
        tpu.enqueue_indirect_dma source(%dma_start3A_73 : memref<16384x128xf32, #tpu.memory_space<hbm>>) target(%arg6 : memref<128x128xf32, #tpu.memory_space<vmem>>) offsets(%dma_start3A_70 : memref<128xi32, #tpu.memory_space<vmem>>) semaphore(%arg9 : memref<!tpu.dma_semaphore, #tpu.memory_space<semaphore_mem>>)
      } else {
      }
      %mul3A_43 = arith.constant 2 : i32
      %mul3A_44 = arith.muli %scan3A_23, %mul3A_43 : i32
      %add3A_45 = arith.constant 1 : i32
      %add3A_46 = arith.addi %mul3A_44, %add3A_45 : i32
      %dma_wait3A_47 = arith.constant 0 : i32
      %dma_wait3A_48 = tpu.memref_slice %arg5[%add3A_46, %dma_wait3A_47] : memref<64x128xi32, #tpu.memory_space<vmem>> -> memref<1x128xi32, #tpu.memory_space<vmem>>
      %dma_wait3A_49 = tpu.memref_squeeze %dma_wait3A_48 : memref<1x128xi32, #tpu.memory_space<vmem>> -> memref<128xi32, #tpu.memory_space<vmem>>
      %dma_wait3A_50 = arith.constant 0 : i32
      %dma_wait3A_51 = arith.constant 0 : i32
      %dma_wait3A_52 = tpu.memref_slice %arg2[%dma_wait3A_50, %dma_wait3A_51] : memref<16384x128xf32, #tpu.memory_space<hbm>> -> memref<16384x128xf32, #tpu.memory_space<hbm>>
      tpu.wait_indirect_dma semaphore(%arg10 : memref<!tpu.dma_semaphore, #tpu.memory_space<semaphore_mem>>) src(%dma_wait3A_52 : memref<16384x128xf32, #tpu.memory_space<hbm>>) dst(%arg7 : memref<128x128xf32, #tpu.memory_space<vmem>>)
      %scan3A_53 = arith.constant 0 : i32
      %scan3A_54 = arith.constant 0 : i32
      %scan3A_55 = arith.constant 8 : i32
      %scan3A_56 = arith.addi %scan3A_54, %scan3A_55 : i32
      %scan3A_57 = arith.constant 1 : i32
      scf.for %scan3A_66 = %scan3A_54 to %scan3A_56 step %scan3A_57  : i32 {
        %mul3A_67 = arith.constant 16 : i32
        %mul3A_68 = arith.muli %scan3A_66, %mul3A_67 : i32
        %get3A = arith.index_cast %mul3A_68 : i32 to index
        %get3A_69 = arith.constant 0 : index
        %get3A_70 = tpu.vector_load %arg7[%get3A, %get3A_69] {strides = array<i32>} : memref<128x128xf32, #tpu.memory_space<vmem>>, vector<1x16xf32>,
        %get3A_71 = vector.shape_cast %get3A_70 : vector<1x16xf32> to vector<16xf32>
        %mul3A_72 = arith.constant 16 : i32
        %mul3A_73 = arith.muli %scan3A_66, %mul3A_72 : i32
        %add3A_74 = arith.constant 1 : i32
        %add3A_75 = arith.addi %mul3A_73, %add3A_74 : i32
        %get3A_76 = arith.index_cast %add3A_75 : i32 to index
        %get3A_77 = arith.constant 0 : index
        %get3A_78 = tpu.vector_load %arg7[%get3A_76, %get3A_77] {strides = array<i32>} : memref<128x128xf32, #tpu.memory_space<vmem>>, vector<1x16xf32>,
        %get3A_79 = vector.shape_cast %get3A_78 : vector<1x16xf32> to vector<16xf32>
        %max3A = arith.maximumf %get3A_71, %get3A_79 : vector<16xf32>
        %mul3A_80 = arith.constant 16 : i32
        %mul3A_81 = arith.muli %scan3A_66, %mul3A_80 : i32
        %add3A_82 = arith.constant 2 : i32
        %add3A_83 = arith.addi %mul3A_81, %add3A_82 : i32
        %get3A_84 = arith.index_cast %add3A_83 : i32 to index
        %get3A_85 = arith.constant 0 : index
        %get3A_86 = tpu.vector_load %arg7[%get3A_84, %get3A_85] {strides = array<i32>} : memref<128x128xf32, #tpu.memory_space<vmem>>, vector<1x16xf32>,
        %get3A_87 = vector.shape_cast %get3A_86 : vector<1x16xf32> to vector<16xf32>
        %max3A_88 = arith.maximumf %max3A, %get3A_87 : vector<16xf32>
        %mul3A_89 = arith.constant 16 : i32
        %mul3A_90 = arith.muli %scan3A_66, %mul3A_89 : i32
        %add3A_91 = arith.constant 3 : i32
        %add3A_92 = arith.addi %mul3A_90, %add3A_91 : i32
        %get3A_93 = arith.index_cast %add3A_92 : i32 to index
        %get3A_94 = arith.constant 0 : index
        %get3A_95 = tpu.vector_load %arg7[%get3A_93, %get3A_94] {strides = array<i32>} : memref<128x128xf32, #tpu.memory_space<vmem>>, vector<1x16xf32>,
        %get3A_96 = vector.shape_cast %get3A_95 : vector<1x16xf32> to vector<16xf32>
        %max3A_97 = arith.maximumf %max3A_88, %get3A_96 : vector<16xf32>
        %mul3A_98 = arith.constant 16 : i32
        %mul3A_99 = arith.muli %scan3A_66, %mul3A_98 : i32
        %add3A_100 = arith.constant 4 : i32
        %add3A_101 = arith.addi %mul3A_99, %add3A_100 : i32
        %get3A_102 = arith.index_cast %add3A_101 : i32 to index
        %get3A_103 = arith.constant 0 : index
        %get3A_104 = tpu.vector_load %arg7[%get3A_102, %get3A_103] {strides = array<i32>} : memref<128x128xf32, #tpu.memory_space<vmem>>, vector<1x16xf32>,
        %get3A_105 = vector.shape_cast %get3A_104 : vector<1x16xf32> to vector<16xf32>
        %max3A_106 = arith.maximumf %max3A_97, %get3A_105 : vector<16xf32>
        %mul3A_107 = arith.constant 16 : i32
        %mul3A_108 = arith.muli %scan3A_66, %mul3A_107 : i32
        %add3A_109 = arith.constant 5 : i32
        %add3A_110 = arith.addi %mul3A_108, %add3A_109 : i32
        %get3A_111 = arith.index_cast %add3A_110 : i32 to index
        %get3A_112 = arith.constant 0 : index
        %get3A_113 = tpu.vector_load %arg7[%get3A_111, %get3A_112] {strides = array<i32>} : memref<128x128xf32, #tpu.memory_space<vmem>>, vector<1x16xf32>,
        %get3A_114 = vector.shape_cast %get3A_113 : vector<1x16xf32> to vector<16xf32>
        %max3A_115 = arith.maximumf %max3A_106, %get3A_114 : vector<16xf32>
        %mul3A_116 = arith.constant 16 : i32
        %mul3A_117 = arith.muli %scan3A_66, %mul3A_116 : i32
        %add3A_118 = arith.constant 6 : i32
        %add3A_119 = arith.addi %mul3A_117, %add3A_118 : i32
        %get3A_120 = arith.index_cast %add3A_119 : i32 to index
        %get3A_121 = arith.constant 0 : index
        %get3A_122 = tpu.vector_load %arg7[%get3A_120, %get3A_121] {strides = array<i32>} : memref<128x128xf32, #tpu.memory_space<vmem>>, vector<1x16xf32>,
        %get3A_123 = vector.shape_cast %get3A_122 : vector<1x16xf32> to vector<16xf32>
        %max3A_124 = arith.maximumf %max3A_115, %get3A_123 : vector<16xf32>
        %mul3A_125 = arith.constant 16 : i32
        %mul3A_126 = arith.muli %scan3A_66, %mul3A_125 : i32
        %add3A_127 = arith.constant 7 : i32
        %add3A_128 = arith.addi %mul3A_126, %add3A_127 : i32
        %get3A_129 = arith.index_cast %add3A_128 : i32 to index
        %get3A_130 = arith.constant 0 : index
        %get3A_131 = tpu.vector_load %arg7[%get3A_129, %get3A_130] {strides = array<i32>} : memref<128x128xf32, #tpu.memory_space<vmem>>, vector<1x16xf32>,
        %get3A_132 = vector.shape_cast %get3A_131 : vector<1x16xf32> to vector<16xf32>
        %max3A_133 = arith.maximumf %max3A_124, %get3A_132 : vector<16xf32>
        %mul3A_134 = arith.constant 16 : i32
        %mul3A_135 = arith.muli %scan3A_66, %mul3A_134 : i32
        %add3A_136 = arith.constant 8 : i32
        %add3A_137 = arith.addi %mul3A_135, %add3A_136 : i32
        %get3A_138 = arith.index_cast %add3A_137 : i32 to index
        %get3A_139 = arith.constant 0 : index
        %get3A_140 = tpu.vector_load %arg7[%get3A_138, %get3A_139] {strides = array<i32>} : memref<128x128xf32, #tpu.memory_space<vmem>>, vector<1x16xf32>,
        %get3A_141 = vector.shape_cast %get3A_140 : vector<1x16xf32> to vector<16xf32>
        %max3A_142 = arith.maximumf %max3A_133, %get3A_141 : vector<16xf32>
        %mul3A_143 = arith.constant 16 : i32
        %mul3A_144 = arith.muli %scan3A_66, %mul3A_143 : i32
        %add3A_145 = arith.constant 9 : i32
        %add3A_146 = arith.addi %mul3A_144, %add3A_145 : i32
        %get3A_147 = arith.index_cast %add3A_146 : i32 to index
        %get3A_148 = arith.constant 0 : index
        %get3A_149 = tpu.vector_load %arg7[%get3A_147, %get3A_148] {strides = array<i32>} : memref<128x128xf32, #tpu.memory_space<vmem>>, vector<1x16xf32>,
        %get3A_150 = vector.shape_cast %get3A_149 : vector<1x16xf32> to vector<16xf32>
        %max3A_151 = arith.maximumf %max3A_142, %get3A_150 : vector<16xf32>
        %mul3A_152 = arith.constant 16 : i32
        %mul3A_153 = arith.muli %scan3A_66, %mul3A_152 : i32
        %add3A_154 = arith.constant 10 : i32
        %add3A_155 = arith.addi %mul3A_153, %add3A_154 : i32
        %get3A_156 = arith.index_cast %add3A_155 : i32 to index
        %get3A_157 = arith.constant 0 : index
        %get3A_158 = tpu.vector_load %arg7[%get3A_156, %get3A_157] {strides = array<i32>} : memref<128x128xf32, #tpu.memory_space<vmem>>, vector<1x16xf32>,
        %get3A_159 = vector.shape_cast %get3A_158 : vector<1x16xf32> to vector<16xf32>
        %max3A_160 = arith.maximumf %max3A_151, %get3A_159 : vector<16xf32>
        %mul3A_161 = arith.constant 16 : i32
        %mul3A_162 = arith.muli %scan3A_66, %mul3A_161 : i32
        %add3A_163 = arith.constant 11 : i32
        %add3A_164 = arith.addi %mul3A_162, %add3A_163 : i32
        %get3A_165 = arith.index_cast %add3A_164 : i32 to index
        %get3A_166 = arith.constant 0 : index
        %get3A_167 = tpu.vector_load %arg7[%get3A_165, %get3A_166] {strides = array<i32>} : memref<128x128xf32, #tpu.memory_space<vmem>>, vector<1x16xf32>,
        %get3A_168 = vector.shape_cast %get3A_167 : vector<1x16xf32> to vector<16xf32>
        %max3A_169 = arith.maximumf %max3A_160, %get3A_168 : vector<16xf32>
        %mul3A_170 = arith.constant 16 : i32
        %mul3A_171 = arith.muli %scan3A_66, %mul3A_170 : i32
        %add3A_172 = arith.constant 12 : i32
        %add3A_173 = arith.addi %mul3A_171, %add3A_172 : i32
        %get3A_174 = arith.index_cast %add3A_173 : i32 to index
        %get3A_175 = arith.constant 0 : index
        %get3A_176 = tpu.vector_load %arg7[%get3A_174, %get3A_175] {strides = array<i32>} : memref<128x128xf32, #tpu.memory_space<vmem>>, vector<1x16xf32>,
        %get3A_177 = vector.shape_cast %get3A_176 : vector<1x16xf32> to vector<16xf32>
        %max3A_178 = arith.maximumf %max3A_169, %get3A_177 : vector<16xf32>
        %mul3A_179 = arith.constant 16 : i32
        %mul3A_180 = arith.muli %scan3A_66, %mul3A_179 : i32
        %add3A_181 = arith.constant 13 : i32
        %add3A_182 = arith.addi %mul3A_180, %add3A_181 : i32
        %get3A_183 = arith.index_cast %add3A_182 : i32 to index
        %get3A_184 = arith.constant 0 : index
        %get3A_185 = tpu.vector_load %arg7[%get3A_183, %get3A_184] {strides = array<i32>} : memref<128x128xf32, #tpu.memory_space<vmem>>, vector<1x16xf32>,
        %get3A_186 = vector.shape_cast %get3A_185 : vector<1x16xf32> to vector<16xf32>
        %max3A_187 = arith.maximumf %max3A_178, %get3A_186 : vector<16xf32>
        %mul3A_188 = arith.constant 16 : i32
        %mul3A_189 = arith.muli %scan3A_66, %mul3A_188 : i32
        %add3A_190 = arith.constant 14 : i32
        %add3A_191 = arith.addi %mul3A_189, %add3A_190 : i32
        %get3A_192 = arith.index_cast %add3A_191 : i32 to index
        %get3A_193 = arith.constant 0 : index
        %get3A_194 = tpu.vector_load %arg7[%get3A_192, %get3A_193] {strides = array<i32>} : memref<128x128xf32, #tpu.memory_space<vmem>>, vector<1x16xf32>,
        %get3A_195 = vector.shape_cast %get3A_194 : vector<1x16xf32> to vector<16xf32>
        %max3A_196 = arith.maximumf %max3A_187, %get3A_195 : vector<16xf32>
        %mul3A_197 = arith.constant 16 : i32
        %mul3A_198 = arith.muli %scan3A_66, %mul3A_197 : i32
        %add3A_199 = arith.constant 15 : i32
        %add3A_200 = arith.addi %mul3A_198, %add3A_199 : i32
        %get3A_201 = arith.index_cast %add3A_200 : i32 to index
        %get3A_202 = arith.constant 0 : index
        %get3A_203 = tpu.vector_load %arg7[%get3A_201, %get3A_202] {strides = array<i32>} : memref<128x128xf32, #tpu.memory_space<vmem>>, vector<1x16xf32>,
        %get3A_204 = vector.shape_cast %get3A_203 : vector<1x16xf32> to vector<16xf32>
        %max3A_205 = arith.maximumf %max3A_196, %get3A_204 : vector<16xf32>
        %mul3A_206 = arith.constant 8 : i32
        %mul3A_207 = arith.muli %add3A_46, %mul3A_206 : i32
        %add3A_208 = arith.addi %mul3A_207, %scan3A_66 : i32
        %swap3A = arith.index_cast %add3A_208 : i32 to index
        %swap3A_209 = arith.constant 0 : index
        %swap3A_210 = tpu.vector_load %arg8[%swap3A, %swap3A_209] {strides = array<i32>} : memref<512x128xf32, #tpu.memory_space<vmem>>, vector<1x16xf32>,
        %swap3A_211 = vector.shape_cast %swap3A_210 : vector<1x16xf32> to vector<16xf32>
        %swap3A_212 = vector.shape_cast %max3A_205 : vector<16xf32> to vector<1x16xf32>
        tpu.vector_store %arg8[%swap3A, %swap3A_209], %swap3A_212 {strides = array<i32>} : memref<512x128xf32, #tpu.memory_space<vmem>>, vector<1x16xf32>,
        %mul3A_213 = arith.constant 16 : i32
        %mul3A_214 = arith.muli %scan3A_66, %mul3A_213 : i32
        %get3A_215 = arith.index_cast %mul3A_214 : i32 to index
        %get3A_216 = arith.constant 16 : index
        %get3A_217 = tpu.vector_load %arg7[%get3A_215, %get3A_216] {strides = array<i32>} : memref<128x128xf32, #tpu.memory_space<vmem>>, vector<1x16xf32>,
        %get3A_218 = vector.shape_cast %get3A_217 : vector<1x16xf32> to vector<16xf32>
        %mul3A_219 = arith.constant 16 : i32
        %mul3A_220 = arith.muli %scan3A_66, %mul3A_219 : i32
        %add3A_221 = arith.constant 1 : i32
        %add3A_222 = arith.addi %mul3A_220, %add3A_221 : i32
        %get3A_223 = arith.index_cast %add3A_222 : i32 to index
        %get3A_224 = arith.constant 16 : index
        %get3A_225 = tpu.vector_load %arg7[%get3A_223, %get3A_224] {strides = array<i32>} : memref<128x128xf32, #tpu.memory_space<vmem>>, vector<1x16xf32>,
        %get3A_226 = vector.shape_cast %get3A_225 : vector<1x16xf32> to vector<16xf32>
        %max3A_227 = arith.maximumf %get3A_218, %get3A_226 : vector<16xf32>
        %mul3A_228 = arith.constant 16 : i32
        %mul3A_229 = arith.muli %scan3A_66, %mul3A_228 : i32
        %add3A_230 = arith.constant 2 : i32
        %add3A_231 = arith.addi %mul3A_229, %add3A_230 : i32
        %get3A_232 = arith.index_cast %add3A_231 : i32 to index
        %get3A_233 = arith.constant 16 : index
        %get3A_234 = tpu.vector_load %arg7[%get3A_232, %get3A_233] {strides = array<i32>} : memref<128x128xf32, #tpu.memory_space<vmem>>, vector<1x16xf32>,
        %get3A_235 = vector.shape_cast %get3A_234 : vector<1x16xf32> to vector<16xf32>
        %max3A_236 = arith.maximumf %max3A_227, %get3A_235 : vector<16xf32>
        %mul3A_237 = arith.constant 16 : i32
        %mul3A_238 = arith.muli %scan3A_66, %mul3A_237 : i32
        %add3A_239 = arith.constant 3 : i32
        %add3A_240 = arith.addi %mul3A_238, %add3A_239 : i32
        %get3A_241 = arith.index_cast %add3A_240 : i32 to index
        %get3A_242 = arith.constant 16 : index
        %get3A_243 = tpu.vector_load %arg7[%get3A_241, %get3A_242] {strides = array<i32>} : memref<128x128xf32, #tpu.memory_space<vmem>>, vector<1x16xf32>,
        %get3A_244 = vector.shape_cast %get3A_243 : vector<1x16xf32> to vector<16xf32>
        %max3A_245 = arith.maximumf %max3A_236, %get3A_244 : vector<16xf32>
        %mul3A_246 = arith.constant 16 : i32
        %mul3A_247 = arith.muli %scan3A_66, %mul3A_246 : i32
        %add3A_248 = arith.constant 4 : i32
        %add3A_249 = arith.addi %mul3A_247, %add3A_248 : i32
        %get3A_250 = arith.index_cast %add3A_249 : i32 to index
        %get3A_251 = arith.constant 16 : index
        %get3A_252 = tpu.vector_load %arg7[%get3A_250, %get3A_251] {strides = array<i32>} : memref<128x128xf32, #tpu.memory_space<vmem>>, vector<1x16xf32>,
        %get3A_253 = vector.shape_cast %get3A_252 : vector<1x16xf32> to vector<16xf32>
        %max3A_254 = arith.maximumf %max3A_245, %get3A_253 : vector<16xf32>
        %mul3A_255 = arith.constant 16 : i32
        %mul3A_256 = arith.muli %scan3A_66, %mul3A_255 : i32
        %add3A_257 = arith.constant 5 : i32
        %add3A_258 = arith.addi %mul3A_256, %add3A_257 : i32
        %get3A_259 = arith.index_cast %add3A_258 : i32 to index
        %get3A_260 = arith.constant 16 : index
        %get3A_261 = tpu.vector_load %arg7[%get3A_259, %get3A_260] {strides = array<i32>} : memref<128x128xf32, #tpu.memory_space<vmem>>, vector<1x16xf32>,
        %get3A_262 = vector.shape_cast %get3A_261 : vector<1x16xf32> to vector<16xf32>
        %max3A_263 = arith.maximumf %max3A_254, %get3A_262 : vector<16xf32>
        %mul3A_264 = arith.constant 16 : i32
        %mul3A_265 = arith.muli %scan3A_66, %mul3A_264 : i32
        %add3A_266 = arith.constant 6 : i32
        %add3A_267 = arith.addi %mul3A_265, %add3A_266 : i32
        %get3A_268 = arith.index_cast %add3A_267 : i32 to index
        %get3A_269 = arith.constant 16 : index
        %get3A_270 = tpu.vector_load %arg7[%get3A_268, %get3A_269] {strides = array<i32>} : memref<128x128xf32, #tpu.memory_space<vmem>>, vector<1x16xf32>,
        %get3A_271 = vector.shape_cast %get3A_270 : vector<1x16xf32> to vector<16xf32>
        %max3A_272 = arith.maximumf %max3A_263, %get3A_271 : vector<16xf32>
        %mul3A_273 = arith.constant 16 : i32
        %mul3A_274 = arith.muli %scan3A_66, %mul3A_273 : i32
        %add3A_275 = arith.constant 7 : i32
        %add3A_276 = arith.addi %mul3A_274, %add3A_275 : i32
        %get3A_277 = arith.index_cast %add3A_276 : i32 to index
        %get3A_278 = arith.constant 16 : index
        %get3A_279 = tpu.vector_load %arg7[%get3A_277, %get3A_278] {strides = array<i32>} : memref<128x128xf32, #tpu.memory_space<vmem>>, vector<1x16xf32>,
        %get3A_280 = vector.shape_cast %get3A_279 : vector<1x16xf32> to vector<16xf32>
        %max3A_281 = arith.maximumf %max3A_272, %get3A_280 : vector<16xf32>
        %mul3A_282 = arith.constant 16 : i32
        %mul3A_283 = arith.muli %scan3A_66, %mul3A_282 : i32
        %add3A_284 = arith.constant 8 : i32
        %add3A_285 = arith.addi %mul3A_283, %add3A_284 : i32
        %get3A_286 = arith.index_cast %add3A_285 : i32 to index
        %get3A_287 = arith.constant 16 : index
        %get3A_288 = tpu.vector_load %arg7[%get3A_286, %get3A_287] {strides = array<i32>} : memref<128x128xf32, #tpu.memory_space<vmem>>, vector<1x16xf32>,
        %get3A_289 = vector.shape_cast %get3A_288 : vector<1x16xf32> to vector<16xf32>
        %max3A_290 = arith.maximumf %max3A_281, %get3A_289 : vector<16xf32>
        %mul3A_291 = arith.constant 16 : i32
        %mul3A_292 = arith.muli %scan3A_66, %mul3A_291 : i32
        %add3A_293 = arith.constant 9 : i32
        %add3A_294 = arith.addi %mul3A_292, %add3A_293 : i32
        %get3A_295 = arith.index_cast %add3A_294 : i32 to index
        %get3A_296 = arith.constant 16 : index
        %get3A_297 = tpu.vector_load %arg7[%get3A_295, %get3A_296] {strides = array<i32>} : memref<128x128xf32, #tpu.memory_space<vmem>>, vector<1x16xf32>,
        %get3A_298 = vector.shape_cast %get3A_297 : vector<1x16xf32> to vector<16xf32>
        %max3A_299 = arith.maximumf %max3A_290, %get3A_298 : vector<16xf32>
        %mul3A_300 = arith.constant 16 : i32
        %mul3A_301 = arith.muli %scan3A_66, %mul3A_300 : i32
        %add3A_302 = arith.constant 10 : i32
        %add3A_303 = arith.addi %mul3A_301, %add3A_302 : i32
        %get3A_304 = arith.index_cast %add3A_303 : i32 to index
        %get3A_305 = arith.constant 16 : index
        %get3A_306 = tpu.vector_load %arg7[%get3A_304, %get3A_305] {strides = array<i32>} : memref<128x128xf32, #tpu.memory_space<vmem>>, vector<1x16xf32>,
        %get3A_307 = vector.shape_cast %get3A_306 : vector<1x16xf32> to vector<16xf32>
        %max3A_308 = arith.maximumf %max3A_299, %get3A_307 : vector<16xf32>
        %mul3A_309 = arith.constant 16 : i32
        %mul3A_310 = arith.muli %scan3A_66, %mul3A_309 : i32
        %add3A_311 = arith.constant 11 : i32
        %add3A_312 = arith.addi %mul3A_310, %add3A_311 : i32
        %get3A_313 = arith.index_cast %add3A_312 : i32 to index
        %get3A_314 = arith.constant 16 : index
        %get3A_315 = tpu.vector_load %arg7[%get3A_313, %get3A_314] {strides = array<i32>} : memref<128x128xf32, #tpu.memory_space<vmem>>, vector<1x16xf32>,
        %get3A_316 = vector.shape_cast %get3A_315 : vector<1x16xf32> to vector<16xf32>
        %max3A_317 = arith.maximumf %max3A_308, %get3A_316 : vector<16xf32>
        %mul3A_318 = arith.constant 16 : i32
        %mul3A_319 = arith.muli %scan3A_66, %mul3A_318 : i32
        %add3A_320 = arith.constant 12 : i32
        %add3A_321 = arith.addi %mul3A_319, %add3A_320 : i32
        %get3A_322 = arith.index_cast %add3A_321 : i32 to index
        %get3A_323 = arith.constant 16 : index
        %get3A_324 = tpu.vector_load %arg7[%get3A_322, %get3A_323] {strides = array<i32>} : memref<128x128xf32, #tpu.memory_space<vmem>>, vector<1x16xf32>,
        %get3A_325 = vector.shape_cast %get3A_324 : vector<1x16xf32> to vector<16xf32>
        %max3A_326 = arith.maximumf %max3A_317, %get3A_325 : vector<16xf32>
        %mul3A_327 = arith.constant 16 : i32
        %mul3A_328 = arith.muli %scan3A_66, %mul3A_327 : i32
        %add3A_329 = arith.constant 13 : i32
        %add3A_330 = arith.addi %mul3A_328, %add3A_329 : i32
        %get3A_331 = arith.index_cast %add3A_330 : i32 to index
        %get3A_332 = arith.constant 16 : index
        %get3A_333 = tpu.vector_load %arg7[%get3A_331, %get3A_332] {strides = array<i32>} : memref<128x128xf32, #tpu.memory_space<vmem>>, vector<1x16xf32>,
        %get3A_334 = vector.shape_cast %get3A_333 : vector<1x16xf32> to vector<16xf32>
        %max3A_335 = arith.maximumf %max3A_326, %get3A_334 : vector<16xf32>
        %mul3A_336 = arith.constant 16 : i32
        %mul3A_337 = arith.muli %scan3A_66, %mul3A_336 : i32
        %add3A_338 = arith.constant 14 : i32
        %add3A_339 = arith.addi %mul3A_337, %add3A_338 : i32
        %get3A_340 = arith.index_cast %add3A_339 : i32 to index
        %get3A_341 = arith.constant 16 : index
        %get3A_342 = tpu.vector_load %arg7[%get3A_340, %get3A_341] {strides = array<i32>} : memref<128x128xf32, #tpu.memory_space<vmem>>, vector<1x16xf32>,
        %get3A_343 = vector.shape_cast %get3A_342 : vector<1x16xf32> to vector<16xf32>
        %max3A_344 = arith.maximumf %max3A_335, %get3A_343 : vector<16xf32>
        %mul3A_345 = arith.constant 16 : i32
        %mul3A_346 = arith.muli %scan3A_66, %mul3A_345 : i32
        %add3A_347 = arith.constant 15 : i32
        %add3A_348 = arith.addi %mul3A_346, %add3A_347 : i32
        %get3A_349 = arith.index_cast %add3A_348 : i32 to index
        %get3A_350 = arith.constant 16 : index
        %get3A_351 = tpu.vector_load %arg7[%get3A_349, %get3A_350] {strides = array<i32>} : memref<128x128xf32, #tpu.memory_space<vmem>>, vector<1x16xf32>,
        %get3A_352 = vector.shape_cast %get3A_351 : vector<1x16xf32> to vector<16xf32>
        %max3A_353 = arith.maximumf %max3A_344, %get3A_352 : vector<16xf32>
        %mul3A_354 = arith.constant 8 : i32
        %mul3A_355 = arith.muli %add3A_46, %mul3A_354 : i32
        %add3A_356 = arith.addi %mul3A_355, %scan3A_66 : i32
        %swap3A_357 = arith.index_cast %add3A_356 : i32 to index
        %swap3A_358 = arith.constant 16 : index
        %swap3A_359 = tpu.vector_load %arg8[%swap3A_357, %swap3A_358] {strides = array<i32>} : memref<512x128xf32, #tpu.memory_space<vmem>>, vector<1x16xf32>,
        %swap3A_360 = vector.shape_cast %swap3A_359 : vector<1x16xf32> to vector<16xf32>
        %swap3A_361 = vector.shape_cast %max3A_353 : vector<16xf32> to vector<1x16xf32>
        tpu.vector_store %arg8[%swap3A_357, %swap3A_358], %swap3A_361 {strides = array<i32>} : memref<512x128xf32, #tpu.memory_space<vmem>>, vector<1x16xf32>,
        %mul3A_362 = arith.constant 16 : i32
        %mul3A_363 = arith.muli %scan3A_66, %mul3A_362 : i32
        %get3A_364 = arith.index_cast %mul3A_363 : i32 to index
        %get3A_365 = arith.constant 32 : index
        %get3A_366 = tpu.vector_load %arg7[%get3A_364, %get3A_365] {strides = array<i32>} : memref<128x128xf32, #tpu.memory_space<vmem>>, vector<1x16xf32>,
        %get3A_367 = vector.shape_cast %get3A_366 : vector<1x16xf32> to vector<16xf32>
        %mul3A_368 = arith.constant 16 : i32
        %mul3A_369 = arith.muli %scan3A_66, %mul3A_368 : i32
        %add3A_370 = arith.constant 1 : i32
        %add3A_371 = arith.addi %mul3A_369, %add3A_370 : i32
        %get3A_372 = arith.index_cast %add3A_371 : i32 to index
        %get3A_373 = arith.constant 32 : index
        %get3A_374 = tpu.vector_load %arg7[%get3A_372, %get3A_373] {strides = array<i32>} : memref<128x128xf32, #tpu.memory_space<vmem>>, vector<1x16xf32>,
        %get3A_375 = vector.shape_cast %get3A_374 : vector<1x16xf32> to vector<16xf32>
        %max3A_376 = arith.maximumf %get3A_367, %get3A_375 : vector<16xf32>
        %mul3A_377 = arith.constant 16 : i32
        %mul3A_378 = arith.muli %scan3A_66, %mul3A_377 : i32
        %add3A_379 = arith.constant 2 : i32
        %add3A_380 = arith.addi %mul3A_378, %add3A_379 : i32
        %get3A_381 = arith.index_cast %add3A_380 : i32 to index
        %get3A_382 = arith.constant 32 : index
        %get3A_383 = tpu.vector_load %arg7[%get3A_381, %get3A_382] {strides = array<i32>} : memref<128x128xf32, #tpu.memory_space<vmem>>, vector<1x16xf32>,
        %get3A_384 = vector.shape_cast %get3A_383 : vector<1x16xf32> to vector<16xf32>
        %max3A_385 = arith.maximumf %max3A_376, %get3A_384 : vector<16xf32>
        %mul3A_386 = arith.constant 16 : i32
        %mul3A_387 = arith.muli %scan3A_66, %mul3A_386 : i32
        %add3A_388 = arith.constant 3 : i32
        %add3A_389 = arith.addi %mul3A_387, %add3A_388 : i32
        %get3A_390 = arith.index_cast %add3A_389 : i32 to index
        %get3A_391 = arith.constant 32 : index
        %get3A_392 = tpu.vector_load %arg7[%get3A_390, %get3A_391] {strides = array<i32>} : memref<128x128xf32, #tpu.memory_space<vmem>>, vector<1x16xf32>,
        %get3A_393 = vector.shape_cast %get3A_392 : vector<1x16xf32> to vector<16xf32>
        %max3A_394 = arith.maximumf %max3A_385, %get3A_393 : vector<16xf32>
        %mul3A_395 = arith.constant 16 : i32
        %mul3A_396 = arith.muli %scan3A_66, %mul3A_395 : i32
        %add3A_397 = arith.constant 4 : i32
        %add3A_398 = arith.addi %mul3A_396, %add3A_397 : i32
        %get3A_399 = arith.index_cast %add3A_398 : i32 to index
        %get3A_400 = arith.constant 32 : index
        %get3A_401 = tpu.vector_load %arg7[%get3A_399, %get3A_400] {strides = array<i32>} : memref<128x128xf32, #tpu.memory_space<vmem>>, vector<1x16xf32>,
        %get3A_402 = vector.shape_cast %get3A_401 : vector<1x16xf32> to vector<16xf32>
        %max3A_403 = arith.maximumf %max3A_394, %get3A_402 : vector<16xf32>
        %mul3A_404 = arith.constant 16 : i32
        %mul3A_405 = arith.muli %scan3A_66, %mul3A_404 : i32
        %add3A_406 = arith.constant 5 : i32
        %add3A_407 = arith.addi %mul3A_405, %add3A_406 : i32
        %get3A_408 = arith.index_cast %add3A_407 : i32 to index
        %get3A_409 = arith.constant 32 : index
        %get3A_410 = tpu.vector_load %arg7[%get3A_408, %get3A_409] {strides = array<i32>} : memref<128x128xf32, #tpu.memory_space<vmem>>, vector<1x16xf32>,
        %get3A_411 = vector.shape_cast %get3A_410 : vector<1x16xf32> to vector<16xf32>
        %max3A_412 = arith.maximumf %max3A_403, %get3A_411 : vector<16xf32>
        %mul3A_413 = arith.constant 16 : i32
        %mul3A_414 = arith.muli %scan3A_66, %mul3A_413 : i32
        %add3A_415 = arith.constant 6 : i32
        %add3A_416 = arith.addi %mul3A_414, %add3A_415 : i32
        %get3A_417 = arith.index_cast %add3A_416 : i32 to index
        %get3A_418 = arith.constant 32 : index
        %get3A_419 = tpu.vector_load %arg7[%get3A_417, %get3A_418] {strides = array<i32>} : memref<128x128xf32, #tpu.memory_space<vmem>>, vector<1x16xf32>,
        %get3A_420 = vector.shape_cast %get3A_419 : vector<1x16xf32> to vector<16xf32>
        %max3A_421 = arith.maximumf %max3A_412, %get3A_420 : vector<16xf32>
        %mul3A_422 = arith.constant 16 : i32
        %mul3A_423 = arith.muli %scan3A_66, %mul3A_422 : i32
        %add3A_424 = arith.constant 7 : i32
        %add3A_425 = arith.addi %mul3A_423, %add3A_424 : i32
        %get3A_426 = arith.index_cast %add3A_425 : i32 to index
        %get3A_427 = arith.constant 32 : index
        %get3A_428 = tpu.vector_load %arg7[%get3A_426, %get3A_427] {strides = array<i32>} : memref<128x128xf32, #tpu.memory_space<vmem>>, vector<1x16xf32>,
        %get3A_429 = vector.shape_cast %get3A_428 : vector<1x16xf32> to vector<16xf32>
        %max3A_430 = arith.maximumf %max3A_421, %get3A_429 : vector<16xf32>
        %mul3A_431 = arith.constant 16 : i32
        %mul3A_432 = arith.muli %scan3A_66, %mul3A_431 : i32
        %add3A_433 = arith.constant 8 : i32
        %add3A_434 = arith.addi %mul3A_432, %add3A_433 : i32
        %get3A_435 = arith.index_cast %add3A_434 : i32 to index
        %get3A_436 = arith.constant 32 : index
        %get3A_437 = tpu.vector_load %arg7[%get3A_435, %get3A_436] {strides = array<i32>} : memref<128x128xf32, #tpu.memory_space<vmem>>, vector<1x16xf32>,
        %get3A_438 = vector.shape_cast %get3A_437 : vector<1x16xf32> to vector<16xf32>
        %max3A_439 = arith.maximumf %max3A_430, %get3A_438 : vector<16xf32>
        %mul3A_440 = arith.constant 16 : i32
        %mul3A_441 = arith.muli %scan3A_66, %mul3A_440 : i32
        %add3A_442 = arith.constant 9 : i32
        %add3A_443 = arith.addi %mul3A_441, %add3A_442 : i32
        %get3A_444 = arith.index_cast %add3A_443 : i32 to index
        %get3A_445 = arith.constant 32 : index
        %get3A_446 = tpu.vector_load %arg7[%get3A_444, %get3A_445] {strides = array<i32>} : memref<128x128xf32, #tpu.memory_space<vmem>>, vector<1x16xf32>,
        %get3A_447 = vector.shape_cast %get3A_446 : vector<1x16xf32> to vector<16xf32>
        %max3A_448 = arith.maximumf %max3A_439, %get3A_447 : vector<16xf32>
        %mul3A_449 = arith.constant 16 : i32
        %mul3A_450 = arith.muli %scan3A_66, %mul3A_449 : i32
        %add3A_451 = arith.constant 10 : i32
        %add3A_452 = arith.addi %mul3A_450, %add3A_451 : i32
        %get3A_453 = arith.index_cast %add3A_452 : i32 to index
        %get3A_454 = arith.constant 32 : index
        %get3A_455 = tpu.vector_load %arg7[%get3A_453, %get3A_454] {strides = array<i32>} : memref<128x128xf32, #tpu.memory_space<vmem>>, vector<1x16xf32>,
        %get3A_456 = vector.shape_cast %get3A_455 : vector<1x16xf32> to vector<16xf32>
        %max3A_457 = arith.maximumf %max3A_448, %get3A_456 : vector<16xf32>
        %mul3A_458 = arith.constant 16 : i32
        %mul3A_459 = arith.muli %scan3A_66, %mul3A_458 : i32
        %add3A_460 = arith.constant 11 : i32
        %add3A_461 = arith.addi %mul3A_459, %add3A_460 : i32
        %get3A_462 = arith.index_cast %add3A_461 : i32 to index
        %get3A_463 = arith.constant 32 : index
        %get3A_464 = tpu.vector_load %arg7[%get3A_462, %get3A_463] {strides = array<i32>} : memref<128x128xf32, #tpu.memory_space<vmem>>, vector<1x16xf32>,
        %get3A_465 = vector.shape_cast %get3A_464 : vector<1x16xf32> to vector<16xf32>
        %max3A_466 = arith.maximumf %max3A_457, %get3A_465 : vector<16xf32>
        %mul3A_467 = arith.constant 16 : i32
        %mul3A_468 = arith.muli %scan3A_66, %mul3A_467 : i32
        %add3A_469 = arith.constant 12 : i32
        %add3A_470 = arith.addi %mul3A_468, %add3A_469 : i32
        %get3A_471 = arith.index_cast %add3A_470 : i32 to index
        %get3A_472 = arith.constant 32 : index
        %get3A_473 = tpu.vector_load %arg7[%get3A_471, %get3A_472] {strides = array<i32>} : memref<128x128xf32, #tpu.memory_space<vmem>>, vector<1x16xf32>,
        %get3A_474 = vector.shape_cast %get3A_473 : vector<1x16xf32> to vector<16xf32>
        %max3A_475 = arith.maximumf %max3A_466, %get3A_474 : vector<16xf32>
        %mul3A_476 = arith.constant 16 : i32
        %mul3A_477 = arith.muli %scan3A_66, %mul3A_476 : i32
        %add3A_478 = arith.constant 13 : i32
        %add3A_479 = arith.addi %mul3A_477, %add3A_478 : i32
        %get3A_480 = arith.index_cast %add3A_479 : i32 to index
        %get3A_481 = arith.constant 32 : index
        %get3A_482 = tpu.vector_load %arg7[%get3A_480, %get3A_481] {strides = array<i32>} : memref<128x128xf32, #tpu.memory_space<vmem>>, vector<1x16xf32>,
        %get3A_483 = vector.shape_cast %get3A_482 : vector<1x16xf32> to vector<16xf32>
        %max3A_484 = arith.maximumf %max3A_475, %get3A_483 : vector<16xf32>
        %mul3A_485 = arith.constant 16 : i32
        %mul3A_486 = arith.muli %scan3A_66, %mul3A_485 : i32
        %add3A_487 = arith.constant 14 : i32
        %add3A_488 = arith.addi %mul3A_486, %add3A_487 : i32
        %get3A_489 = arith.index_cast %add3A_488 : i32 to index
        %get3A_490 = arith.constant 32 : index
        %get3A_491 = tpu.vector_load %arg7[%get3A_489, %get3A_490] {strides = array<i32>} : memref<128x128xf32, #tpu.memory_space<vmem>>, vector<1x16xf32>,
        %get3A_492 = vector.shape_cast %get3A_491 : vector<1x16xf32> to vector<16xf32>
        %max3A_493 = arith.maximumf %max3A_484, %get3A_492 : vector<16xf32>
        %mul3A_494 = arith.constant 16 : i32
        %mul3A_495 = arith.muli %scan3A_66, %mul3A_494 : i32
        %add3A_496 = arith.constant 15 : i32
        %add3A_497 = arith.addi %mul3A_495, %add3A_496 : i32
        %get3A_498 = arith.index_cast %add3A_497 : i32 to index
        %get3A_499 = arith.constant 32 : index
        %get3A_500 = tpu.vector_load %arg7[%get3A_498, %get3A_499] {strides = array<i32>} : memref<128x128xf32, #tpu.memory_space<vmem>>, vector<1x16xf32>,
        %get3A_501 = vector.shape_cast %get3A_500 : vector<1x16xf32> to vector<16xf32>
        %max3A_502 = arith.maximumf %max3A_493, %get3A_501 : vector<16xf32>
        %mul3A_503 = arith.constant 8 : i32
        %mul3A_504 = arith.muli %add3A_46, %mul3A_503 : i32
        %add3A_505 = arith.addi %mul3A_504, %scan3A_66 : i32
        %swap3A_506 = arith.index_cast %add3A_505 : i32 to index
        %swap3A_507 = arith.constant 32 : index
        %swap3A_508 = tpu.vector_load %arg8[%swap3A_506, %swap3A_507] {strides = array<i32>} : memref<512x128xf32, #tpu.memory_space<vmem>>, vector<1x16xf32>,
        %swap3A_509 = vector.shape_cast %swap3A_508 : vector<1x16xf32> to vector<16xf32>
        %swap3A_510 = vector.shape_cast %max3A_502 : vector<16xf32> to vector<1x16xf32>
        tpu.vector_store %arg8[%swap3A_506, %swap3A_507], %swap3A_510 {strides = array<i32>} : memref<512x128xf32, #tpu.memory_space<vmem>>, vector<1x16xf32>,
        %mul3A_511 = arith.constant 16 : i32
        %mul3A_512 = arith.muli %scan3A_66, %mul3A_511 : i32
        %get3A_513 = arith.index_cast %mul3A_512 : i32 to index
        %get3A_514 = arith.constant 48 : index
        %get3A_515 = tpu.vector_load %arg7[%get3A_513, %get3A_514] {strides = array<i32>} : memref<128x128xf32, #tpu.memory_space<vmem>>, vector<1x16xf32>,
        %get3A_516 = vector.shape_cast %get3A_515 : vector<1x16xf32> to vector<16xf32>
        %mul3A_517 = arith.constant 16 : i32
        %mul3A_518 = arith.muli %scan3A_66, %mul3A_517 : i32
        %add3A_519 = arith.constant 1 : i32
        %add3A_520 = arith.addi %mul3A_518, %add3A_519 : i32
        %get3A_521 = arith.index_cast %add3A_520 : i32 to index
        %get3A_522 = arith.constant 48 : index
        %get3A_523 = tpu.vector_load %arg7[%get3A_521, %get3A_522] {strides = array<i32>} : memref<128x128xf32, #tpu.memory_space<vmem>>, vector<1x16xf32>,
        %get3A_524 = vector.shape_cast %get3A_523 : vector<1x16xf32> to vector<16xf32>
        %max3A_525 = arith.maximumf %get3A_516, %get3A_524 : vector<16xf32>
        %mul3A_526 = arith.constant 16 : i32
        %mul3A_527 = arith.muli %scan3A_66, %mul3A_526 : i32
        %add3A_528 = arith.constant 2 : i32
        %add3A_529 = arith.addi %mul3A_527, %add3A_528 : i32
        %get3A_530 = arith.index_cast %add3A_529 : i32 to index
        %get3A_531 = arith.constant 48 : index
        %get3A_532 = tpu.vector_load %arg7[%get3A_530, %get3A_531] {strides = array<i32>} : memref<128x128xf32, #tpu.memory_space<vmem>>, vector<1x16xf32>,
        %get3A_533 = vector.shape_cast %get3A_532 : vector<1x16xf32> to vector<16xf32>
        %max3A_534 = arith.maximumf %max3A_525, %get3A_533 : vector<16xf32>
        %mul3A_535 = arith.constant 16 : i32
        %mul3A_536 = arith.muli %scan3A_66, %mul3A_535 : i32
        %add3A_537 = arith.constant 3 : i32
        %add3A_538 = arith.addi %mul3A_536, %add3A_537 : i32
        %get3A_539 = arith.index_cast %add3A_538 : i32 to index
        %get3A_540 = arith.constant 48 : index
        %get3A_541 = tpu.vector_load %arg7[%get3A_539, %get3A_540] {strides = array<i32>} : memref<128x128xf32, #tpu.memory_space<vmem>>, vector<1x16xf32>,
        %get3A_542 = vector.shape_cast %get3A_541 : vector<1x16xf32> to vector<16xf32>
        %max3A_543 = arith.maximumf %max3A_534, %get3A_542 : vector<16xf32>
        %mul3A_544 = arith.constant 16 : i32
        %mul3A_545 = arith.muli %scan3A_66, %mul3A_544 : i32
        %add3A_546 = arith.constant 4 : i32
        %add3A_547 = arith.addi %mul3A_545, %add3A_546 : i32
        %get3A_548 = arith.index_cast %add3A_547 : i32 to index
        %get3A_549 = arith.constant 48 : index
        %get3A_550 = tpu.vector_load %arg7[%get3A_548, %get3A_549] {strides = array<i32>} : memref<128x128xf32, #tpu.memory_space<vmem>>, vector<1x16xf32>,
        %get3A_551 = vector.shape_cast %get3A_550 : vector<1x16xf32> to vector<16xf32>
        %max3A_552 = arith.maximumf %max3A_543, %get3A_551 : vector<16xf32>
        %mul3A_553 = arith.constant 16 : i32
        %mul3A_554 = arith.muli %scan3A_66, %mul3A_553 : i32
        %add3A_555 = arith.constant 5 : i32
        %add3A_556 = arith.addi %mul3A_554, %add3A_555 : i32
        %get3A_557 = arith.index_cast %add3A_556 : i32 to index
        %get3A_558 = arith.constant 48 : index
        %get3A_559 = tpu.vector_load %arg7[%get3A_557, %get3A_558] {strides = array<i32>} : memref<128x128xf32, #tpu.memory_space<vmem>>, vector<1x16xf32>,
        %get3A_560 = vector.shape_cast %get3A_559 : vector<1x16xf32> to vector<16xf32>
        %max3A_561 = arith.maximumf %max3A_552, %get3A_560 : vector<16xf32>
        %mul3A_562 = arith.constant 16 : i32
        %mul3A_563 = arith.muli %scan3A_66, %mul3A_562 : i32
        %add3A_564 = arith.constant 6 : i32
        %add3A_565 = arith.addi %mul3A_563, %add3A_564 : i32
        %get3A_566 = arith.index_cast %add3A_565 : i32 to index
        %get3A_567 = arith.constant 48 : index
        %get3A_568 = tpu.vector_load %arg7[%get3A_566, %get3A_567] {strides = array<i32>} : memref<128x128xf32, #tpu.memory_space<vmem>>, vector<1x16xf32>,
        %get3A_569 = vector.shape_cast %get3A_568 : vector<1x16xf32> to vector<16xf32>
        %max3A_570 = arith.maximumf %max3A_561, %get3A_569 : vector<16xf32>
        %mul3A_571 = arith.constant 16 : i32
        %mul3A_572 = arith.muli %scan3A_66, %mul3A_571 : i32
        %add3A_573 = arith.constant 7 : i32
        %add3A_574 = arith.addi %mul3A_572, %add3A_573 : i32
        %get3A_575 = arith.index_cast %add3A_574 : i32 to index
        %get3A_576 = arith.constant 48 : index
        %get3A_577 = tpu.vector_load %arg7[%get3A_575, %get3A_576] {strides = array<i32>} : memref<128x128xf32, #tpu.memory_space<vmem>>, vector<1x16xf32>,
        %get3A_578 = vector.shape_cast %get3A_577 : vector<1x16xf32> to vector<16xf32>
        %max3A_579 = arith.maximumf %max3A_570, %get3A_578 : vector<16xf32>
        %mul3A_580 = arith.constant 16 : i32
        %mul3A_581 = arith.muli %scan3A_66, %mul3A_580 : i32
        %add3A_582 = arith.constant 8 : i32
        %add3A_583 = arith.addi %mul3A_581, %add3A_582 : i32
        %get3A_584 = arith.index_cast %add3A_583 : i32 to index
        %get3A_585 = arith.constant 48 : index
        %get3A_586 = tpu.vector_load %arg7[%get3A_584, %get3A_585] {strides = array<i32>} : memref<128x128xf32, #tpu.memory_space<vmem>>, vector<1x16xf32>,
        %get3A_587 = vector.shape_cast %get3A_586 : vector<1x16xf32> to vector<16xf32>
        %max3A_588 = arith.maximumf %max3A_579, %get3A_587 : vector<16xf32>
        %mul3A_589 = arith.constant 16 : i32
        %mul3A_590 = arith.muli %scan3A_66, %mul3A_589 : i32
        %add3A_591 = arith.constant 9 : i32
        %add3A_592 = arith.addi %mul3A_590, %add3A_591 : i32
        %get3A_593 = arith.index_cast %add3A_592 : i32 to index
        %get3A_594 = arith.constant 48 : index
        %get3A_595 = tpu.vector_load %arg7[%get3A_593, %get3A_594] {strides = array<i32>} : memref<128x128xf32, #tpu.memory_space<vmem>>, vector<1x16xf32>,
        %get3A_596 = vector.shape_cast %get3A_595 : vector<1x16xf32> to vector<16xf32>
        %max3A_597 = arith.maximumf %max3A_588, %get3A_596 : vector<16xf32>
        %mul3A_598 = arith.constant 16 : i32
        %mul3A_599 = arith.muli %scan3A_66, %mul3A_598 : i32
        %add3A_600 = arith.constant 10 : i32
        %add3A_601 = arith.addi %mul3A_599, %add3A_600 : i32
        %get3A_602 = arith.index_cast %add3A_601 : i32 to index
        %get3A_603 = arith.constant 48 : index
        %get3A_604 = tpu.vector_load %arg7[%get3A_602, %get3A_603] {strides = array<i32>} : memref<128x128xf32, #tpu.memory_space<vmem>>, vector<1x16xf32>,
        %get3A_605 = vector.shape_cast %get3A_604 : vector<1x16xf32> to vector<16xf32>
        %max3A_606 = arith.maximumf %max3A_597, %get3A_605 : vector<16xf32>
        %mul3A_607 = arith.constant 16 : i32
        %mul3A_608 = arith.muli %scan3A_66, %mul3A_607 : i32
        %add3A_609 = arith.constant 11 : i32
        %add3A_610 = arith.addi %mul3A_608, %add3A_609 : i32
        %get3A_611 = arith.index_cast %add3A_610 : i32 to index
        %get3A_612 = arith.constant 48 : index
        %get3A_613 = tpu.vector_load %arg7[%get3A_611, %get3A_612] {strides = array<i32>} : memref<128x128xf32, #tpu.memory_space<vmem>>, vector<1x16xf32>,
        %get3A_614 = vector.shape_cast %get3A_613 : vector<1x16xf32> to vector<16xf32>
        %max3A_615 = arith.maximumf %max3A_606, %get3A_614 : vector<16xf32>
        %mul3A_616 = arith.constant 16 : i32
        %mul3A_617 = arith.muli %scan3A_66, %mul3A_616 : i32
        %add3A_618 = arith.constant 12 : i32
        %add3A_619 = arith.addi %mul3A_617, %add3A_618 : i32
        %get3A_620 = arith.index_cast %add3A_619 : i32 to index
        %get3A_621 = arith.constant 48 : index
        %get3A_622 = tpu.vector_load %arg7[%get3A_620, %get3A_621] {strides = array<i32>} : memref<128x128xf32, #tpu.memory_space<vmem>>, vector<1x16xf32>,
        %get3A_623 = vector.shape_cast %get3A_622 : vector<1x16xf32> to vector<16xf32>
        %max3A_624 = arith.maximumf %max3A_615, %get3A_623 : vector<16xf32>
        %mul3A_625 = arith.constant 16 : i32
        %mul3A_626 = arith.muli %scan3A_66, %mul3A_625 : i32
        %add3A_627 = arith.constant 13 : i32
        %add3A_628 = arith.addi %mul3A_626, %add3A_627 : i32
        %get3A_629 = arith.index_cast %add3A_628 : i32 to index
        %get3A_630 = arith.constant 48 : index
        %get3A_631 = tpu.vector_load %arg7[%get3A_629, %get3A_630] {strides = array<i32>} : memref<128x128xf32, #tpu.memory_space<vmem>>, vector<1x16xf32>,
        %get3A_632 = vector.shape_cast %get3A_631 : vector<1x16xf32> to vector<16xf32>
        %max3A_633 = arith.maximumf %max3A_624, %get3A_632 : vector<16xf32>
        %mul3A_634 = arith.constant 16 : i32
        %mul3A_635 = arith.muli %scan3A_66, %mul3A_634 : i32
        %add3A_636 = arith.constant 14 : i32
        %add3A_637 = arith.addi %mul3A_635, %add3A_636 : i32
        %get3A_638 = arith.index_cast %add3A_637 : i32 to index
        %get3A_639 = arith.constant 48 : index
        %get3A_640 = tpu.vector_load %arg7[%get3A_638, %get3A_639] {strides = array<i32>} : memref<128x128xf32, #tpu.memory_space<vmem>>, vector<1x16xf32>,
        %get3A_641 = vector.shape_cast %get3A_640 : vector<1x16xf32> to vector<16xf32>
        %max3A_642 = arith.maximumf %max3A_633, %get3A_641 : vector<16xf32>
        %mul3A_643 = arith.constant 16 : i32
        %mul3A_644 = arith.muli %scan3A_66, %mul3A_643 : i32
        %add3A_645 = arith.constant 15 : i32
        %add3A_646 = arith.addi %mul3A_644, %add3A_645 : i32
        %get3A_647 = arith.index_cast %add3A_646 : i32 to index
        %get3A_648 = arith.constant 48 : index
        %get3A_649 = tpu.vector_load %arg7[%get3A_647, %get3A_648] {strides = array<i32>} : memref<128x128xf32, #tpu.memory_space<vmem>>, vector<1x16xf32>,
        %get3A_650 = vector.shape_cast %get3A_649 : vector<1x16xf32> to vector<16xf32>
        %max3A_651 = arith.maximumf %max3A_642, %get3A_650 : vector<16xf32>
        %mul3A_652 = arith.constant 8 : i32
        %mul3A_653 = arith.muli %add3A_46, %mul3A_652 : i32
        %add3A_654 = arith.addi %mul3A_653, %scan3A_66 : i32
        %swap3A_655 = arith.index_cast %add3A_654 : i32 to index
        %swap3A_656 = arith.constant 48 : index
        %swap3A_657 = tpu.vector_load %arg8[%swap3A_655, %swap3A_656] {strides = array<i32>} : memref<512x128xf32, #tpu.memory_space<vmem>>, vector<1x16xf32>,
        %swap3A_658 = vector.shape_cast %swap3A_657 : vector<1x16xf32> to vector<16xf32>
        %swap3A_659 = vector.shape_cast %max3A_651 : vector<16xf32> to vector<1x16xf32>
        tpu.vector_store %arg8[%swap3A_655, %swap3A_656], %swap3A_659 {strides = array<i32>} : memref<512x128xf32, #tpu.memory_space<vmem>>, vector<1x16xf32>,
      }
      %scan3A_58 = arith.constant 8 : i32
      %add3A_59 = arith.constant 2 : i32
      %add3A_60 = arith.addi %add3A_46, %add3A_59 : i32
      %lt3A_61 = arith.constant 64 : i32
      %lt3A_62 = arith.cmpi slt, %add3A_60, %lt3A_61 : i32
      %convert_element_type3A_63 = arith.extui %lt3A_62 : i1 to i32
      %cond3A_64 = arith.constant 0 : i32
      %cond3A_65 = arith.cmpi ne, %convert_element_type3A_63, %cond3A_64 : i32
      scf.if %cond3A_65 {
        %add3A_66 = arith.constant 2 : i32
        %add3A_67 = arith.addi %add3A_46, %add3A_66 : i32
        %dma_start3A_68 = arith.constant 0 : i32
        %dma_start3A_69 = tpu.memref_slice %arg5[%add3A_67, %dma_start3A_68] : memref<64x128xi32, #tpu.memory_space<vmem>> -> memref<1x128xi32, #tpu.memory_space<vmem>>
        %dma_start3A_70 = tpu.memref_squeeze %dma_start3A_69 : memref<1x128xi32, #tpu.memory_space<vmem>> -> memref<128xi32, #tpu.memory_space<vmem>>
        %dma_start3A_71 = arith.constant 0 : i32
        %dma_start3A_72 = arith.constant 0 : i32
        %dma_start3A_73 = tpu.memref_slice %arg2[%dma_start3A_71, %dma_start3A_72] : memref<16384x128xf32, #tpu.memory_space<hbm>> -> memref<16384x128xf32, #tpu.memory_space<hbm>>
        tpu.enqueue_indirect_dma source(%dma_start3A_73 : memref<16384x128xf32, #tpu.memory_space<hbm>>) target(%arg7 : memref<128x128xf32, #tpu.memory_space<vmem>>) offsets(%dma_start3A_70 : memref<128xi32, #tpu.memory_space<vmem>>) semaphore(%arg10 : memref<!tpu.dma_semaphore, #tpu.memory_space<semaphore_mem>>)
      } else {
      }
    }
    %scan3A_22 = arith.constant 32 : i32
    "tpu.region"() ({
      %run_scoped3A = tpu.sem_alloc : memref<!tpu.dma_semaphore, #tpu.memory_space<semaphore_mem>>
      %dma_start3A_23 = arith.constant 0 : i32
      %dma_start3A_24 = tpu.memref_slice %arg4[%mul3A_2, %dma_start3A_23] : memref<16384x128xf32, #tpu.memory_space<hbm>> -> memref<512x128xf32, #tpu.memory_space<hbm>>
      %dma_start3A_25 = arith.constant 0 : i32
      %dma_start3A_26 = tpu.memref_slice %arg4[%mul3A_2, %dma_start3A_25] : memref<16384x128xf32, #tpu.memory_space<hbm>> -> memref<512x128xf32, #tpu.memory_space<hbm>>
      tpu.enqueue_dma source(%arg8 : memref<512x128xf32, #tpu.memory_space<vmem>>) target(%dma_start3A_26 : memref<512x128xf32, #tpu.memory_space<hbm>>) target_semaphore(%run_scoped3A : memref<!tpu.dma_semaphore, #tpu.memory_space<semaphore_mem>>)
      %dma_wait3A = arith.constant 0 : i32
      %dma_wait3A_27 = tpu.memref_slice %arg4[%mul3A_2, %dma_wait3A] : memref<16384x128xf32, #tpu.memory_space<hbm>> -> memref<512x128xf32, #tpu.memory_space<hbm>>
      %dma_wait3A_28 = arith.constant 0 : i32
      %dma_wait3A_29 = tpu.memref_slice %arg4[%mul3A_2, %dma_wait3A_28] : memref<16384x128xf32, #tpu.memory_space<hbm>> -> memref<512x128xf32, #tpu.memory_space<hbm>>
      tpu.wait_dma2 semaphore(%run_scoped3A : memref<!tpu.dma_semaphore, #tpu.memory_space<semaphore_mem>>) src(%arg8 : memref<512x128xf32, #tpu.memory_space<vmem>>) dst(%dma_wait3A_29 : memref<512x128xf32, #tpu.memory_space<hbm>>)
      tpu.yield
    }) : () -> ()
    return
  }
}

#map = affine_map<(d0, d1) -> (0, 0)>
module attributes {stable_mosaic.version = 14 : i64} {
  func.func @mp(%arg0: i32, %arg1: i32, %arg2: memref<16384x128xf32, #tpu.memory_space<hbm>>, %arg3: memref<2048x128xi32, #tpu.memory_space<hbm>>, %arg4: memref<16384x128xf32, #tpu.memory_space<hbm>>, %arg5: memref<64x128xi32, #tpu.memory_space<vmem>>, %arg6: memref<128x128xf32, #tpu.memory_space<vmem>>, %arg7: memref<128x128xf32, #tpu.memory_space<vmem>>, %arg8: memref<512x128xf32, #tpu.memory_space<vmem>>, %arg9: memref<!tpu.dma_semaphore, #tpu.memory_space<semaphore_mem>>, %arg10: memref<!tpu.dma_semaphore, #tpu.memory_space<semaphore_mem>>) attributes {dimension_semantics = [#tpu.dimension_semantics<core_parallel>, #tpu.dimension_semantics<subcore_parallel>], iteration_bounds = array<i64: 2, 16>, scalar_prefetch = 0 : i64, scratch_operands = 6 : i64, tpu.core_type = #tpu.core_type<sc_vector_subcore>, window_params = [{transform_indices = #map}, {transform_indices = #map}, {transform_indices = #map}]} {
    %mul3A = arith.constant 2 : i32
    %mul3A_0 = arith.muli %arg1, %mul3A : i32
    %add3A = arith.addi %mul3A_0, %arg0 : i32
    %mul3A_1 = arith.constant 512 : i32
    %mul3A_2 = arith.muli %add3A, %mul3A_1 : i32
    %mul3A_3 = arith.constant 64 : i32
    %mul3A_4 = arith.muli %add3A, %mul3A_3 : i32
    "tpu.region"() ({
      %run_scoped3A = tpu.sem_alloc : memref<!tpu.dma_semaphore, #tpu.memory_space<semaphore_mem>>
      %dma_start3A_23 = arith.constant 0 : i32
      %dma_start3A_24 = tpu.memref_slice %arg3[%mul3A_4, %dma_start3A_23] : memref<2048x128xi32, #tpu.memory_space<hbm>> -> memref<64x128xi32, #tpu.memory_space<hbm>>
      %dma_start3A_25 = arith.constant 0 : i32
      %dma_start3A_26 = tpu.memref_slice %arg3[%mul3A_4, %dma_start3A_25] : memref<2048x128xi32, #tpu.memory_space<hbm>> -> memref<64x128xi32, #tpu.memory_space<hbm>>
      tpu.enqueue_dma source(%dma_start3A_26 : memref<64x128xi32, #tpu.memory_space<hbm>>) target(%arg5 : memref<64x128xi32, #tpu.memory_space<vmem>>) target_semaphore(%run_scoped3A : memref<!tpu.dma_semaphore, #tpu.memory_space<semaphore_mem>>)
      %dma_wait3A = arith.constant 0 : i32
      %dma_wait3A_27 = tpu.memref_slice %arg3[%mul3A_4, %dma_wait3A] : memref<2048x128xi32, #tpu.memory_space<hbm>> -> memref<64x128xi32, #tpu.memory_space<hbm>>
      %dma_wait3A_28 = arith.constant 0 : i32
      %dma_wait3A_29 = tpu.memref_slice %arg3[%mul3A_4, %dma_wait3A_28] : memref<2048x128xi32, #tpu.memory_space<hbm>> -> memref<64x128xi32, #tpu.memory_space<hbm>>
      tpu.wait_dma2 semaphore(%run_scoped3A : memref<!tpu.dma_semaphore, #tpu.memory_space<semaphore_mem>>) src(%dma_wait3A_29 : memref<64x128xi32, #tpu.memory_space<hbm>>) dst(%arg5 : memref<64x128xi32, #tpu.memory_space<vmem>>)
      tpu.yield
    }) : () -> ()
    %dma_start3A = arith.constant 0 : i32
    %dma_start3A_5 = arith.constant 0 : i32
    %dma_start3A_6 = tpu.memref_slice %arg5[%dma_start3A, %dma_start3A_5] : memref<64x128xi32, #tpu.memory_space<vmem>> -> memref<1x128xi32, #tpu.memory_space<vmem>>
    %dma_start3A_7 = tpu.memref_squeeze %dma_start3A_6 : memref<1x128xi32, #tpu.memory_space<vmem>> -> memref<128xi32, #tpu.memory_space<vmem>>
    %dma_start3A_8 = arith.constant 0 : i32
    %dma_start3A_9 = arith.constant 0 : i32
    %dma_start3A_10 = tpu.memref_slice %arg2[%dma_start3A_8, %dma_start3A_9] : memref<16384x128xf32, #tpu.memory_space<hbm>> -> memref<16384x128xf32, #tpu.memory_space<hbm>>
    tpu.enqueue_indirect_dma source(%dma_start3A_10 : memref<16384x128xf32, #tpu.memory_space<hbm>>) target(%arg6 : memref<128x128xf32, #tpu.memory_space<vmem>>) offsets(%dma_start3A_7 : memref<128xi32, #tpu.memory_space<vmem>>) semaphore(%arg9 : memref<!tpu.dma_semaphore, #tpu.memory_space<semaphore_mem>>)
    %dma_start3A_11 = arith.constant 1 : i32
    %dma_start3A_12 = arith.constant 0 : i32
    %dma_start3A_13 = tpu.memref_slice %arg5[%dma_start3A_11, %dma_start3A_12] : memref<64x128xi32, #tpu.memory_space<vmem>> -> memref<1x128xi32, #tpu.memory_space<vmem>>
    %dma_start3A_14 = tpu.memref_squeeze %dma_start3A_13 : memref<1x128xi32, #tpu.memory_space<vmem>> -> memref<128xi32, #tpu.memory_space<vmem>>
    %dma_start3A_15 = arith.constant 0 : i32
    %dma_start3A_16 = arith.constant 0 : i32
    %dma_start3A_17 = tpu.memref_slice %arg2[%dma_start3A_15, %dma_start3A_16] : memref<16384x128xf32, #tpu.memory_space<hbm>> -> memref<16384x128xf32, #tpu.memory_space<hbm>>
    tpu.enqueue_indirect_dma source(%dma_start3A_17 : memref<16384x128xf32, #tpu.memory_space<hbm>>) target(%arg7 : memref<128x128xf32, #tpu.memory_space<vmem>>) offsets(%dma_start3A_14 : memref<128xi32, #tpu.memory_space<vmem>>) semaphore(%arg10 : memref<!tpu.dma_semaphore, #tpu.memory_space<semaphore_mem>>)
    %scan3A = arith.constant 0 : i32
    %scan3A_18 = arith.constant 0 : i32
    %scan3A_19 = arith.constant 32 : i32
    %scan3A_20 = arith.addi %scan3A_18, %scan3A_19 : i32
    %scan3A_21 = arith.constant 1 : i32
    scf.for %scan3A_23 = %scan3A_18 to %scan3A_20 step %scan3A_21  : i32 {
      %mul3A_24 = arith.constant 2 : i32
      %mul3A_25 = arith.muli %scan3A_23, %mul3A_24 : i32
      %add3A_26 = arith.constant 0 : i32
      %add3A_27 = arith.addi %mul3A_25, %add3A_26 : i32
      %dma_wait3A = arith.constant 0 : i32
      %dma_wait3A_28 = tpu.memref_slice %arg5[%add3A_27, %dma_wait3A] : memref<64x128xi32, #tpu.memory_space<vmem>> -> memref<1x128xi32, #tpu.memory_space<vmem>>
      %dma_wait3A_29 = tpu.memref_squeeze %dma_wait3A_28 : memref<1x128xi32, #tpu.memory_space<vmem>> -> memref<128xi32, #tpu.memory_space<vmem>>
      %dma_wait3A_30 = arith.constant 0 : i32
      %dma_wait3A_31 = arith.constant 0 : i32
      %dma_wait3A_32 = tpu.memref_slice %arg2[%dma_wait3A_30, %dma_wait3A_31] : memref<16384x128xf32, #tpu.memory_space<hbm>> -> memref<16384x128xf32, #tpu.memory_space<hbm>>
      tpu.wait_indirect_dma semaphore(%arg9 : memref<!tpu.dma_semaphore, #tpu.memory_space<semaphore_mem>>) src(%dma_wait3A_32 : memref<16384x128xf32, #tpu.memory_space<hbm>>) dst(%arg6 : memref<128x128xf32, #tpu.memory_space<vmem>>)
      %scan3A_33 = arith.constant 0 : i32
      %scan3A_34 = arith.constant 0 : i32
      %scan3A_35 = arith.constant 8 : i32
      %scan3A_36 = arith.addi %scan3A_34, %scan3A_35 : i32
      %scan3A_37 = arith.constant 1 : i32
      scf.for %scan3A_66 = %scan3A_34 to %scan3A_36 step %scan3A_37  : i32 {
        %mul3A_67 = arith.constant 16 : i32
        %mul3A_68 = arith.muli %scan3A_66, %mul3A_67 : i32
        %get3A = arith.index_cast %mul3A_68 : i32 to index
        %get3A_69 = arith.constant 0 : index
        %get3A_70 = tpu.vector_load %arg6[%get3A, %get3A_69] {strides = array<i32>} : memref<128x128xf32, #tpu.memory_space<vmem>>, vector<1x16xf32>,
        %get3A_71 = vector.shape_cast %get3A_70 : vector<1x16xf32> to vector<16xf32>
        %mul3A_72 = arith.constant 16 : i32
        %mul3A_73 = arith.muli %scan3A_66, %mul3A_72 : i32
        %add3A_74 = arith.constant 1 : i32
        %add3A_75 = arith.addi %mul3A_73, %add3A_74 : i32
        %get3A_76 = arith.index_cast %add3A_75 : i32 to index
        %get3A_77 = arith.constant 0 : index
        %get3A_78 = tpu.vector_load %arg6[%get3A_76, %get3A_77] {strides = array<i32>} : memref<128x128xf32, #tpu.memory_space<vmem>>, vector<1x16xf32>,
        %get3A_79 = vector.shape_cast %get3A_78 : vector<1x16xf32> to vector<16xf32>
        %max3A = arith.maximumf %get3A_71, %get3A_79 : vector<16xf32>
        %mul3A_80 = arith.constant 16 : i32
        %mul3A_81 = arith.muli %scan3A_66, %mul3A_80 : i32
        %add3A_82 = arith.constant 2 : i32
        %add3A_83 = arith.addi %mul3A_81, %add3A_82 : i32
        %get3A_84 = arith.index_cast %add3A_83 : i32 to index
        %get3A_85 = arith.constant 0 : index
        %get3A_86 = tpu.vector_load %arg6[%get3A_84, %get3A_85] {strides = array<i32>} : memref<128x128xf32, #tpu.memory_space<vmem>>, vector<1x16xf32>,
        %get3A_87 = vector.shape_cast %get3A_86 : vector<1x16xf32> to vector<16xf32>
        %max3A_88 = arith.maximumf %max3A, %get3A_87 : vector<16xf32>
        %mul3A_89 = arith.constant 16 : i32
        %mul3A_90 = arith.muli %scan3A_66, %mul3A_89 : i32
        %add3A_91 = arith.constant 3 : i32
        %add3A_92 = arith.addi %mul3A_90, %add3A_91 : i32
        %get3A_93 = arith.index_cast %add3A_92 : i32 to index
        %get3A_94 = arith.constant 0 : index
        %get3A_95 = tpu.vector_load %arg6[%get3A_93, %get3A_94] {strides = array<i32>} : memref<128x128xf32, #tpu.memory_space<vmem>>, vector<1x16xf32>,
        %get3A_96 = vector.shape_cast %get3A_95 : vector<1x16xf32> to vector<16xf32>
        %max3A_97 = arith.maximumf %max3A_88, %get3A_96 : vector<16xf32>
        %mul3A_98 = arith.constant 16 : i32
        %mul3A_99 = arith.muli %scan3A_66, %mul3A_98 : i32
        %add3A_100 = arith.constant 4 : i32
        %add3A_101 = arith.addi %mul3A_99, %add3A_100 : i32
        %get3A_102 = arith.index_cast %add3A_101 : i32 to index
        %get3A_103 = arith.constant 0 : index
        %get3A_104 = tpu.vector_load %arg6[%get3A_102, %get3A_103] {strides = array<i32>} : memref<128x128xf32, #tpu.memory_space<vmem>>, vector<1x16xf32>,
        %get3A_105 = vector.shape_cast %get3A_104 : vector<1x16xf32> to vector<16xf32>
        %max3A_106 = arith.maximumf %max3A_97, %get3A_105 : vector<16xf32>
        %mul3A_107 = arith.constant 16 : i32
        %mul3A_108 = arith.muli %scan3A_66, %mul3A_107 : i32
        %add3A_109 = arith.constant 5 : i32
        %add3A_110 = arith.addi %mul3A_108, %add3A_109 : i32
        %get3A_111 = arith.index_cast %add3A_110 : i32 to index
        %get3A_112 = arith.constant 0 : index
        %get3A_113 = tpu.vector_load %arg6[%get3A_111, %get3A_112] {strides = array<i32>} : memref<128x128xf32, #tpu.memory_space<vmem>>, vector<1x16xf32>,
        %get3A_114 = vector.shape_cast %get3A_113 : vector<1x16xf32> to vector<16xf32>
        %max3A_115 = arith.maximumf %max3A_106, %get3A_114 : vector<16xf32>
        %mul3A_116 = arith.constant 16 : i32
        %mul3A_117 = arith.muli %scan3A_66, %mul3A_116 : i32
        %add3A_118 = arith.constant 6 : i32
        %add3A_119 = arith.addi %mul3A_117, %add3A_118 : i32
        %get3A_120 = arith.index_cast %add3A_119 : i32 to index
        %get3A_121 = arith.constant 0 : index
        %get3A_122 = tpu.vector_load %arg6[%get3A_120, %get3A_121] {strides = array<i32>} : memref<128x128xf32, #tpu.memory_space<vmem>>, vector<1x16xf32>,
        %get3A_123 = vector.shape_cast %get3A_122 : vector<1x16xf32> to vector<16xf32>
        %max3A_124 = arith.maximumf %max3A_115, %get3A_123 : vector<16xf32>
        %mul3A_125 = arith.constant 16 : i32
        %mul3A_126 = arith.muli %scan3A_66, %mul3A_125 : i32
        %add3A_127 = arith.constant 7 : i32
        %add3A_128 = arith.addi %mul3A_126, %add3A_127 : i32
        %get3A_129 = arith.index_cast %add3A_128 : i32 to index
        %get3A_130 = arith.constant 0 : index
        %get3A_131 = tpu.vector_load %arg6[%get3A_129, %get3A_130] {strides = array<i32>} : memref<128x128xf32, #tpu.memory_space<vmem>>, vector<1x16xf32>,
        %get3A_132 = vector.shape_cast %get3A_131 : vector<1x16xf32> to vector<16xf32>
        %max3A_133 = arith.maximumf %max3A_124, %get3A_132 : vector<16xf32>
        %mul3A_134 = arith.constant 16 : i32
        %mul3A_135 = arith.muli %scan3A_66, %mul3A_134 : i32
        %add3A_136 = arith.constant 8 : i32
        %add3A_137 = arith.addi %mul3A_135, %add3A_136 : i32
        %get3A_138 = arith.index_cast %add3A_137 : i32 to index
        %get3A_139 = arith.constant 0 : index
        %get3A_140 = tpu.vector_load %arg6[%get3A_138, %get3A_139] {strides = array<i32>} : memref<128x128xf32, #tpu.memory_space<vmem>>, vector<1x16xf32>,
        %get3A_141 = vector.shape_cast %get3A_140 : vector<1x16xf32> to vector<16xf32>
        %max3A_142 = arith.maximumf %max3A_133, %get3A_141 : vector<16xf32>
        %mul3A_143 = arith.constant 16 : i32
        %mul3A_144 = arith.muli %scan3A_66, %mul3A_143 : i32
        %add3A_145 = arith.constant 9 : i32
        %add3A_146 = arith.addi %mul3A_144, %add3A_145 : i32
        %get3A_147 = arith.index_cast %add3A_146 : i32 to index
        %get3A_148 = arith.constant 0 : index
        %get3A_149 = tpu.vector_load %arg6[%get3A_147, %get3A_148] {strides = array<i32>} : memref<128x128xf32, #tpu.memory_space<vmem>>, vector<1x16xf32>,
        %get3A_150 = vector.shape_cast %get3A_149 : vector<1x16xf32> to vector<16xf32>
        %max3A_151 = arith.maximumf %max3A_142, %get3A_150 : vector<16xf32>
        %mul3A_152 = arith.constant 16 : i32
        %mul3A_153 = arith.muli %scan3A_66, %mul3A_152 : i32
        %add3A_154 = arith.constant 10 : i32
        %add3A_155 = arith.addi %mul3A_153, %add3A_154 : i32
        %get3A_156 = arith.index_cast %add3A_155 : i32 to index
        %get3A_157 = arith.constant 0 : index
        %get3A_158 = tpu.vector_load %arg6[%get3A_156, %get3A_157] {strides = array<i32>} : memref<128x128xf32, #tpu.memory_space<vmem>>, vector<1x16xf32>,
        %get3A_159 = vector.shape_cast %get3A_158 : vector<1x16xf32> to vector<16xf32>
        %max3A_160 = arith.maximumf %max3A_151, %get3A_159 : vector<16xf32>
        %mul3A_161 = arith.constant 16 : i32
        %mul3A_162 = arith.muli %scan3A_66, %mul3A_161 : i32
        %add3A_163 = arith.constant 11 : i32
        %add3A_164 = arith.addi %mul3A_162, %add3A_163 : i32
        %get3A_165 = arith.index_cast %add3A_164 : i32 to index
        %get3A_166 = arith.constant 0 : index
        %get3A_167 = tpu.vector_load %arg6[%get3A_165, %get3A_166] {strides = array<i32>} : memref<128x128xf32, #tpu.memory_space<vmem>>, vector<1x16xf32>,
        %get3A_168 = vector.shape_cast %get3A_167 : vector<1x16xf32> to vector<16xf32>
        %max3A_169 = arith.maximumf %max3A_160, %get3A_168 : vector<16xf32>
        %mul3A_170 = arith.constant 16 : i32
        %mul3A_171 = arith.muli %scan3A_66, %mul3A_170 : i32
        %add3A_172 = arith.constant 12 : i32
        %add3A_173 = arith.addi %mul3A_171, %add3A_172 : i32
        %get3A_174 = arith.index_cast %add3A_173 : i32 to index
        %get3A_175 = arith.constant 0 : index
        %get3A_176 = tpu.vector_load %arg6[%get3A_174, %get3A_175] {strides = array<i32>} : memref<128x128xf32, #tpu.memory_space<vmem>>, vector<1x16xf32>,
        %get3A_177 = vector.shape_cast %get3A_176 : vector<1x16xf32> to vector<16xf32>
        %max3A_178 = arith.maximumf %max3A_169, %get3A_177 : vector<16xf32>
        %mul3A_179 = arith.constant 16 : i32
        %mul3A_180 = arith.muli %scan3A_66, %mul3A_179 : i32
        %add3A_181 = arith.constant 13 : i32
        %add3A_182 = arith.addi %mul3A_180, %add3A_181 : i32
        %get3A_183 = arith.index_cast %add3A_182 : i32 to index
        %get3A_184 = arith.constant 0 : index
        %get3A_185 = tpu.vector_load %arg6[%get3A_183, %get3A_184] {strides = array<i32>} : memref<128x128xf32, #tpu.memory_space<vmem>>, vector<1x16xf32>,
        %get3A_186 = vector.shape_cast %get3A_185 : vector<1x16xf32> to vector<16xf32>
        %max3A_187 = arith.maximumf %max3A_178, %get3A_186 : vector<16xf32>
        %mul3A_188 = arith.constant 16 : i32
        %mul3A_189 = arith.muli %scan3A_66, %mul3A_188 : i32
        %add3A_190 = arith.constant 14 : i32
        %add3A_191 = arith.addi %mul3A_189, %add3A_190 : i32
        %get3A_192 = arith.index_cast %add3A_191 : i32 to index
        %get3A_193 = arith.constant 0 : index
        %get3A_194 = tpu.vector_load %arg6[%get3A_192, %get3A_193] {strides = array<i32>} : memref<128x128xf32, #tpu.memory_space<vmem>>, vector<1x16xf32>,
        %get3A_195 = vector.shape_cast %get3A_194 : vector<1x16xf32> to vector<16xf32>
        %max3A_196 = arith.maximumf %max3A_187, %get3A_195 : vector<16xf32>
        %mul3A_197 = arith.constant 16 : i32
        %mul3A_198 = arith.muli %scan3A_66, %mul3A_197 : i32
        %add3A_199 = arith.constant 15 : i32
        %add3A_200 = arith.addi %mul3A_198, %add3A_199 : i32
        %get3A_201 = arith.index_cast %add3A_200 : i32 to index
        %get3A_202 = arith.constant 0 : index
        %get3A_203 = tpu.vector_load %arg6[%get3A_201, %get3A_202] {strides = array<i32>} : memref<128x128xf32, #tpu.memory_space<vmem>>, vector<1x16xf32>,
        %get3A_204 = vector.shape_cast %get3A_203 : vector<1x16xf32> to vector<16xf32>
        %max3A_205 = arith.maximumf %max3A_196, %get3A_204 : vector<16xf32>
        %mul3A_206 = arith.constant 8 : i32
        %mul3A_207 = arith.muli %add3A_27, %mul3A_206 : i32
        %add3A_208 = arith.addi %mul3A_207, %scan3A_66 : i32
        %swap3A = arith.index_cast %add3A_208 : i32 to index
        %swap3A_209 = arith.constant 0 : index
        %swap3A_210 = tpu.vector_load %arg8[%swap3A, %swap3A_209] {strides = array<i32>} : memref<512x128xf32, #tpu.memory_space<vmem>>, vector<1x16xf32>,
        %swap3A_211 = vector.shape_cast %swap3A_210 : vector<1x16xf32> to vector<16xf32>
        %swap3A_212 = vector.shape_cast %max3A_205 : vector<16xf32> to vector<1x16xf32>
        tpu.vector_store %arg8[%swap3A, %swap3A_209], %swap3A_212 {strides = array<i32>} : memref<512x128xf32, #tpu.memory_space<vmem>>, vector<1x16xf32>,
        %mul3A_213 = arith.constant 16 : i32
        %mul3A_214 = arith.muli %scan3A_66, %mul3A_213 : i32
        %get3A_215 = arith.index_cast %mul3A_214 : i32 to index
        %get3A_216 = arith.constant 16 : index
        %get3A_217 = tpu.vector_load %arg6[%get3A_215, %get3A_216] {strides = array<i32>} : memref<128x128xf32, #tpu.memory_space<vmem>>, vector<1x16xf32>,
        %get3A_218 = vector.shape_cast %get3A_217 : vector<1x16xf32> to vector<16xf32>
        %mul3A_219 = arith.constant 16 : i32
        %mul3A_220 = arith.muli %scan3A_66, %mul3A_219 : i32
        %add3A_221 = arith.constant 1 : i32
        %add3A_222 = arith.addi %mul3A_220, %add3A_221 : i32
        %get3A_223 = arith.index_cast %add3A_222 : i32 to index
        %get3A_224 = arith.constant 16 : index
        %get3A_225 = tpu.vector_load %arg6[%get3A_223, %get3A_224] {strides = array<i32>} : memref<128x128xf32, #tpu.memory_space<vmem>>, vector<1x16xf32>,
        %get3A_226 = vector.shape_cast %get3A_225 : vector<1x16xf32> to vector<16xf32>
        %max3A_227 = arith.maximumf %get3A_218, %get3A_226 : vector<16xf32>
        %mul3A_228 = arith.constant 16 : i32
        %mul3A_229 = arith.muli %scan3A_66, %mul3A_228 : i32
        %add3A_230 = arith.constant 2 : i32
        %add3A_231 = arith.addi %mul3A_229, %add3A_230 : i32
        %get3A_232 = arith.index_cast %add3A_231 : i32 to index
        %get3A_233 = arith.constant 16 : index
        %get3A_234 = tpu.vector_load %arg6[%get3A_232, %get3A_233] {strides = array<i32>} : memref<128x128xf32, #tpu.memory_space<vmem>>, vector<1x16xf32>,
        %get3A_235 = vector.shape_cast %get3A_234 : vector<1x16xf32> to vector<16xf32>
        %max3A_236 = arith.maximumf %max3A_227, %get3A_235 : vector<16xf32>
        %mul3A_237 = arith.constant 16 : i32
        %mul3A_238 = arith.muli %scan3A_66, %mul3A_237 : i32
        %add3A_239 = arith.constant 3 : i32
        %add3A_240 = arith.addi %mul3A_238, %add3A_239 : i32
        %get3A_241 = arith.index_cast %add3A_240 : i32 to index
        %get3A_242 = arith.constant 16 : index
        %get3A_243 = tpu.vector_load %arg6[%get3A_241, %get3A_242] {strides = array<i32>} : memref<128x128xf32, #tpu.memory_space<vmem>>, vector<1x16xf32>,
        %get3A_244 = vector.shape_cast %get3A_243 : vector<1x16xf32> to vector<16xf32>
        %max3A_245 = arith.maximumf %max3A_236, %get3A_244 : vector<16xf32>
        %mul3A_246 = arith.constant 16 : i32
        %mul3A_247 = arith.muli %scan3A_66, %mul3A_246 : i32
        %add3A_248 = arith.constant 4 : i32
        %add3A_249 = arith.addi %mul3A_247, %add3A_248 : i32
        %get3A_250 = arith.index_cast %add3A_249 : i32 to index
        %get3A_251 = arith.constant 16 : index
        %get3A_252 = tpu.vector_load %arg6[%get3A_250, %get3A_251] {strides = array<i32>} : memref<128x128xf32, #tpu.memory_space<vmem>>, vector<1x16xf32>,
        %get3A_253 = vector.shape_cast %get3A_252 : vector<1x16xf32> to vector<16xf32>
        %max3A_254 = arith.maximumf %max3A_245, %get3A_253 : vector<16xf32>
        %mul3A_255 = arith.constant 16 : i32
        %mul3A_256 = arith.muli %scan3A_66, %mul3A_255 : i32
        %add3A_257 = arith.constant 5 : i32
        %add3A_258 = arith.addi %mul3A_256, %add3A_257 : i32
        %get3A_259 = arith.index_cast %add3A_258 : i32 to index
        %get3A_260 = arith.constant 16 : index
        %get3A_261 = tpu.vector_load %arg6[%get3A_259, %get3A_260] {strides = array<i32>} : memref<128x128xf32, #tpu.memory_space<vmem>>, vector<1x16xf32>,
        %get3A_262 = vector.shape_cast %get3A_261 : vector<1x16xf32> to vector<16xf32>
        %max3A_263 = arith.maximumf %max3A_254, %get3A_262 : vector<16xf32>
        %mul3A_264 = arith.constant 16 : i32
        %mul3A_265 = arith.muli %scan3A_66, %mul3A_264 : i32
        %add3A_266 = arith.constant 6 : i32
        %add3A_267 = arith.addi %mul3A_265, %add3A_266 : i32
        %get3A_268 = arith.index_cast %add3A_267 : i32 to index
        %get3A_269 = arith.constant 16 : index
        %get3A_270 = tpu.vector_load %arg6[%get3A_268, %get3A_269] {strides = array<i32>} : memref<128x128xf32, #tpu.memory_space<vmem>>, vector<1x16xf32>,
        %get3A_271 = vector.shape_cast %get3A_270 : vector<1x16xf32> to vector<16xf32>
        %max3A_272 = arith.maximumf %max3A_263, %get3A_271 : vector<16xf32>
        %mul3A_273 = arith.constant 16 : i32
        %mul3A_274 = arith.muli %scan3A_66, %mul3A_273 : i32
        %add3A_275 = arith.constant 7 : i32
        %add3A_276 = arith.addi %mul3A_274, %add3A_275 : i32
        %get3A_277 = arith.index_cast %add3A_276 : i32 to index
        %get3A_278 = arith.constant 16 : index
        %get3A_279 = tpu.vector_load %arg6[%get3A_277, %get3A_278] {strides = array<i32>} : memref<128x128xf32, #tpu.memory_space<vmem>>, vector<1x16xf32>,
        %get3A_280 = vector.shape_cast %get3A_279 : vector<1x16xf32> to vector<16xf32>
        %max3A_281 = arith.maximumf %max3A_272, %get3A_280 : vector<16xf32>
        %mul3A_282 = arith.constant 16 : i32
        %mul3A_283 = arith.muli %scan3A_66, %mul3A_282 : i32
        %add3A_284 = arith.constant 8 : i32
        %add3A_285 = arith.addi %mul3A_283, %add3A_284 : i32
        %get3A_286 = arith.index_cast %add3A_285 : i32 to index
        %get3A_287 = arith.constant 16 : index
        %get3A_288 = tpu.vector_load %arg6[%get3A_286, %get3A_287] {strides = array<i32>} : memref<128x128xf32, #tpu.memory_space<vmem>>, vector<1x16xf32>,
        %get3A_289 = vector.shape_cast %get3A_288 : vector<1x16xf32> to vector<16xf32>
        %max3A_290 = arith.maximumf %max3A_281, %get3A_289 : vector<16xf32>
        %mul3A_291 = arith.constant 16 : i32
        %mul3A_292 = arith.muli %scan3A_66, %mul3A_291 : i32
        %add3A_293 = arith.constant 9 : i32
        %add3A_294 = arith.addi %mul3A_292, %add3A_293 : i32
        %get3A_295 = arith.index_cast %add3A_294 : i32 to index
        %get3A_296 = arith.constant 16 : index
        %get3A_297 = tpu.vector_load %arg6[%get3A_295, %get3A_296] {strides = array<i32>} : memref<128x128xf32, #tpu.memory_space<vmem>>, vector<1x16xf32>,
        %get3A_298 = vector.shape_cast %get3A_297 : vector<1x16xf32> to vector<16xf32>
        %max3A_299 = arith.maximumf %max3A_290, %get3A_298 : vector<16xf32>
        %mul3A_300 = arith.constant 16 : i32
        %mul3A_301 = arith.muli %scan3A_66, %mul3A_300 : i32
        %add3A_302 = arith.constant 10 : i32
        %add3A_303 = arith.addi %mul3A_301, %add3A_302 : i32
        %get3A_304 = arith.index_cast %add3A_303 : i32 to index
        %get3A_305 = arith.constant 16 : index
        %get3A_306 = tpu.vector_load %arg6[%get3A_304, %get3A_305] {strides = array<i32>} : memref<128x128xf32, #tpu.memory_space<vmem>>, vector<1x16xf32>,
        %get3A_307 = vector.shape_cast %get3A_306 : vector<1x16xf32> to vector<16xf32>
        %max3A_308 = arith.maximumf %max3A_299, %get3A_307 : vector<16xf32>
        %mul3A_309 = arith.constant 16 : i32
        %mul3A_310 = arith.muli %scan3A_66, %mul3A_309 : i32
        %add3A_311 = arith.constant 11 : i32
        %add3A_312 = arith.addi %mul3A_310, %add3A_311 : i32
        %get3A_313 = arith.index_cast %add3A_312 : i32 to index
        %get3A_314 = arith.constant 16 : index
        %get3A_315 = tpu.vector_load %arg6[%get3A_313, %get3A_314] {strides = array<i32>} : memref<128x128xf32, #tpu.memory_space<vmem>>, vector<1x16xf32>,
        %get3A_316 = vector.shape_cast %get3A_315 : vector<1x16xf32> to vector<16xf32>
        %max3A_317 = arith.maximumf %max3A_308, %get3A_316 : vector<16xf32>
        %mul3A_318 = arith.constant 16 : i32
        %mul3A_319 = arith.muli %scan3A_66, %mul3A_318 : i32
        %add3A_320 = arith.constant 12 : i32
        %add3A_321 = arith.addi %mul3A_319, %add3A_320 : i32
        %get3A_322 = arith.index_cast %add3A_321 : i32 to index
        %get3A_323 = arith.constant 16 : index
        %get3A_324 = tpu.vector_load %arg6[%get3A_322, %get3A_323] {strides = array<i32>} : memref<128x128xf32, #tpu.memory_space<vmem>>, vector<1x16xf32>,
        %get3A_325 = vector.shape_cast %get3A_324 : vector<1x16xf32> to vector<16xf32>
        %max3A_326 = arith.maximumf %max3A_317, %get3A_325 : vector<16xf32>
        %mul3A_327 = arith.constant 16 : i32
        %mul3A_328 = arith.muli %scan3A_66, %mul3A_327 : i32
        %add3A_329 = arith.constant 13 : i32
        %add3A_330 = arith.addi %mul3A_328, %add3A_329 : i32
        %get3A_331 = arith.index_cast %add3A_330 : i32 to index
        %get3A_332 = arith.constant 16 : index
        %get3A_333 = tpu.vector_load %arg6[%get3A_331, %get3A_332] {strides = array<i32>} : memref<128x128xf32, #tpu.memory_space<vmem>>, vector<1x16xf32>,
        %get3A_334 = vector.shape_cast %get3A_333 : vector<1x16xf32> to vector<16xf32>
        %max3A_335 = arith.maximumf %max3A_326, %get3A_334 : vector<16xf32>
        %mul3A_336 = arith.constant 16 : i32
        %mul3A_337 = arith.muli %scan3A_66, %mul3A_336 : i32
        %add3A_338 = arith.constant 14 : i32
        %add3A_339 = arith.addi %mul3A_337, %add3A_338 : i32
        %get3A_340 = arith.index_cast %add3A_339 : i32 to index
        %get3A_341 = arith.constant 16 : index
        %get3A_342 = tpu.vector_load %arg6[%get3A_340, %get3A_341] {strides = array<i32>} : memref<128x128xf32, #tpu.memory_space<vmem>>, vector<1x16xf32>,
        %get3A_343 = vector.shape_cast %get3A_342 : vector<1x16xf32> to vector<16xf32>
        %max3A_344 = arith.maximumf %max3A_335, %get3A_343 : vector<16xf32>
        %mul3A_345 = arith.constant 16 : i32
        %mul3A_346 = arith.muli %scan3A_66, %mul3A_345 : i32
        %add3A_347 = arith.constant 15 : i32
        %add3A_348 = arith.addi %mul3A_346, %add3A_347 : i32
        %get3A_349 = arith.index_cast %add3A_348 : i32 to index
        %get3A_350 = arith.constant 16 : index
        %get3A_351 = tpu.vector_load %arg6[%get3A_349, %get3A_350] {strides = array<i32>} : memref<128x128xf32, #tpu.memory_space<vmem>>, vector<1x16xf32>,
        %get3A_352 = vector.shape_cast %get3A_351 : vector<1x16xf32> to vector<16xf32>
        %max3A_353 = arith.maximumf %max3A_344, %get3A_352 : vector<16xf32>
        %mul3A_354 = arith.constant 8 : i32
        %mul3A_355 = arith.muli %add3A_27, %mul3A_354 : i32
        %add3A_356 = arith.addi %mul3A_355, %scan3A_66 : i32
        %swap3A_357 = arith.index_cast %add3A_356 : i32 to index
        %swap3A_358 = arith.constant 16 : index
        %swap3A_359 = tpu.vector_load %arg8[%swap3A_357, %swap3A_358] {strides = array<i32>} : memref<512x128xf32, #tpu.memory_space<vmem>>, vector<1x16xf32>,
        %swap3A_360 = vector.shape_cast %swap3A_359 : vector<1x16xf32> to vector<16xf32>
        %swap3A_361 = vector.shape_cast %max3A_353 : vector<16xf32> to vector<1x16xf32>
        tpu.vector_store %arg8[%swap3A_357, %swap3A_358], %swap3A_361 {strides = array<i32>} : memref<512x128xf32, #tpu.memory_space<vmem>>, vector<1x16xf32>,
        %mul3A_362 = arith.constant 16 : i32
        %mul3A_363 = arith.muli %scan3A_66, %mul3A_362 : i32
        %get3A_364 = arith.index_cast %mul3A_363 : i32 to index
        %get3A_365 = arith.constant 32 : index
        %get3A_366 = tpu.vector_load %arg6[%get3A_364, %get3A_365] {strides = array<i32>} : memref<128x128xf32, #tpu.memory_space<vmem>>, vector<1x16xf32>,
        %get3A_367 = vector.shape_cast %get3A_366 : vector<1x16xf32> to vector<16xf32>
        %mul3A_368 = arith.constant 16 : i32
        %mul3A_369 = arith.muli %scan3A_66, %mul3A_368 : i32
        %add3A_370 = arith.constant 1 : i32
        %add3A_371 = arith.addi %mul3A_369, %add3A_370 : i32
        %get3A_372 = arith.index_cast %add3A_371 : i32 to index
        %get3A_373 = arith.constant 32 : index
        %get3A_374 = tpu.vector_load %arg6[%get3A_372, %get3A_373] {strides = array<i32>} : memref<128x128xf32, #tpu.memory_space<vmem>>, vector<1x16xf32>,
        %get3A_375 = vector.shape_cast %get3A_374 : vector<1x16xf32> to vector<16xf32>
        %max3A_376 = arith.maximumf %get3A_367, %get3A_375 : vector<16xf32>
        %mul3A_377 = arith.constant 16 : i32
        %mul3A_378 = arith.muli %scan3A_66, %mul3A_377 : i32
        %add3A_379 = arith.constant 2 : i32
        %add3A_380 = arith.addi %mul3A_378, %add3A_379 : i32
        %get3A_381 = arith.index_cast %add3A_380 : i32 to index
        %get3A_382 = arith.constant 32 : index
        %get3A_383 = tpu.vector_load %arg6[%get3A_381, %get3A_382] {strides = array<i32>} : memref<128x128xf32, #tpu.memory_space<vmem>>, vector<1x16xf32>,
        %get3A_384 = vector.shape_cast %get3A_383 : vector<1x16xf32> to vector<16xf32>
        %max3A_385 = arith.maximumf %max3A_376, %get3A_384 : vector<16xf32>
        %mul3A_386 = arith.constant 16 : i32
        %mul3A_387 = arith.muli %scan3A_66, %mul3A_386 : i32
        %add3A_388 = arith.constant 3 : i32
        %add3A_389 = arith.addi %mul3A_387, %add3A_388 : i32
        %get3A_390 = arith.index_cast %add3A_389 : i32 to index
        %get3A_391 = arith.constant 32 : index
        %get3A_392 = tpu.vector_load %arg6[%get3A_390, %get3A_391] {strides = array<i32>} : memref<128x128xf32, #tpu.memory_space<vmem>>, vector<1x16xf32>,
        %get3A_393 = vector.shape_cast %get3A_392 : vector<1x16xf32> to vector<16xf32>
        %max3A_394 = arith.maximumf %max3A_385, %get3A_393 : vector<16xf32>
        %mul3A_395 = arith.constant 16 : i32
        %mul3A_396 = arith.muli %scan3A_66, %mul3A_395 : i32
        %add3A_397 = arith.constant 4 : i32
        %add3A_398 = arith.addi %mul3A_396, %add3A_397 : i32
        %get3A_399 = arith.index_cast %add3A_398 : i32 to index
        %get3A_400 = arith.constant 32 : index
        %get3A_401 = tpu.vector_load %arg6[%get3A_399, %get3A_400] {strides = array<i32>} : memref<128x128xf32, #tpu.memory_space<vmem>>, vector<1x16xf32>,
        %get3A_402 = vector.shape_cast %get3A_401 : vector<1x16xf32> to vector<16xf32>
        %max3A_403 = arith.maximumf %max3A_394, %get3A_402 : vector<16xf32>
        %mul3A_404 = arith.constant 16 : i32
        %mul3A_405 = arith.muli %scan3A_66, %mul3A_404 : i32
        %add3A_406 = arith.constant 5 : i32
        %add3A_407 = arith.addi %mul3A_405, %add3A_406 : i32
        %get3A_408 = arith.index_cast %add3A_407 : i32 to index
        %get3A_409 = arith.constant 32 : index
        %get3A_410 = tpu.vector_load %arg6[%get3A_408, %get3A_409] {strides = array<i32>} : memref<128x128xf32, #tpu.memory_space<vmem>>, vector<1x16xf32>,
        %get3A_411 = vector.shape_cast %get3A_410 : vector<1x16xf32> to vector<16xf32>
        %max3A_412 = arith.maximumf %max3A_403, %get3A_411 : vector<16xf32>
        %mul3A_413 = arith.constant 16 : i32
        %mul3A_414 = arith.muli %scan3A_66, %mul3A_413 : i32
        %add3A_415 = arith.constant 6 : i32
        %add3A_416 = arith.addi %mul3A_414, %add3A_415 : i32
        %get3A_417 = arith.index_cast %add3A_416 : i32 to index
        %get3A_418 = arith.constant 32 : index
        %get3A_419 = tpu.vector_load %arg6[%get3A_417, %get3A_418] {strides = array<i32>} : memref<128x128xf32, #tpu.memory_space<vmem>>, vector<1x16xf32>,
        %get3A_420 = vector.shape_cast %get3A_419 : vector<1x16xf32> to vector<16xf32>
        %max3A_421 = arith.maximumf %max3A_412, %get3A_420 : vector<16xf32>
        %mul3A_422 = arith.constant 16 : i32
        %mul3A_423 = arith.muli %scan3A_66, %mul3A_422 : i32
        %add3A_424 = arith.constant 7 : i32
        %add3A_425 = arith.addi %mul3A_423, %add3A_424 : i32
        %get3A_426 = arith.index_cast %add3A_425 : i32 to index
        %get3A_427 = arith.constant 32 : index
        %get3A_428 = tpu.vector_load %arg6[%get3A_426, %get3A_427] {strides = array<i32>} : memref<128x128xf32, #tpu.memory_space<vmem>>, vector<1x16xf32>,
        %get3A_429 = vector.shape_cast %get3A_428 : vector<1x16xf32> to vector<16xf32>
        %max3A_430 = arith.maximumf %max3A_421, %get3A_429 : vector<16xf32>
        %mul3A_431 = arith.constant 16 : i32
        %mul3A_432 = arith.muli %scan3A_66, %mul3A_431 : i32
        %add3A_433 = arith.constant 8 : i32
        %add3A_434 = arith.addi %mul3A_432, %add3A_433 : i32
        %get3A_435 = arith.index_cast %add3A_434 : i32 to index
        %get3A_436 = arith.constant 32 : index
        %get3A_437 = tpu.vector_load %arg6[%get3A_435, %get3A_436] {strides = array<i32>} : memref<128x128xf32, #tpu.memory_space<vmem>>, vector<1x16xf32>,
        %get3A_438 = vector.shape_cast %get3A_437 : vector<1x16xf32> to vector<16xf32>
        %max3A_439 = arith.maximumf %max3A_430, %get3A_438 : vector<16xf32>
        %mul3A_440 = arith.constant 16 : i32
        %mul3A_441 = arith.muli %scan3A_66, %mul3A_440 : i32
        %add3A_442 = arith.constant 9 : i32
        %add3A_443 = arith.addi %mul3A_441, %add3A_442 : i32
        %get3A_444 = arith.index_cast %add3A_443 : i32 to index
        %get3A_445 = arith.constant 32 : index
        %get3A_446 = tpu.vector_load %arg6[%get3A_444, %get3A_445] {strides = array<i32>} : memref<128x128xf32, #tpu.memory_space<vmem>>, vector<1x16xf32>,
        %get3A_447 = vector.shape_cast %get3A_446 : vector<1x16xf32> to vector<16xf32>
        %max3A_448 = arith.maximumf %max3A_439, %get3A_447 : vector<16xf32>
        %mul3A_449 = arith.constant 16 : i32
        %mul3A_450 = arith.muli %scan3A_66, %mul3A_449 : i32
        %add3A_451 = arith.constant 10 : i32
        %add3A_452 = arith.addi %mul3A_450, %add3A_451 : i32
        %get3A_453 = arith.index_cast %add3A_452 : i32 to index
        %get3A_454 = arith.constant 32 : index
        %get3A_455 = tpu.vector_load %arg6[%get3A_453, %get3A_454] {strides = array<i32>} : memref<128x128xf32, #tpu.memory_space<vmem>>, vector<1x16xf32>,
        %get3A_456 = vector.shape_cast %get3A_455 : vector<1x16xf32> to vector<16xf32>
        %max3A_457 = arith.maximumf %max3A_448, %get3A_456 : vector<16xf32>
        %mul3A_458 = arith.constant 16 : i32
        %mul3A_459 = arith.muli %scan3A_66, %mul3A_458 : i32
        %add3A_460 = arith.constant 11 : i32
        %add3A_461 = arith.addi %mul3A_459, %add3A_460 : i32
        %get3A_462 = arith.index_cast %add3A_461 : i32 to index
        %get3A_463 = arith.constant 32 : index
        %get3A_464 = tpu.vector_load %arg6[%get3A_462, %get3A_463] {strides = array<i32>} : memref<128x128xf32, #tpu.memory_space<vmem>>, vector<1x16xf32>,
        %get3A_465 = vector.shape_cast %get3A_464 : vector<1x16xf32> to vector<16xf32>
        %max3A_466 = arith.maximumf %max3A_457, %get3A_465 : vector<16xf32>
        %mul3A_467 = arith.constant 16 : i32
        %mul3A_468 = arith.muli %scan3A_66, %mul3A_467 : i32
        %add3A_469 = arith.constant 12 : i32
        %add3A_470 = arith.addi %mul3A_468, %add3A_469 : i32
        %get3A_471 = arith.index_cast %add3A_470 : i32 to index
        %get3A_472 = arith.constant 32 : index
        %get3A_473 = tpu.vector_load %arg6[%get3A_471, %get3A_472] {strides = array<i32>} : memref<128x128xf32, #tpu.memory_space<vmem>>, vector<1x16xf32>,
        %get3A_474 = vector.shape_cast %get3A_473 : vector<1x16xf32> to vector<16xf32>
        %max3A_475 = arith.maximumf %max3A_466, %get3A_474 : vector<16xf32>
        %mul3A_476 = arith.constant 16 : i32
        %mul3A_477 = arith.muli %scan3A_66, %mul3A_476 : i32
        %add3A_478 = arith.constant 13 : i32
        %add3A_479 = arith.addi %mul3A_477, %add3A_478 : i32
        %get3A_480 = arith.index_cast %add3A_479 : i32 to index
        %get3A_481 = arith.constant 32 : index
        %get3A_482 = tpu.vector_load %arg6[%get3A_480, %get3A_481] {strides = array<i32>} : memref<128x128xf32, #tpu.memory_space<vmem>>, vector<1x16xf32>,
        %get3A_483 = vector.shape_cast %get3A_482 : vector<1x16xf32> to vector<16xf32>
        %max3A_484 = arith.maximumf %max3A_475, %get3A_483 : vector<16xf32>
        %mul3A_485 = arith.constant 16 : i32
        %mul3A_486 = arith.muli %scan3A_66, %mul3A_485 : i32
        %add3A_487 = arith.constant 14 : i32
        %add3A_488 = arith.addi %mul3A_486, %add3A_487 : i32
        %get3A_489 = arith.index_cast %add3A_488 : i32 to index
        %get3A_490 = arith.constant 32 : index
        %get3A_491 = tpu.vector_load %arg6[%get3A_489, %get3A_490] {strides = array<i32>} : memref<128x128xf32, #tpu.memory_space<vmem>>, vector<1x16xf32>,
        %get3A_492 = vector.shape_cast %get3A_491 : vector<1x16xf32> to vector<16xf32>
        %max3A_493 = arith.maximumf %max3A_484, %get3A_492 : vector<16xf32>
        %mul3A_494 = arith.constant 16 : i32
        %mul3A_495 = arith.muli %scan3A_66, %mul3A_494 : i32
        %add3A_496 = arith.constant 15 : i32
        %add3A_497 = arith.addi %mul3A_495, %add3A_496 : i32
        %get3A_498 = arith.index_cast %add3A_497 : i32 to index
        %get3A_499 = arith.constant 32 : index
        %get3A_500 = tpu.vector_load %arg6[%get3A_498, %get3A_499] {strides = array<i32>} : memref<128x128xf32, #tpu.memory_space<vmem>>, vector<1x16xf32>,
        %get3A_501 = vector.shape_cast %get3A_500 : vector<1x16xf32> to vector<16xf32>
        %max3A_502 = arith.maximumf %max3A_493, %get3A_501 : vector<16xf32>
        %mul3A_503 = arith.constant 8 : i32
        %mul3A_504 = arith.muli %add3A_27, %mul3A_503 : i32
        %add3A_505 = arith.addi %mul3A_504, %scan3A_66 : i32
        %swap3A_506 = arith.index_cast %add3A_505 : i32 to index
        %swap3A_507 = arith.constant 32 : index
        %swap3A_508 = tpu.vector_load %arg8[%swap3A_506, %swap3A_507] {strides = array<i32>} : memref<512x128xf32, #tpu.memory_space<vmem>>, vector<1x16xf32>,
        %swap3A_509 = vector.shape_cast %swap3A_508 : vector<1x16xf32> to vector<16xf32>
        %swap3A_510 = vector.shape_cast %max3A_502 : vector<16xf32> to vector<1x16xf32>
        tpu.vector_store %arg8[%swap3A_506, %swap3A_507], %swap3A_510 {strides = array<i32>} : memref<512x128xf32, #tpu.memory_space<vmem>>, vector<1x16xf32>,
        %mul3A_511 = arith.constant 16 : i32
        %mul3A_512 = arith.muli %scan3A_66, %mul3A_511 : i32
        %get3A_513 = arith.index_cast %mul3A_512 : i32 to index
        %get3A_514 = arith.constant 48 : index
        %get3A_515 = tpu.vector_load %arg6[%get3A_513, %get3A_514] {strides = array<i32>} : memref<128x128xf32, #tpu.memory_space<vmem>>, vector<1x16xf32>,
        %get3A_516 = vector.shape_cast %get3A_515 : vector<1x16xf32> to vector<16xf32>
        %mul3A_517 = arith.constant 16 : i32
        %mul3A_518 = arith.muli %scan3A_66, %mul3A_517 : i32
        %add3A_519 = arith.constant 1 : i32
        %add3A_520 = arith.addi %mul3A_518, %add3A_519 : i32
        %get3A_521 = arith.index_cast %add3A_520 : i32 to index
        %get3A_522 = arith.constant 48 : index
        %get3A_523 = tpu.vector_load %arg6[%get3A_521, %get3A_522] {strides = array<i32>} : memref<128x128xf32, #tpu.memory_space<vmem>>, vector<1x16xf32>,
        %get3A_524 = vector.shape_cast %get3A_523 : vector<1x16xf32> to vector<16xf32>
        %max3A_525 = arith.maximumf %get3A_516, %get3A_524 : vector<16xf32>
        %mul3A_526 = arith.constant 16 : i32
        %mul3A_527 = arith.muli %scan3A_66, %mul3A_526 : i32
        %add3A_528 = arith.constant 2 : i32
        %add3A_529 = arith.addi %mul3A_527, %add3A_528 : i32
        %get3A_530 = arith.index_cast %add3A_529 : i32 to index
        %get3A_531 = arith.constant 48 : index
        %get3A_532 = tpu.vector_load %arg6[%get3A_530, %get3A_531] {strides = array<i32>} : memref<128x128xf32, #tpu.memory_space<vmem>>, vector<1x16xf32>,
        %get3A_533 = vector.shape_cast %get3A_532 : vector<1x16xf32> to vector<16xf32>
        %max3A_534 = arith.maximumf %max3A_525, %get3A_533 : vector<16xf32>
        %mul3A_535 = arith.constant 16 : i32
        %mul3A_536 = arith.muli %scan3A_66, %mul3A_535 : i32
        %add3A_537 = arith.constant 3 : i32
        %add3A_538 = arith.addi %mul3A_536, %add3A_537 : i32
        %get3A_539 = arith.index_cast %add3A_538 : i32 to index
        %get3A_540 = arith.constant 48 : index
        %get3A_541 = tpu.vector_load %arg6[%get3A_539, %get3A_540] {strides = array<i32>} : memref<128x128xf32, #tpu.memory_space<vmem>>, vector<1x16xf32>,
        %get3A_542 = vector.shape_cast %get3A_541 : vector<1x16xf32> to vector<16xf32>
        %max3A_543 = arith.maximumf %max3A_534, %get3A_542 : vector<16xf32>
        %mul3A_544 = arith.constant 16 : i32
        %mul3A_545 = arith.muli %scan3A_66, %mul3A_544 : i32
        %add3A_546 = arith.constant 4 : i32
        %add3A_547 = arith.addi %mul3A_545, %add3A_546 : i32
        %get3A_548 = arith.index_cast %add3A_547 : i32 to index
        %get3A_549 = arith.constant 48 : index
        %get3A_550 = tpu.vector_load %arg6[%get3A_548, %get3A_549] {strides = array<i32>} : memref<128x128xf32, #tpu.memory_space<vmem>>, vector<1x16xf32>,
        %get3A_551 = vector.shape_cast %get3A_550 : vector<1x16xf32> to vector<16xf32>
        %max3A_552 = arith.maximumf %max3A_543, %get3A_551 : vector<16xf32>
        %mul3A_553 = arith.constant 16 : i32
        %mul3A_554 = arith.muli %scan3A_66, %mul3A_553 : i32
        %add3A_555 = arith.constant 5 : i32
        %add3A_556 = arith.addi %mul3A_554, %add3A_555 : i32
        %get3A_557 = arith.index_cast %add3A_556 : i32 to index
        %get3A_558 = arith.constant 48 : index
        %get3A_559 = tpu.vector_load %arg6[%get3A_557, %get3A_558] {strides = array<i32>} : memref<128x128xf32, #tpu.memory_space<vmem>>, vector<1x16xf32>,
        %get3A_560 = vector.shape_cast %get3A_559 : vector<1x16xf32> to vector<16xf32>
        %max3A_561 = arith.maximumf %max3A_552, %get3A_560 : vector<16xf32>
        %mul3A_562 = arith.constant 16 : i32
        %mul3A_563 = arith.muli %scan3A_66, %mul3A_562 : i32
        %add3A_564 = arith.constant 6 : i32
        %add3A_565 = arith.addi %mul3A_563, %add3A_564 : i32
        %get3A_566 = arith.index_cast %add3A_565 : i32 to index
        %get3A_567 = arith.constant 48 : index
        %get3A_568 = tpu.vector_load %arg6[%get3A_566, %get3A_567] {strides = array<i32>} : memref<128x128xf32, #tpu.memory_space<vmem>>, vector<1x16xf32>,
        %get3A_569 = vector.shape_cast %get3A_568 : vector<1x16xf32> to vector<16xf32>
        %max3A_570 = arith.maximumf %max3A_561, %get3A_569 : vector<16xf32>
        %mul3A_571 = arith.constant 16 : i32
        %mul3A_572 = arith.muli %scan3A_66, %mul3A_571 : i32
        %add3A_573 = arith.constant 7 : i32
        %add3A_574 = arith.addi %mul3A_572, %add3A_573 : i32
        %get3A_575 = arith.index_cast %add3A_574 : i32 to index
        %get3A_576 = arith.constant 48 : index
        %get3A_577 = tpu.vector_load %arg6[%get3A_575, %get3A_576] {strides = array<i32>} : memref<128x128xf32, #tpu.memory_space<vmem>>, vector<1x16xf32>,
        %get3A_578 = vector.shape_cast %get3A_577 : vector<1x16xf32> to vector<16xf32>
        %max3A_579 = arith.maximumf %max3A_570, %get3A_578 : vector<16xf32>
        %mul3A_580 = arith.constant 16 : i32
        %mul3A_581 = arith.muli %scan3A_66, %mul3A_580 : i32
        %add3A_582 = arith.constant 8 : i32
        %add3A_583 = arith.addi %mul3A_581, %add3A_582 : i32
        %get3A_584 = arith.index_cast %add3A_583 : i32 to index
        %get3A_585 = arith.constant 48 : index
        %get3A_586 = tpu.vector_load %arg6[%get3A_584, %get3A_585] {strides = array<i32>} : memref<128x128xf32, #tpu.memory_space<vmem>>, vector<1x16xf32>,
        %get3A_587 = vector.shape_cast %get3A_586 : vector<1x16xf32> to vector<16xf32>
        %max3A_588 = arith.maximumf %max3A_579, %get3A_587 : vector<16xf32>
        %mul3A_589 = arith.constant 16 : i32
        %mul3A_590 = arith.muli %scan3A_66, %mul3A_589 : i32
        %add3A_591 = arith.constant 9 : i32
        %add3A_592 = arith.addi %mul3A_590, %add3A_591 : i32
        %get3A_593 = arith.index_cast %add3A_592 : i32 to index
        %get3A_594 = arith.constant 48 : index
        %get3A_595 = tpu.vector_load %arg6[%get3A_593, %get3A_594] {strides = array<i32>} : memref<128x128xf32, #tpu.memory_space<vmem>>, vector<1x16xf32>,
        %get3A_596 = vector.shape_cast %get3A_595 : vector<1x16xf32> to vector<16xf32>
        %max3A_597 = arith.maximumf %max3A_588, %get3A_596 : vector<16xf32>
        %mul3A_598 = arith.constant 16 : i32
        %mul3A_599 = arith.muli %scan3A_66, %mul3A_598 : i32
        %add3A_600 = arith.constant 10 : i32
        %add3A_601 = arith.addi %mul3A_599, %add3A_600 : i32
        %get3A_602 = arith.index_cast %add3A_601 : i32 to index
        %get3A_603 = arith.constant 48 : index
        %get3A_604 = tpu.vector_load %arg6[%get3A_602, %get3A_603] {strides = array<i32>} : memref<128x128xf32, #tpu.memory_space<vmem>>, vector<1x16xf32>,
        %get3A_605 = vector.shape_cast %get3A_604 : vector<1x16xf32> to vector<16xf32>
        %max3A_606 = arith.maximumf %max3A_597, %get3A_605 : vector<16xf32>
        %mul3A_607 = arith.constant 16 : i32
        %mul3A_608 = arith.muli %scan3A_66, %mul3A_607 : i32
        %add3A_609 = arith.constant 11 : i32
        %add3A_610 = arith.addi %mul3A_608, %add3A_609 : i32
        %get3A_611 = arith.index_cast %add3A_610 : i32 to index
        %get3A_612 = arith.constant 48 : index
        %get3A_613 = tpu.vector_load %arg6[%get3A_611, %get3A_612] {strides = array<i32>} : memref<128x128xf32, #tpu.memory_space<vmem>>, vector<1x16xf32>,
        %get3A_614 = vector.shape_cast %get3A_613 : vector<1x16xf32> to vector<16xf32>
        %max3A_615 = arith.maximumf %max3A_606, %get3A_614 : vector<16xf32>
        %mul3A_616 = arith.constant 16 : i32
        %mul3A_617 = arith.muli %scan3A_66, %mul3A_616 : i32
        %add3A_618 = arith.constant 12 : i32
        %add3A_619 = arith.addi %mul3A_617, %add3A_618 : i32
        %get3A_620 = arith.index_cast %add3A_619 : i32 to index
        %get3A_621 = arith.constant 48 : index
        %get3A_622 = tpu.vector_load %arg6[%get3A_620, %get3A_621] {strides = array<i32>} : memref<128x128xf32, #tpu.memory_space<vmem>>, vector<1x16xf32>,
        %get3A_623 = vector.shape_cast %get3A_622 : vector<1x16xf32> to vector<16xf32>
        %max3A_624 = arith.maximumf %max3A_615, %get3A_623 : vector<16xf32>
        %mul3A_625 = arith.constant 16 : i32
        %mul3A_626 = arith.muli %scan3A_66, %mul3A_625 : i32
        %add3A_627 = arith.constant 13 : i32
        %add3A_628 = arith.addi %mul3A_626, %add3A_627 : i32
        %get3A_629 = arith.index_cast %add3A_628 : i32 to index
        %get3A_630 = arith.constant 48 : index
        %get3A_631 = tpu.vector_load %arg6[%get3A_629, %get3A_630] {strides = array<i32>} : memref<128x128xf32, #tpu.memory_space<vmem>>, vector<1x16xf32>,
        %get3A_632 = vector.shape_cast %get3A_631 : vector<1x16xf32> to vector<16xf32>
        %max3A_633 = arith.maximumf %max3A_624, %get3A_632 : vector<16xf32>
        %mul3A_634 = arith.constant 16 : i32
        %mul3A_635 = arith.muli %scan3A_66, %mul3A_634 : i32
        %add3A_636 = arith.constant 14 : i32
        %add3A_637 = arith.addi %mul3A_635, %add3A_636 : i32
        %get3A_638 = arith.index_cast %add3A_637 : i32 to index
        %get3A_639 = arith.constant 48 : index
        %get3A_640 = tpu.vector_load %arg6[%get3A_638, %get3A_639] {strides = array<i32>} : memref<128x128xf32, #tpu.memory_space<vmem>>, vector<1x16xf32>,
        %get3A_641 = vector.shape_cast %get3A_640 : vector<1x16xf32> to vector<16xf32>
        %max3A_642 = arith.maximumf %max3A_633, %get3A_641 : vector<16xf32>
        %mul3A_643 = arith.constant 16 : i32
        %mul3A_644 = arith.muli %scan3A_66, %mul3A_643 : i32
        %add3A_645 = arith.constant 15 : i32
        %add3A_646 = arith.addi %mul3A_644, %add3A_645 : i32
        %get3A_647 = arith.index_cast %add3A_646 : i32 to index
        %get3A_648 = arith.constant 48 : index
        %get3A_649 = tpu.vector_load %arg6[%get3A_647, %get3A_648] {strides = array<i32>} : memref<128x128xf32, #tpu.memory_space<vmem>>, vector<1x16xf32>,
        %get3A_650 = vector.shape_cast %get3A_649 : vector<1x16xf32> to vector<16xf32>
        %max3A_651 = arith.maximumf %max3A_642, %get3A_650 : vector<16xf32>
        %mul3A_652 = arith.constant 8 : i32
        %mul3A_653 = arith.muli %add3A_27, %mul3A_652 : i32
        %add3A_654 = arith.addi %mul3A_653, %scan3A_66 : i32
        %swap3A_655 = arith.index_cast %add3A_654 : i32 to index
        %swap3A_656 = arith.constant 48 : index
        %swap3A_657 = tpu.vector_load %arg8[%swap3A_655, %swap3A_656] {strides = array<i32>} : memref<512x128xf32, #tpu.memory_space<vmem>>, vector<1x16xf32>,
        %swap3A_658 = vector.shape_cast %swap3A_657 : vector<1x16xf32> to vector<16xf32>
        %swap3A_659 = vector.shape_cast %max3A_651 : vector<16xf32> to vector<1x16xf32>
        tpu.vector_store %arg8[%swap3A_655, %swap3A_656], %swap3A_659 {strides = array<i32>} : memref<512x128xf32, #tpu.memory_space<vmem>>, vector<1x16xf32>,
        %mul3A_660 = arith.constant 16 : i32
        %mul3A_661 = arith.muli %scan3A_66, %mul3A_660 : i32
        %get3A_662 = arith.index_cast %mul3A_661 : i32 to index
        %get3A_663 = arith.constant 64 : index
        %get3A_664 = tpu.vector_load %arg6[%get3A_662, %get3A_663] {strides = array<i32>} : memref<128x128xf32, #tpu.memory_space<vmem>>, vector<1x16xf32>,
        %get3A_665 = vector.shape_cast %get3A_664 : vector<1x16xf32> to vector<16xf32>
        %mul3A_666 = arith.constant 16 : i32
        %mul3A_667 = arith.muli %scan3A_66, %mul3A_666 : i32
        %add3A_668 = arith.constant 1 : i32
        %add3A_669 = arith.addi %mul3A_667, %add3A_668 : i32
        %get3A_670 = arith.index_cast %add3A_669 : i32 to index
        %get3A_671 = arith.constant 64 : index
        %get3A_672 = tpu.vector_load %arg6[%get3A_670, %get3A_671] {strides = array<i32>} : memref<128x128xf32, #tpu.memory_space<vmem>>, vector<1x16xf32>,
        %get3A_673 = vector.shape_cast %get3A_672 : vector<1x16xf32> to vector<16xf32>
        %max3A_674 = arith.maximumf %get3A_665, %get3A_673 : vector<16xf32>
        %mul3A_675 = arith.constant 16 : i32
        %mul3A_676 = arith.muli %scan3A_66, %mul3A_675 : i32
        %add3A_677 = arith.constant 2 : i32
        %add3A_678 = arith.addi %mul3A_676, %add3A_677 : i32
        %get3A_679 = arith.index_cast %add3A_678 : i32 to index
        %get3A_680 = arith.constant 64 : index
        %get3A_681 = tpu.vector_load %arg6[%get3A_679, %get3A_680] {strides = array<i32>} : memref<128x128xf32, #tpu.memory_space<vmem>>, vector<1x16xf32>,
        %get3A_682 = vector.shape_cast %get3A_681 : vector<1x16xf32> to vector<16xf32>
        %max3A_683 = arith.maximumf %max3A_674, %get3A_682 : vector<16xf32>
        %mul3A_684 = arith.constant 16 : i32
        %mul3A_685 = arith.muli %scan3A_66, %mul3A_684 : i32
        %add3A_686 = arith.constant 3 : i32
        %add3A_687 = arith.addi %mul3A_685, %add3A_686 : i32
        %get3A_688 = arith.index_cast %add3A_687 : i32 to index
        %get3A_689 = arith.constant 64 : index
        %get3A_690 = tpu.vector_load %arg6[%get3A_688, %get3A_689] {strides = array<i32>} : memref<128x128xf32, #tpu.memory_space<vmem>>, vector<1x16xf32>,
        %get3A_691 = vector.shape_cast %get3A_690 : vector<1x16xf32> to vector<16xf32>
        %max3A_692 = arith.maximumf %max3A_683, %get3A_691 : vector<16xf32>
        %mul3A_693 = arith.constant 16 : i32
        %mul3A_694 = arith.muli %scan3A_66, %mul3A_693 : i32
        %add3A_695 = arith.constant 4 : i32
        %add3A_696 = arith.addi %mul3A_694, %add3A_695 : i32
        %get3A_697 = arith.index_cast %add3A_696 : i32 to index
        %get3A_698 = arith.constant 64 : index
        %get3A_699 = tpu.vector_load %arg6[%get3A_697, %get3A_698] {strides = array<i32>} : memref<128x128xf32, #tpu.memory_space<vmem>>, vector<1x16xf32>,
        %get3A_700 = vector.shape_cast %get3A_699 : vector<1x16xf32> to vector<16xf32>
        %max3A_701 = arith.maximumf %max3A_692, %get3A_700 : vector<16xf32>
        %mul3A_702 = arith.constant 16 : i32
        %mul3A_703 = arith.muli %scan3A_66, %mul3A_702 : i32
        %add3A_704 = arith.constant 5 : i32
        %add3A_705 = arith.addi %mul3A_703, %add3A_704 : i32
        %get3A_706 = arith.index_cast %add3A_705 : i32 to index
        %get3A_707 = arith.constant 64 : index
        %get3A_708 = tpu.vector_load %arg6[%get3A_706, %get3A_707] {strides = array<i32>} : memref<128x128xf32, #tpu.memory_space<vmem>>, vector<1x16xf32>,
        %get3A_709 = vector.shape_cast %get3A_708 : vector<1x16xf32> to vector<16xf32>
        %max3A_710 = arith.maximumf %max3A_701, %get3A_709 : vector<16xf32>
        %mul3A_711 = arith.constant 16 : i32
        %mul3A_712 = arith.muli %scan3A_66, %mul3A_711 : i32
        %add3A_713 = arith.constant 6 : i32
        %add3A_714 = arith.addi %mul3A_712, %add3A_713 : i32
        %get3A_715 = arith.index_cast %add3A_714 : i32 to index
        %get3A_716 = arith.constant 64 : index
        %get3A_717 = tpu.vector_load %arg6[%get3A_715, %get3A_716] {strides = array<i32>} : memref<128x128xf32, #tpu.memory_space<vmem>>, vector<1x16xf32>,
        %get3A_718 = vector.shape_cast %get3A_717 : vector<1x16xf32> to vector<16xf32>
        %max3A_719 = arith.maximumf %max3A_710, %get3A_718 : vector<16xf32>
        %mul3A_720 = arith.constant 16 : i32
        %mul3A_721 = arith.muli %scan3A_66, %mul3A_720 : i32
        %add3A_722 = arith.constant 7 : i32
        %add3A_723 = arith.addi %mul3A_721, %add3A_722 : i32
        %get3A_724 = arith.index_cast %add3A_723 : i32 to index
        %get3A_725 = arith.constant 64 : index
        %get3A_726 = tpu.vector_load %arg6[%get3A_724, %get3A_725] {strides = array<i32>} : memref<128x128xf32, #tpu.memory_space<vmem>>, vector<1x16xf32>,
        %get3A_727 = vector.shape_cast %get3A_726 : vector<1x16xf32> to vector<16xf32>
        %max3A_728 = arith.maximumf %max3A_719, %get3A_727 : vector<16xf32>
        %mul3A_729 = arith.constant 16 : i32
        %mul3A_730 = arith.muli %scan3A_66, %mul3A_729 : i32
        %add3A_731 = arith.constant 8 : i32
        %add3A_732 = arith.addi %mul3A_730, %add3A_731 : i32
        %get3A_733 = arith.index_cast %add3A_732 : i32 to index
        %get3A_734 = arith.constant 64 : index
        %get3A_735 = tpu.vector_load %arg6[%get3A_733, %get3A_734] {strides = array<i32>} : memref<128x128xf32, #tpu.memory_space<vmem>>, vector<1x16xf32>,
        %get3A_736 = vector.shape_cast %get3A_735 : vector<1x16xf32> to vector<16xf32>
        %max3A_737 = arith.maximumf %max3A_728, %get3A_736 : vector<16xf32>
        %mul3A_738 = arith.constant 16 : i32
        %mul3A_739 = arith.muli %scan3A_66, %mul3A_738 : i32
        %add3A_740 = arith.constant 9 : i32
        %add3A_741 = arith.addi %mul3A_739, %add3A_740 : i32
        %get3A_742 = arith.index_cast %add3A_741 : i32 to index
        %get3A_743 = arith.constant 64 : index
        %get3A_744 = tpu.vector_load %arg6[%get3A_742, %get3A_743] {strides = array<i32>} : memref<128x128xf32, #tpu.memory_space<vmem>>, vector<1x16xf32>,
        %get3A_745 = vector.shape_cast %get3A_744 : vector<1x16xf32> to vector<16xf32>
        %max3A_746 = arith.maximumf %max3A_737, %get3A_745 : vector<16xf32>
        %mul3A_747 = arith.constant 16 : i32
        %mul3A_748 = arith.muli %scan3A_66, %mul3A_747 : i32
        %add3A_749 = arith.constant 10 : i32
        %add3A_750 = arith.addi %mul3A_748, %add3A_749 : i32
        %get3A_751 = arith.index_cast %add3A_750 : i32 to index
        %get3A_752 = arith.constant 64 : index
        %get3A_753 = tpu.vector_load %arg6[%get3A_751, %get3A_752] {strides = array<i32>} : memref<128x128xf32, #tpu.memory_space<vmem>>, vector<1x16xf32>,
        %get3A_754 = vector.shape_cast %get3A_753 : vector<1x16xf32> to vector<16xf32>
        %max3A_755 = arith.maximumf %max3A_746, %get3A_754 : vector<16xf32>
        %mul3A_756 = arith.constant 16 : i32
        %mul3A_757 = arith.muli %scan3A_66, %mul3A_756 : i32
        %add3A_758 = arith.constant 11 : i32
        %add3A_759 = arith.addi %mul3A_757, %add3A_758 : i32
        %get3A_760 = arith.index_cast %add3A_759 : i32 to index
        %get3A_761 = arith.constant 64 : index
        %get3A_762 = tpu.vector_load %arg6[%get3A_760, %get3A_761] {strides = array<i32>} : memref<128x128xf32, #tpu.memory_space<vmem>>, vector<1x16xf32>,
        %get3A_763 = vector.shape_cast %get3A_762 : vector<1x16xf32> to vector<16xf32>
        %max3A_764 = arith.maximumf %max3A_755, %get3A_763 : vector<16xf32>
        %mul3A_765 = arith.constant 16 : i32
        %mul3A_766 = arith.muli %scan3A_66, %mul3A_765 : i32
        %add3A_767 = arith.constant 12 : i32
        %add3A_768 = arith.addi %mul3A_766, %add3A_767 : i32
        %get3A_769 = arith.index_cast %add3A_768 : i32 to index
        %get3A_770 = arith.constant 64 : index
        %get3A_771 = tpu.vector_load %arg6[%get3A_769, %get3A_770] {strides = array<i32>} : memref<128x128xf32, #tpu.memory_space<vmem>>, vector<1x16xf32>,
        %get3A_772 = vector.shape_cast %get3A_771 : vector<1x16xf32> to vector<16xf32>
        %max3A_773 = arith.maximumf %max3A_764, %get3A_772 : vector<16xf32>
        %mul3A_774 = arith.constant 16 : i32
        %mul3A_775 = arith.muli %scan3A_66, %mul3A_774 : i32
        %add3A_776 = arith.constant 13 : i32
        %add3A_777 = arith.addi %mul3A_775, %add3A_776 : i32
        %get3A_778 = arith.index_cast %add3A_777 : i32 to index
        %get3A_779 = arith.constant 64 : index
        %get3A_780 = tpu.vector_load %arg6[%get3A_778, %get3A_779] {strides = array<i32>} : memref<128x128xf32, #tpu.memory_space<vmem>>, vector<1x16xf32>,
        %get3A_781 = vector.shape_cast %get3A_780 : vector<1x16xf32> to vector<16xf32>
        %max3A_782 = arith.maximumf %max3A_773, %get3A_781 : vector<16xf32>
        %mul3A_783 = arith.constant 16 : i32
        %mul3A_784 = arith.muli %scan3A_66, %mul3A_783 : i32
        %add3A_785 = arith.constant 14 : i32
        %add3A_786 = arith.addi %mul3A_784, %add3A_785 : i32
        %get3A_787 = arith.index_cast %add3A_786 : i32 to index
        %get3A_788 = arith.constant 64 : index
        %get3A_789 = tpu.vector_load %arg6[%get3A_787, %get3A_788] {strides = array<i32>} : memref<128x128xf32, #tpu.memory_space<vmem>>, vector<1x16xf32>,
        %get3A_790 = vector.shape_cast %get3A_789 : vector<1x16xf32> to vector<16xf32>
        %max3A_791 = arith.maximumf %max3A_782, %get3A_790 : vector<16xf32>
        %mul3A_792 = arith.constant 16 : i32
        %mul3A_793 = arith.muli %scan3A_66, %mul3A_792 : i32
        %add3A_794 = arith.constant 15 : i32
        %add3A_795 = arith.addi %mul3A_793, %add3A_794 : i32
        %get3A_796 = arith.index_cast %add3A_795 : i32 to index
        %get3A_797 = arith.constant 64 : index
        %get3A_798 = tpu.vector_load %arg6[%get3A_796, %get3A_797] {strides = array<i32>} : memref<128x128xf32, #tpu.memory_space<vmem>>, vector<1x16xf32>,
        %get3A_799 = vector.shape_cast %get3A_798 : vector<1x16xf32> to vector<16xf32>
        %max3A_800 = arith.maximumf %max3A_791, %get3A_799 : vector<16xf32>
        %mul3A_801 = arith.constant 8 : i32
        %mul3A_802 = arith.muli %add3A_27, %mul3A_801 : i32
        %add3A_803 = arith.addi %mul3A_802, %scan3A_66 : i32
        %swap3A_804 = arith.index_cast %add3A_803 : i32 to index
        %swap3A_805 = arith.constant 64 : index
        %swap3A_806 = tpu.vector_load %arg8[%swap3A_804, %swap3A_805] {strides = array<i32>} : memref<512x128xf32, #tpu.memory_space<vmem>>, vector<1x16xf32>,
        %swap3A_807 = vector.shape_cast %swap3A_806 : vector<1x16xf32> to vector<16xf32>
        %swap3A_808 = vector.shape_cast %max3A_800 : vector<16xf32> to vector<1x16xf32>
        tpu.vector_store %arg8[%swap3A_804, %swap3A_805], %swap3A_808 {strides = array<i32>} : memref<512x128xf32, #tpu.memory_space<vmem>>, vector<1x16xf32>,
        %mul3A_809 = arith.constant 16 : i32
        %mul3A_810 = arith.muli %scan3A_66, %mul3A_809 : i32
        %get3A_811 = arith.index_cast %mul3A_810 : i32 to index
        %get3A_812 = arith.constant 80 : index
        %get3A_813 = tpu.vector_load %arg6[%get3A_811, %get3A_812] {strides = array<i32>} : memref<128x128xf32, #tpu.memory_space<vmem>>, vector<1x16xf32>,
        %get3A_814 = vector.shape_cast %get3A_813 : vector<1x16xf32> to vector<16xf32>
        %mul3A_815 = arith.constant 16 : i32
        %mul3A_816 = arith.muli %scan3A_66, %mul3A_815 : i32
        %add3A_817 = arith.constant 1 : i32
        %add3A_818 = arith.addi %mul3A_816, %add3A_817 : i32
        %get3A_819 = arith.index_cast %add3A_818 : i32 to index
        %get3A_820 = arith.constant 80 : index
        %get3A_821 = tpu.vector_load %arg6[%get3A_819, %get3A_820] {strides = array<i32>} : memref<128x128xf32, #tpu.memory_space<vmem>>, vector<1x16xf32>,
        %get3A_822 = vector.shape_cast %get3A_821 : vector<1x16xf32> to vector<16xf32>
        %max3A_823 = arith.maximumf %get3A_814, %get3A_822 : vector<16xf32>
        %mul3A_824 = arith.constant 16 : i32
        %mul3A_825 = arith.muli %scan3A_66, %mul3A_824 : i32
        %add3A_826 = arith.constant 2 : i32
        %add3A_827 = arith.addi %mul3A_825, %add3A_826 : i32
        %get3A_828 = arith.index_cast %add3A_827 : i32 to index
        %get3A_829 = arith.constant 80 : index
        %get3A_830 = tpu.vector_load %arg6[%get3A_828, %get3A_829] {strides = array<i32>} : memref<128x128xf32, #tpu.memory_space<vmem>>, vector<1x16xf32>,
        %get3A_831 = vector.shape_cast %get3A_830 : vector<1x16xf32> to vector<16xf32>
        %max3A_832 = arith.maximumf %max3A_823, %get3A_831 : vector<16xf32>
        %mul3A_833 = arith.constant 16 : i32
        %mul3A_834 = arith.muli %scan3A_66, %mul3A_833 : i32
        %add3A_835 = arith.constant 3 : i32
        %add3A_836 = arith.addi %mul3A_834, %add3A_835 : i32
        %get3A_837 = arith.index_cast %add3A_836 : i32 to index
        %get3A_838 = arith.constant 80 : index
        %get3A_839 = tpu.vector_load %arg6[%get3A_837, %get3A_838] {strides = array<i32>} : memref<128x128xf32, #tpu.memory_space<vmem>>, vector<1x16xf32>,
        %get3A_840 = vector.shape_cast %get3A_839 : vector<1x16xf32> to vector<16xf32>
        %max3A_841 = arith.maximumf %max3A_832, %get3A_840 : vector<16xf32>
        %mul3A_842 = arith.constant 16 : i32
        %mul3A_843 = arith.muli %scan3A_66, %mul3A_842 : i32
        %add3A_844 = arith.constant 4 : i32
        %add3A_845 = arith.addi %mul3A_843, %add3A_844 : i32
        %get3A_846 = arith.index_cast %add3A_845 : i32 to index
        %get3A_847 = arith.constant 80 : index
        %get3A_848 = tpu.vector_load %arg6[%get3A_846, %get3A_847] {strides = array<i32>} : memref<128x128xf32, #tpu.memory_space<vmem>>, vector<1x16xf32>,
        %get3A_849 = vector.shape_cast %get3A_848 : vector<1x16xf32> to vector<16xf32>
        %max3A_850 = arith.maximumf %max3A_841, %get3A_849 : vector<16xf32>
        %mul3A_851 = arith.constant 16 : i32
        %mul3A_852 = arith.muli %scan3A_66, %mul3A_851 : i32
        %add3A_853 = arith.constant 5 : i32
        %add3A_854 = arith.addi %mul3A_852, %add3A_853 : i32
        %get3A_855 = arith.index_cast %add3A_854 : i32 to index
        %get3A_856 = arith.constant 80 : index
        %get3A_857 = tpu.vector_load %arg6[%get3A_855, %get3A_856] {strides = array<i32>} : memref<128x128xf32, #tpu.memory_space<vmem>>, vector<1x16xf32>,
        %get3A_858 = vector.shape_cast %get3A_857 : vector<1x16xf32> to vector<16xf32>
        %max3A_859 = arith.maximumf %max3A_850, %get3A_858 : vector<16xf32>
        %mul3A_860 = arith.constant 16 : i32
        %mul3A_861 = arith.muli %scan3A_66, %mul3A_860 : i32
        %add3A_862 = arith.constant 6 : i32
        %add3A_863 = arith.addi %mul3A_861, %add3A_862 : i32
        %get3A_864 = arith.index_cast %add3A_863 : i32 to index
        %get3A_865 = arith.constant 80 : index
        %get3A_866 = tpu.vector_load %arg6[%get3A_864, %get3A_865] {strides = array<i32>} : memref<128x128xf32, #tpu.memory_space<vmem>>, vector<1x16xf32>,
        %get3A_867 = vector.shape_cast %get3A_866 : vector<1x16xf32> to vector<16xf32>
        %max3A_868 = arith.maximumf %max3A_859, %get3A_867 : vector<16xf32>
        %mul3A_869 = arith.constant 16 : i32
        %mul3A_870 = arith.muli %scan3A_66, %mul3A_869 : i32
        %add3A_871 = arith.constant 7 : i32
        %add3A_872 = arith.addi %mul3A_870, %add3A_871 : i32
        %get3A_873 = arith.index_cast %add3A_872 : i32 to index
        %get3A_874 = arith.constant 80 : index
        %get3A_875 = tpu.vector_load %arg6[%get3A_873, %get3A_874] {strides = array<i32>} : memref<128x128xf32, #tpu.memory_space<vmem>>, vector<1x16xf32>,
        %get3A_876 = vector.shape_cast %get3A_875 : vector<1x16xf32> to vector<16xf32>
        %max3A_877 = arith.maximumf %max3A_868, %get3A_876 : vector<16xf32>
        %mul3A_878 = arith.constant 16 : i32
        %mul3A_879 = arith.muli %scan3A_66, %mul3A_878 : i32
        %add3A_880 = arith.constant 8 : i32
        %add3A_881 = arith.addi %mul3A_879, %add3A_880 : i32
        %get3A_882 = arith.index_cast %add3A_881 : i32 to index
        %get3A_883 = arith.constant 80 : index
        %get3A_884 = tpu.vector_load %arg6[%get3A_882, %get3A_883] {strides = array<i32>} : memref<128x128xf32, #tpu.memory_space<vmem>>, vector<1x16xf32>,
        %get3A_885 = vector.shape_cast %get3A_884 : vector<1x16xf32> to vector<16xf32>
        %max3A_886 = arith.maximumf %max3A_877, %get3A_885 : vector<16xf32>
        %mul3A_887 = arith.constant 16 : i32
        %mul3A_888 = arith.muli %scan3A_66, %mul3A_887 : i32
        %add3A_889 = arith.constant 9 : i32
        %add3A_890 = arith.addi %mul3A_888, %add3A_889 : i32
        %get3A_891 = arith.index_cast %add3A_890 : i32 to index
        %get3A_892 = arith.constant 80 : index
        %get3A_893 = tpu.vector_load %arg6[%get3A_891, %get3A_892] {strides = array<i32>} : memref<128x128xf32, #tpu.memory_space<vmem>>, vector<1x16xf32>,
        %get3A_894 = vector.shape_cast %get3A_893 : vector<1x16xf32> to vector<16xf32>
        %max3A_895 = arith.maximumf %max3A_886, %get3A_894 : vector<16xf32>
        %mul3A_896 = arith.constant 16 : i32
        %mul3A_897 = arith.muli %scan3A_66, %mul3A_896 : i32
        %add3A_898 = arith.constant 10 : i32
        %add3A_899 = arith.addi %mul3A_897, %add3A_898 : i32
        %get3A_900 = arith.index_cast %add3A_899 : i32 to index
        %get3A_901 = arith.constant 80 : index
        %get3A_902 = tpu.vector_load %arg6[%get3A_900, %get3A_901] {strides = array<i32>} : memref<128x128xf32, #tpu.memory_space<vmem>>, vector<1x16xf32>,
        %get3A_903 = vector.shape_cast %get3A_902 : vector<1x16xf32> to vector<16xf32>
        %max3A_904 = arith.maximumf %max3A_895, %get3A_903 : vector<16xf32>
        %mul3A_905 = arith.constant 16 : i32
        %mul3A_906 = arith.muli %scan3A_66, %mul3A_905 : i32
        %add3A_907 = arith.constant 11 : i32
        %add3A_908 = arith.addi %mul3A_906, %add3A_907 : i32
        %get3A_909 = arith.index_cast %add3A_908 : i32 to index
        %get3A_910 = arith.constant 80 : index
        %get3A_911 = tpu.vector_load %arg6[%get3A_909, %get3A_910] {strides = array<i32>} : memref<128x128xf32, #tpu.memory_space<vmem>>, vector<1x16xf32>,
        %get3A_912 = vector.shape_cast %get3A_911 : vector<1x16xf32> to vector<16xf32>
        %max3A_913 = arith.maximumf %max3A_904, %get3A_912 : vector<16xf32>
        %mul3A_914 = arith.constant 16 : i32
        %mul3A_915 = arith.muli %scan3A_66, %mul3A_914 : i32
        %add3A_916 = arith.constant 12 : i32
        %add3A_917 = arith.addi %mul3A_915, %add3A_916 : i32
        %get3A_918 = arith.index_cast %add3A_917 : i32 to index
        %get3A_919 = arith.constant 80 : index
        %get3A_920 = tpu.vector_load %arg6[%get3A_918, %get3A_919] {strides = array<i32>} : memref<128x128xf32, #tpu.memory_space<vmem>>, vector<1x16xf32>,
        %get3A_921 = vector.shape_cast %get3A_920 : vector<1x16xf32> to vector<16xf32>
        %max3A_922 = arith.maximumf %max3A_913, %get3A_921 : vector<16xf32>
        %mul3A_923 = arith.constant 16 : i32
        %mul3A_924 = arith.muli %scan3A_66, %mul3A_923 : i32
        %add3A_925 = arith.constant 13 : i32
        %add3A_926 = arith.addi %mul3A_924, %add3A_925 : i32
        %get3A_927 = arith.index_cast %add3A_926 : i32 to index
        %get3A_928 = arith.constant 80 : index
        %get3A_929 = tpu.vector_load %arg6[%get3A_927, %get3A_928] {strides = array<i32>} : memref<128x128xf32, #tpu.memory_space<vmem>>, vector<1x16xf32>,
        %get3A_930 = vector.shape_cast %get3A_929 : vector<1x16xf32> to vector<16xf32>
        %max3A_931 = arith.maximumf %max3A_922, %get3A_930 : vector<16xf32>
        %mul3A_932 = arith.constant 16 : i32
        %mul3A_933 = arith.muli %scan3A_66, %mul3A_932 : i32
        %add3A_934 = arith.constant 14 : i32
        %add3A_935 = arith.addi %mul3A_933, %add3A_934 : i32
        %get3A_936 = arith.index_cast %add3A_935 : i32 to index
        %get3A_937 = arith.constant 80 : index
        %get3A_938 = tpu.vector_load %arg6[%get3A_936, %get3A_937] {strides = array<i32>} : memref<128x128xf32, #tpu.memory_space<vmem>>, vector<1x16xf32>,
        %get3A_939 = vector.shape_cast %get3A_938 : vector<1x16xf32> to vector<16xf32>
        %max3A_940 = arith.maximumf %max3A_931, %get3A_939 : vector<16xf32>
        %mul3A_941 = arith.constant 16 : i32
        %mul3A_942 = arith.muli %scan3A_66, %mul3A_941 : i32
        %add3A_943 = arith.constant 15 : i32
        %add3A_944 = arith.addi %mul3A_942, %add3A_943 : i32
        %get3A_945 = arith.index_cast %add3A_944 : i32 to index
        %get3A_946 = arith.constant 80 : index
        %get3A_947 = tpu.vector_load %arg6[%get3A_945, %get3A_946] {strides = array<i32>} : memref<128x128xf32, #tpu.memory_space<vmem>>, vector<1x16xf32>,
        %get3A_948 = vector.shape_cast %get3A_947 : vector<1x16xf32> to vector<16xf32>
        %max3A_949 = arith.maximumf %max3A_940, %get3A_948 : vector<16xf32>
        %mul3A_950 = arith.constant 8 : i32
        %mul3A_951 = arith.muli %add3A_27, %mul3A_950 : i32
        %add3A_952 = arith.addi %mul3A_951, %scan3A_66 : i32
        %swap3A_953 = arith.index_cast %add3A_952 : i32 to index
        %swap3A_954 = arith.constant 80 : index
        %swap3A_955 = tpu.vector_load %arg8[%swap3A_953, %swap3A_954] {strides = array<i32>} : memref<512x128xf32, #tpu.memory_space<vmem>>, vector<1x16xf32>,
        %swap3A_956 = vector.shape_cast %swap3A_955 : vector<1x16xf32> to vector<16xf32>
        %swap3A_957 = vector.shape_cast %max3A_949 : vector<16xf32> to vector<1x16xf32>
        tpu.vector_store %arg8[%swap3A_953, %swap3A_954], %swap3A_957 {strides = array<i32>} : memref<512x128xf32, #tpu.memory_space<vmem>>, vector<1x16xf32>,
        %mul3A_958 = arith.constant 16 : i32
        %mul3A_959 = arith.muli %scan3A_66, %mul3A_958 : i32
        %get3A_960 = arith.index_cast %mul3A_959 : i32 to index
        %get3A_961 = arith.constant 96 : index
        %get3A_962 = tpu.vector_load %arg6[%get3A_960, %get3A_961] {strides = array<i32>} : memref<128x128xf32, #tpu.memory_space<vmem>>, vector<1x16xf32>,
        %get3A_963 = vector.shape_cast %get3A_962 : vector<1x16xf32> to vector<16xf32>
        %mul3A_964 = arith.constant 16 : i32
        %mul3A_965 = arith.muli %scan3A_66, %mul3A_964 : i32
        %add3A_966 = arith.constant 1 : i32
        %add3A_967 = arith.addi %mul3A_965, %add3A_966 : i32
        %get3A_968 = arith.index_cast %add3A_967 : i32 to index
        %get3A_969 = arith.constant 96 : index
        %get3A_970 = tpu.vector_load %arg6[%get3A_968, %get3A_969] {strides = array<i32>} : memref<128x128xf32, #tpu.memory_space<vmem>>, vector<1x16xf32>,
        %get3A_971 = vector.shape_cast %get3A_970 : vector<1x16xf32> to vector<16xf32>
        %max3A_972 = arith.maximumf %get3A_963, %get3A_971 : vector<16xf32>
        %mul3A_973 = arith.constant 16 : i32
        %mul3A_974 = arith.muli %scan3A_66, %mul3A_973 : i32
        %add3A_975 = arith.constant 2 : i32
        %add3A_976 = arith.addi %mul3A_974, %add3A_975 : i32
        %get3A_977 = arith.index_cast %add3A_976 : i32 to index
        %get3A_978 = arith.constant 96 : index
        %get3A_979 = tpu.vector_load %arg6[%get3A_977, %get3A_978] {strides = array<i32>} : memref<128x128xf32, #tpu.memory_space<vmem>>, vector<1x16xf32>,
        %get3A_980 = vector.shape_cast %get3A_979 : vector<1x16xf32> to vector<16xf32>
        %max3A_981 = arith.maximumf %max3A_972, %get3A_980 : vector<16xf32>
        %mul3A_982 = arith.constant 16 : i32
        %mul3A_983 = arith.muli %scan3A_66, %mul3A_982 : i32
        %add3A_984 = arith.constant 3 : i32
        %add3A_985 = arith.addi %mul3A_983, %add3A_984 : i32
        %get3A_986 = arith.index_cast %add3A_985 : i32 to index
        %get3A_987 = arith.constant 96 : index
        %get3A_988 = tpu.vector_load %arg6[%get3A_986, %get3A_987] {strides = array<i32>} : memref<128x128xf32, #tpu.memory_space<vmem>>, vector<1x16xf32>,
        %get3A_989 = vector.shape_cast %get3A_988 : vector<1x16xf32> to vector<16xf32>
        %max3A_990 = arith.maximumf %max3A_981, %get3A_989 : vector<16xf32>
        %mul3A_991 = arith.constant 16 : i32
        %mul3A_992 = arith.muli %scan3A_66, %mul3A_991 : i32
        %add3A_993 = arith.constant 4 : i32
        %add3A_994 = arith.addi %mul3A_992, %add3A_993 : i32
        %get3A_995 = arith.index_cast %add3A_994 : i32 to index
        %get3A_996 = arith.constant 96 : index
        %get3A_997 = tpu.vector_load %arg6[%get3A_995, %get3A_996] {strides = array<i32>} : memref<128x128xf32, #tpu.memory_space<vmem>>, vector<1x16xf32>,
        %get3A_998 = vector.shape_cast %get3A_997 : vector<1x16xf32> to vector<16xf32>
        %max3A_999 = arith.maximumf %max3A_990, %get3A_998 : vector<16xf32>
        %mul3A_1000 = arith.constant 16 : i32
        %mul3A_1001 = arith.muli %scan3A_66, %mul3A_1000 : i32
        %add3A_1002 = arith.constant 5 : i32
        %add3A_1003 = arith.addi %mul3A_1001, %add3A_1002 : i32
        %get3A_1004 = arith.index_cast %add3A_1003 : i32 to index
        %get3A_1005 = arith.constant 96 : index
        %get3A_1006 = tpu.vector_load %arg6[%get3A_1004, %get3A_1005] {strides = array<i32>} : memref<128x128xf32, #tpu.memory_space<vmem>>, vector<1x16xf32>,
        %get3A_1007 = vector.shape_cast %get3A_1006 : vector<1x16xf32> to vector<16xf32>
        %max3A_1008 = arith.maximumf %max3A_999, %get3A_1007 : vector<16xf32>
        %mul3A_1009 = arith.constant 16 : i32
        %mul3A_1010 = arith.muli %scan3A_66, %mul3A_1009 : i32
        %add3A_1011 = arith.constant 6 : i32
        %add3A_1012 = arith.addi %mul3A_1010, %add3A_1011 : i32
        %get3A_1013 = arith.index_cast %add3A_1012 : i32 to index
        %get3A_1014 = arith.constant 96 : index
        %get3A_1015 = tpu.vector_load %arg6[%get3A_1013, %get3A_1014] {strides = array<i32>} : memref<128x128xf32, #tpu.memory_space<vmem>>, vector<1x16xf32>,
        %get3A_1016 = vector.shape_cast %get3A_1015 : vector<1x16xf32> to vector<16xf32>
        %max3A_1017 = arith.maximumf %max3A_1008, %get3A_1016 : vector<16xf32>
        %mul3A_1018 = arith.constant 16 : i32
        %mul3A_1019 = arith.muli %scan3A_66, %mul3A_1018 : i32
        %add3A_1020 = arith.constant 7 : i32
        %add3A_1021 = arith.addi %mul3A_1019, %add3A_1020 : i32
        %get3A_1022 = arith.index_cast %add3A_1021 : i32 to index
        %get3A_1023 = arith.constant 96 : index
        %get3A_1024 = tpu.vector_load %arg6[%get3A_1022, %get3A_1023] {strides = array<i32>} : memref<128x128xf32, #tpu.memory_space<vmem>>, vector<1x16xf32>,
        %get3A_1025 = vector.shape_cast %get3A_1024 : vector<1x16xf32> to vector<16xf32>
        %max3A_1026 = arith.maximumf %max3A_1017, %get3A_1025 : vector<16xf32>
        %mul3A_1027 = arith.constant 16 : i32
        %mul3A_1028 = arith.muli %scan3A_66, %mul3A_1027 : i32
        %add3A_1029 = arith.constant 8 : i32
        %add3A_1030 = arith.addi %mul3A_1028, %add3A_1029 : i32
        %get3A_1031 = arith.index_cast %add3A_1030 : i32 to index
        %get3A_1032 = arith.constant 96 : index
        %get3A_1033 = tpu.vector_load %arg6[%get3A_1031, %get3A_1032] {strides = array<i32>} : memref<128x128xf32, #tpu.memory_space<vmem>>, vector<1x16xf32>,
        %get3A_1034 = vector.shape_cast %get3A_1033 : vector<1x16xf32> to vector<16xf32>
        %max3A_1035 = arith.maximumf %max3A_1026, %get3A_1034 : vector<16xf32>
        %mul3A_1036 = arith.constant 16 : i32
        %mul3A_1037 = arith.muli %scan3A_66, %mul3A_1036 : i32
        %add3A_1038 = arith.constant 9 : i32
        %add3A_1039 = arith.addi %mul3A_1037, %add3A_1038 : i32
        %get3A_1040 = arith.index_cast %add3A_1039 : i32 to index
        %get3A_1041 = arith.constant 96 : index
        %get3A_1042 = tpu.vector_load %arg6[%get3A_1040, %get3A_1041] {strides = array<i32>} : memref<128x128xf32, #tpu.memory_space<vmem>>, vector<1x16xf32>,
        %get3A_1043 = vector.shape_cast %get3A_1042 : vector<1x16xf32> to vector<16xf32>
        %max3A_1044 = arith.maximumf %max3A_1035, %get3A_1043 : vector<16xf32>
        %mul3A_1045 = arith.constant 16 : i32
        %mul3A_1046 = arith.muli %scan3A_66, %mul3A_1045 : i32
        %add3A_1047 = arith.constant 10 : i32
        %add3A_1048 = arith.addi %mul3A_1046, %add3A_1047 : i32
        %get3A_1049 = arith.index_cast %add3A_1048 : i32 to index
        %get3A_1050 = arith.constant 96 : index
        %get3A_1051 = tpu.vector_load %arg6[%get3A_1049, %get3A_1050] {strides = array<i32>} : memref<128x128xf32, #tpu.memory_space<vmem>>, vector<1x16xf32>,
        %get3A_1052 = vector.shape_cast %get3A_1051 : vector<1x16xf32> to vector<16xf32>
        %max3A_1053 = arith.maximumf %max3A_1044, %get3A_1052 : vector<16xf32>
        %mul3A_1054 = arith.constant 16 : i32
        %mul3A_1055 = arith.muli %scan3A_66, %mul3A_1054 : i32
        %add3A_1056 = arith.constant 11 : i32
        %add3A_1057 = arith.addi %mul3A_1055, %add3A_1056 : i32
        %get3A_1058 = arith.index_cast %add3A_1057 : i32 to index
        %get3A_1059 = arith.constant 96 : index
        %get3A_1060 = tpu.vector_load %arg6[%get3A_1058, %get3A_1059] {strides = array<i32>} : memref<128x128xf32, #tpu.memory_space<vmem>>, vector<1x16xf32>,
        %get3A_1061 = vector.shape_cast %get3A_1060 : vector<1x16xf32> to vector<16xf32>
        %max3A_1062 = arith.maximumf %max3A_1053, %get3A_1061 : vector<16xf32>
        %mul3A_1063 = arith.constant 16 : i32
        %mul3A_1064 = arith.muli %scan3A_66, %mul3A_1063 : i32
        %add3A_1065 = arith.constant 12 : i32
        %add3A_1066 = arith.addi %mul3A_1064, %add3A_1065 : i32
        %get3A_1067 = arith.index_cast %add3A_1066 : i32 to index
        %get3A_1068 = arith.constant 96 : index
        %get3A_1069 = tpu.vector_load %arg6[%get3A_1067, %get3A_1068] {strides = array<i32>} : memref<128x128xf32, #tpu.memory_space<vmem>>, vector<1x16xf32>,
        %get3A_1070 = vector.shape_cast %get3A_1069 : vector<1x16xf32> to vector<16xf32>
        %max3A_1071 = arith.maximumf %max3A_1062, %get3A_1070 : vector<16xf32>
        %mul3A_1072 = arith.constant 16 : i32
        %mul3A_1073 = arith.muli %scan3A_66, %mul3A_1072 : i32
        %add3A_1074 = arith.constant 13 : i32
        %add3A_1075 = arith.addi %mul3A_1073, %add3A_1074 : i32
        %get3A_1076 = arith.index_cast %add3A_1075 : i32 to index
        %get3A_1077 = arith.constant 96 : index
        %get3A_1078 = tpu.vector_load %arg6[%get3A_1076, %get3A_1077] {strides = array<i32>} : memref<128x128xf32, #tpu.memory_space<vmem>>, vector<1x16xf32>,
        %get3A_1079 = vector.shape_cast %get3A_1078 : vector<1x16xf32> to vector<16xf32>
        %max3A_1080 = arith.maximumf %max3A_1071, %get3A_1079 : vector<16xf32>
        %mul3A_1081 = arith.constant 16 : i32
        %mul3A_1082 = arith.muli %scan3A_66, %mul3A_1081 : i32
        %add3A_1083 = arith.constant 14 : i32
        %add3A_1084 = arith.addi %mul3A_1082, %add3A_1083 : i32
        %get3A_1085 = arith.index_cast %add3A_1084 : i32 to index
        %get3A_1086 = arith.constant 96 : index
        %get3A_1087 = tpu.vector_load %arg6[%get3A_1085, %get3A_1086] {strides = array<i32>} : memref<128x128xf32, #tpu.memory_space<vmem>>, vector<1x16xf32>,
        %get3A_1088 = vector.shape_cast %get3A_1087 : vector<1x16xf32> to vector<16xf32>
        %max3A_1089 = arith.maximumf %max3A_1080, %get3A_1088 : vector<16xf32>
        %mul3A_1090 = arith.constant 16 : i32
        %mul3A_1091 = arith.muli %scan3A_66, %mul3A_1090 : i32
        %add3A_1092 = arith.constant 15 : i32
        %add3A_1093 = arith.addi %mul3A_1091, %add3A_1092 : i32
        %get3A_1094 = arith.index_cast %add3A_1093 : i32 to index
        %get3A_1095 = arith.constant 96 : index
        %get3A_1096 = tpu.vector_load %arg6[%get3A_1094, %get3A_1095] {strides = array<i32>} : memref<128x128xf32, #tpu.memory_space<vmem>>, vector<1x16xf32>,
        %get3A_1097 = vector.shape_cast %get3A_1096 : vector<1x16xf32> to vector<16xf32>
        %max3A_1098 = arith.maximumf %max3A_1089, %get3A_1097 : vector<16xf32>
        %mul3A_1099 = arith.constant 8 : i32
        %mul3A_1100 = arith.muli %add3A_27, %mul3A_1099 : i32
        %add3A_1101 = arith.addi %mul3A_1100, %scan3A_66 : i32
        %swap3A_1102 = arith.index_cast %add3A_1101 : i32 to index
        %swap3A_1103 = arith.constant 96 : index
        %swap3A_1104 = tpu.vector_load %arg8[%swap3A_1102, %swap3A_1103] {strides = array<i32>} : memref<512x128xf32, #tpu.memory_space<vmem>>, vector<1x16xf32>,
        %swap3A_1105 = vector.shape_cast %swap3A_1104 : vector<1x16xf32> to vector<16xf32>
        %swap3A_1106 = vector.shape_cast %max3A_1098 : vector<16xf32> to vector<1x16xf32>
        tpu.vector_store %arg8[%swap3A_1102, %swap3A_1103], %swap3A_1106 {strides = array<i32>} : memref<512x128xf32, #tpu.memory_space<vmem>>, vector<1x16xf32>,
        %mul3A_1107 = arith.constant 16 : i32
        %mul3A_1108 = arith.muli %scan3A_66, %mul3A_1107 : i32
        %get3A_1109 = arith.index_cast %mul3A_1108 : i32 to index
        %get3A_1110 = arith.constant 112 : index
        %get3A_1111 = tpu.vector_load %arg6[%get3A_1109, %get3A_1110] {strides = array<i32>} : memref<128x128xf32, #tpu.memory_space<vmem>>, vector<1x16xf32>,
        %get3A_1112 = vector.shape_cast %get3A_1111 : vector<1x16xf32> to vector<16xf32>
        %mul3A_1113 = arith.constant 16 : i32
        %mul3A_1114 = arith.muli %scan3A_66, %mul3A_1113 : i32
        %add3A_1115 = arith.constant 1 : i32
        %add3A_1116 = arith.addi %mul3A_1114, %add3A_1115 : i32
        %get3A_1117 = arith.index_cast %add3A_1116 : i32 to index
        %get3A_1118 = arith.constant 112 : index
        %get3A_1119 = tpu.vector_load %arg6[%get3A_1117, %get3A_1118] {strides = array<i32>} : memref<128x128xf32, #tpu.memory_space<vmem>>, vector<1x16xf32>,
        %get3A_1120 = vector.shape_cast %get3A_1119 : vector<1x16xf32> to vector<16xf32>
        %max3A_1121 = arith.maximumf %get3A_1112, %get3A_1120 : vector<16xf32>
        %mul3A_1122 = arith.constant 16 : i32
        %mul3A_1123 = arith.muli %scan3A_66, %mul3A_1122 : i32
        %add3A_1124 = arith.constant 2 : i32
        %add3A_1125 = arith.addi %mul3A_1123, %add3A_1124 : i32
        %get3A_1126 = arith.index_cast %add3A_1125 : i32 to index
        %get3A_1127 = arith.constant 112 : index
        %get3A_1128 = tpu.vector_load %arg6[%get3A_1126, %get3A_1127] {strides = array<i32>} : memref<128x128xf32, #tpu.memory_space<vmem>>, vector<1x16xf32>,
        %get3A_1129 = vector.shape_cast %get3A_1128 : vector<1x16xf32> to vector<16xf32>
        %max3A_1130 = arith.maximumf %max3A_1121, %get3A_1129 : vector<16xf32>
        %mul3A_1131 = arith.constant 16 : i32
        %mul3A_1132 = arith.muli %scan3A_66, %mul3A_1131 : i32
        %add3A_1133 = arith.constant 3 : i32
        %add3A_1134 = arith.addi %mul3A_1132, %add3A_1133 : i32
        %get3A_1135 = arith.index_cast %add3A_1134 : i32 to index
        %get3A_1136 = arith.constant 112 : index
        %get3A_1137 = tpu.vector_load %arg6[%get3A_1135, %get3A_1136] {strides = array<i32>} : memref<128x128xf32, #tpu.memory_space<vmem>>, vector<1x16xf32>,
        %get3A_1138 = vector.shape_cast %get3A_1137 : vector<1x16xf32> to vector<16xf32>
        %max3A_1139 = arith.maximumf %max3A_1130, %get3A_1138 : vector<16xf32>
        %mul3A_1140 = arith.constant 16 : i32
        %mul3A_1141 = arith.muli %scan3A_66, %mul3A_1140 : i32
        %add3A_1142 = arith.constant 4 : i32
        %add3A_1143 = arith.addi %mul3A_1141, %add3A_1142 : i32
        %get3A_1144 = arith.index_cast %add3A_1143 : i32 to index
        %get3A_1145 = arith.constant 112 : index
        %get3A_1146 = tpu.vector_load %arg6[%get3A_1144, %get3A_1145] {strides = array<i32>} : memref<128x128xf32, #tpu.memory_space<vmem>>, vector<1x16xf32>,
        %get3A_1147 = vector.shape_cast %get3A_1146 : vector<1x16xf32> to vector<16xf32>
        %max3A_1148 = arith.maximumf %max3A_1139, %get3A_1147 : vector<16xf32>
        %mul3A_1149 = arith.constant 16 : i32
        %mul3A_1150 = arith.muli %scan3A_66, %mul3A_1149 : i32
        %add3A_1151 = arith.constant 5 : i32
        %add3A_1152 = arith.addi %mul3A_1150, %add3A_1151 : i32
        %get3A_1153 = arith.index_cast %add3A_1152 : i32 to index
        %get3A_1154 = arith.constant 112 : index
        %get3A_1155 = tpu.vector_load %arg6[%get3A_1153, %get3A_1154] {strides = array<i32>} : memref<128x128xf32, #tpu.memory_space<vmem>>, vector<1x16xf32>,
        %get3A_1156 = vector.shape_cast %get3A_1155 : vector<1x16xf32> to vector<16xf32>
        %max3A_1157 = arith.maximumf %max3A_1148, %get3A_1156 : vector<16xf32>
        %mul3A_1158 = arith.constant 16 : i32
        %mul3A_1159 = arith.muli %scan3A_66, %mul3A_1158 : i32
        %add3A_1160 = arith.constant 6 : i32
        %add3A_1161 = arith.addi %mul3A_1159, %add3A_1160 : i32
        %get3A_1162 = arith.index_cast %add3A_1161 : i32 to index
        %get3A_1163 = arith.constant 112 : index
        %get3A_1164 = tpu.vector_load %arg6[%get3A_1162, %get3A_1163] {strides = array<i32>} : memref<128x128xf32, #tpu.memory_space<vmem>>, vector<1x16xf32>,
        %get3A_1165 = vector.shape_cast %get3A_1164 : vector<1x16xf32> to vector<16xf32>
        %max3A_1166 = arith.maximumf %max3A_1157, %get3A_1165 : vector<16xf32>
        %mul3A_1167 = arith.constant 16 : i32
        %mul3A_1168 = arith.muli %scan3A_66, %mul3A_1167 : i32
        %add3A_1169 = arith.constant 7 : i32
        %add3A_1170 = arith.addi %mul3A_1168, %add3A_1169 : i32
        %get3A_1171 = arith.index_cast %add3A_1170 : i32 to index
        %get3A_1172 = arith.constant 112 : index
        %get3A_1173 = tpu.vector_load %arg6[%get3A_1171, %get3A_1172] {strides = array<i32>} : memref<128x128xf32, #tpu.memory_space<vmem>>, vector<1x16xf32>,
        %get3A_1174 = vector.shape_cast %get3A_1173 : vector<1x16xf32> to vector<16xf32>
        %max3A_1175 = arith.maximumf %max3A_1166, %get3A_1174 : vector<16xf32>
        %mul3A_1176 = arith.constant 16 : i32
        %mul3A_1177 = arith.muli %scan3A_66, %mul3A_1176 : i32
        %add3A_1178 = arith.constant 8 : i32
        %add3A_1179 = arith.addi %mul3A_1177, %add3A_1178 : i32
        %get3A_1180 = arith.index_cast %add3A_1179 : i32 to index
        %get3A_1181 = arith.constant 112 : index
        %get3A_1182 = tpu.vector_load %arg6[%get3A_1180, %get3A_1181] {strides = array<i32>} : memref<128x128xf32, #tpu.memory_space<vmem>>, vector<1x16xf32>,
        %get3A_1183 = vector.shape_cast %get3A_1182 : vector<1x16xf32> to vector<16xf32>
        %max3A_1184 = arith.maximumf %max3A_1175, %get3A_1183 : vector<16xf32>
        %mul3A_1185 = arith.constant 16 : i32
        %mul3A_1186 = arith.muli %scan3A_66, %mul3A_1185 : i32
        %add3A_1187 = arith.constant 9 : i32
        %add3A_1188 = arith.addi %mul3A_1186, %add3A_1187 : i32
        %get3A_1189 = arith.index_cast %add3A_1188 : i32 to index
        %get3A_1190 = arith.constant 112 : index
        %get3A_1191 = tpu.vector_load %arg6[%get3A_1189, %get3A_1190] {strides = array<i32>} : memref<128x128xf32, #tpu.memory_space<vmem>>, vector<1x16xf32>,
        %get3A_1192 = vector.shape_cast %get3A_1191 : vector<1x16xf32> to vector<16xf32>
        %max3A_1193 = arith.maximumf %max3A_1184, %get3A_1192 : vector<16xf32>
        %mul3A_1194 = arith.constant 16 : i32
        %mul3A_1195 = arith.muli %scan3A_66, %mul3A_1194 : i32
        %add3A_1196 = arith.constant 10 : i32
        %add3A_1197 = arith.addi %mul3A_1195, %add3A_1196 : i32
        %get3A_1198 = arith.index_cast %add3A_1197 : i32 to index
        %get3A_1199 = arith.constant 112 : index
        %get3A_1200 = tpu.vector_load %arg6[%get3A_1198, %get3A_1199] {strides = array<i32>} : memref<128x128xf32, #tpu.memory_space<vmem>>, vector<1x16xf32>,
        %get3A_1201 = vector.shape_cast %get3A_1200 : vector<1x16xf32> to vector<16xf32>
        %max3A_1202 = arith.maximumf %max3A_1193, %get3A_1201 : vector<16xf32>
        %mul3A_1203 = arith.constant 16 : i32
        %mul3A_1204 = arith.muli %scan3A_66, %mul3A_1203 : i32
        %add3A_1205 = arith.constant 11 : i32
        %add3A_1206 = arith.addi %mul3A_1204, %add3A_1205 : i32
        %get3A_1207 = arith.index_cast %add3A_1206 : i32 to index
        %get3A_1208 = arith.constant 112 : index
        %get3A_1209 = tpu.vector_load %arg6[%get3A_1207, %get3A_1208] {strides = array<i32>} : memref<128x128xf32, #tpu.memory_space<vmem>>, vector<1x16xf32>,
        %get3A_1210 = vector.shape_cast %get3A_1209 : vector<1x16xf32> to vector<16xf32>
        %max3A_1211 = arith.maximumf %max3A_1202, %get3A_1210 : vector<16xf32>
        %mul3A_1212 = arith.constant 16 : i32
        %mul3A_1213 = arith.muli %scan3A_66, %mul3A_1212 : i32
        %add3A_1214 = arith.constant 12 : i32
        %add3A_1215 = arith.addi %mul3A_1213, %add3A_1214 : i32
        %get3A_1216 = arith.index_cast %add3A_1215 : i32 to index
        %get3A_1217 = arith.constant 112 : index
        %get3A_1218 = tpu.vector_load %arg6[%get3A_1216, %get3A_1217] {strides = array<i32>} : memref<128x128xf32, #tpu.memory_space<vmem>>, vector<1x16xf32>,
        %get3A_1219 = vector.shape_cast %get3A_1218 : vector<1x16xf32> to vector<16xf32>
        %max3A_1220 = arith.maximumf %max3A_1211, %get3A_1219 : vector<16xf32>
        %mul3A_1221 = arith.constant 16 : i32
        %mul3A_1222 = arith.muli %scan3A_66, %mul3A_1221 : i32
        %add3A_1223 = arith.constant 13 : i32
        %add3A_1224 = arith.addi %mul3A_1222, %add3A_1223 : i32
        %get3A_1225 = arith.index_cast %add3A_1224 : i32 to index
        %get3A_1226 = arith.constant 112 : index
        %get3A_1227 = tpu.vector_load %arg6[%get3A_1225, %get3A_1226] {strides = array<i32>} : memref<128x128xf32, #tpu.memory_space<vmem>>, vector<1x16xf32>,
        %get3A_1228 = vector.shape_cast %get3A_1227 : vector<1x16xf32> to vector<16xf32>
        %max3A_1229 = arith.maximumf %max3A_1220, %get3A_1228 : vector<16xf32>
        %mul3A_1230 = arith.constant 16 : i32
        %mul3A_1231 = arith.muli %scan3A_66, %mul3A_1230 : i32
        %add3A_1232 = arith.constant 14 : i32
        %add3A_1233 = arith.addi %mul3A_1231, %add3A_1232 : i32
        %get3A_1234 = arith.index_cast %add3A_1233 : i32 to index
        %get3A_1235 = arith.constant 112 : index
        %get3A_1236 = tpu.vector_load %arg6[%get3A_1234, %get3A_1235] {strides = array<i32>} : memref<128x128xf32, #tpu.memory_space<vmem>>, vector<1x16xf32>,
        %get3A_1237 = vector.shape_cast %get3A_1236 : vector<1x16xf32> to vector<16xf32>
        %max3A_1238 = arith.maximumf %max3A_1229, %get3A_1237 : vector<16xf32>
        %mul3A_1239 = arith.constant 16 : i32
        %mul3A_1240 = arith.muli %scan3A_66, %mul3A_1239 : i32
        %add3A_1241 = arith.constant 15 : i32
        %add3A_1242 = arith.addi %mul3A_1240, %add3A_1241 : i32
        %get3A_1243 = arith.index_cast %add3A_1242 : i32 to index
        %get3A_1244 = arith.constant 112 : index
        %get3A_1245 = tpu.vector_load %arg6[%get3A_1243, %get3A_1244] {strides = array<i32>} : memref<128x128xf32, #tpu.memory_space<vmem>>, vector<1x16xf32>,
        %get3A_1246 = vector.shape_cast %get3A_1245 : vector<1x16xf32> to vector<16xf32>
        %max3A_1247 = arith.maximumf %max3A_1238, %get3A_1246 : vector<16xf32>
        %mul3A_1248 = arith.constant 8 : i32
        %mul3A_1249 = arith.muli %add3A_27, %mul3A_1248 : i32
        %add3A_1250 = arith.addi %mul3A_1249, %scan3A_66 : i32
        %swap3A_1251 = arith.index_cast %add3A_1250 : i32 to index
        %swap3A_1252 = arith.constant 112 : index
        %swap3A_1253 = tpu.vector_load %arg8[%swap3A_1251, %swap3A_1252] {strides = array<i32>} : memref<512x128xf32, #tpu.memory_space<vmem>>, vector<1x16xf32>,
        %swap3A_1254 = vector.shape_cast %swap3A_1253 : vector<1x16xf32> to vector<16xf32>
        %swap3A_1255 = vector.shape_cast %max3A_1247 : vector<16xf32> to vector<1x16xf32>
        tpu.vector_store %arg8[%swap3A_1251, %swap3A_1252], %swap3A_1255 {strides = array<i32>} : memref<512x128xf32, #tpu.memory_space<vmem>>, vector<1x16xf32>,
      }
      %scan3A_38 = arith.constant 8 : i32
      %add3A_39 = arith.constant 2 : i32
      %add3A_40 = arith.addi %add3A_27, %add3A_39 : i32
      %lt3A = arith.constant 64 : i32
      %lt3A_41 = arith.cmpi slt, %add3A_40, %lt3A : i32
      %convert_element_type3A = arith.extui %lt3A_41 : i1 to i32
      %cond3A = arith.constant 0 : i32
      %cond3A_42 = arith.cmpi ne, %convert_element_type3A, %cond3A : i32
      scf.if %cond3A_42 {
        %add3A_66 = arith.constant 2 : i32
        %add3A_67 = arith.addi %add3A_27, %add3A_66 : i32
        %dma_start3A_68 = arith.constant 0 : i32
        %dma_start3A_69 = tpu.memref_slice %arg5[%add3A_67, %dma_start3A_68] : memref<64x128xi32, #tpu.memory_space<vmem>> -> memref<1x128xi32, #tpu.memory_space<vmem>>
        %dma_start3A_70 = tpu.memref_squeeze %dma_start3A_69 : memref<1x128xi32, #tpu.memory_space<vmem>> -> memref<128xi32, #tpu.memory_space<vmem>>
        %dma_start3A_71 = arith.constant 0 : i32
        %dma_start3A_72 = arith.constant 0 : i32
        %dma_start3A_73 = tpu.memref_slice %arg2[%dma_start3A_71, %dma_start3A_72] : memref<16384x128xf32, #tpu.memory_space<hbm>> -> memref<16384x128xf32, #tpu.memory_space<hbm>>
        tpu.enqueue_indirect_dma source(%dma_start3A_73 : memref<16384x128xf32, #tpu.memory_space<hbm>>) target(%arg6 : memref<128x128xf32, #tpu.memory_space<vmem>>) offsets(%dma_start3A_70 : memref<128xi32, #tpu.memory_space<vmem>>) semaphore(%arg9 : memref<!tpu.dma_semaphore, #tpu.memory_space<semaphore_mem>>)
      } else {
      }
      %mul3A_43 = arith.constant 2 : i32
      %mul3A_44 = arith.muli %scan3A_23, %mul3A_43 : i32
      %add3A_45 = arith.constant 1 : i32
      %add3A_46 = arith.addi %mul3A_44, %add3A_45 : i32
      %dma_wait3A_47 = arith.constant 0 : i32
      %dma_wait3A_48 = tpu.memref_slice %arg5[%add3A_46, %dma_wait3A_47] : memref<64x128xi32, #tpu.memory_space<vmem>> -> memref<1x128xi32, #tpu.memory_space<vmem>>
      %dma_wait3A_49 = tpu.memref_squeeze %dma_wait3A_48 : memref<1x128xi32, #tpu.memory_space<vmem>> -> memref<128xi32, #tpu.memory_space<vmem>>
      %dma_wait3A_50 = arith.constant 0 : i32
      %dma_wait3A_51 = arith.constant 0 : i32
      %dma_wait3A_52 = tpu.memref_slice %arg2[%dma_wait3A_50, %dma_wait3A_51] : memref<16384x128xf32, #tpu.memory_space<hbm>> -> memref<16384x128xf32, #tpu.memory_space<hbm>>
      tpu.wait_indirect_dma semaphore(%arg10 : memref<!tpu.dma_semaphore, #tpu.memory_space<semaphore_mem>>) src(%dma_wait3A_52 : memref<16384x128xf32, #tpu.memory_space<hbm>>) dst(%arg7 : memref<128x128xf32, #tpu.memory_space<vmem>>)
      %scan3A_53 = arith.constant 0 : i32
      %scan3A_54 = arith.constant 0 : i32
      %scan3A_55 = arith.constant 8 : i32
      %scan3A_56 = arith.addi %scan3A_54, %scan3A_55 : i32
      %scan3A_57 = arith.constant 1 : i32
      scf.for %scan3A_66 = %scan3A_54 to %scan3A_56 step %scan3A_57  : i32 {
        %mul3A_67 = arith.constant 16 : i32
        %mul3A_68 = arith.muli %scan3A_66, %mul3A_67 : i32
        %get3A = arith.index_cast %mul3A_68 : i32 to index
        %get3A_69 = arith.constant 0 : index
        %get3A_70 = tpu.vector_load %arg7[%get3A, %get3A_69] {strides = array<i32>} : memref<128x128xf32, #tpu.memory_space<vmem>>, vector<1x16xf32>,
        %get3A_71 = vector.shape_cast %get3A_70 : vector<1x16xf32> to vector<16xf32>
        %mul3A_72 = arith.constant 16 : i32
        %mul3A_73 = arith.muli %scan3A_66, %mul3A_72 : i32
        %add3A_74 = arith.constant 1 : i32
        %add3A_75 = arith.addi %mul3A_73, %add3A_74 : i32
        %get3A_76 = arith.index_cast %add3A_75 : i32 to index
        %get3A_77 = arith.constant 0 : index
        %get3A_78 = tpu.vector_load %arg7[%get3A_76, %get3A_77] {strides = array<i32>} : memref<128x128xf32, #tpu.memory_space<vmem>>, vector<1x16xf32>,
        %get3A_79 = vector.shape_cast %get3A_78 : vector<1x16xf32> to vector<16xf32>
        %max3A = arith.maximumf %get3A_71, %get3A_79 : vector<16xf32>
        %mul3A_80 = arith.constant 16 : i32
        %mul3A_81 = arith.muli %scan3A_66, %mul3A_80 : i32
        %add3A_82 = arith.constant 2 : i32
        %add3A_83 = arith.addi %mul3A_81, %add3A_82 : i32
        %get3A_84 = arith.index_cast %add3A_83 : i32 to index
        %get3A_85 = arith.constant 0 : index
        %get3A_86 = tpu.vector_load %arg7[%get3A_84, %get3A_85] {strides = array<i32>} : memref<128x128xf32, #tpu.memory_space<vmem>>, vector<1x16xf32>,
        %get3A_87 = vector.shape_cast %get3A_86 : vector<1x16xf32> to vector<16xf32>
        %max3A_88 = arith.maximumf %max3A, %get3A_87 : vector<16xf32>
        %mul3A_89 = arith.constant 16 : i32
        %mul3A_90 = arith.muli %scan3A_66, %mul3A_89 : i32
        %add3A_91 = arith.constant 3 : i32
        %add3A_92 = arith.addi %mul3A_90, %add3A_91 : i32
        %get3A_93 = arith.index_cast %add3A_92 : i32 to index
        %get3A_94 = arith.constant 0 : index
        %get3A_95 = tpu.vector_load %arg7[%get3A_93, %get3A_94] {strides = array<i32>} : memref<128x128xf32, #tpu.memory_space<vmem>>, vector<1x16xf32>,
        %get3A_96 = vector.shape_cast %get3A_95 : vector<1x16xf32> to vector<16xf32>
        %max3A_97 = arith.maximumf %max3A_88, %get3A_96 : vector<16xf32>
        %mul3A_98 = arith.constant 16 : i32
        %mul3A_99 = arith.muli %scan3A_66, %mul3A_98 : i32
        %add3A_100 = arith.constant 4 : i32
        %add3A_101 = arith.addi %mul3A_99, %add3A_100 : i32
        %get3A_102 = arith.index_cast %add3A_101 : i32 to index
        %get3A_103 = arith.constant 0 : index
        %get3A_104 = tpu.vector_load %arg7[%get3A_102, %get3A_103] {strides = array<i32>} : memref<128x128xf32, #tpu.memory_space<vmem>>, vector<1x16xf32>,
        %get3A_105 = vector.shape_cast %get3A_104 : vector<1x16xf32> to vector<16xf32>
        %max3A_106 = arith.maximumf %max3A_97, %get3A_105 : vector<16xf32>
        %mul3A_107 = arith.constant 16 : i32
        %mul3A_108 = arith.muli %scan3A_66, %mul3A_107 : i32
        %add3A_109 = arith.constant 5 : i32
        %add3A_110 = arith.addi %mul3A_108, %add3A_109 : i32
        %get3A_111 = arith.index_cast %add3A_110 : i32 to index
        %get3A_112 = arith.constant 0 : index
        %get3A_113 = tpu.vector_load %arg7[%get3A_111, %get3A_112] {strides = array<i32>} : memref<128x128xf32, #tpu.memory_space<vmem>>, vector<1x16xf32>,
        %get3A_114 = vector.shape_cast %get3A_113 : vector<1x16xf32> to vector<16xf32>
        %max3A_115 = arith.maximumf %max3A_106, %get3A_114 : vector<16xf32>
        %mul3A_116 = arith.constant 16 : i32
        %mul3A_117 = arith.muli %scan3A_66, %mul3A_116 : i32
        %add3A_118 = arith.constant 6 : i32
        %add3A_119 = arith.addi %mul3A_117, %add3A_118 : i32
        %get3A_120 = arith.index_cast %add3A_119 : i32 to index
        %get3A_121 = arith.constant 0 : index
        %get3A_122 = tpu.vector_load %arg7[%get3A_120, %get3A_121] {strides = array<i32>} : memref<128x128xf32, #tpu.memory_space<vmem>>, vector<1x16xf32>,
        %get3A_123 = vector.shape_cast %get3A_122 : vector<1x16xf32> to vector<16xf32>
        %max3A_124 = arith.maximumf %max3A_115, %get3A_123 : vector<16xf32>
        %mul3A_125 = arith.constant 16 : i32
        %mul3A_126 = arith.muli %scan3A_66, %mul3A_125 : i32
        %add3A_127 = arith.constant 7 : i32
        %add3A_128 = arith.addi %mul3A_126, %add3A_127 : i32
        %get3A_129 = arith.index_cast %add3A_128 : i32 to index
        %get3A_130 = arith.constant 0 : index
        %get3A_131 = tpu.vector_load %arg7[%get3A_129, %get3A_130] {strides = array<i32>} : memref<128x128xf32, #tpu.memory_space<vmem>>, vector<1x16xf32>,
        %get3A_132 = vector.shape_cast %get3A_131 : vector<1x16xf32> to vector<16xf32>
        %max3A_133 = arith.maximumf %max3A_124, %get3A_132 : vector<16xf32>
        %mul3A_134 = arith.constant 16 : i32
        %mul3A_135 = arith.muli %scan3A_66, %mul3A_134 : i32
        %add3A_136 = arith.constant 8 : i32
        %add3A_137 = arith.addi %mul3A_135, %add3A_136 : i32
        %get3A_138 = arith.index_cast %add3A_137 : i32 to index
        %get3A_139 = arith.constant 0 : index
        %get3A_140 = tpu.vector_load %arg7[%get3A_138, %get3A_139] {strides = array<i32>} : memref<128x128xf32, #tpu.memory_space<vmem>>, vector<1x16xf32>,
        %get3A_141 = vector.shape_cast %get3A_140 : vector<1x16xf32> to vector<16xf32>
        %max3A_142 = arith.maximumf %max3A_133, %get3A_141 : vector<16xf32>
        %mul3A_143 = arith.constant 16 : i32
        %mul3A_144 = arith.muli %scan3A_66, %mul3A_143 : i32
        %add3A_145 = arith.constant 9 : i32
        %add3A_146 = arith.addi %mul3A_144, %add3A_145 : i32
        %get3A_147 = arith.index_cast %add3A_146 : i32 to index
        %get3A_148 = arith.constant 0 : index
        %get3A_149 = tpu.vector_load %arg7[%get3A_147, %get3A_148] {strides = array<i32>} : memref<128x128xf32, #tpu.memory_space<vmem>>, vector<1x16xf32>,
        %get3A_150 = vector.shape_cast %get3A_149 : vector<1x16xf32> to vector<16xf32>
        %max3A_151 = arith.maximumf %max3A_142, %get3A_150 : vector<16xf32>
        %mul3A_152 = arith.constant 16 : i32
        %mul3A_153 = arith.muli %scan3A_66, %mul3A_152 : i32
        %add3A_154 = arith.constant 10 : i32
        %add3A_155 = arith.addi %mul3A_153, %add3A_154 : i32
        %get3A_156 = arith.index_cast %add3A_155 : i32 to index
        %get3A_157 = arith.constant 0 : index
        %get3A_158 = tpu.vector_load %arg7[%get3A_156, %get3A_157] {strides = array<i32>} : memref<128x128xf32, #tpu.memory_space<vmem>>, vector<1x16xf32>,
        %get3A_159 = vector.shape_cast %get3A_158 : vector<1x16xf32> to vector<16xf32>
        %max3A_160 = arith.maximumf %max3A_151, %get3A_159 : vector<16xf32>
        %mul3A_161 = arith.constant 16 : i32
        %mul3A_162 = arith.muli %scan3A_66, %mul3A_161 : i32
        %add3A_163 = arith.constant 11 : i32
        %add3A_164 = arith.addi %mul3A_162, %add3A_163 : i32
        %get3A_165 = arith.index_cast %add3A_164 : i32 to index
        %get3A_166 = arith.constant 0 : index
        %get3A_167 = tpu.vector_load %arg7[%get3A_165, %get3A_166] {strides = array<i32>} : memref<128x128xf32, #tpu.memory_space<vmem>>, vector<1x16xf32>,
        %get3A_168 = vector.shape_cast %get3A_167 : vector<1x16xf32> to vector<16xf32>
        %max3A_169 = arith.maximumf %max3A_160, %get3A_168 : vector<16xf32>
        %mul3A_170 = arith.constant 16 : i32
        %mul3A_171 = arith.muli %scan3A_66, %mul3A_170 : i32
        %add3A_172 = arith.constant 12 : i32
        %add3A_173 = arith.addi %mul3A_171, %add3A_172 : i32
        %get3A_174 = arith.index_cast %add3A_173 : i32 to index
        %get3A_175 = arith.constant 0 : index
        %get3A_176 = tpu.vector_load %arg7[%get3A_174, %get3A_175] {strides = array<i32>} : memref<128x128xf32, #tpu.memory_space<vmem>>, vector<1x16xf32>,
        %get3A_177 = vector.shape_cast %get3A_176 : vector<1x16xf32> to vector<16xf32>
        %max3A_178 = arith.maximumf %max3A_169, %get3A_177 : vector<16xf32>
        %mul3A_179 = arith.constant 16 : i32
        %mul3A_180 = arith.muli %scan3A_66, %mul3A_179 : i32
        %add3A_181 = arith.constant 13 : i32
        %add3A_182 = arith.addi %mul3A_180, %add3A_181 : i32
        %get3A_183 = arith.index_cast %add3A_182 : i32 to index
        %get3A_184 = arith.constant 0 : index
        %get3A_185 = tpu.vector_load %arg7[%get3A_183, %get3A_184] {strides = array<i32>} : memref<128x128xf32, #tpu.memory_space<vmem>>, vector<1x16xf32>,
        %get3A_186 = vector.shape_cast %get3A_185 : vector<1x16xf32> to vector<16xf32>
        %max3A_187 = arith.maximumf %max3A_178, %get3A_186 : vector<16xf32>
        %mul3A_188 = arith.constant 16 : i32
        %mul3A_189 = arith.muli %scan3A_66, %mul3A_188 : i32
        %add3A_190 = arith.constant 14 : i32
        %add3A_191 = arith.addi %mul3A_189, %add3A_190 : i32
        %get3A_192 = arith.index_cast %add3A_191 : i32 to index
        %get3A_193 = arith.constant 0 : index
        %get3A_194 = tpu.vector_load %arg7[%get3A_192, %get3A_193] {strides = array<i32>} : memref<128x128xf32, #tpu.memory_space<vmem>>, vector<1x16xf32>,
        %get3A_195 = vector.shape_cast %get3A_194 : vector<1x16xf32> to vector<16xf32>
        %max3A_196 = arith.maximumf %max3A_187, %get3A_195 : vector<16xf32>
        %mul3A_197 = arith.constant 16 : i32
        %mul3A_198 = arith.muli %scan3A_66, %mul3A_197 : i32
        %add3A_199 = arith.constant 15 : i32
        %add3A_200 = arith.addi %mul3A_198, %add3A_199 : i32
        %get3A_201 = arith.index_cast %add3A_200 : i32 to index
        %get3A_202 = arith.constant 0 : index
        %get3A_203 = tpu.vector_load %arg7[%get3A_201, %get3A_202] {strides = array<i32>} : memref<128x128xf32, #tpu.memory_space<vmem>>, vector<1x16xf32>,
        %get3A_204 = vector.shape_cast %get3A_203 : vector<1x16xf32> to vector<16xf32>
        %max3A_205 = arith.maximumf %max3A_196, %get3A_204 : vector<16xf32>
        %mul3A_206 = arith.constant 8 : i32
        %mul3A_207 = arith.muli %add3A_46, %mul3A_206 : i32
        %add3A_208 = arith.addi %mul3A_207, %scan3A_66 : i32
        %swap3A = arith.index_cast %add3A_208 : i32 to index
        %swap3A_209 = arith.constant 0 : index
        %swap3A_210 = tpu.vector_load %arg8[%swap3A, %swap3A_209] {strides = array<i32>} : memref<512x128xf32, #tpu.memory_space<vmem>>, vector<1x16xf32>,
        %swap3A_211 = vector.shape_cast %swap3A_210 : vector<1x16xf32> to vector<16xf32>
        %swap3A_212 = vector.shape_cast %max3A_205 : vector<16xf32> to vector<1x16xf32>
        tpu.vector_store %arg8[%swap3A, %swap3A_209], %swap3A_212 {strides = array<i32>} : memref<512x128xf32, #tpu.memory_space<vmem>>, vector<1x16xf32>,
        %mul3A_213 = arith.constant 16 : i32
        %mul3A_214 = arith.muli %scan3A_66, %mul3A_213 : i32
        %get3A_215 = arith.index_cast %mul3A_214 : i32 to index
        %get3A_216 = arith.constant 16 : index
        %get3A_217 = tpu.vector_load %arg7[%get3A_215, %get3A_216] {strides = array<i32>} : memref<128x128xf32, #tpu.memory_space<vmem>>, vector<1x16xf32>,
        %get3A_218 = vector.shape_cast %get3A_217 : vector<1x16xf32> to vector<16xf32>
        %mul3A_219 = arith.constant 16 : i32
        %mul3A_220 = arith.muli %scan3A_66, %mul3A_219 : i32
        %add3A_221 = arith.constant 1 : i32
        %add3A_222 = arith.addi %mul3A_220, %add3A_221 : i32
        %get3A_223 = arith.index_cast %add3A_222 : i32 to index
        %get3A_224 = arith.constant 16 : index
        %get3A_225 = tpu.vector_load %arg7[%get3A_223, %get3A_224] {strides = array<i32>} : memref<128x128xf32, #tpu.memory_space<vmem>>, vector<1x16xf32>,
        %get3A_226 = vector.shape_cast %get3A_225 : vector<1x16xf32> to vector<16xf32>
        %max3A_227 = arith.maximumf %get3A_218, %get3A_226 : vector<16xf32>
        %mul3A_228 = arith.constant 16 : i32
        %mul3A_229 = arith.muli %scan3A_66, %mul3A_228 : i32
        %add3A_230 = arith.constant 2 : i32
        %add3A_231 = arith.addi %mul3A_229, %add3A_230 : i32
        %get3A_232 = arith.index_cast %add3A_231 : i32 to index
        %get3A_233 = arith.constant 16 : index
        %get3A_234 = tpu.vector_load %arg7[%get3A_232, %get3A_233] {strides = array<i32>} : memref<128x128xf32, #tpu.memory_space<vmem>>, vector<1x16xf32>,
        %get3A_235 = vector.shape_cast %get3A_234 : vector<1x16xf32> to vector<16xf32>
        %max3A_236 = arith.maximumf %max3A_227, %get3A_235 : vector<16xf32>
        %mul3A_237 = arith.constant 16 : i32
        %mul3A_238 = arith.muli %scan3A_66, %mul3A_237 : i32
        %add3A_239 = arith.constant 3 : i32
        %add3A_240 = arith.addi %mul3A_238, %add3A_239 : i32
        %get3A_241 = arith.index_cast %add3A_240 : i32 to index
        %get3A_242 = arith.constant 16 : index
        %get3A_243 = tpu.vector_load %arg7[%get3A_241, %get3A_242] {strides = array<i32>} : memref<128x128xf32, #tpu.memory_space<vmem>>, vector<1x16xf32>,
        %get3A_244 = vector.shape_cast %get3A_243 : vector<1x16xf32> to vector<16xf32>
        %max3A_245 = arith.maximumf %max3A_236, %get3A_244 : vector<16xf32>
        %mul3A_246 = arith.constant 16 : i32
        %mul3A_247 = arith.muli %scan3A_66, %mul3A_246 : i32
        %add3A_248 = arith.constant 4 : i32
        %add3A_249 = arith.addi %mul3A_247, %add3A_248 : i32
        %get3A_250 = arith.index_cast %add3A_249 : i32 to index
        %get3A_251 = arith.constant 16 : index
        %get3A_252 = tpu.vector_load %arg7[%get3A_250, %get3A_251] {strides = array<i32>} : memref<128x128xf32, #tpu.memory_space<vmem>>, vector<1x16xf32>,
        %get3A_253 = vector.shape_cast %get3A_252 : vector<1x16xf32> to vector<16xf32>
        %max3A_254 = arith.maximumf %max3A_245, %get3A_253 : vector<16xf32>
        %mul3A_255 = arith.constant 16 : i32
        %mul3A_256 = arith.muli %scan3A_66, %mul3A_255 : i32
        %add3A_257 = arith.constant 5 : i32
        %add3A_258 = arith.addi %mul3A_256, %add3A_257 : i32
        %get3A_259 = arith.index_cast %add3A_258 : i32 to index
        %get3A_260 = arith.constant 16 : index
        %get3A_261 = tpu.vector_load %arg7[%get3A_259, %get3A_260] {strides = array<i32>} : memref<128x128xf32, #tpu.memory_space<vmem>>, vector<1x16xf32>,
        %get3A_262 = vector.shape_cast %get3A_261 : vector<1x16xf32> to vector<16xf32>
        %max3A_263 = arith.maximumf %max3A_254, %get3A_262 : vector<16xf32>
        %mul3A_264 = arith.constant 16 : i32
        %mul3A_265 = arith.muli %scan3A_66, %mul3A_264 : i32
        %add3A_266 = arith.constant 6 : i32
        %add3A_267 = arith.addi %mul3A_265, %add3A_266 : i32
        %get3A_268 = arith.index_cast %add3A_267 : i32 to index
        %get3A_269 = arith.constant 16 : index
        %get3A_270 = tpu.vector_load %arg7[%get3A_268, %get3A_269] {strides = array<i32>} : memref<128x128xf32, #tpu.memory_space<vmem>>, vector<1x16xf32>,
        %get3A_271 = vector.shape_cast %get3A_270 : vector<1x16xf32> to vector<16xf32>
        %max3A_272 = arith.maximumf %max3A_263, %get3A_271 : vector<16xf32>
        %mul3A_273 = arith.constant 16 : i32
        %mul3A_274 = arith.muli %scan3A_66, %mul3A_273 : i32
        %add3A_275 = arith.constant 7 : i32
        %add3A_276 = arith.addi %mul3A_274, %add3A_275 : i32
        %get3A_277 = arith.index_cast %add3A_276 : i32 to index
        %get3A_278 = arith.constant 16 : index
        %get3A_279 = tpu.vector_load %arg7[%get3A_277, %get3A_278] {strides = array<i32>} : memref<128x128xf32, #tpu.memory_space<vmem>>, vector<1x16xf32>,
        %get3A_280 = vector.shape_cast %get3A_279 : vector<1x16xf32> to vector<16xf32>
        %max3A_281 = arith.maximumf %max3A_272, %get3A_280 : vector<16xf32>
        %mul3A_282 = arith.constant 16 : i32
        %mul3A_283 = arith.muli %scan3A_66, %mul3A_282 : i32
        %add3A_284 = arith.constant 8 : i32
        %add3A_285 = arith.addi %mul3A_283, %add3A_284 : i32
        %get3A_286 = arith.index_cast %add3A_285 : i32 to index
        %get3A_287 = arith.constant 16 : index
        %get3A_288 = tpu.vector_load %arg7[%get3A_286, %get3A_287] {strides = array<i32>} : memref<128x128xf32, #tpu.memory_space<vmem>>, vector<1x16xf32>,
        %get3A_289 = vector.shape_cast %get3A_288 : vector<1x16xf32> to vector<16xf32>
        %max3A_290 = arith.maximumf %max3A_281, %get3A_289 : vector<16xf32>
        %mul3A_291 = arith.constant 16 : i32
        %mul3A_292 = arith.muli %scan3A_66, %mul3A_291 : i32
        %add3A_293 = arith.constant 9 : i32
        %add3A_294 = arith.addi %mul3A_292, %add3A_293 : i32
        %get3A_295 = arith.index_cast %add3A_294 : i32 to index
        %get3A_296 = arith.constant 16 : index
        %get3A_297 = tpu.vector_load %arg7[%get3A_295, %get3A_296] {strides = array<i32>} : memref<128x128xf32, #tpu.memory_space<vmem>>, vector<1x16xf32>,
        %get3A_298 = vector.shape_cast %get3A_297 : vector<1x16xf32> to vector<16xf32>
        %max3A_299 = arith.maximumf %max3A_290, %get3A_298 : vector<16xf32>
        %mul3A_300 = arith.constant 16 : i32
        %mul3A_301 = arith.muli %scan3A_66, %mul3A_300 : i32
        %add3A_302 = arith.constant 10 : i32
        %add3A_303 = arith.addi %mul3A_301, %add3A_302 : i32
        %get3A_304 = arith.index_cast %add3A_303 : i32 to index
        %get3A_305 = arith.constant 16 : index
        %get3A_306 = tpu.vector_load %arg7[%get3A_304, %get3A_305] {strides = array<i32>} : memref<128x128xf32, #tpu.memory_space<vmem>>, vector<1x16xf32>,
        %get3A_307 = vector.shape_cast %get3A_306 : vector<1x16xf32> to vector<16xf32>
        %max3A_308 = arith.maximumf %max3A_299, %get3A_307 : vector<16xf32>
        %mul3A_309 = arith.constant 16 : i32
        %mul3A_310 = arith.muli %scan3A_66, %mul3A_309 : i32
        %add3A_311 = arith.constant 11 : i32
        %add3A_312 = arith.addi %mul3A_310, %add3A_311 : i32
        %get3A_313 = arith.index_cast %add3A_312 : i32 to index
        %get3A_314 = arith.constant 16 : index
        %get3A_315 = tpu.vector_load %arg7[%get3A_313, %get3A_314] {strides = array<i32>} : memref<128x128xf32, #tpu.memory_space<vmem>>, vector<1x16xf32>,
        %get3A_316 = vector.shape_cast %get3A_315 : vector<1x16xf32> to vector<16xf32>
        %max3A_317 = arith.maximumf %max3A_308, %get3A_316 : vector<16xf32>
        %mul3A_318 = arith.constant 16 : i32
        %mul3A_319 = arith.muli %scan3A_66, %mul3A_318 : i32
        %add3A_320 = arith.constant 12 : i32
        %add3A_321 = arith.addi %mul3A_319, %add3A_320 : i32
        %get3A_322 = arith.index_cast %add3A_321 : i32 to index
        %get3A_323 = arith.constant 16 : index
        %get3A_324 = tpu.vector_load %arg7[%get3A_322, %get3A_323] {strides = array<i32>} : memref<128x128xf32, #tpu.memory_space<vmem>>, vector<1x16xf32>,
        %get3A_325 = vector.shape_cast %get3A_324 : vector<1x16xf32> to vector<16xf32>
        %max3A_326 = arith.maximumf %max3A_317, %get3A_325 : vector<16xf32>
        %mul3A_327 = arith.constant 16 : i32
        %mul3A_328 = arith.muli %scan3A_66, %mul3A_327 : i32
        %add3A_329 = arith.constant 13 : i32
        %add3A_330 = arith.addi %mul3A_328, %add3A_329 : i32
        %get3A_331 = arith.index_cast %add3A_330 : i32 to index
        %get3A_332 = arith.constant 16 : index
        %get3A_333 = tpu.vector_load %arg7[%get3A_331, %get3A_332] {strides = array<i32>} : memref<128x128xf32, #tpu.memory_space<vmem>>, vector<1x16xf32>,
        %get3A_334 = vector.shape_cast %get3A_333 : vector<1x16xf32> to vector<16xf32>
        %max3A_335 = arith.maximumf %max3A_326, %get3A_334 : vector<16xf32>
        %mul3A_336 = arith.constant 16 : i32
        %mul3A_337 = arith.muli %scan3A_66, %mul3A_336 : i32
        %add3A_338 = arith.constant 14 : i32
        %add3A_339 = arith.addi %mul3A_337, %add3A_338 : i32
        %get3A_340 = arith.index_cast %add3A_339 : i32 to index
        %get3A_341 = arith.constant 16 : index
        %get3A_342 = tpu.vector_load %arg7[%get3A_340, %get3A_341] {strides = array<i32>} : memref<128x128xf32, #tpu.memory_space<vmem>>, vector<1x16xf32>,
        %get3A_343 = vector.shape_cast %get3A_342 : vector<1x16xf32> to vector<16xf32>
        %max3A_344 = arith.maximumf %max3A_335, %get3A_343 : vector<16xf32>
        %mul3A_345 = arith.constant 16 : i32
        %mul3A_346 = arith.muli %scan3A_66, %mul3A_345 : i32
        %add3A_347 = arith.constant 15 : i32
        %add3A_348 = arith.addi %mul3A_346, %add3A_347 : i32
        %get3A_349 = arith.index_cast %add3A_348 : i32 to index
        %get3A_350 = arith.constant 16 : index
        %get3A_351 = tpu.vector_load %arg7[%get3A_349, %get3A_350] {strides = array<i32>} : memref<128x128xf32, #tpu.memory_space<vmem>>, vector<1x16xf32>,
        %get3A_352 = vector.shape_cast %get3A_351 : vector<1x16xf32> to vector<16xf32>
        %max3A_353 = arith.maximumf %max3A_344, %get3A_352 : vector<16xf32>
        %mul3A_354 = arith.constant 8 : i32
        %mul3A_355 = arith.muli %add3A_46, %mul3A_354 : i32
        %add3A_356 = arith.addi %mul3A_355, %scan3A_66 : i32
        %swap3A_357 = arith.index_cast %add3A_356 : i32 to index
        %swap3A_358 = arith.constant 16 : index
        %swap3A_359 = tpu.vector_load %arg8[%swap3A_357, %swap3A_358] {strides = array<i32>} : memref<512x128xf32, #tpu.memory_space<vmem>>, vector<1x16xf32>,
        %swap3A_360 = vector.shape_cast %swap3A_359 : vector<1x16xf32> to vector<16xf32>
        %swap3A_361 = vector.shape_cast %max3A_353 : vector<16xf32> to vector<1x16xf32>
        tpu.vector_store %arg8[%swap3A_357, %swap3A_358], %swap3A_361 {strides = array<i32>} : memref<512x128xf32, #tpu.memory_space<vmem>>, vector<1x16xf32>,
        %mul3A_362 = arith.constant 16 : i32
        %mul3A_363 = arith.muli %scan3A_66, %mul3A_362 : i32
        %get3A_364 = arith.index_cast %mul3A_363 : i32 to index
        %get3A_365 = arith.constant 32 : index
        %get3A_366 = tpu.vector_load %arg7[%get3A_364, %get3A_365] {strides = array<i32>} : memref<128x128xf32, #tpu.memory_space<vmem>>, vector<1x16xf32>,
        %get3A_367 = vector.shape_cast %get3A_366 : vector<1x16xf32> to vector<16xf32>
        %mul3A_368 = arith.constant 16 : i32
        %mul3A_369 = arith.muli %scan3A_66, %mul3A_368 : i32
        %add3A_370 = arith.constant 1 : i32
        %add3A_371 = arith.addi %mul3A_369, %add3A_370 : i32
        %get3A_372 = arith.index_cast %add3A_371 : i32 to index
        %get3A_373 = arith.constant 32 : index
        %get3A_374 = tpu.vector_load %arg7[%get3A_372, %get3A_373] {strides = array<i32>} : memref<128x128xf32, #tpu.memory_space<vmem>>, vector<1x16xf32>,
        %get3A_375 = vector.shape_cast %get3A_374 : vector<1x16xf32> to vector<16xf32>
        %max3A_376 = arith.maximumf %get3A_367, %get3A_375 : vector<16xf32>
        %mul3A_377 = arith.constant 16 : i32
        %mul3A_378 = arith.muli %scan3A_66, %mul3A_377 : i32
        %add3A_379 = arith.constant 2 : i32
        %add3A_380 = arith.addi %mul3A_378, %add3A_379 : i32
        %get3A_381 = arith.index_cast %add3A_380 : i32 to index
        %get3A_382 = arith.constant 32 : index
        %get3A_383 = tpu.vector_load %arg7[%get3A_381, %get3A_382] {strides = array<i32>} : memref<128x128xf32, #tpu.memory_space<vmem>>, vector<1x16xf32>,
        %get3A_384 = vector.shape_cast %get3A_383 : vector<1x16xf32> to vector<16xf32>
        %max3A_385 = arith.maximumf %max3A_376, %get3A_384 : vector<16xf32>
        %mul3A_386 = arith.constant 16 : i32
        %mul3A_387 = arith.muli %scan3A_66, %mul3A_386 : i32
        %add3A_388 = arith.constant 3 : i32
        %add3A_389 = arith.addi %mul3A_387, %add3A_388 : i32
        %get3A_390 = arith.index_cast %add3A_389 : i32 to index
        %get3A_391 = arith.constant 32 : index
        %get3A_392 = tpu.vector_load %arg7[%get3A_390, %get3A_391] {strides = array<i32>} : memref<128x128xf32, #tpu.memory_space<vmem>>, vector<1x16xf32>,
        %get3A_393 = vector.shape_cast %get3A_392 : vector<1x16xf32> to vector<16xf32>
        %max3A_394 = arith.maximumf %max3A_385, %get3A_393 : vector<16xf32>
        %mul3A_395 = arith.constant 16 : i32
        %mul3A_396 = arith.muli %scan3A_66, %mul3A_395 : i32
        %add3A_397 = arith.constant 4 : i32
        %add3A_398 = arith.addi %mul3A_396, %add3A_397 : i32
        %get3A_399 = arith.index_cast %add3A_398 : i32 to index
        %get3A_400 = arith.constant 32 : index
        %get3A_401 = tpu.vector_load %arg7[%get3A_399, %get3A_400] {strides = array<i32>} : memref<128x128xf32, #tpu.memory_space<vmem>>, vector<1x16xf32>,
        %get3A_402 = vector.shape_cast %get3A_401 : vector<1x16xf32> to vector<16xf32>
        %max3A_403 = arith.maximumf %max3A_394, %get3A_402 : vector<16xf32>
        %mul3A_404 = arith.constant 16 : i32
        %mul3A_405 = arith.muli %scan3A_66, %mul3A_404 : i32
        %add3A_406 = arith.constant 5 : i32
        %add3A_407 = arith.addi %mul3A_405, %add3A_406 : i32
        %get3A_408 = arith.index_cast %add3A_407 : i32 to index
        %get3A_409 = arith.constant 32 : index
        %get3A_410 = tpu.vector_load %arg7[%get3A_408, %get3A_409] {strides = array<i32>} : memref<128x128xf32, #tpu.memory_space<vmem>>, vector<1x16xf32>,
        %get3A_411 = vector.shape_cast %get3A_410 : vector<1x16xf32> to vector<16xf32>
        %max3A_412 = arith.maximumf %max3A_403, %get3A_411 : vector<16xf32>
        %mul3A_413 = arith.constant 16 : i32
        %mul3A_414 = arith.muli %scan3A_66, %mul3A_413 : i32
        %add3A_415 = arith.constant 6 : i32
        %add3A_416 = arith.addi %mul3A_414, %add3A_415 : i32
        %get3A_417 = arith.index_cast %add3A_416 : i32 to index
        %get3A_418 = arith.constant 32 : index
        %get3A_419 = tpu.vector_load %arg7[%get3A_417, %get3A_418] {strides = array<i32>} : memref<128x128xf32, #tpu.memory_space<vmem>>, vector<1x16xf32>,
        %get3A_420 = vector.shape_cast %get3A_419 : vector<1x16xf32> to vector<16xf32>
        %max3A_421 = arith.maximumf %max3A_412, %get3A_420 : vector<16xf32>
        %mul3A_422 = arith.constant 16 : i32
        %mul3A_423 = arith.muli %scan3A_66, %mul3A_422 : i32
        %add3A_424 = arith.constant 7 : i32
        %add3A_425 = arith.addi %mul3A_423, %add3A_424 : i32
        %get3A_426 = arith.index_cast %add3A_425 : i32 to index
        %get3A_427 = arith.constant 32 : index
        %get3A_428 = tpu.vector_load %arg7[%get3A_426, %get3A_427] {strides = array<i32>} : memref<128x128xf32, #tpu.memory_space<vmem>>, vector<1x16xf32>,
        %get3A_429 = vector.shape_cast %get3A_428 : vector<1x16xf32> to vector<16xf32>
        %max3A_430 = arith.maximumf %max3A_421, %get3A_429 : vector<16xf32>
        %mul3A_431 = arith.constant 16 : i32
        %mul3A_432 = arith.muli %scan3A_66, %mul3A_431 : i32
        %add3A_433 = arith.constant 8 : i32
        %add3A_434 = arith.addi %mul3A_432, %add3A_433 : i32
        %get3A_435 = arith.index_cast %add3A_434 : i32 to index
        %get3A_436 = arith.constant 32 : index
        %get3A_437 = tpu.vector_load %arg7[%get3A_435, %get3A_436] {strides = array<i32>} : memref<128x128xf32, #tpu.memory_space<vmem>>, vector<1x16xf32>,
        %get3A_438 = vector.shape_cast %get3A_437 : vector<1x16xf32> to vector<16xf32>
        %max3A_439 = arith.maximumf %max3A_430, %get3A_438 : vector<16xf32>
        %mul3A_440 = arith.constant 16 : i32
        %mul3A_441 = arith.muli %scan3A_66, %mul3A_440 : i32
        %add3A_442 = arith.constant 9 : i32
        %add3A_443 = arith.addi %mul3A_441, %add3A_442 : i32
        %get3A_444 = arith.index_cast %add3A_443 : i32 to index
        %get3A_445 = arith.constant 32 : index
        %get3A_446 = tpu.vector_load %arg7[%get3A_444, %get3A_445] {strides = array<i32>} : memref<128x128xf32, #tpu.memory_space<vmem>>, vector<1x16xf32>,
        %get3A_447 = vector.shape_cast %get3A_446 : vector<1x16xf32> to vector<16xf32>
        %max3A_448 = arith.maximumf %max3A_439, %get3A_447 : vector<16xf32>
        %mul3A_449 = arith.constant 16 : i32
        %mul3A_450 = arith.muli %scan3A_66, %mul3A_449 : i32
        %add3A_451 = arith.constant 10 : i32
        %add3A_452 = arith.addi %mul3A_450, %add3A_451 : i32
        %get3A_453 = arith.index_cast %add3A_452 : i32 to index
        %get3A_454 = arith.constant 32 : index
        %get3A_455 = tpu.vector_load %arg7[%get3A_453, %get3A_454] {strides = array<i32>} : memref<128x128xf32, #tpu.memory_space<vmem>>, vector<1x16xf32>,
        %get3A_456 = vector.shape_cast %get3A_455 : vector<1x16xf32> to vector<16xf32>
        %max3A_457 = arith.maximumf %max3A_448, %get3A_456 : vector<16xf32>
        %mul3A_458 = arith.constant 16 : i32
        %mul3A_459 = arith.muli %scan3A_66, %mul3A_458 : i32
        %add3A_460 = arith.constant 11 : i32
        %add3A_461 = arith.addi %mul3A_459, %add3A_460 : i32
        %get3A_462 = arith.index_cast %add3A_461 : i32 to index
        %get3A_463 = arith.constant 32 : index
        %get3A_464 = tpu.vector_load %arg7[%get3A_462, %get3A_463] {strides = array<i32>} : memref<128x128xf32, #tpu.memory_space<vmem>>, vector<1x16xf32>,
        %get3A_465 = vector.shape_cast %get3A_464 : vector<1x16xf32> to vector<16xf32>
        %max3A_466 = arith.maximumf %max3A_457, %get3A_465 : vector<16xf32>
        %mul3A_467 = arith.constant 16 : i32
        %mul3A_468 = arith.muli %scan3A_66, %mul3A_467 : i32
        %add3A_469 = arith.constant 12 : i32
        %add3A_470 = arith.addi %mul3A_468, %add3A_469 : i32
        %get3A_471 = arith.index_cast %add3A_470 : i32 to index
        %get3A_472 = arith.constant 32 : index
        %get3A_473 = tpu.vector_load %arg7[%get3A_471, %get3A_472] {strides = array<i32>} : memref<128x128xf32, #tpu.memory_space<vmem>>, vector<1x16xf32>,
        %get3A_474 = vector.shape_cast %get3A_473 : vector<1x16xf32> to vector<16xf32>
        %max3A_475 = arith.maximumf %max3A_466, %get3A_474 : vector<16xf32>
        %mul3A_476 = arith.constant 16 : i32
        %mul3A_477 = arith.muli %scan3A_66, %mul3A_476 : i32
        %add3A_478 = arith.constant 13 : i32
        %add3A_479 = arith.addi %mul3A_477, %add3A_478 : i32
        %get3A_480 = arith.index_cast %add3A_479 : i32 to index
        %get3A_481 = arith.constant 32 : index
        %get3A_482 = tpu.vector_load %arg7[%get3A_480, %get3A_481] {strides = array<i32>} : memref<128x128xf32, #tpu.memory_space<vmem>>, vector<1x16xf32>,
        %get3A_483 = vector.shape_cast %get3A_482 : vector<1x16xf32> to vector<16xf32>
        %max3A_484 = arith.maximumf %max3A_475, %get3A_483 : vector<16xf32>
        %mul3A_485 = arith.constant 16 : i32
        %mul3A_486 = arith.muli %scan3A_66, %mul3A_485 : i32
        %add3A_487 = arith.constant 14 : i32
        %add3A_488 = arith.addi %mul3A_486, %add3A_487 : i32
        %get3A_489 = arith.index_cast %add3A_488 : i32 to index
        %get3A_490 = arith.constant 32 : index
        %get3A_491 = tpu.vector_load %arg7[%get3A_489, %get3A_490] {strides = array<i32>} : memref<128x128xf32, #tpu.memory_space<vmem>>, vector<1x16xf32>,
        %get3A_492 = vector.shape_cast %get3A_491 : vector<1x16xf32> to vector<16xf32>
        %max3A_493 = arith.maximumf %max3A_484, %get3A_492 : vector<16xf32>
        %mul3A_494 = arith.constant 16 : i32
        %mul3A_495 = arith.muli %scan3A_66, %mul3A_494 : i32
        %add3A_496 = arith.constant 15 : i32
        %add3A_497 = arith.addi %mul3A_495, %add3A_496 : i32
        %get3A_498 = arith.index_cast %add3A_497 : i32 to index
        %get3A_499 = arith.constant 32 : index
        %get3A_500 = tpu.vector_load %arg7[%get3A_498, %get3A_499] {strides = array<i32>} : memref<128x128xf32, #tpu.memory_space<vmem>>, vector<1x16xf32>,
        %get3A_501 = vector.shape_cast %get3A_500 : vector<1x16xf32> to vector<16xf32>
        %max3A_502 = arith.maximumf %max3A_493, %get3A_501 : vector<16xf32>
        %mul3A_503 = arith.constant 8 : i32
        %mul3A_504 = arith.muli %add3A_46, %mul3A_503 : i32
        %add3A_505 = arith.addi %mul3A_504, %scan3A_66 : i32
        %swap3A_506 = arith.index_cast %add3A_505 : i32 to index
        %swap3A_507 = arith.constant 32 : index
        %swap3A_508 = tpu.vector_load %arg8[%swap3A_506, %swap3A_507] {strides = array<i32>} : memref<512x128xf32, #tpu.memory_space<vmem>>, vector<1x16xf32>,
        %swap3A_509 = vector.shape_cast %swap3A_508 : vector<1x16xf32> to vector<16xf32>
        %swap3A_510 = vector.shape_cast %max3A_502 : vector<16xf32> to vector<1x16xf32>
        tpu.vector_store %arg8[%swap3A_506, %swap3A_507], %swap3A_510 {strides = array<i32>} : memref<512x128xf32, #tpu.memory_space<vmem>>, vector<1x16xf32>,
        %mul3A_511 = arith.constant 16 : i32
        %mul3A_512 = arith.muli %scan3A_66, %mul3A_511 : i32
        %get3A_513 = arith.index_cast %mul3A_512 : i32 to index
        %get3A_514 = arith.constant 48 : index
        %get3A_515 = tpu.vector_load %arg7[%get3A_513, %get3A_514] {strides = array<i32>} : memref<128x128xf32, #tpu.memory_space<vmem>>, vector<1x16xf32>,
        %get3A_516 = vector.shape_cast %get3A_515 : vector<1x16xf32> to vector<16xf32>
        %mul3A_517 = arith.constant 16 : i32
        %mul3A_518 = arith.muli %scan3A_66, %mul3A_517 : i32
        %add3A_519 = arith.constant 1 : i32
        %add3A_520 = arith.addi %mul3A_518, %add3A_519 : i32
        %get3A_521 = arith.index_cast %add3A_520 : i32 to index
        %get3A_522 = arith.constant 48 : index
        %get3A_523 = tpu.vector_load %arg7[%get3A_521, %get3A_522] {strides = array<i32>} : memref<128x128xf32, #tpu.memory_space<vmem>>, vector<1x16xf32>,
        %get3A_524 = vector.shape_cast %get3A_523 : vector<1x16xf32> to vector<16xf32>
        %max3A_525 = arith.maximumf %get3A_516, %get3A_524 : vector<16xf32>
        %mul3A_526 = arith.constant 16 : i32
        %mul3A_527 = arith.muli %scan3A_66, %mul3A_526 : i32
        %add3A_528 = arith.constant 2 : i32
        %add3A_529 = arith.addi %mul3A_527, %add3A_528 : i32
        %get3A_530 = arith.index_cast %add3A_529 : i32 to index
        %get3A_531 = arith.constant 48 : index
        %get3A_532 = tpu.vector_load %arg7[%get3A_530, %get3A_531] {strides = array<i32>} : memref<128x128xf32, #tpu.memory_space<vmem>>, vector<1x16xf32>,
        %get3A_533 = vector.shape_cast %get3A_532 : vector<1x16xf32> to vector<16xf32>
        %max3A_534 = arith.maximumf %max3A_525, %get3A_533 : vector<16xf32>
        %mul3A_535 = arith.constant 16 : i32
        %mul3A_536 = arith.muli %scan3A_66, %mul3A_535 : i32
        %add3A_537 = arith.constant 3 : i32
        %add3A_538 = arith.addi %mul3A_536, %add3A_537 : i32
        %get3A_539 = arith.index_cast %add3A_538 : i32 to index
        %get3A_540 = arith.constant 48 : index
        %get3A_541 = tpu.vector_load %arg7[%get3A_539, %get3A_540] {strides = array<i32>} : memref<128x128xf32, #tpu.memory_space<vmem>>, vector<1x16xf32>,
        %get3A_542 = vector.shape_cast %get3A_541 : vector<1x16xf32> to vector<16xf32>
        %max3A_543 = arith.maximumf %max3A_534, %get3A_542 : vector<16xf32>
        %mul3A_544 = arith.constant 16 : i32
        %mul3A_545 = arith.muli %scan3A_66, %mul3A_544 : i32
        %add3A_546 = arith.constant 4 : i32
        %add3A_547 = arith.addi %mul3A_545, %add3A_546 : i32
        %get3A_548 = arith.index_cast %add3A_547 : i32 to index
        %get3A_549 = arith.constant 48 : index
        %get3A_550 = tpu.vector_load %arg7[%get3A_548, %get3A_549] {strides = array<i32>} : memref<128x128xf32, #tpu.memory_space<vmem>>, vector<1x16xf32>,
        %get3A_551 = vector.shape_cast %get3A_550 : vector<1x16xf32> to vector<16xf32>
        %max3A_552 = arith.maximumf %max3A_543, %get3A_551 : vector<16xf32>
        %mul3A_553 = arith.constant 16 : i32
        %mul3A_554 = arith.muli %scan3A_66, %mul3A_553 : i32
        %add3A_555 = arith.constant 5 : i32
        %add3A_556 = arith.addi %mul3A_554, %add3A_555 : i32
        %get3A_557 = arith.index_cast %add3A_556 : i32 to index
        %get3A_558 = arith.constant 48 : index
        %get3A_559 = tpu.vector_load %arg7[%get3A_557, %get3A_558] {strides = array<i32>} : memref<128x128xf32, #tpu.memory_space<vmem>>, vector<1x16xf32>,
        %get3A_560 = vector.shape_cast %get3A_559 : vector<1x16xf32> to vector<16xf32>
        %max3A_561 = arith.maximumf %max3A_552, %get3A_560 : vector<16xf32>
        %mul3A_562 = arith.constant 16 : i32
        %mul3A_563 = arith.muli %scan3A_66, %mul3A_562 : i32
        %add3A_564 = arith.constant 6 : i32
        %add3A_565 = arith.addi %mul3A_563, %add3A_564 : i32
        %get3A_566 = arith.index_cast %add3A_565 : i32 to index
        %get3A_567 = arith.constant 48 : index
        %get3A_568 = tpu.vector_load %arg7[%get3A_566, %get3A_567] {strides = array<i32>} : memref<128x128xf32, #tpu.memory_space<vmem>>, vector<1x16xf32>,
        %get3A_569 = vector.shape_cast %get3A_568 : vector<1x16xf32> to vector<16xf32>
        %max3A_570 = arith.maximumf %max3A_561, %get3A_569 : vector<16xf32>
        %mul3A_571 = arith.constant 16 : i32
        %mul3A_572 = arith.muli %scan3A_66, %mul3A_571 : i32
        %add3A_573 = arith.constant 7 : i32
        %add3A_574 = arith.addi %mul3A_572, %add3A_573 : i32
        %get3A_575 = arith.index_cast %add3A_574 : i32 to index
        %get3A_576 = arith.constant 48 : index
        %get3A_577 = tpu.vector_load %arg7[%get3A_575, %get3A_576] {strides = array<i32>} : memref<128x128xf32, #tpu.memory_space<vmem>>, vector<1x16xf32>,
        %get3A_578 = vector.shape_cast %get3A_577 : vector<1x16xf32> to vector<16xf32>
        %max3A_579 = arith.maximumf %max3A_570, %get3A_578 : vector<16xf32>
        %mul3A_580 = arith.constant 16 : i32
        %mul3A_581 = arith.muli %scan3A_66, %mul3A_580 : i32
        %add3A_582 = arith.constant 8 : i32
        %add3A_583 = arith.addi %mul3A_581, %add3A_582 : i32
        %get3A_584 = arith.index_cast %add3A_583 : i32 to index
        %get3A_585 = arith.constant 48 : index
        %get3A_586 = tpu.vector_load %arg7[%get3A_584, %get3A_585] {strides = array<i32>} : memref<128x128xf32, #tpu.memory_space<vmem>>, vector<1x16xf32>,
        %get3A_587 = vector.shape_cast %get3A_586 : vector<1x16xf32> to vector<16xf32>
        %max3A_588 = arith.maximumf %max3A_579, %get3A_587 : vector<16xf32>
        %mul3A_589 = arith.constant 16 : i32
        %mul3A_590 = arith.muli %scan3A_66, %mul3A_589 : i32
        %add3A_591 = arith.constant 9 : i32
        %add3A_592 = arith.addi %mul3A_590, %add3A_591 : i32
        %get3A_593 = arith.index_cast %add3A_592 : i32 to index
        %get3A_594 = arith.constant 48 : index
        %get3A_595 = tpu.vector_load %arg7[%get3A_593, %get3A_594] {strides = array<i32>} : memref<128x128xf32, #tpu.memory_space<vmem>>, vector<1x16xf32>,
        %get3A_596 = vector.shape_cast %get3A_595 : vector<1x16xf32> to vector<16xf32>
        %max3A_597 = arith.maximumf %max3A_588, %get3A_596 : vector<16xf32>
        %mul3A_598 = arith.constant 16 : i32
        %mul3A_599 = arith.muli %scan3A_66, %mul3A_598 : i32
        %add3A_600 = arith.constant 10 : i32
        %add3A_601 = arith.addi %mul3A_599, %add3A_600 : i32
        %get3A_602 = arith.index_cast %add3A_601 : i32 to index
        %get3A_603 = arith.constant 48 : index
        %get3A_604 = tpu.vector_load %arg7[%get3A_602, %get3A_603] {strides = array<i32>} : memref<128x128xf32, #tpu.memory_space<vmem>>, vector<1x16xf32>,
        %get3A_605 = vector.shape_cast %get3A_604 : vector<1x16xf32> to vector<16xf32>
        %max3A_606 = arith.maximumf %max3A_597, %get3A_605 : vector<16xf32>
        %mul3A_607 = arith.constant 16 : i32
        %mul3A_608 = arith.muli %scan3A_66, %mul3A_607 : i32
        %add3A_609 = arith.constant 11 : i32
        %add3A_610 = arith.addi %mul3A_608, %add3A_609 : i32
        %get3A_611 = arith.index_cast %add3A_610 : i32 to index
        %get3A_612 = arith.constant 48 : index
        %get3A_613 = tpu.vector_load %arg7[%get3A_611, %get3A_612] {strides = array<i32>} : memref<128x128xf32, #tpu.memory_space<vmem>>, vector<1x16xf32>,
        %get3A_614 = vector.shape_cast %get3A_613 : vector<1x16xf32> to vector<16xf32>
        %max3A_615 = arith.maximumf %max3A_606, %get3A_614 : vector<16xf32>
        %mul3A_616 = arith.constant 16 : i32
        %mul3A_617 = arith.muli %scan3A_66, %mul3A_616 : i32
        %add3A_618 = arith.constant 12 : i32
        %add3A_619 = arith.addi %mul3A_617, %add3A_618 : i32
        %get3A_620 = arith.index_cast %add3A_619 : i32 to index
        %get3A_621 = arith.constant 48 : index
        %get3A_622 = tpu.vector_load %arg7[%get3A_620, %get3A_621] {strides = array<i32>} : memref<128x128xf32, #tpu.memory_space<vmem>>, vector<1x16xf32>,
        %get3A_623 = vector.shape_cast %get3A_622 : vector<1x16xf32> to vector<16xf32>
        %max3A_624 = arith.maximumf %max3A_615, %get3A_623 : vector<16xf32>
        %mul3A_625 = arith.constant 16 : i32
        %mul3A_626 = arith.muli %scan3A_66, %mul3A_625 : i32
        %add3A_627 = arith.constant 13 : i32
        %add3A_628 = arith.addi %mul3A_626, %add3A_627 : i32
        %get3A_629 = arith.index_cast %add3A_628 : i32 to index
        %get3A_630 = arith.constant 48 : index
        %get3A_631 = tpu.vector_load %arg7[%get3A_629, %get3A_630] {strides = array<i32>} : memref<128x128xf32, #tpu.memory_space<vmem>>, vector<1x16xf32>,
        %get3A_632 = vector.shape_cast %get3A_631 : vector<1x16xf32> to vector<16xf32>
        %max3A_633 = arith.maximumf %max3A_624, %get3A_632 : vector<16xf32>
        %mul3A_634 = arith.constant 16 : i32
        %mul3A_635 = arith.muli %scan3A_66, %mul3A_634 : i32
        %add3A_636 = arith.constant 14 : i32
        %add3A_637 = arith.addi %mul3A_635, %add3A_636 : i32
        %get3A_638 = arith.index_cast %add3A_637 : i32 to index
        %get3A_639 = arith.constant 48 : index
        %get3A_640 = tpu.vector_load %arg7[%get3A_638, %get3A_639] {strides = array<i32>} : memref<128x128xf32, #tpu.memory_space<vmem>>, vector<1x16xf32>,
        %get3A_641 = vector.shape_cast %get3A_640 : vector<1x16xf32> to vector<16xf32>
        %max3A_642 = arith.maximumf %max3A_633, %get3A_641 : vector<16xf32>
        %mul3A_643 = arith.constant 16 : i32
        %mul3A_644 = arith.muli %scan3A_66, %mul3A_643 : i32
        %add3A_645 = arith.constant 15 : i32
        %add3A_646 = arith.addi %mul3A_644, %add3A_645 : i32
        %get3A_647 = arith.index_cast %add3A_646 : i32 to index
        %get3A_648 = arith.constant 48 : index
        %get3A_649 = tpu.vector_load %arg7[%get3A_647, %get3A_648] {strides = array<i32>} : memref<128x128xf32, #tpu.memory_space<vmem>>, vector<1x16xf32>,
        %get3A_650 = vector.shape_cast %get3A_649 : vector<1x16xf32> to vector<16xf32>
        %max3A_651 = arith.maximumf %max3A_642, %get3A_650 : vector<16xf32>
        %mul3A_652 = arith.constant 8 : i32
        %mul3A_653 = arith.muli %add3A_46, %mul3A_652 : i32
        %add3A_654 = arith.addi %mul3A_653, %scan3A_66 : i32
        %swap3A_655 = arith.index_cast %add3A_654 : i32 to index
        %swap3A_656 = arith.constant 48 : index
        %swap3A_657 = tpu.vector_load %arg8[%swap3A_655, %swap3A_656] {strides = array<i32>} : memref<512x128xf32, #tpu.memory_space<vmem>>, vector<1x16xf32>,
        %swap3A_658 = vector.shape_cast %swap3A_657 : vector<1x16xf32> to vector<16xf32>
        %swap3A_659 = vector.shape_cast %max3A_651 : vector<16xf32> to vector<1x16xf32>
        tpu.vector_store %arg8[%swap3A_655, %swap3A_656], %swap3A_659 {strides = array<i32>} : memref<512x128xf32, #tpu.memory_space<vmem>>, vector<1x16xf32>,
        %mul3A_660 = arith.constant 16 : i32
        %mul3A_661 = arith.muli %scan3A_66, %mul3A_660 : i32
        %get3A_662 = arith.index_cast %mul3A_661 : i32 to index
        %get3A_663 = arith.constant 64 : index
        %get3A_664 = tpu.vector_load %arg7[%get3A_662, %get3A_663] {strides = array<i32>} : memref<128x128xf32, #tpu.memory_space<vmem>>, vector<1x16xf32>,
        %get3A_665 = vector.shape_cast %get3A_664 : vector<1x16xf32> to vector<16xf32>
        %mul3A_666 = arith.constant 16 : i32
        %mul3A_667 = arith.muli %scan3A_66, %mul3A_666 : i32
        %add3A_668 = arith.constant 1 : i32
        %add3A_669 = arith.addi %mul3A_667, %add3A_668 : i32
        %get3A_670 = arith.index_cast %add3A_669 : i32 to index
        %get3A_671 = arith.constant 64 : index
        %get3A_672 = tpu.vector_load %arg7[%get3A_670, %get3A_671] {strides = array<i32>} : memref<128x128xf32, #tpu.memory_space<vmem>>, vector<1x16xf32>,
        %get3A_673 = vector.shape_cast %get3A_672 : vector<1x16xf32> to vector<16xf32>
        %max3A_674 = arith.maximumf %get3A_665, %get3A_673 : vector<16xf32>
        %mul3A_675 = arith.constant 16 : i32
        %mul3A_676 = arith.muli %scan3A_66, %mul3A_675 : i32
        %add3A_677 = arith.constant 2 : i32
        %add3A_678 = arith.addi %mul3A_676, %add3A_677 : i32
        %get3A_679 = arith.index_cast %add3A_678 : i32 to index
        %get3A_680 = arith.constant 64 : index
        %get3A_681 = tpu.vector_load %arg7[%get3A_679, %get3A_680] {strides = array<i32>} : memref<128x128xf32, #tpu.memory_space<vmem>>, vector<1x16xf32>,
        %get3A_682 = vector.shape_cast %get3A_681 : vector<1x16xf32> to vector<16xf32>
        %max3A_683 = arith.maximumf %max3A_674, %get3A_682 : vector<16xf32>
        %mul3A_684 = arith.constant 16 : i32
        %mul3A_685 = arith.muli %scan3A_66, %mul3A_684 : i32
        %add3A_686 = arith.constant 3 : i32
        %add3A_687 = arith.addi %mul3A_685, %add3A_686 : i32
        %get3A_688 = arith.index_cast %add3A_687 : i32 to index
        %get3A_689 = arith.constant 64 : index
        %get3A_690 = tpu.vector_load %arg7[%get3A_688, %get3A_689] {strides = array<i32>} : memref<128x128xf32, #tpu.memory_space<vmem>>, vector<1x16xf32>,
        %get3A_691 = vector.shape_cast %get3A_690 : vector<1x16xf32> to vector<16xf32>
        %max3A_692 = arith.maximumf %max3A_683, %get3A_691 : vector<16xf32>
        %mul3A_693 = arith.constant 16 : i32
        %mul3A_694 = arith.muli %scan3A_66, %mul3A_693 : i32
        %add3A_695 = arith.constant 4 : i32
        %add3A_696 = arith.addi %mul3A_694, %add3A_695 : i32
        %get3A_697 = arith.index_cast %add3A_696 : i32 to index
        %get3A_698 = arith.constant 64 : index
        %get3A_699 = tpu.vector_load %arg7[%get3A_697, %get3A_698] {strides = array<i32>} : memref<128x128xf32, #tpu.memory_space<vmem>>, vector<1x16xf32>,
        %get3A_700 = vector.shape_cast %get3A_699 : vector<1x16xf32> to vector<16xf32>
        %max3A_701 = arith.maximumf %max3A_692, %get3A_700 : vector<16xf32>
        %mul3A_702 = arith.constant 16 : i32
        %mul3A_703 = arith.muli %scan3A_66, %mul3A_702 : i32
        %add3A_704 = arith.constant 5 : i32
        %add3A_705 = arith.addi %mul3A_703, %add3A_704 : i32
        %get3A_706 = arith.index_cast %add3A_705 : i32 to index
        %get3A_707 = arith.constant 64 : index
        %get3A_708 = tpu.vector_load %arg7[%get3A_706, %get3A_707] {strides = array<i32>} : memref<128x128xf32, #tpu.memory_space<vmem>>, vector<1x16xf32>,
        %get3A_709 = vector.shape_cast %get3A_708 : vector<1x16xf32> to vector<16xf32>
        %max3A_710 = arith.maximumf %max3A_701, %get3A_709 : vector<16xf32>
        %mul3A_711 = arith.constant 16 : i32
        %mul3A_712 = arith.muli %scan3A_66, %mul3A_711 : i32
        %add3A_713 = arith.constant 6 : i32
        %add3A_714 = arith.addi %mul3A_712, %add3A_713 : i32
        %get3A_715 = arith.index_cast %add3A_714 : i32 to index
        %get3A_716 = arith.constant 64 : index
        %get3A_717 = tpu.vector_load %arg7[%get3A_715, %get3A_716] {strides = array<i32>} : memref<128x128xf32, #tpu.memory_space<vmem>>, vector<1x16xf32>,
        %get3A_718 = vector.shape_cast %get3A_717 : vector<1x16xf32> to vector<16xf32>
        %max3A_719 = arith.maximumf %max3A_710, %get3A_718 : vector<16xf32>
        %mul3A_720 = arith.constant 16 : i32
        %mul3A_721 = arith.muli %scan3A_66, %mul3A_720 : i32
        %add3A_722 = arith.constant 7 : i32
        %add3A_723 = arith.addi %mul3A_721, %add3A_722 : i32
        %get3A_724 = arith.index_cast %add3A_723 : i32 to index
        %get3A_725 = arith.constant 64 : index
        %get3A_726 = tpu.vector_load %arg7[%get3A_724, %get3A_725] {strides = array<i32>} : memref<128x128xf32, #tpu.memory_space<vmem>>, vector<1x16xf32>,
        %get3A_727 = vector.shape_cast %get3A_726 : vector<1x16xf32> to vector<16xf32>
        %max3A_728 = arith.maximumf %max3A_719, %get3A_727 : vector<16xf32>
        %mul3A_729 = arith.constant 16 : i32
        %mul3A_730 = arith.muli %scan3A_66, %mul3A_729 : i32
        %add3A_731 = arith.constant 8 : i32
        %add3A_732 = arith.addi %mul3A_730, %add3A_731 : i32
        %get3A_733 = arith.index_cast %add3A_732 : i32 to index
        %get3A_734 = arith.constant 64 : index
        %get3A_735 = tpu.vector_load %arg7[%get3A_733, %get3A_734] {strides = array<i32>} : memref<128x128xf32, #tpu.memory_space<vmem>>, vector<1x16xf32>,
        %get3A_736 = vector.shape_cast %get3A_735 : vector<1x16xf32> to vector<16xf32>
        %max3A_737 = arith.maximumf %max3A_728, %get3A_736 : vector<16xf32>
        %mul3A_738 = arith.constant 16 : i32
        %mul3A_739 = arith.muli %scan3A_66, %mul3A_738 : i32
        %add3A_740 = arith.constant 9 : i32
        %add3A_741 = arith.addi %mul3A_739, %add3A_740 : i32
        %get3A_742 = arith.index_cast %add3A_741 : i32 to index
        %get3A_743 = arith.constant 64 : index
        %get3A_744 = tpu.vector_load %arg7[%get3A_742, %get3A_743] {strides = array<i32>} : memref<128x128xf32, #tpu.memory_space<vmem>>, vector<1x16xf32>,
        %get3A_745 = vector.shape_cast %get3A_744 : vector<1x16xf32> to vector<16xf32>
        %max3A_746 = arith.maximumf %max3A_737, %get3A_745 : vector<16xf32>
        %mul3A_747 = arith.constant 16 : i32
        %mul3A_748 = arith.muli %scan3A_66, %mul3A_747 : i32
        %add3A_749 = arith.constant 10 : i32
        %add3A_750 = arith.addi %mul3A_748, %add3A_749 : i32
        %get3A_751 = arith.index_cast %add3A_750 : i32 to index
        %get3A_752 = arith.constant 64 : index
        %get3A_753 = tpu.vector_load %arg7[%get3A_751, %get3A_752] {strides = array<i32>} : memref<128x128xf32, #tpu.memory_space<vmem>>, vector<1x16xf32>,
        %get3A_754 = vector.shape_cast %get3A_753 : vector<1x16xf32> to vector<16xf32>
        %max3A_755 = arith.maximumf %max3A_746, %get3A_754 : vector<16xf32>
        %mul3A_756 = arith.constant 16 : i32
        %mul3A_757 = arith.muli %scan3A_66, %mul3A_756 : i32
        %add3A_758 = arith.constant 11 : i32
        %add3A_759 = arith.addi %mul3A_757, %add3A_758 : i32
        %get3A_760 = arith.index_cast %add3A_759 : i32 to index
        %get3A_761 = arith.constant 64 : index
        %get3A_762 = tpu.vector_load %arg7[%get3A_760, %get3A_761] {strides = array<i32>} : memref<128x128xf32, #tpu.memory_space<vmem>>, vector<1x16xf32>,
        %get3A_763 = vector.shape_cast %get3A_762 : vector<1x16xf32> to vector<16xf32>
        %max3A_764 = arith.maximumf %max3A_755, %get3A_763 : vector<16xf32>
        %mul3A_765 = arith.constant 16 : i32
        %mul3A_766 = arith.muli %scan3A_66, %mul3A_765 : i32
        %add3A_767 = arith.constant 12 : i32
        %add3A_768 = arith.addi %mul3A_766, %add3A_767 : i32
        %get3A_769 = arith.index_cast %add3A_768 : i32 to index
        %get3A_770 = arith.constant 64 : index
        %get3A_771 = tpu.vector_load %arg7[%get3A_769, %get3A_770] {strides = array<i32>} : memref<128x128xf32, #tpu.memory_space<vmem>>, vector<1x16xf32>,
        %get3A_772 = vector.shape_cast %get3A_771 : vector<1x16xf32> to vector<16xf32>
        %max3A_773 = arith.maximumf %max3A_764, %get3A_772 : vector<16xf32>
        %mul3A_774 = arith.constant 16 : i32
        %mul3A_775 = arith.muli %scan3A_66, %mul3A_774 : i32
        %add3A_776 = arith.constant 13 : i32
        %add3A_777 = arith.addi %mul3A_775, %add3A_776 : i32
        %get3A_778 = arith.index_cast %add3A_777 : i32 to index
        %get3A_779 = arith.constant 64 : index
        %get3A_780 = tpu.vector_load %arg7[%get3A_778, %get3A_779] {strides = array<i32>} : memref<128x128xf32, #tpu.memory_space<vmem>>, vector<1x16xf32>,
        %get3A_781 = vector.shape_cast %get3A_780 : vector<1x16xf32> to vector<16xf32>
        %max3A_782 = arith.maximumf %max3A_773, %get3A_781 : vector<16xf32>
        %mul3A_783 = arith.constant 16 : i32
        %mul3A_784 = arith.muli %scan3A_66, %mul3A_783 : i32
        %add3A_785 = arith.constant 14 : i32
        %add3A_786 = arith.addi %mul3A_784, %add3A_785 : i32
        %get3A_787 = arith.index_cast %add3A_786 : i32 to index
        %get3A_788 = arith.constant 64 : index
        %get3A_789 = tpu.vector_load %arg7[%get3A_787, %get3A_788] {strides = array<i32>} : memref<128x128xf32, #tpu.memory_space<vmem>>, vector<1x16xf32>,
        %get3A_790 = vector.shape_cast %get3A_789 : vector<1x16xf32> to vector<16xf32>
        %max3A_791 = arith.maximumf %max3A_782, %get3A_790 : vector<16xf32>
        %mul3A_792 = arith.constant 16 : i32
        %mul3A_793 = arith.muli %scan3A_66, %mul3A_792 : i32
        %add3A_794 = arith.constant 15 : i32
        %add3A_795 = arith.addi %mul3A_793, %add3A_794 : i32
        %get3A_796 = arith.index_cast %add3A_795 : i32 to index
        %get3A_797 = arith.constant 64 : index
        %get3A_798 = tpu.vector_load %arg7[%get3A_796, %get3A_797] {strides = array<i32>} : memref<128x128xf32, #tpu.memory_space<vmem>>, vector<1x16xf32>,
        %get3A_799 = vector.shape_cast %get3A_798 : vector<1x16xf32> to vector<16xf32>
        %max3A_800 = arith.maximumf %max3A_791, %get3A_799 : vector<16xf32>
        %mul3A_801 = arith.constant 8 : i32
        %mul3A_802 = arith.muli %add3A_46, %mul3A_801 : i32
        %add3A_803 = arith.addi %mul3A_802, %scan3A_66 : i32
        %swap3A_804 = arith.index_cast %add3A_803 : i32 to index
        %swap3A_805 = arith.constant 64 : index
        %swap3A_806 = tpu.vector_load %arg8[%swap3A_804, %swap3A_805] {strides = array<i32>} : memref<512x128xf32, #tpu.memory_space<vmem>>, vector<1x16xf32>,
        %swap3A_807 = vector.shape_cast %swap3A_806 : vector<1x16xf32> to vector<16xf32>
        %swap3A_808 = vector.shape_cast %max3A_800 : vector<16xf32> to vector<1x16xf32>
        tpu.vector_store %arg8[%swap3A_804, %swap3A_805], %swap3A_808 {strides = array<i32>} : memref<512x128xf32, #tpu.memory_space<vmem>>, vector<1x16xf32>,
        %mul3A_809 = arith.constant 16 : i32
        %mul3A_810 = arith.muli %scan3A_66, %mul3A_809 : i32
        %get3A_811 = arith.index_cast %mul3A_810 : i32 to index
        %get3A_812 = arith.constant 80 : index
        %get3A_813 = tpu.vector_load %arg7[%get3A_811, %get3A_812] {strides = array<i32>} : memref<128x128xf32, #tpu.memory_space<vmem>>, vector<1x16xf32>,
        %get3A_814 = vector.shape_cast %get3A_813 : vector<1x16xf32> to vector<16xf32>
        %mul3A_815 = arith.constant 16 : i32
        %mul3A_816 = arith.muli %scan3A_66, %mul3A_815 : i32
        %add3A_817 = arith.constant 1 : i32
        %add3A_818 = arith.addi %mul3A_816, %add3A_817 : i32
        %get3A_819 = arith.index_cast %add3A_818 : i32 to index
        %get3A_820 = arith.constant 80 : index
        %get3A_821 = tpu.vector_load %arg7[%get3A_819, %get3A_820] {strides = array<i32>} : memref<128x128xf32, #tpu.memory_space<vmem>>, vector<1x16xf32>,
        %get3A_822 = vector.shape_cast %get3A_821 : vector<1x16xf32> to vector<16xf32>
        %max3A_823 = arith.maximumf %get3A_814, %get3A_822 : vector<16xf32>
        %mul3A_824 = arith.constant 16 : i32
        %mul3A_825 = arith.muli %scan3A_66, %mul3A_824 : i32
        %add3A_826 = arith.constant 2 : i32
        %add3A_827 = arith.addi %mul3A_825, %add3A_826 : i32
        %get3A_828 = arith.index_cast %add3A_827 : i32 to index
        %get3A_829 = arith.constant 80 : index
        %get3A_830 = tpu.vector_load %arg7[%get3A_828, %get3A_829] {strides = array<i32>} : memref<128x128xf32, #tpu.memory_space<vmem>>, vector<1x16xf32>,
        %get3A_831 = vector.shape_cast %get3A_830 : vector<1x16xf32> to vector<16xf32>
        %max3A_832 = arith.maximumf %max3A_823, %get3A_831 : vector<16xf32>
        %mul3A_833 = arith.constant 16 : i32
        %mul3A_834 = arith.muli %scan3A_66, %mul3A_833 : i32
        %add3A_835 = arith.constant 3 : i32
        %add3A_836 = arith.addi %mul3A_834, %add3A_835 : i32
        %get3A_837 = arith.index_cast %add3A_836 : i32 to index
        %get3A_838 = arith.constant 80 : index
        %get3A_839 = tpu.vector_load %arg7[%get3A_837, %get3A_838] {strides = array<i32>} : memref<128x128xf32, #tpu.memory_space<vmem>>, vector<1x16xf32>,
        %get3A_840 = vector.shape_cast %get3A_839 : vector<1x16xf32> to vector<16xf32>
        %max3A_841 = arith.maximumf %max3A_832, %get3A_840 : vector<16xf32>
        %mul3A_842 = arith.constant 16 : i32
        %mul3A_843 = arith.muli %scan3A_66, %mul3A_842 : i32
        %add3A_844 = arith.constant 4 : i32
        %add3A_845 = arith.addi %mul3A_843, %add3A_844 : i32
        %get3A_846 = arith.index_cast %add3A_845 : i32 to index
        %get3A_847 = arith.constant 80 : index
        %get3A_848 = tpu.vector_load %arg7[%get3A_846, %get3A_847] {strides = array<i32>} : memref<128x128xf32, #tpu.memory_space<vmem>>, vector<1x16xf32>,
        %get3A_849 = vector.shape_cast %get3A_848 : vector<1x16xf32> to vector<16xf32>
        %max3A_850 = arith.maximumf %max3A_841, %get3A_849 : vector<16xf32>
        %mul3A_851 = arith.constant 16 : i32
        %mul3A_852 = arith.muli %scan3A_66, %mul3A_851 : i32
        %add3A_853 = arith.constant 5 : i32
        %add3A_854 = arith.addi %mul3A_852, %add3A_853 : i32
        %get3A_855 = arith.index_cast %add3A_854 : i32 to index
        %get3A_856 = arith.constant 80 : index
        %get3A_857 = tpu.vector_load %arg7[%get3A_855, %get3A_856] {strides = array<i32>} : memref<128x128xf32, #tpu.memory_space<vmem>>, vector<1x16xf32>,
        %get3A_858 = vector.shape_cast %get3A_857 : vector<1x16xf32> to vector<16xf32>
        %max3A_859 = arith.maximumf %max3A_850, %get3A_858 : vector<16xf32>
        %mul3A_860 = arith.constant 16 : i32
        %mul3A_861 = arith.muli %scan3A_66, %mul3A_860 : i32
        %add3A_862 = arith.constant 6 : i32
        %add3A_863 = arith.addi %mul3A_861, %add3A_862 : i32
        %get3A_864 = arith.index_cast %add3A_863 : i32 to index
        %get3A_865 = arith.constant 80 : index
        %get3A_866 = tpu.vector_load %arg7[%get3A_864, %get3A_865] {strides = array<i32>} : memref<128x128xf32, #tpu.memory_space<vmem>>, vector<1x16xf32>,
        %get3A_867 = vector.shape_cast %get3A_866 : vector<1x16xf32> to vector<16xf32>
        %max3A_868 = arith.maximumf %max3A_859, %get3A_867 : vector<16xf32>
        %mul3A_869 = arith.constant 16 : i32
        %mul3A_870 = arith.muli %scan3A_66, %mul3A_869 : i32
        %add3A_871 = arith.constant 7 : i32
        %add3A_872 = arith.addi %mul3A_870, %add3A_871 : i32
        %get3A_873 = arith.index_cast %add3A_872 : i32 to index
        %get3A_874 = arith.constant 80 : index
        %get3A_875 = tpu.vector_load %arg7[%get3A_873, %get3A_874] {strides = array<i32>} : memref<128x128xf32, #tpu.memory_space<vmem>>, vector<1x16xf32>,
        %get3A_876 = vector.shape_cast %get3A_875 : vector<1x16xf32> to vector<16xf32>
        %max3A_877 = arith.maximumf %max3A_868, %get3A_876 : vector<16xf32>
        %mul3A_878 = arith.constant 16 : i32
        %mul3A_879 = arith.muli %scan3A_66, %mul3A_878 : i32
        %add3A_880 = arith.constant 8 : i32
        %add3A_881 = arith.addi %mul3A_879, %add3A_880 : i32
        %get3A_882 = arith.index_cast %add3A_881 : i32 to index
        %get3A_883 = arith.constant 80 : index
        %get3A_884 = tpu.vector_load %arg7[%get3A_882, %get3A_883] {strides = array<i32>} : memref<128x128xf32, #tpu.memory_space<vmem>>, vector<1x16xf32>,
        %get3A_885 = vector.shape_cast %get3A_884 : vector<1x16xf32> to vector<16xf32>
        %max3A_886 = arith.maximumf %max3A_877, %get3A_885 : vector<16xf32>
        %mul3A_887 = arith.constant 16 : i32
        %mul3A_888 = arith.muli %scan3A_66, %mul3A_887 : i32
        %add3A_889 = arith.constant 9 : i32
        %add3A_890 = arith.addi %mul3A_888, %add3A_889 : i32
        %get3A_891 = arith.index_cast %add3A_890 : i32 to index
        %get3A_892 = arith.constant 80 : index
        %get3A_893 = tpu.vector_load %arg7[%get3A_891, %get3A_892] {strides = array<i32>} : memref<128x128xf32, #tpu.memory_space<vmem>>, vector<1x16xf32>,
        %get3A_894 = vector.shape_cast %get3A_893 : vector<1x16xf32> to vector<16xf32>
        %max3A_895 = arith.maximumf %max3A_886, %get3A_894 : vector<16xf32>
        %mul3A_896 = arith.constant 16 : i32
        %mul3A_897 = arith.muli %scan3A_66, %mul3A_896 : i32
        %add3A_898 = arith.constant 10 : i32
        %add3A_899 = arith.addi %mul3A_897, %add3A_898 : i32
        %get3A_900 = arith.index_cast %add3A_899 : i32 to index
        %get3A_901 = arith.constant 80 : index
        %get3A_902 = tpu.vector_load %arg7[%get3A_900, %get3A_901] {strides = array<i32>} : memref<128x128xf32, #tpu.memory_space<vmem>>, vector<1x16xf32>,
        %get3A_903 = vector.shape_cast %get3A_902 : vector<1x16xf32> to vector<16xf32>
        %max3A_904 = arith.maximumf %max3A_895, %get3A_903 : vector<16xf32>
        %mul3A_905 = arith.constant 16 : i32
        %mul3A_906 = arith.muli %scan3A_66, %mul3A_905 : i32
        %add3A_907 = arith.constant 11 : i32
        %add3A_908 = arith.addi %mul3A_906, %add3A_907 : i32
        %get3A_909 = arith.index_cast %add3A_908 : i32 to index
        %get3A_910 = arith.constant 80 : index
        %get3A_911 = tpu.vector_load %arg7[%get3A_909, %get3A_910] {strides = array<i32>} : memref<128x128xf32, #tpu.memory_space<vmem>>, vector<1x16xf32>,
        %get3A_912 = vector.shape_cast %get3A_911 : vector<1x16xf32> to vector<16xf32>
        %max3A_913 = arith.maximumf %max3A_904, %get3A_912 : vector<16xf32>
        %mul3A_914 = arith.constant 16 : i32
        %mul3A_915 = arith.muli %scan3A_66, %mul3A_914 : i32
        %add3A_916 = arith.constant 12 : i32
        %add3A_917 = arith.addi %mul3A_915, %add3A_916 : i32
        %get3A_918 = arith.index_cast %add3A_917 : i32 to index
        %get3A_919 = arith.constant 80 : index
        %get3A_920 = tpu.vector_load %arg7[%get3A_918, %get3A_919] {strides = array<i32>} : memref<128x128xf32, #tpu.memory_space<vmem>>, vector<1x16xf32>,
        %get3A_921 = vector.shape_cast %get3A_920 : vector<1x16xf32> to vector<16xf32>
        %max3A_922 = arith.maximumf %max3A_913, %get3A_921 : vector<16xf32>
        %mul3A_923 = arith.constant 16 : i32
        %mul3A_924 = arith.muli %scan3A_66, %mul3A_923 : i32
        %add3A_925 = arith.constant 13 : i32
        %add3A_926 = arith.addi %mul3A_924, %add3A_925 : i32
        %get3A_927 = arith.index_cast %add3A_926 : i32 to index
        %get3A_928 = arith.constant 80 : index
        %get3A_929 = tpu.vector_load %arg7[%get3A_927, %get3A_928] {strides = array<i32>} : memref<128x128xf32, #tpu.memory_space<vmem>>, vector<1x16xf32>,
        %get3A_930 = vector.shape_cast %get3A_929 : vector<1x16xf32> to vector<16xf32>
        %max3A_931 = arith.maximumf %max3A_922, %get3A_930 : vector<16xf32>
        %mul3A_932 = arith.constant 16 : i32
        %mul3A_933 = arith.muli %scan3A_66, %mul3A_932 : i32
        %add3A_934 = arith.constant 14 : i32
        %add3A_935 = arith.addi %mul3A_933, %add3A_934 : i32
        %get3A_936 = arith.index_cast %add3A_935 : i32 to index
        %get3A_937 = arith.constant 80 : index
        %get3A_938 = tpu.vector_load %arg7[%get3A_936, %get3A_937] {strides = array<i32>} : memref<128x128xf32, #tpu.memory_space<vmem>>, vector<1x16xf32>,
        %get3A_939 = vector.shape_cast %get3A_938 : vector<1x16xf32> to vector<16xf32>
        %max3A_940 = arith.maximumf %max3A_931, %get3A_939 : vector<16xf32>
        %mul3A_941 = arith.constant 16 : i32
        %mul3A_942 = arith.muli %scan3A_66, %mul3A_941 : i32
        %add3A_943 = arith.constant 15 : i32
        %add3A_944 = arith.addi %mul3A_942, %add3A_943 : i32
        %get3A_945 = arith.index_cast %add3A_944 : i32 to index
        %get3A_946 = arith.constant 80 : index
        %get3A_947 = tpu.vector_load %arg7[%get3A_945, %get3A_946] {strides = array<i32>} : memref<128x128xf32, #tpu.memory_space<vmem>>, vector<1x16xf32>,
        %get3A_948 = vector.shape_cast %get3A_947 : vector<1x16xf32> to vector<16xf32>
        %max3A_949 = arith.maximumf %max3A_940, %get3A_948 : vector<16xf32>
        %mul3A_950 = arith.constant 8 : i32
        %mul3A_951 = arith.muli %add3A_46, %mul3A_950 : i32
        %add3A_952 = arith.addi %mul3A_951, %scan3A_66 : i32
        %swap3A_953 = arith.index_cast %add3A_952 : i32 to index
        %swap3A_954 = arith.constant 80 : index
        %swap3A_955 = tpu.vector_load %arg8[%swap3A_953, %swap3A_954] {strides = array<i32>} : memref<512x128xf32, #tpu.memory_space<vmem>>, vector<1x16xf32>,
        %swap3A_956 = vector.shape_cast %swap3A_955 : vector<1x16xf32> to vector<16xf32>
        %swap3A_957 = vector.shape_cast %max3A_949 : vector<16xf32> to vector<1x16xf32>
        tpu.vector_store %arg8[%swap3A_953, %swap3A_954], %swap3A_957 {strides = array<i32>} : memref<512x128xf32, #tpu.memory_space<vmem>>, vector<1x16xf32>,
        %mul3A_958 = arith.constant 16 : i32
        %mul3A_959 = arith.muli %scan3A_66, %mul3A_958 : i32
        %get3A_960 = arith.index_cast %mul3A_959 : i32 to index
        %get3A_961 = arith.constant 96 : index
        %get3A_962 = tpu.vector_load %arg7[%get3A_960, %get3A_961] {strides = array<i32>} : memref<128x128xf32, #tpu.memory_space<vmem>>, vector<1x16xf32>,
        %get3A_963 = vector.shape_cast %get3A_962 : vector<1x16xf32> to vector<16xf32>
        %mul3A_964 = arith.constant 16 : i32
        %mul3A_965 = arith.muli %scan3A_66, %mul3A_964 : i32
        %add3A_966 = arith.constant 1 : i32
        %add3A_967 = arith.addi %mul3A_965, %add3A_966 : i32
        %get3A_968 = arith.index_cast %add3A_967 : i32 to index
        %get3A_969 = arith.constant 96 : index
        %get3A_970 = tpu.vector_load %arg7[%get3A_968, %get3A_969] {strides = array<i32>} : memref<128x128xf32, #tpu.memory_space<vmem>>, vector<1x16xf32>,
        %get3A_971 = vector.shape_cast %get3A_970 : vector<1x16xf32> to vector<16xf32>
        %max3A_972 = arith.maximumf %get3A_963, %get3A_971 : vector<16xf32>
        %mul3A_973 = arith.constant 16 : i32
        %mul3A_974 = arith.muli %scan3A_66, %mul3A_973 : i32
        %add3A_975 = arith.constant 2 : i32
        %add3A_976 = arith.addi %mul3A_974, %add3A_975 : i32
        %get3A_977 = arith.index_cast %add3A_976 : i32 to index
        %get3A_978 = arith.constant 96 : index
        %get3A_979 = tpu.vector_load %arg7[%get3A_977, %get3A_978] {strides = array<i32>} : memref<128x128xf32, #tpu.memory_space<vmem>>, vector<1x16xf32>,
        %get3A_980 = vector.shape_cast %get3A_979 : vector<1x16xf32> to vector<16xf32>
        %max3A_981 = arith.maximumf %max3A_972, %get3A_980 : vector<16xf32>
        %mul3A_982 = arith.constant 16 : i32
        %mul3A_983 = arith.muli %scan3A_66, %mul3A_982 : i32
        %add3A_984 = arith.constant 3 : i32
        %add3A_985 = arith.addi %mul3A_983, %add3A_984 : i32
        %get3A_986 = arith.index_cast %add3A_985 : i32 to index
        %get3A_987 = arith.constant 96 : index
        %get3A_988 = tpu.vector_load %arg7[%get3A_986, %get3A_987] {strides = array<i32>} : memref<128x128xf32, #tpu.memory_space<vmem>>, vector<1x16xf32>,
        %get3A_989 = vector.shape_cast %get3A_988 : vector<1x16xf32> to vector<16xf32>
        %max3A_990 = arith.maximumf %max3A_981, %get3A_989 : vector<16xf32>
        %mul3A_991 = arith.constant 16 : i32
        %mul3A_992 = arith.muli %scan3A_66, %mul3A_991 : i32
        %add3A_993 = arith.constant 4 : i32
        %add3A_994 = arith.addi %mul3A_992, %add3A_993 : i32
        %get3A_995 = arith.index_cast %add3A_994 : i32 to index
        %get3A_996 = arith.constant 96 : index
        %get3A_997 = tpu.vector_load %arg7[%get3A_995, %get3A_996] {strides = array<i32>} : memref<128x128xf32, #tpu.memory_space<vmem>>, vector<1x16xf32>,
        %get3A_998 = vector.shape_cast %get3A_997 : vector<1x16xf32> to vector<16xf32>
        %max3A_999 = arith.maximumf %max3A_990, %get3A_998 : vector<16xf32>
        %mul3A_1000 = arith.constant 16 : i32
        %mul3A_1001 = arith.muli %scan3A_66, %mul3A_1000 : i32
        %add3A_1002 = arith.constant 5 : i32
        %add3A_1003 = arith.addi %mul3A_1001, %add3A_1002 : i32
        %get3A_1004 = arith.index_cast %add3A_1003 : i32 to index
        %get3A_1005 = arith.constant 96 : index
        %get3A_1006 = tpu.vector_load %arg7[%get3A_1004, %get3A_1005] {strides = array<i32>} : memref<128x128xf32, #tpu.memory_space<vmem>>, vector<1x16xf32>,
        %get3A_1007 = vector.shape_cast %get3A_1006 : vector<1x16xf32> to vector<16xf32>
        %max3A_1008 = arith.maximumf %max3A_999, %get3A_1007 : vector<16xf32>
        %mul3A_1009 = arith.constant 16 : i32
        %mul3A_1010 = arith.muli %scan3A_66, %mul3A_1009 : i32
        %add3A_1011 = arith.constant 6 : i32
        %add3A_1012 = arith.addi %mul3A_1010, %add3A_1011 : i32
        %get3A_1013 = arith.index_cast %add3A_1012 : i32 to index
        %get3A_1014 = arith.constant 96 : index
        %get3A_1015 = tpu.vector_load %arg7[%get3A_1013, %get3A_1014] {strides = array<i32>} : memref<128x128xf32, #tpu.memory_space<vmem>>, vector<1x16xf32>,
        %get3A_1016 = vector.shape_cast %get3A_1015 : vector<1x16xf32> to vector<16xf32>
        %max3A_1017 = arith.maximumf %max3A_1008, %get3A_1016 : vector<16xf32>
        %mul3A_1018 = arith.constant 16 : i32
        %mul3A_1019 = arith.muli %scan3A_66, %mul3A_1018 : i32
        %add3A_1020 = arith.constant 7 : i32
        %add3A_1021 = arith.addi %mul3A_1019, %add3A_1020 : i32
        %get3A_1022 = arith.index_cast %add3A_1021 : i32 to index
        %get3A_1023 = arith.constant 96 : index
        %get3A_1024 = tpu.vector_load %arg7[%get3A_1022, %get3A_1023] {strides = array<i32>} : memref<128x128xf32, #tpu.memory_space<vmem>>, vector<1x16xf32>,
        %get3A_1025 = vector.shape_cast %get3A_1024 : vector<1x16xf32> to vector<16xf32>
        %max3A_1026 = arith.maximumf %max3A_1017, %get3A_1025 : vector<16xf32>
        %mul3A_1027 = arith.constant 16 : i32
        %mul3A_1028 = arith.muli %scan3A_66, %mul3A_1027 : i32
        %add3A_1029 = arith.constant 8 : i32
        %add3A_1030 = arith.addi %mul3A_1028, %add3A_1029 : i32
        %get3A_1031 = arith.index_cast %add3A_1030 : i32 to index
        %get3A_1032 = arith.constant 96 : index
        %get3A_1033 = tpu.vector_load %arg7[%get3A_1031, %get3A_1032] {strides = array<i32>} : memref<128x128xf32, #tpu.memory_space<vmem>>, vector<1x16xf32>,
        %get3A_1034 = vector.shape_cast %get3A_1033 : vector<1x16xf32> to vector<16xf32>
        %max3A_1035 = arith.maximumf %max3A_1026, %get3A_1034 : vector<16xf32>
        %mul3A_1036 = arith.constant 16 : i32
        %mul3A_1037 = arith.muli %scan3A_66, %mul3A_1036 : i32
        %add3A_1038 = arith.constant 9 : i32
        %add3A_1039 = arith.addi %mul3A_1037, %add3A_1038 : i32
        %get3A_1040 = arith.index_cast %add3A_1039 : i32 to index
        %get3A_1041 = arith.constant 96 : index
        %get3A_1042 = tpu.vector_load %arg7[%get3A_1040, %get3A_1041] {strides = array<i32>} : memref<128x128xf32, #tpu.memory_space<vmem>>, vector<1x16xf32>,
        %get3A_1043 = vector.shape_cast %get3A_1042 : vector<1x16xf32> to vector<16xf32>
        %max3A_1044 = arith.maximumf %max3A_1035, %get3A_1043 : vector<16xf32>
        %mul3A_1045 = arith.constant 16 : i32
        %mul3A_1046 = arith.muli %scan3A_66, %mul3A_1045 : i32
        %add3A_1047 = arith.constant 10 : i32
        %add3A_1048 = arith.addi %mul3A_1046, %add3A_1047 : i32
        %get3A_1049 = arith.index_cast %add3A_1048 : i32 to index
        %get3A_1050 = arith.constant 96 : index
        %get3A_1051 = tpu.vector_load %arg7[%get3A_1049, %get3A_1050] {strides = array<i32>} : memref<128x128xf32, #tpu.memory_space<vmem>>, vector<1x16xf32>,
        %get3A_1052 = vector.shape_cast %get3A_1051 : vector<1x16xf32> to vector<16xf32>
        %max3A_1053 = arith.maximumf %max3A_1044, %get3A_1052 : vector<16xf32>
        %mul3A_1054 = arith.constant 16 : i32
        %mul3A_1055 = arith.muli %scan3A_66, %mul3A_1054 : i32
        %add3A_1056 = arith.constant 11 : i32
        %add3A_1057 = arith.addi %mul3A_1055, %add3A_1056 : i32
        %get3A_1058 = arith.index_cast %add3A_1057 : i32 to index
        %get3A_1059 = arith.constant 96 : index
        %get3A_1060 = tpu.vector_load %arg7[%get3A_1058, %get3A_1059] {strides = array<i32>} : memref<128x128xf32, #tpu.memory_space<vmem>>, vector<1x16xf32>,
        %get3A_1061 = vector.shape_cast %get3A_1060 : vector<1x16xf32> to vector<16xf32>
        %max3A_1062 = arith.maximumf %max3A_1053, %get3A_1061 : vector<16xf32>
        %mul3A_1063 = arith.constant 16 : i32
        %mul3A_1064 = arith.muli %scan3A_66, %mul3A_1063 : i32
        %add3A_1065 = arith.constant 12 : i32
        %add3A_1066 = arith.addi %mul3A_1064, %add3A_1065 : i32
        %get3A_1067 = arith.index_cast %add3A_1066 : i32 to index
        %get3A_1068 = arith.constant 96 : index
        %get3A_1069 = tpu.vector_load %arg7[%get3A_1067, %get3A_1068] {strides = array<i32>} : memref<128x128xf32, #tpu.memory_space<vmem>>, vector<1x16xf32>,
        %get3A_1070 = vector.shape_cast %get3A_1069 : vector<1x16xf32> to vector<16xf32>
        %max3A_1071 = arith.maximumf %max3A_1062, %get3A_1070 : vector<16xf32>
        %mul3A_1072 = arith.constant 16 : i32
        %mul3A_1073 = arith.muli %scan3A_66, %mul3A_1072 : i32
        %add3A_1074 = arith.constant 13 : i32
        %add3A_1075 = arith.addi %mul3A_1073, %add3A_1074 : i32
        %get3A_1076 = arith.index_cast %add3A_1075 : i32 to index
        %get3A_1077 = arith.constant 96 : index
        %get3A_1078 = tpu.vector_load %arg7[%get3A_1076, %get3A_1077] {strides = array<i32>} : memref<128x128xf32, #tpu.memory_space<vmem>>, vector<1x16xf32>,
        %get3A_1079 = vector.shape_cast %get3A_1078 : vector<1x16xf32> to vector<16xf32>
        %max3A_1080 = arith.maximumf %max3A_1071, %get3A_1079 : vector<16xf32>
        %mul3A_1081 = arith.constant 16 : i32
        %mul3A_1082 = arith.muli %scan3A_66, %mul3A_1081 : i32
        %add3A_1083 = arith.constant 14 : i32
        %add3A_1084 = arith.addi %mul3A_1082, %add3A_1083 : i32
        %get3A_1085 = arith.index_cast %add3A_1084 : i32 to index
        %get3A_1086 = arith.constant 96 : index
        %get3A_1087 = tpu.vector_load %arg7[%get3A_1085, %get3A_1086] {strides = array<i32>} : memref<128x128xf32, #tpu.memory_space<vmem>>, vector<1x16xf32>,
        %get3A_1088 = vector.shape_cast %get3A_1087 : vector<1x16xf32> to vector<16xf32>
        %max3A_1089 = arith.maximumf %max3A_1080, %get3A_1088 : vector<16xf32>
        %mul3A_1090 = arith.constant 16 : i32
        %mul3A_1091 = arith.muli %scan3A_66, %mul3A_1090 : i32
        %add3A_1092 = arith.constant 15 : i32
        %add3A_1093 = arith.addi %mul3A_1091, %add3A_1092 : i32
        %get3A_1094 = arith.index_cast %add3A_1093 : i32 to index
        %get3A_1095 = arith.constant 96 : index
        %get3A_1096 = tpu.vector_load %arg7[%get3A_1094, %get3A_1095] {strides = array<i32>} : memref<128x128xf32, #tpu.memory_space<vmem>>, vector<1x16xf32>,
        %get3A_1097 = vector.shape_cast %get3A_1096 : vector<1x16xf32> to vector<16xf32>
        %max3A_1098 = arith.maximumf %max3A_1089, %get3A_1097 : vector<16xf32>
        %mul3A_1099 = arith.constant 8 : i32
        %mul3A_1100 = arith.muli %add3A_46, %mul3A_1099 : i32
        %add3A_1101 = arith.addi %mul3A_1100, %scan3A_66 : i32
        %swap3A_1102 = arith.index_cast %add3A_1101 : i32 to index
        %swap3A_1103 = arith.constant 96 : index
        %swap3A_1104 = tpu.vector_load %arg8[%swap3A_1102, %swap3A_1103] {strides = array<i32>} : memref<512x128xf32, #tpu.memory_space<vmem>>, vector<1x16xf32>,
        %swap3A_1105 = vector.shape_cast %swap3A_1104 : vector<1x16xf32> to vector<16xf32>
        %swap3A_1106 = vector.shape_cast %max3A_1098 : vector<16xf32> to vector<1x16xf32>
        tpu.vector_store %arg8[%swap3A_1102, %swap3A_1103], %swap3A_1106 {strides = array<i32>} : memref<512x128xf32, #tpu.memory_space<vmem>>, vector<1x16xf32>,
        %mul3A_1107 = arith.constant 16 : i32
        %mul3A_1108 = arith.muli %scan3A_66, %mul3A_1107 : i32
        %get3A_1109 = arith.index_cast %mul3A_1108 : i32 to index
        %get3A_1110 = arith.constant 112 : index
        %get3A_1111 = tpu.vector_load %arg7[%get3A_1109, %get3A_1110] {strides = array<i32>} : memref<128x128xf32, #tpu.memory_space<vmem>>, vector<1x16xf32>,
        %get3A_1112 = vector.shape_cast %get3A_1111 : vector<1x16xf32> to vector<16xf32>
        %mul3A_1113 = arith.constant 16 : i32
        %mul3A_1114 = arith.muli %scan3A_66, %mul3A_1113 : i32
        %add3A_1115 = arith.constant 1 : i32
        %add3A_1116 = arith.addi %mul3A_1114, %add3A_1115 : i32
        %get3A_1117 = arith.index_cast %add3A_1116 : i32 to index
        %get3A_1118 = arith.constant 112 : index
        %get3A_1119 = tpu.vector_load %arg7[%get3A_1117, %get3A_1118] {strides = array<i32>} : memref<128x128xf32, #tpu.memory_space<vmem>>, vector<1x16xf32>,
        %get3A_1120 = vector.shape_cast %get3A_1119 : vector<1x16xf32> to vector<16xf32>
        %max3A_1121 = arith.maximumf %get3A_1112, %get3A_1120 : vector<16xf32>
        %mul3A_1122 = arith.constant 16 : i32
        %mul3A_1123 = arith.muli %scan3A_66, %mul3A_1122 : i32
        %add3A_1124 = arith.constant 2 : i32
        %add3A_1125 = arith.addi %mul3A_1123, %add3A_1124 : i32
        %get3A_1126 = arith.index_cast %add3A_1125 : i32 to index
        %get3A_1127 = arith.constant 112 : index
        %get3A_1128 = tpu.vector_load %arg7[%get3A_1126, %get3A_1127] {strides = array<i32>} : memref<128x128xf32, #tpu.memory_space<vmem>>, vector<1x16xf32>,
        %get3A_1129 = vector.shape_cast %get3A_1128 : vector<1x16xf32> to vector<16xf32>
        %max3A_1130 = arith.maximumf %max3A_1121, %get3A_1129 : vector<16xf32>
        %mul3A_1131 = arith.constant 16 : i32
        %mul3A_1132 = arith.muli %scan3A_66, %mul3A_1131 : i32
        %add3A_1133 = arith.constant 3 : i32
        %add3A_1134 = arith.addi %mul3A_1132, %add3A_1133 : i32
        %get3A_1135 = arith.index_cast %add3A_1134 : i32 to index
        %get3A_1136 = arith.constant 112 : index
        %get3A_1137 = tpu.vector_load %arg7[%get3A_1135, %get3A_1136] {strides = array<i32>} : memref<128x128xf32, #tpu.memory_space<vmem>>, vector<1x16xf32>,
        %get3A_1138 = vector.shape_cast %get3A_1137 : vector<1x16xf32> to vector<16xf32>
        %max3A_1139 = arith.maximumf %max3A_1130, %get3A_1138 : vector<16xf32>
        %mul3A_1140 = arith.constant 16 : i32
        %mul3A_1141 = arith.muli %scan3A_66, %mul3A_1140 : i32
        %add3A_1142 = arith.constant 4 : i32
        %add3A_1143 = arith.addi %mul3A_1141, %add3A_1142 : i32
        %get3A_1144 = arith.index_cast %add3A_1143 : i32 to index
        %get3A_1145 = arith.constant 112 : index
        %get3A_1146 = tpu.vector_load %arg7[%get3A_1144, %get3A_1145] {strides = array<i32>} : memref<128x128xf32, #tpu.memory_space<vmem>>, vector<1x16xf32>,
        %get3A_1147 = vector.shape_cast %get3A_1146 : vector<1x16xf32> to vector<16xf32>
        %max3A_1148 = arith.maximumf %max3A_1139, %get3A_1147 : vector<16xf32>
        %mul3A_1149 = arith.constant 16 : i32
        %mul3A_1150 = arith.muli %scan3A_66, %mul3A_1149 : i32
        %add3A_1151 = arith.constant 5 : i32
        %add3A_1152 = arith.addi %mul3A_1150, %add3A_1151 : i32
        %get3A_1153 = arith.index_cast %add3A_1152 : i32 to index
        %get3A_1154 = arith.constant 112 : index
        %get3A_1155 = tpu.vector_load %arg7[%get3A_1153, %get3A_1154] {strides = array<i32>} : memref<128x128xf32, #tpu.memory_space<vmem>>, vector<1x16xf32>,
        %get3A_1156 = vector.shape_cast %get3A_1155 : vector<1x16xf32> to vector<16xf32>
        %max3A_1157 = arith.maximumf %max3A_1148, %get3A_1156 : vector<16xf32>
        %mul3A_1158 = arith.constant 16 : i32
        %mul3A_1159 = arith.muli %scan3A_66, %mul3A_1158 : i32
        %add3A_1160 = arith.constant 6 : i32
        %add3A_1161 = arith.addi %mul3A_1159, %add3A_1160 : i32
        %get3A_1162 = arith.index_cast %add3A_1161 : i32 to index
        %get3A_1163 = arith.constant 112 : index
        %get3A_1164 = tpu.vector_load %arg7[%get3A_1162, %get3A_1163] {strides = array<i32>} : memref<128x128xf32, #tpu.memory_space<vmem>>, vector<1x16xf32>,
        %get3A_1165 = vector.shape_cast %get3A_1164 : vector<1x16xf32> to vector<16xf32>
        %max3A_1166 = arith.maximumf %max3A_1157, %get3A_1165 : vector<16xf32>
        %mul3A_1167 = arith.constant 16 : i32
        %mul3A_1168 = arith.muli %scan3A_66, %mul3A_1167 : i32
        %add3A_1169 = arith.constant 7 : i32
        %add3A_1170 = arith.addi %mul3A_1168, %add3A_1169 : i32
        %get3A_1171 = arith.index_cast %add3A_1170 : i32 to index
        %get3A_1172 = arith.constant 112 : index
        %get3A_1173 = tpu.vector_load %arg7[%get3A_1171, %get3A_1172] {strides = array<i32>} : memref<128x128xf32, #tpu.memory_space<vmem>>, vector<1x16xf32>,
        %get3A_1174 = vector.shape_cast %get3A_1173 : vector<1x16xf32> to vector<16xf32>
        %max3A_1175 = arith.maximumf %max3A_1166, %get3A_1174 : vector<16xf32>
        %mul3A_1176 = arith.constant 16 : i32
        %mul3A_1177 = arith.muli %scan3A_66, %mul3A_1176 : i32
        %add3A_1178 = arith.constant 8 : i32
        %add3A_1179 = arith.addi %mul3A_1177, %add3A_1178 : i32
        %get3A_1180 = arith.index_cast %add3A_1179 : i32 to index
        %get3A_1181 = arith.constant 112 : index
        %get3A_1182 = tpu.vector_load %arg7[%get3A_1180, %get3A_1181] {strides = array<i32>} : memref<128x128xf32, #tpu.memory_space<vmem>>, vector<1x16xf32>,
        %get3A_1183 = vector.shape_cast %get3A_1182 : vector<1x16xf32> to vector<16xf32>
        %max3A_1184 = arith.maximumf %max3A_1175, %get3A_1183 : vector<16xf32>
        %mul3A_1185 = arith.constant 16 : i32
        %mul3A_1186 = arith.muli %scan3A_66, %mul3A_1185 : i32
        %add3A_1187 = arith.constant 9 : i32
        %add3A_1188 = arith.addi %mul3A_1186, %add3A_1187 : i32
        %get3A_1189 = arith.index_cast %add3A_1188 : i32 to index
        %get3A_1190 = arith.constant 112 : index
        %get3A_1191 = tpu.vector_load %arg7[%get3A_1189, %get3A_1190] {strides = array<i32>} : memref<128x128xf32, #tpu.memory_space<vmem>>, vector<1x16xf32>,
        %get3A_1192 = vector.shape_cast %get3A_1191 : vector<1x16xf32> to vector<16xf32>
        %max3A_1193 = arith.maximumf %max3A_1184, %get3A_1192 : vector<16xf32>
        %mul3A_1194 = arith.constant 16 : i32
        %mul3A_1195 = arith.muli %scan3A_66, %mul3A_1194 : i32
        %add3A_1196 = arith.constant 10 : i32
        %add3A_1197 = arith.addi %mul3A_1195, %add3A_1196 : i32
        %get3A_1198 = arith.index_cast %add3A_1197 : i32 to index
        %get3A_1199 = arith.constant 112 : index
        %get3A_1200 = tpu.vector_load %arg7[%get3A_1198, %get3A_1199] {strides = array<i32>} : memref<128x128xf32, #tpu.memory_space<vmem>>, vector<1x16xf32>,
        %get3A_1201 = vector.shape_cast %get3A_1200 : vector<1x16xf32> to vector<16xf32>
        %max3A_1202 = arith.maximumf %max3A_1193, %get3A_1201 : vector<16xf32>
        %mul3A_1203 = arith.constant 16 : i32
        %mul3A_1204 = arith.muli %scan3A_66, %mul3A_1203 : i32
        %add3A_1205 = arith.constant 11 : i32
        %add3A_1206 = arith.addi %mul3A_1204, %add3A_1205 : i32
        %get3A_1207 = arith.index_cast %add3A_1206 : i32 to index
        %get3A_1208 = arith.constant 112 : index
        %get3A_1209 = tpu.vector_load %arg7[%get3A_1207, %get3A_1208] {strides = array<i32>} : memref<128x128xf32, #tpu.memory_space<vmem>>, vector<1x16xf32>,
        %get3A_1210 = vector.shape_cast %get3A_1209 : vector<1x16xf32> to vector<16xf32>
        %max3A_1211 = arith.maximumf %max3A_1202, %get3A_1210 : vector<16xf32>
        %mul3A_1212 = arith.constant 16 : i32
        %mul3A_1213 = arith.muli %scan3A_66, %mul3A_1212 : i32
        %add3A_1214 = arith.constant 12 : i32
        %add3A_1215 = arith.addi %mul3A_1213, %add3A_1214 : i32
        %get3A_1216 = arith.index_cast %add3A_1215 : i32 to index
        %get3A_1217 = arith.constant 112 : index
        %get3A_1218 = tpu.vector_load %arg7[%get3A_1216, %get3A_1217] {strides = array<i32>} : memref<128x128xf32, #tpu.memory_space<vmem>>, vector<1x16xf32>,
        %get3A_1219 = vector.shape_cast %get3A_1218 : vector<1x16xf32> to vector<16xf32>
        %max3A_1220 = arith.maximumf %max3A_1211, %get3A_1219 : vector<16xf32>
        %mul3A_1221 = arith.constant 16 : i32
        %mul3A_1222 = arith.muli %scan3A_66, %mul3A_1221 : i32
        %add3A_1223 = arith.constant 13 : i32
        %add3A_1224 = arith.addi %mul3A_1222, %add3A_1223 : i32
        %get3A_1225 = arith.index_cast %add3A_1224 : i32 to index
        %get3A_1226 = arith.constant 112 : index
        %get3A_1227 = tpu.vector_load %arg7[%get3A_1225, %get3A_1226] {strides = array<i32>} : memref<128x128xf32, #tpu.memory_space<vmem>>, vector<1x16xf32>,
        %get3A_1228 = vector.shape_cast %get3A_1227 : vector<1x16xf32> to vector<16xf32>
        %max3A_1229 = arith.maximumf %max3A_1220, %get3A_1228 : vector<16xf32>
        %mul3A_1230 = arith.constant 16 : i32
        %mul3A_1231 = arith.muli %scan3A_66, %mul3A_1230 : i32
        %add3A_1232 = arith.constant 14 : i32
        %add3A_1233 = arith.addi %mul3A_1231, %add3A_1232 : i32
        %get3A_1234 = arith.index_cast %add3A_1233 : i32 to index
        %get3A_1235 = arith.constant 112 : index
        %get3A_1236 = tpu.vector_load %arg7[%get3A_1234, %get3A_1235] {strides = array<i32>} : memref<128x128xf32, #tpu.memory_space<vmem>>, vector<1x16xf32>,
        %get3A_1237 = vector.shape_cast %get3A_1236 : vector<1x16xf32> to vector<16xf32>
        %max3A_1238 = arith.maximumf %max3A_1229, %get3A_1237 : vector<16xf32>
        %mul3A_1239 = arith.constant 16 : i32
        %mul3A_1240 = arith.muli %scan3A_66, %mul3A_1239 : i32
        %add3A_1241 = arith.constant 15 : i32
        %add3A_1242 = arith.addi %mul3A_1240, %add3A_1241 : i32
        %get3A_1243 = arith.index_cast %add3A_1242 : i32 to index
        %get3A_1244 = arith.constant 112 : index
        %get3A_1245 = tpu.vector_load %arg7[%get3A_1243, %get3A_1244] {strides = array<i32>} : memref<128x128xf32, #tpu.memory_space<vmem>>, vector<1x16xf32>,
        %get3A_1246 = vector.shape_cast %get3A_1245 : vector<1x16xf32> to vector<16xf32>
        %max3A_1247 = arith.maximumf %max3A_1238, %get3A_1246 : vector<16xf32>
        %mul3A_1248 = arith.constant 8 : i32
        %mul3A_1249 = arith.muli %add3A_46, %mul3A_1248 : i32
        %add3A_1250 = arith.addi %mul3A_1249, %scan3A_66 : i32
        %swap3A_1251 = arith.index_cast %add3A_1250 : i32 to index
        %swap3A_1252 = arith.constant 112 : index
        %swap3A_1253 = tpu.vector_load %arg8[%swap3A_1251, %swap3A_1252] {strides = array<i32>} : memref<512x128xf32, #tpu.memory_space<vmem>>, vector<1x16xf32>,
        %swap3A_1254 = vector.shape_cast %swap3A_1253 : vector<1x16xf32> to vector<16xf32>
        %swap3A_1255 = vector.shape_cast %max3A_1247 : vector<16xf32> to vector<1x16xf32>
        tpu.vector_store %arg8[%swap3A_1251, %swap3A_1252], %swap3A_1255 {strides = array<i32>} : memref<512x128xf32, #tpu.memory_space<vmem>>, vector<1x16xf32>,
      }
      %scan3A_58 = arith.constant 8 : i32
      %add3A_59 = arith.constant 2 : i32
      %add3A_60 = arith.addi %add3A_46, %add3A_59 : i32
      %lt3A_61 = arith.constant 64 : i32
      %lt3A_62 = arith.cmpi slt, %add3A_60, %lt3A_61 : i32
      %convert_element_type3A_63 = arith.extui %lt3A_62 : i1 to i32
      %cond3A_64 = arith.constant 0 : i32
      %cond3A_65 = arith.cmpi ne, %convert_element_type3A_63, %cond3A_64 : i32
      scf.if %cond3A_65 {
        %add3A_66 = arith.constant 2 : i32
        %add3A_67 = arith.addi %add3A_46, %add3A_66 : i32
        %dma_start3A_68 = arith.constant 0 : i32
        %dma_start3A_69 = tpu.memref_slice %arg5[%add3A_67, %dma_start3A_68] : memref<64x128xi32, #tpu.memory_space<vmem>> -> memref<1x128xi32, #tpu.memory_space<vmem>>
        %dma_start3A_70 = tpu.memref_squeeze %dma_start3A_69 : memref<1x128xi32, #tpu.memory_space<vmem>> -> memref<128xi32, #tpu.memory_space<vmem>>
        %dma_start3A_71 = arith.constant 0 : i32
        %dma_start3A_72 = arith.constant 0 : i32
        %dma_start3A_73 = tpu.memref_slice %arg2[%dma_start3A_71, %dma_start3A_72] : memref<16384x128xf32, #tpu.memory_space<hbm>> -> memref<16384x128xf32, #tpu.memory_space<hbm>>
        tpu.enqueue_indirect_dma source(%dma_start3A_73 : memref<16384x128xf32, #tpu.memory_space<hbm>>) target(%arg7 : memref<128x128xf32, #tpu.memory_space<vmem>>) offsets(%dma_start3A_70 : memref<128xi32, #tpu.memory_space<vmem>>) semaphore(%arg10 : memref<!tpu.dma_semaphore, #tpu.memory_space<semaphore_mem>>)
      } else {
      }
    }
    %scan3A_22 = arith.constant 32 : i32
    "tpu.region"() ({
      %run_scoped3A = tpu.sem_alloc : memref<!tpu.dma_semaphore, #tpu.memory_space<semaphore_mem>>
      %dma_start3A_23 = arith.constant 0 : i32
      %dma_start3A_24 = tpu.memref_slice %arg4[%mul3A_2, %dma_start3A_23] : memref<16384x128xf32, #tpu.memory_space<hbm>> -> memref<512x128xf32, #tpu.memory_space<hbm>>
      %dma_start3A_25 = arith.constant 0 : i32
      %dma_start3A_26 = tpu.memref_slice %arg4[%mul3A_2, %dma_start3A_25] : memref<16384x128xf32, #tpu.memory_space<hbm>> -> memref<512x128xf32, #tpu.memory_space<hbm>>
      tpu.enqueue_dma source(%arg8 : memref<512x128xf32, #tpu.memory_space<vmem>>) target(%dma_start3A_26 : memref<512x128xf32, #tpu.memory_space<hbm>>) target_semaphore(%run_scoped3A : memref<!tpu.dma_semaphore, #tpu.memory_space<semaphore_mem>>)
      %dma_wait3A = arith.constant 0 : i32
      %dma_wait3A_27 = tpu.memref_slice %arg4[%mul3A_2, %dma_wait3A] : memref<16384x128xf32, #tpu.memory_space<hbm>> -> memref<512x128xf32, #tpu.memory_space<hbm>>
      %dma_wait3A_28 = arith.constant 0 : i32
      %dma_wait3A_29 = tpu.memref_slice %arg4[%mul3A_2, %dma_wait3A_28] : memref<16384x128xf32, #tpu.memory_space<hbm>> -> memref<512x128xf32, #tpu.memory_space<hbm>>
      tpu.wait_dma2 semaphore(%run_scoped3A : memref<!tpu.dma_semaphore, #tpu.memory_space<semaphore_mem>>) src(%arg8 : memref<512x128xf32, #tpu.memory_space<vmem>>) dst(%dma_wait3A_29 : memref<512x128xf32, #tpu.memory_space<hbm>>)
      tpu.yield
    }) : () -> ()
    return
  }
}

module attributes {stable_mosaic.version = 14 : i64} {
  func.func @_knn_mlp1_body(%arg0: i32, %arg1: i32, %arg2: memref<1x2048x7xf32, #tpu.memory_space<vmem>>, %arg3: memref<1x7x2048xf32, #tpu.memory_space<vmem>>, %arg4: memref<64x56xf32, #tpu.memory_space<vmem>>, %arg5: memref<1x64xf32, #tpu.memory_space<vmem>>, %arg6: memref<64x64xf32, #tpu.memory_space<vmem>>, %arg7: memref<1x64xf32, #tpu.memory_space<vmem>>, %arg8: memref<64x64xf32, #tpu.memory_space<vmem>>, %arg9: memref<1x64xf32, #tpu.memory_space<vmem>>, %arg10: memref<1x32x128xf32, #tpu.memory_space<vmem>>, %arg11: memref<1x32x16xi32, #tpu.memory_space<vmem>>, %arg12: memref<32x2048xf32, #tpu.memory_space<vmem>>) attributes {dimension_semantics = [#tpu.dimension_semantics<arbitrary>, #tpu.dimension_semantics<arbitrary>], iteration_bounds = array<i64: 8, 64>, scalar_prefetch = 0 : i64, scratch_operands = 1 : i64, tpu.core_type = #tpu.core_type<tc>, window_params = [{transform_indices = @transform_0, window_bounds = array<i64: 1, 2048, 7>}, {transform_indices = @transform_1, window_bounds = array<i64: 1, 7, 2048>}, {pipeline_mode = #tpu.pipeline_mode<synchronous>, transform_indices = @transform_2, window_bounds = array<i64: 64, 56>}, {pipeline_mode = #tpu.pipeline_mode<synchronous>, transform_indices = @transform_3, window_bounds = array<i64: 1, 64>}, {pipeline_mode = #tpu.pipeline_mode<synchronous>, transform_indices = @transform_4, window_bounds = array<i64: 64, 64>}, {pipeline_mode = #tpu.pipeline_mode<synchronous>, transform_indices = @transform_5, window_bounds = array<i64: 1, 64>}, {pipeline_mode = #tpu.pipeline_mode<synchronous>, transform_indices = @transform_6, window_bounds = array<i64: 64, 64>}, {pipeline_mode = #tpu.pipeline_mode<synchronous>, transform_indices = @transform_7, window_bounds = array<i64: 1, 64>}, {transform_indices = @transform_8, window_bounds = array<i64: 1, 32, 128>}, {transform_indices = @transform_9, window_bounds = array<i64: 1, 32, 16>}]} {
    %get3A = arith.constant 0 : index
    %get3A_0 = arith.constant 0 : index
    %get3A_1 = arith.constant 0 : index
    %get3A_2 = vector.load %arg2[%get3A, %get3A_0, %get3A_1] : memref<1x2048x7xf32, #tpu.memory_space<vmem>>, vector<1x2048x7xf32>
    %get3A_3 = vector.shape_cast %get3A_2 : vector<1x2048x7xf32> to vector<2048x7xf32>
    %get3A_4 = arith.constant 0 : index
    %get3A_5 = arith.constant 0 : index
    %get3A_6 = arith.constant 0 : index
    %get3A_7 = vector.load %arg3[%get3A_4, %get3A_5, %get3A_6] : memref<1x7x2048xf32, #tpu.memory_space<vmem>>, vector<1x7x2048xf32>
    %get3A_8 = vector.shape_cast %get3A_7 : vector<1x7x2048xf32> to vector<7x2048xf32>
    %mul3A = arith.constant 32 : i32
    %mul3A_9 = arith.muli %arg1, %mul3A : i32
    %get3A_10 = arith.constant 0 : index
    %get3A_11 = arith.index_cast %mul3A_9 : i32 to index
    %get3A_12 = arith.constant 0 : index
    %get3A_13 = vector.load %arg2[%get3A_10, %get3A_11, %get3A_12] : memref<1x2048x7xf32, #tpu.memory_space<vmem>>, vector<1x32x7xf32>
    %get3A_14 = vector.shape_cast %get3A_13 : vector<1x32x7xf32> to vector<32x7xf32>
    %mul3A_15 = arith.mulf %get3A_8, %get3A_8 : vector<7x2048xf32>
    %reduce_sum3A = arith.constant dense<0.000000e+00> : vector<2048xf32>
    %reduce_sum3A_16 = vector.multi_reduction <add>, %mul3A_15, %reduce_sum3A [0] : vector<7x2048xf32> to vector<2048xf32>
    %broadcast_in_dim3A = vector.shape_cast %reduce_sum3A_16 : vector<2048xf32> to vector<1x2048xf32>
    %mul3A_17 = arith.mulf %get3A_14, %get3A_14 : vector<32x7xf32>
    %reduce_sum3A_18 = arith.constant dense<0.000000e+00> : vector<32xf32>
    %reduce_sum3A_19 = vector.multi_reduction <add>, %mul3A_17, %reduce_sum3A_18 [1] : vector<32x7xf32> to vector<32xf32>
    %dot_general3A = arith.constant dense<0.000000e+00> : vector<32x2048xf32>
    %dot_general3A_20 = tpu.matmul %get3A_14, %get3A_8, %dot_general3A {dimension_numbers = #tpu.dot_dimension_numbers<[1], [0], [0], [1], [0, 0, 1, 1], [], []>, precision = #tpu.contract_precision<fp32>, transpose_lhs_hint = false} : vector<32x7xf32>, vector<7x2048xf32>, vector<32x2048xf32> -> vector<32x2048xf32>
    %mul3A_21 = arith.constant -2.000000e+00 : f32
    %mul3A_22 = vector.broadcast %mul3A_21 : f32 to vector<32x2048xf32>
    %mul3A_23 = arith.mulf %mul3A_22, %dot_general3A_20 : vector<32x2048xf32>
    %neg3A = arith.constant 0.000000e+00 : f32
    %neg3A_24 = vector.broadcast %neg3A : f32 to vector<1x2048xf32>
    %neg3A_25 = arith.subf %neg3A_24, %broadcast_in_dim3A : vector<1x2048xf32>
    %sub3A = vector.broadcast %neg3A_25 : vector<1x2048xf32> to vector<32x2048xf32>
    %sub3A_26 = arith.subf %sub3A, %mul3A_23 : vector<32x2048xf32>
    %broadcast_in_dim3A_27 = vector.shape_cast %reduce_sum3A_19 : vector<32xf32> to vector<32x1xf32>
    %sub3A_28 = vector.broadcast %broadcast_in_dim3A_27 : vector<32x1xf32> to vector<32x2048xf32>
    %sub3A_29 = arith.subf %sub3A_26, %sub3A_28 : vector<32x2048xf32>
    %swap3A = arith.constant 0 : index
    %swap3A_30 = arith.constant 0 : index
    %swap3A_31 = vector.load %arg12[%swap3A, %swap3A_30] : memref<32x2048xf32, #tpu.memory_space<vmem>>, vector<32x2048xf32>
    tpu.vector_store %arg12[%swap3A, %swap3A_30], %sub3A_29 {strides = array<i32>} : memref<32x2048xf32, #tpu.memory_space<vmem>>, vector<32x2048xf32>,
    %iota3A = tpu.iota {dimensions = array<i32: 1>} : vector<32x2048xi32>
    %iota3A_32 = tpu.iota {dimensions = array<i32: 1>} : vector<32x16xi32>
    %broadcast_in_dim3A_33 = arith.constant 0 : i32
    %broadcast_in_dim3A_34 = vector.broadcast %broadcast_in_dim3A_33 : i32 to vector<32x16xi32>
    %scan3A = arith.constant 0xFF800000 : f32
    %scan3A_35 = arith.constant 0 : i32
    %scan3A_36 = arith.constant 16 : i32
    %scan3A_37 = arith.addi %scan3A_35, %scan3A_36 : i32
    %scan3A_38 = arith.constant 1 : i32
    %scan3A_39 = scf.for %scan3A_129 = %scan3A_35 to %scan3A_37 step %scan3A_38 iter_args(%scan3A_130 = %broadcast_in_dim3A_34) -> (vector<32x16xi32>)  : i32 {
      %get3A_131 = arith.constant 0 : index
      %get3A_132 = arith.constant 0 : index
      %get3A_133 = vector.load %arg12[%get3A_131, %get3A_132] : memref<32x2048xf32, #tpu.memory_space<vmem>>, vector<32x2048xf32>
      %reduce_max3A = arith.constant dense<0xFF800000> : vector<32xf32>
      %reduce_max3A_134 = vector.multi_reduction <maximumf>, %get3A_133, %reduce_max3A [1] : vector<32x2048xf32> to vector<32xf32>
      %broadcast_in_dim3A_135 = vector.shape_cast %reduce_max3A_134 : vector<32xf32> to vector<32x1xf32>
      %eq3A_136 = vector.broadcast %broadcast_in_dim3A_135 : vector<32x1xf32> to vector<32x2048xf32>
      %eq3A_137 = arith.cmpf oeq, %get3A_133, %eq3A_136 : vector<32x2048xf32>
      %jit3A = arith.constant 2048 : i32
      %broadcast_in_dim3A_138 = vector.broadcast %jit3A : i32 to vector<32x2048xi32>
      %select_n3A = arith.select %eq3A_137, %iota3A, %broadcast_in_dim3A_138 : vector<32x2048xi1>, vector<32x2048xi32>
      %reduce_min3A = arith.constant dense<2147483647> : vector<32xi32>
      %reduce_min3A_139 = vector.multi_reduction <minsi>, %select_n3A, %reduce_min3A [1] : vector<32x2048xi32> to vector<32xi32>
      %broadcast_in_dim3A_140 = vector.shape_cast %reduce_min3A_139 : vector<32xi32> to vector<32x1xi32>
      %eq3A_141 = vector.broadcast %broadcast_in_dim3A_140 : vector<32x1xi32> to vector<32x2048xi32>
      %eq3A_142 = arith.cmpi eq, %iota3A, %eq3A_141 : vector<32x2048xi32>
      %broadcast_in_dim3A_143 = vector.broadcast %scan3A : f32 to vector<32x2048xf32>
      %select_n3A_144 = arith.select %eq3A_142, %broadcast_in_dim3A_143, %get3A_133 : vector<32x2048xi1>, vector<32x2048xf32>
      %swap3A_145 = arith.constant 0 : index
      %swap3A_146 = arith.constant 0 : index
      %swap3A_147 = vector.load %arg12[%swap3A_145, %swap3A_146] : memref<32x2048xf32, #tpu.memory_space<vmem>>, vector<32x2048xf32>
      tpu.vector_store %arg12[%swap3A_145, %swap3A_146], %select_n3A_144 {strides = array<i32>} : memref<32x2048xf32, #tpu.memory_space<vmem>>, vector<32x2048xf32>,
      %eq3A_148 = vector.broadcast %scan3A_129 : i32 to vector<32x16xi32>
      %eq3A_149 = arith.cmpi eq, %iota3A_32, %eq3A_148 : vector<32x16xi32>
      %broadcast_in_dim3A_150 = vector.shape_cast %broadcast_in_dim3A_140 : vector<32x1xi32> to vector<32x1xi32>
      %broadcast_in_dim3A_151 = vector.broadcast %broadcast_in_dim3A_150 : vector<32x1xi32> to vector<32x16xi32>
      %select_n3A_152 = arith.select %eq3A_149, %broadcast_in_dim3A_151, %scan3A_130 : vector<32x16xi1>, vector<32x16xi32>
      scf.yield %select_n3A_152 : vector<32x16xi32>
    }
    %scan3A_40 = arith.constant 16 : i32
    %mul3A_41 = arith.constant 2048 : i32
    %mul3A_42 = arith.muli %arg0, %mul3A_41 : i32
    %add3A = vector.broadcast %mul3A_42 : i32 to vector<32x16xi32>
    %add3A_43 = arith.addi %scan3A_39, %add3A : vector<32x16xi32>
    %swap3A_44 = arith.constant 0 : index
    %swap3A_45 = arith.constant 0 : index
    %swap3A_46 = arith.constant 0 : index
    %swap3A_47 = vector.load %arg11[%swap3A_44, %swap3A_45, %swap3A_46] : memref<1x32x16xi32, #tpu.memory_space<vmem>>, vector<1x32x16xi32>
    %swap3A_48 = vector.shape_cast %swap3A_47 : vector<1x32x16xi32> to vector<32x16xi32>
    %swap3A_49 = vector.shape_cast %add3A_43 : vector<32x16xi32> to vector<1x32x16xi32>
    tpu.vector_store %arg11[%swap3A_44, %swap3A_45, %swap3A_46], %swap3A_49 {strides = array<i32>} : memref<1x32x16xi32, #tpu.memory_space<vmem>>, vector<1x32x16xi32>,
    %slice3A = vector.extract_strided_slice %scan3A_39 {offsets = [0, 0], sizes = [32, 1], strides = [1, 1]} : vector<32x16xi32> to vector<32x1xi32>
    %eq3A = vector.broadcast %slice3A : vector<32x1xi32> to vector<32x2048xi32>
    %eq3A_50 = arith.cmpi eq, %iota3A, %eq3A : vector<32x2048xi32>
    %convert_element_type3A = arith.extui %eq3A_50 : vector<32x2048xi1> to vector<32x2048xi32>
    %convert_element_type3A_51 = arith.sitofp %convert_element_type3A : vector<32x2048xi32> to vector<32x2048xf32>
    %slice3A_52 = vector.extract_strided_slice %scan3A_39 {offsets = [0, 1], sizes = [32, 1], strides = [1, 1]} : vector<32x16xi32> to vector<32x1xi32>
    %eq3A_53 = vector.broadcast %slice3A_52 : vector<32x1xi32> to vector<32x2048xi32>
    %eq3A_54 = arith.cmpi eq, %iota3A, %eq3A_53 : vector<32x2048xi32>
    %convert_element_type3A_55 = arith.extui %eq3A_54 : vector<32x2048xi1> to vector<32x2048xi32>
    %convert_element_type3A_56 = arith.sitofp %convert_element_type3A_55 : vector<32x2048xi32> to vector<32x2048xf32>
    %dot_general3A_57 = arith.constant dense<0.000000e+00> : vector<32x7xf32>
    %dot_general3A_58 = tpu.matmul %convert_element_type3A_51, %get3A_3, %dot_general3A_57 {dimension_numbers = #tpu.dot_dimension_numbers<[1], [0], [0], [1], [0, 0, 1, 1], [], []>, precision = #tpu.contract_precision<fp32>, transpose_lhs_hint = false} : vector<32x2048xf32>, vector<2048x7xf32>, vector<32x7xf32> -> vector<32x7xf32>
    %dot_general3A_59 = arith.constant dense<0.000000e+00> : vector<32x7xf32>
    %dot_general3A_60 = tpu.matmul %convert_element_type3A_56, %get3A_3, %dot_general3A_59 {dimension_numbers = #tpu.dot_dimension_numbers<[1], [0], [0], [1], [0, 0, 1, 1], [], []>, precision = #tpu.contract_precision<fp32>, transpose_lhs_hint = false} : vector<32x2048xf32>, vector<2048x7xf32>, vector<32x7xf32> -> vector<32x7xf32>
    %slice3A_61 = vector.extract_strided_slice %dot_general3A_58 {offsets = [0, 0], sizes = [32, 1], strides = [1, 1]} : vector<32x7xf32> to vector<32x1xf32>
    %mul3A_62 = vector.broadcast %slice3A_61 : vector<32x1xf32> to vector<32x7xf32>
    %mul3A_63 = arith.mulf %mul3A_62, %dot_general3A_60 : vector<32x7xf32>
    %slice3A_64 = vector.extract_strided_slice %dot_general3A_58 {offsets = [0, 1], sizes = [32, 1], strides = [1, 1]} : vector<32x7xf32> to vector<32x1xf32>
    %mul3A_65 = vector.broadcast %slice3A_64 : vector<32x1xf32> to vector<32x7xf32>
    %mul3A_66 = arith.mulf %mul3A_65, %dot_general3A_60 : vector<32x7xf32>
    %slice3A_67 = vector.extract_strided_slice %dot_general3A_58 {offsets = [0, 2], sizes = [32, 1], strides = [1, 1]} : vector<32x7xf32> to vector<32x1xf32>
    %mul3A_68 = vector.broadcast %slice3A_67 : vector<32x1xf32> to vector<32x7xf32>
    %mul3A_69 = arith.mulf %mul3A_68, %dot_general3A_60 : vector<32x7xf32>
    %slice3A_70 = vector.extract_strided_slice %dot_general3A_58 {offsets = [0, 3], sizes = [32, 1], strides = [1, 1]} : vector<32x7xf32> to vector<32x1xf32>
    %mul3A_71 = vector.broadcast %slice3A_70 : vector<32x1xf32> to vector<32x7xf32>
    %mul3A_72 = arith.mulf %mul3A_71, %dot_general3A_60 : vector<32x7xf32>
    %slice3A_73 = vector.extract_strided_slice %dot_general3A_58 {offsets = [0, 4], sizes = [32, 1], strides = [1, 1]} : vector<32x7xf32> to vector<32x1xf32>
    %mul3A_74 = vector.broadcast %slice3A_73 : vector<32x1xf32> to vector<32x7xf32>
    %mul3A_75 = arith.mulf %mul3A_74, %dot_general3A_60 : vector<32x7xf32>
    %slice3A_76 = vector.extract_strided_slice %dot_general3A_58 {offsets = [0, 5], sizes = [32, 1], strides = [1, 1]} : vector<32x7xf32> to vector<32x1xf32>
    %mul3A_77 = vector.broadcast %slice3A_76 : vector<32x1xf32> to vector<32x7xf32>
    %mul3A_78 = arith.mulf %mul3A_77, %dot_general3A_60 : vector<32x7xf32>
    %slice3A_79 = vector.extract_strided_slice %dot_general3A_58 {offsets = [0, 6], sizes = [32, 1], strides = [1, 1]} : vector<32x7xf32> to vector<32x1xf32>
    %mul3A_80 = vector.broadcast %slice3A_79 : vector<32x1xf32> to vector<32x7xf32>
    %mul3A_81 = arith.mulf %mul3A_80, %dot_general3A_60 : vector<32x7xf32>
    %concatenate3A = tpu.concatenate %get3A_14, %mul3A_63, %mul3A_66, %mul3A_69, %mul3A_72, %mul3A_75, %mul3A_78, %mul3A_81 in 1 : vector<32x7xf32>, vector<32x7xf32>, vector<32x7xf32>, vector<32x7xf32>, vector<32x7xf32>, vector<32x7xf32>, vector<32x7xf32>, vector<32x7xf32> -> vector<32x56xf32>
    %get3A_82 = arith.constant 0 : index
    %get3A_83 = arith.constant 0 : index
    %get3A_84 = vector.load %arg4[%get3A_82, %get3A_83] : memref<64x56xf32, #tpu.memory_space<vmem>>, vector<64x56xf32>
    %dot_general3A_85 = arith.constant dense<0.000000e+00> : vector<32x64xf32>
    %dot_general3A_86 = tpu.matmul %concatenate3A, %get3A_84, %dot_general3A_85 {dimension_numbers = #tpu.dot_dimension_numbers<[1], [1], [0], [0], [0, 0, 1, 0], [], []>, precision = #tpu.contract_precision<fp32>, transpose_lhs_hint = false} : vector<32x56xf32>, vector<64x56xf32>, vector<32x64xf32> -> vector<32x64xf32>
    %get3A_87 = arith.constant 0 : index
    %get3A_88 = arith.constant 0 : index
    %get3A_89 = vector.load %arg5[%get3A_87, %get3A_88] : memref<1x64xf32, #tpu.memory_space<vmem>>, vector<1x64xf32>
    %add3A_90 = vector.broadcast %get3A_89 : vector<1x64xf32> to vector<32x64xf32>
    %add3A_91 = arith.addf %dot_general3A_86, %add3A_90 : vector<32x64xf32>
    %max3A = arith.constant 0.000000e+00 : f32
    %max3A_92 = vector.broadcast %max3A : f32 to vector<32x64xf32>
    %max3A_93 = arith.maximumf %add3A_91, %max3A_92 : vector<32x64xf32>
    %get3A_94 = arith.constant 0 : index
    %get3A_95 = arith.constant 0 : index
    %get3A_96 = vector.load %arg6[%get3A_94, %get3A_95] : memref<64x64xf32, #tpu.memory_space<vmem>>, vector<64x64xf32>
    %dot_general3A_97 = arith.constant dense<0.000000e+00> : vector<32x64xf32>
    %dot_general3A_98 = tpu.matmul %max3A_93, %get3A_96, %dot_general3A_97 {dimension_numbers = #tpu.dot_dimension_numbers<[1], [1], [0], [0], [0, 0, 1, 0], [], []>, precision = #tpu.contract_precision<fp32>, transpose_lhs_hint = false} : vector<32x64xf32>, vector<64x64xf32>, vector<32x64xf32> -> vector<32x64xf32>
    %get3A_99 = arith.constant 0 : index
    %get3A_100 = arith.constant 0 : index
    %get3A_101 = vector.load %arg7[%get3A_99, %get3A_100] : memref<1x64xf32, #tpu.memory_space<vmem>>, vector<1x64xf32>
    %add3A_102 = vector.broadcast %get3A_101 : vector<1x64xf32> to vector<32x64xf32>
    %add3A_103 = arith.addf %dot_general3A_98, %add3A_102 : vector<32x64xf32>
    %max3A_104 = arith.constant 0.000000e+00 : f32
    %max3A_105 = vector.broadcast %max3A_104 : f32 to vector<32x64xf32>
    %max3A_106 = arith.maximumf %add3A_103, %max3A_105 : vector<32x64xf32>
    %get3A_107 = arith.constant 0 : index
    %get3A_108 = arith.constant 0 : index
    %get3A_109 = vector.load %arg8[%get3A_107, %get3A_108] : memref<64x64xf32, #tpu.memory_space<vmem>>, vector<64x64xf32>
    %dot_general3A_110 = arith.constant dense<0.000000e+00> : vector<32x64xf32>
    %dot_general3A_111 = tpu.matmul %max3A_106, %get3A_109, %dot_general3A_110 {dimension_numbers = #tpu.dot_dimension_numbers<[1], [1], [0], [0], [0, 0, 1, 0], [], []>, precision = #tpu.contract_precision<fp32>, transpose_lhs_hint = false} : vector<32x64xf32>, vector<64x64xf32>, vector<32x64xf32> -> vector<32x64xf32>
    %get3A_112 = arith.constant 0 : index
    %get3A_113 = arith.constant 0 : index
    %get3A_114 = vector.load %arg9[%get3A_112, %get3A_113] : memref<1x64xf32, #tpu.memory_space<vmem>>, vector<1x64xf32>
    %add3A_115 = vector.broadcast %get3A_114 : vector<1x64xf32> to vector<32x64xf32>
    %add3A_116 = arith.addf %dot_general3A_111, %add3A_115 : vector<32x64xf32>
    %max3A_117 = arith.constant 0.000000e+00 : f32
    %max3A_118 = vector.broadcast %max3A_117 : f32 to vector<32x64xf32>
    %max3A_119 = arith.maximumf %add3A_116, %max3A_118 : vector<32x64xf32>
    %broadcast_in_dim3A_120 = arith.constant 0.000000e+00 : f32
    %broadcast_in_dim3A_121 = vector.broadcast %broadcast_in_dim3A_120 : f32 to vector<32x64xf32>
    %concatenate3A_122 = tpu.concatenate %max3A_119, %broadcast_in_dim3A_121 in 1 : vector<32x64xf32>, vector<32x64xf32> -> vector<32x128xf32>
    %swap3A_123 = arith.constant 0 : index
    %swap3A_124 = arith.constant 0 : index
    %swap3A_125 = arith.constant 0 : index
    %swap3A_126 = vector.load %arg10[%swap3A_123, %swap3A_124, %swap3A_125] : memref<1x32x128xf32, #tpu.memory_space<vmem>>, vector<1x32x128xf32>
    %swap3A_127 = vector.shape_cast %swap3A_126 : vector<1x32x128xf32> to vector<32x128xf32>
    %swap3A_128 = vector.shape_cast %concatenate3A_122 : vector<32x128xf32> to vector<1x32x128xf32>
    tpu.vector_store %arg10[%swap3A_123, %swap3A_124, %swap3A_125], %swap3A_128 {strides = array<i32>} : memref<1x32x128xf32, #tpu.memory_space<vmem>>, vector<1x32x128xf32>,
    return
  }
  func.func @transform_0(%arg0: i32, %arg1: i32) -> (i32, i32, i32) {
    %c0_i32 = arith.constant 0 : i32
    %c0_i32_0 = arith.constant 0 : i32
    %c0_i32_1 = arith.constant 0 : i32
    return %arg0, %c0_i32, %c0_i32_0 : i32, i32, i32
  }
  func.func @transform_1(%arg0: i32, %arg1: i32) -> (i32, i32, i32) {
    %c0_i32 = arith.constant 0 : i32
    %c0_i32_0 = arith.constant 0 : i32
    %c0_i32_1 = arith.constant 0 : i32
    return %arg0, %c0_i32, %c0_i32_0 : i32, i32, i32
  }
  func.func @transform_2(%arg0: i32, %arg1: i32) -> (i32, i32) {
    %c0_i32 = arith.constant 0 : i32
    %c0_i32_0 = arith.constant 0 : i32
    %c0_i32_1 = arith.constant 0 : i32
    return %c0_i32, %c0_i32_0 : i32, i32
  }
  func.func @transform_3(%arg0: i32, %arg1: i32) -> (i32, i32) {
    %c0_i32 = arith.constant 0 : i32
    %c0_i32_0 = arith.constant 0 : i32
    %c0_i32_1 = arith.constant 0 : i32
    return %c0_i32, %c0_i32_0 : i32, i32
  }
  func.func @transform_4(%arg0: i32, %arg1: i32) -> (i32, i32) {
    %c0_i32 = arith.constant 0 : i32
    %c0_i32_0 = arith.constant 0 : i32
    %c0_i32_1 = arith.constant 0 : i32
    return %c0_i32, %c0_i32_0 : i32, i32
  }
  func.func @transform_5(%arg0: i32, %arg1: i32) -> (i32, i32) {
    %c0_i32 = arith.constant 0 : i32
    %c0_i32_0 = arith.constant 0 : i32
    %c0_i32_1 = arith.constant 0 : i32
    return %c0_i32, %c0_i32_0 : i32, i32
  }
  func.func @transform_6(%arg0: i32, %arg1: i32) -> (i32, i32) {
    %c0_i32 = arith.constant 0 : i32
    %c0_i32_0 = arith.constant 0 : i32
    %c0_i32_1 = arith.constant 0 : i32
    return %c0_i32, %c0_i32_0 : i32, i32
  }
  func.func @transform_7(%arg0: i32, %arg1: i32) -> (i32, i32) {
    %c0_i32 = arith.constant 0 : i32
    %c0_i32_0 = arith.constant 0 : i32
    %c0_i32_1 = arith.constant 0 : i32
    return %c0_i32, %c0_i32_0 : i32, i32
  }
  func.func @transform_8(%arg0: i32, %arg1: i32) -> (i32, i32, i32) {
    %c0_i32 = arith.constant 0 : i32
    %c0_i32_0 = arith.constant 0 : i32
    return %arg0, %arg1, %c0_i32 : i32, i32, i32
  }
  func.func @transform_9(%arg0: i32, %arg1: i32) -> (i32, i32, i32) {
    %c0_i32 = arith.constant 0 : i32
    %c0_i32_0 = arith.constant 0 : i32
    return %arg0, %arg1, %c0_i32 : i32, i32, i32
  }
}

module attributes {stable_mosaic.version = 14 : i64} {
  func.func @_mlp2_body(%arg0: i32, %arg1: memref<2048x128xf32, #tpu.memory_space<vmem>>, %arg2: memref<64x64xf32, #tpu.memory_space<vmem>>, %arg3: memref<1x64xf32, #tpu.memory_space<vmem>>, %arg4: memref<128x64xf32, #tpu.memory_space<vmem>>, %arg5: memref<1x128xf32, #tpu.memory_space<vmem>>, %arg6: memref<2048x128xf32, #tpu.memory_space<vmem>>) attributes {dimension_semantics = [#tpu.dimension_semantics<arbitrary>], iteration_bounds = array<i64: 8>, scalar_prefetch = 0 : i64, scratch_operands = 0 : i64, tpu.core_type = #tpu.core_type<tc>, window_params = [{transform_indices = @transform_0, window_bounds = array<i64: 2048, 128>}, {pipeline_mode = #tpu.pipeline_mode<synchronous>, transform_indices = @transform_1, window_bounds = array<i64: 64, 64>}, {pipeline_mode = #tpu.pipeline_mode<synchronous>, transform_indices = @transform_2, window_bounds = array<i64: 1, 64>}, {pipeline_mode = #tpu.pipeline_mode<synchronous>, transform_indices = @transform_3, window_bounds = array<i64: 128, 64>}, {pipeline_mode = #tpu.pipeline_mode<synchronous>, transform_indices = @transform_4, window_bounds = array<i64: 1, 128>}, {transform_indices = @transform_5, window_bounds = array<i64: 2048, 128>}]} {
    %get3A = arith.constant 0 : index
    %get3A_0 = arith.constant 0 : index
    %get3A_1 = vector.load %arg1[%get3A, %get3A_0] : memref<2048x128xf32, #tpu.memory_space<vmem>>, vector<2048x64xf32>
    %get3A_2 = arith.constant 0 : index
    %get3A_3 = arith.constant 0 : index
    %get3A_4 = vector.load %arg2[%get3A_2, %get3A_3] : memref<64x64xf32, #tpu.memory_space<vmem>>, vector<64x64xf32>
    %dot_general3A = arith.constant dense<0.000000e+00> : vector<2048x64xf32>
    %dot_general3A_5 = tpu.matmul %get3A_1, %get3A_4, %dot_general3A {dimension_numbers = #tpu.dot_dimension_numbers<[1], [1], [0], [0], [0, 0, 1, 0], [], []>, precision = #tpu.contract_precision<fp32>, transpose_lhs_hint = false} : vector<2048x64xf32>, vector<64x64xf32>, vector<2048x64xf32> -> vector<2048x64xf32>
    %get3A_6 = arith.constant 0 : index
    %get3A_7 = arith.constant 0 : index
    %get3A_8 = vector.load %arg3[%get3A_6, %get3A_7] : memref<1x64xf32, #tpu.memory_space<vmem>>, vector<1x64xf32>
    %add3A = vector.broadcast %get3A_8 : vector<1x64xf32> to vector<2048x64xf32>
    %add3A_9 = arith.addf %dot_general3A_5, %add3A : vector<2048x64xf32>
    %get3A_10 = arith.constant 0 : index
    %get3A_11 = arith.constant 0 : index
    %get3A_12 = vector.load %arg4[%get3A_10, %get3A_11] : memref<128x64xf32, #tpu.memory_space<vmem>>, vector<128x64xf32>
    %dot_general3A_13 = arith.constant dense<0.000000e+00> : vector<2048x128xf32>
    %dot_general3A_14 = tpu.matmul %add3A_9, %get3A_12, %dot_general3A_13 {dimension_numbers = #tpu.dot_dimension_numbers<[1], [1], [0], [0], [0, 0, 1, 0], [], []>, precision = #tpu.contract_precision<fp32>, transpose_lhs_hint = false} : vector<2048x64xf32>, vector<128x64xf32>, vector<2048x128xf32> -> vector<2048x128xf32>
    %get3A_15 = arith.constant 0 : index
    %get3A_16 = arith.constant 0 : index
    %get3A_17 = vector.load %arg5[%get3A_15, %get3A_16] : memref<1x128xf32, #tpu.memory_space<vmem>>, vector<1x128xf32>
    %add3A_18 = vector.broadcast %get3A_17 : vector<1x128xf32> to vector<2048x128xf32>
    %add3A_19 = arith.addf %dot_general3A_14, %add3A_18 : vector<2048x128xf32>
    %max3A = arith.constant 0.000000e+00 : f32
    %max3A_20 = vector.broadcast %max3A : f32 to vector<2048x128xf32>
    %max3A_21 = arith.maximumf %add3A_19, %max3A_20 : vector<2048x128xf32>
    %swap3A = arith.constant 0 : index
    %swap3A_22 = arith.constant 0 : index
    %swap3A_23 = vector.load %arg6[%swap3A, %swap3A_22] : memref<2048x128xf32, #tpu.memory_space<vmem>>, vector<2048x128xf32>
    tpu.vector_store %arg6[%swap3A, %swap3A_22], %max3A_21 {strides = array<i32>} : memref<2048x128xf32, #tpu.memory_space<vmem>>, vector<2048x128xf32>,
    return
  }
  func.func @transform_0(%arg0: i32) -> (i32, i32) {
    %c0_i32 = arith.constant 0 : i32
    %c0_i32_0 = arith.constant 0 : i32
    return %arg0, %c0_i32 : i32, i32
  }
  func.func @transform_1(%arg0: i32) -> (i32, i32) {
    %c0_i32 = arith.constant 0 : i32
    %c0_i32_0 = arith.constant 0 : i32
    %c0_i32_1 = arith.constant 0 : i32
    return %c0_i32, %c0_i32_0 : i32, i32
  }
  func.func @transform_2(%arg0: i32) -> (i32, i32) {
    %c0_i32 = arith.constant 0 : i32
    %c0_i32_0 = arith.constant 0 : i32
    %c0_i32_1 = arith.constant 0 : i32
    return %c0_i32, %c0_i32_0 : i32, i32
  }
  func.func @transform_3(%arg0: i32) -> (i32, i32) {
    %c0_i32 = arith.constant 0 : i32
    %c0_i32_0 = arith.constant 0 : i32
    %c0_i32_1 = arith.constant 0 : i32
    return %c0_i32, %c0_i32_0 : i32, i32
  }
  func.func @transform_4(%arg0: i32) -> (i32, i32) {
    %c0_i32 = arith.constant 0 : i32
    %c0_i32_0 = arith.constant 0 : i32
    %c0_i32_1 = arith.constant 0 : i32
    return %c0_i32, %c0_i32_0 : i32, i32
  }
  func.func @transform_5(%arg0: i32) -> (i32, i32) {
    %c0_i32 = arith.constant 0 : i32
    %c0_i32_0 = arith.constant 0 : i32
    return %arg0, %c0_i32 : i32, i32
  }
}

module attributes {stable_mosaic.version = 14 : i64} {
  func.func @_mlp3_body(%arg0: i32, %arg1: memref<2048x128xf32, #tpu.memory_space<vmem>>, %arg2: memref<128x128xf32, #tpu.memory_space<vmem>>, %arg3: memref<1x128xf32, #tpu.memory_space<vmem>>, %arg4: memref<512x128xf32, #tpu.memory_space<vmem>>, %arg5: memref<1x512xf32, #tpu.memory_space<vmem>>, %arg6: memref<2048x512xf32, #tpu.memory_space<vmem>>) attributes {dimension_semantics = [#tpu.dimension_semantics<arbitrary>], iteration_bounds = array<i64: 8>, scalar_prefetch = 0 : i64, scratch_operands = 0 : i64, tpu.core_type = #tpu.core_type<tc>, window_params = [{transform_indices = @transform_0, window_bounds = array<i64: 2048, 128>}, {pipeline_mode = #tpu.pipeline_mode<synchronous>, transform_indices = @transform_1, window_bounds = array<i64: 128, 128>}, {pipeline_mode = #tpu.pipeline_mode<synchronous>, transform_indices = @transform_2, window_bounds = array<i64: 1, 128>}, {pipeline_mode = #tpu.pipeline_mode<synchronous>, transform_indices = @transform_3, window_bounds = array<i64: 512, 128>}, {pipeline_mode = #tpu.pipeline_mode<synchronous>, transform_indices = @transform_4, window_bounds = array<i64: 1, 512>}, {transform_indices = @transform_5, window_bounds = array<i64: 2048, 512>}]} {
    %get3A = arith.constant 0 : index
    %get3A_0 = arith.constant 0 : index
    %get3A_1 = vector.load %arg1[%get3A, %get3A_0] : memref<2048x128xf32, #tpu.memory_space<vmem>>, vector<2048x128xf32>
    %get3A_2 = arith.constant 0 : index
    %get3A_3 = arith.constant 0 : index
    %get3A_4 = vector.load %arg2[%get3A_2, %get3A_3] : memref<128x128xf32, #tpu.memory_space<vmem>>, vector<128x128xf32>
    %dot_general3A = arith.constant dense<0.000000e+00> : vector<2048x128xf32>
    %dot_general3A_5 = tpu.matmul %get3A_1, %get3A_4, %dot_general3A {dimension_numbers = #tpu.dot_dimension_numbers<[1], [1], [0], [0], [0, 0, 1, 0], [], []>, precision = #tpu.contract_precision<fp32>, transpose_lhs_hint = false} : vector<2048x128xf32>, vector<128x128xf32>, vector<2048x128xf32> -> vector<2048x128xf32>
    %get3A_6 = arith.constant 0 : index
    %get3A_7 = arith.constant 0 : index
    %get3A_8 = vector.load %arg3[%get3A_6, %get3A_7] : memref<1x128xf32, #tpu.memory_space<vmem>>, vector<1x128xf32>
    %add3A = vector.broadcast %get3A_8 : vector<1x128xf32> to vector<2048x128xf32>
    %add3A_9 = arith.addf %dot_general3A_5, %add3A : vector<2048x128xf32>
    %get3A_10 = arith.constant 0 : index
    %get3A_11 = arith.constant 0 : index
    %get3A_12 = vector.load %arg4[%get3A_10, %get3A_11] : memref<512x128xf32, #tpu.memory_space<vmem>>, vector<512x128xf32>
    %dot_general3A_13 = arith.constant dense<0.000000e+00> : vector<2048x512xf32>
    %dot_general3A_14 = tpu.matmul %add3A_9, %get3A_12, %dot_general3A_13 {dimension_numbers = #tpu.dot_dimension_numbers<[1], [1], [0], [0], [0, 0, 1, 0], [], []>, precision = #tpu.contract_precision<fp32>, transpose_lhs_hint = false} : vector<2048x128xf32>, vector<512x128xf32>, vector<2048x512xf32> -> vector<2048x512xf32>
    %get3A_15 = arith.constant 0 : index
    %get3A_16 = arith.constant 0 : index
    %get3A_17 = vector.load %arg5[%get3A_15, %get3A_16] : memref<1x512xf32, #tpu.memory_space<vmem>>, vector<1x512xf32>
    %add3A_18 = vector.broadcast %get3A_17 : vector<1x512xf32> to vector<2048x512xf32>
    %add3A_19 = arith.addf %dot_general3A_14, %add3A_18 : vector<2048x512xf32>
    %swap3A = arith.constant 0 : index
    %swap3A_20 = arith.constant 0 : index
    %swap3A_21 = vector.load %arg6[%swap3A, %swap3A_20] : memref<2048x512xf32, #tpu.memory_space<vmem>>, vector<2048x512xf32>
    tpu.vector_store %arg6[%swap3A, %swap3A_20], %add3A_19 {strides = array<i32>} : memref<2048x512xf32, #tpu.memory_space<vmem>>, vector<2048x512xf32>,
    return
  }
  func.func @transform_0(%arg0: i32) -> (i32, i32) {
    %c0_i32 = arith.constant 0 : i32
    %c0_i32_0 = arith.constant 0 : i32
    return %arg0, %c0_i32 : i32, i32
  }
  func.func @transform_1(%arg0: i32) -> (i32, i32) {
    %c0_i32 = arith.constant 0 : i32
    %c0_i32_0 = arith.constant 0 : i32
    %c0_i32_1 = arith.constant 0 : i32
    return %c0_i32, %c0_i32_0 : i32, i32
  }
  func.func @transform_2(%arg0: i32) -> (i32, i32) {
    %c0_i32 = arith.constant 0 : i32
    %c0_i32_0 = arith.constant 0 : i32
    %c0_i32_1 = arith.constant 0 : i32
    return %c0_i32, %c0_i32_0 : i32, i32
  }
  func.func @transform_3(%arg0: i32) -> (i32, i32) {
    %c0_i32 = arith.constant 0 : i32
    %c0_i32_0 = arith.constant 0 : i32
    %c0_i32_1 = arith.constant 0 : i32
    return %c0_i32, %c0_i32_0 : i32, i32
  }
  func.func @transform_4(%arg0: i32) -> (i32, i32) {
    %c0_i32 = arith.constant 0 : i32
    %c0_i32_0 = arith.constant 0 : i32
    %c0_i32_1 = arith.constant 0 : i32
    return %c0_i32, %c0_i32_0 : i32, i32
  }
  func.func @transform_5(%arg0: i32) -> (i32, i32) {
    %c0_i32 = arith.constant 0 : i32
    %c0_i32_0 = arith.constant 0 : i32
    return %arg0, %c0_i32 : i32, i32
  }
}

</mosaic_0001>

<sc_bundles>
// kernel: kernel.10.cloned.1.call-start
scs
__scs_entry_jumppad:
0x0: {  	(pc) =	sbr.rel $0x88, $3  }
0x1: {  	(tag) =	ssettag $0x0;
	lr =	simm.s32 $0x1  }
0x2: {  	[smem:$0x3F92] =	sst lr;
	_ =	strace $0xD0000000  }
0x3: {  	_ = 	snop  }
0x4: {  	_ = 	snop  }
0x5: {  	_ = 	snop  }
0x6: {  	_ = 	snop  }
0x7: {  	_ = 	snop  }
__scs_overlays_trampoline_lowered:
0x8: {  	[smem:$0x3FA1] =	sst s0  }
0x9: {  	[smem:$0x3FA2] =	sst s1  }
0xa: {  	[smem:$0x3FA3] =	sst s2  }
0xb: {  	[smem:$0x3FA4] =	sst s3  }
0xc: {  	[smem:$0x3FA5] =	sst s4  }
0xd: {  	[smem:$0x3FA6] =	sst s5  }
0xe: {  	[smem:$0x3FA7] =	sst s6  }
0xf: {  	[smem:$0x3FA8] =	sst s7  }
0x10: {  	[smem:$0x3FA9] =	sst s8  }
0x11: {  	[smem:$0x3FAA] =	sst s9;
	s0 =	simm.s32 @!p0 $0x0  }
0x12: {  	s1 =	sld [smem:$0x3F90];
	s0 =	simm.s32 @p0 $0x1  }
0x13: {  	[smem:$0x3FAB] =	sst s0;
	s0 =	simm.s32 @!p1 $0x0  }
0x14: {  	s2 =	sld [smem:$0x3F8F];
	s0 =	simm.s32 @p1 $0x1  }
0x15: {  	[smem:$0x3FAC] =	sst s0;
	s0 =	simm.s32 @!p2 $0x0  }
0x16: {  	s3 =	sld [smem:$0x3FDB];
	s0 =	simm.s32 @p2 $0x1  }
0x17: {  	s4 =	simm.s32 $0x1BF5;
	[smem:$0x3FAE] =	sst s0  }
0x18: {  	s0 =	sld [smem:$0x3F91];
	_ =	swait.ge [sflag:s4], $0x0  }
0x19: {  	s7 =	sld [smem:$0x3F92]  }
0x1a: {  	s8 =	sadd.s32 $0xFFFFE003, lr  }
0x1b: {  	s9 =	sadd.s32 $0xFFFFFEF7, lr;
	s5 =	simm.s32 $0xFFFFFFFF;
	p2 =	slt.u32 s8, $0xFFFFF086  }
0x1c: {  	p1 =	slt.u32 s9, $0xF7A;
	s5 =	simm.s32 @!p2 $0x0  }
0x1d: {  	s5 =	simm.s32 @p1 $0x1;
	p0 =	seq.s32 s7, s2  }
0x1e: {  	s7 =	smul.u32 @!p0 $0xF7A, s2;
	p2 =	seq.s32 @!p0 s5, $0x0  }
0x1f: {  	s9 =	smul.u32 $0xF7A, s1;
	s8 =	simm.s32 @!p0 $0x1BF5;
	p2 =	por !p2, p0  }
0x20: {  	[sflag:s8] =	ssyncset.s32 @!p0 $0xFFFFF086;
	s6 =	sadd.s32 @!p0 s3, s7;
	s7 =	simm.s32 @!p0 $0x108  }
0x21: {  	s3 =	sadd.s32 s3, s9;
	s6 =	sadd.s32 @!p0 $0x88, s6;
	s7 =	simm.s32 @p2 $0x1082  }
0x22: {  	[simem:s7], [sflag:s8] =	dma.local @!p0 [hbm:s6], $0xF7A  }
0x23: {  	s9 =	sor.u32 $0xD0000000, s2;
	s6 =	simm.s32 $0x108;
	_ =	swait.ge @!p0 [sflag:s8], $0x0  }
0x24: {  	s3 =	sadd.s32 $0x88, s3;
	s6 =	simm.s32 @!p1 $0x1082;
	[sflag:s4] =	ssyncset.s32 $0xFFFFF086  }
0x25: {  	[simem:s6], [sflag:s4] =	dma.local [hbm:s3], $0xF7A  }
0x26: {  	[smem:$0x3F92] =	sst s1;
	(tag) =	ssettag s2;
	_ =	strace s9  }
0x27: {  	s1 =	sld [smem:$0x3FA2]  }
0x28: {  	s2 =	sld [smem:$0x3FA3]  }
0x29: {  	s4 =	sld [smem:$0x3FA5]  }
0x2a: {  	p0 =	seq.s32 s5, $0x0;
	s5 =	sld [smem:$0x3FA6]  }
0x2b: {  	s6 =	sld [smem:$0x3FA7]  }
0x2c: {  	s7 =	sld [smem:$0x3FA8]  }
0x2d: {  	s3 =	simm.s32 $0x108;
	s8 =	sld [smem:$0x3FA9]  }
0x2e: {  	s3 =	simm.s32 @!p0 $0x1082;
	s9 =	sld [smem:$0x3FAA]  }
0x2f: {  	lr =	sadd.s32 s0, s3;
	s0 =	sld [smem:$0x3FA1]  }
0x30: {  	s3 =	sld [smem:$0x3FA4]  }
0x31: {  	[smem:$0x3FAD] =	sst s10  }
0x32: {  	s10 =	sld [smem:$0x3FAB];
	_ =	sdelay $0x3  }
0x33: {  	p0 =	seq.s32 s10, $0x1;
	s10 =	sld [smem:$0x3FAD];
	_ =	sdelay $0x3  }
0x34: {  	[smem:$0x3FAD] =	sst s10  }
0x35: {  	s10 =	sld [smem:$0x3FAC];
	_ =	sdelay $0x3  }
0x36: {  	p1 =	seq.s32 s10, $0x1;
	s10 =	sld [smem:$0x3FAD];
	_ =	sdelay $0x3  }
0x37: {  	[smem:$0x3FAD] =	sst s10  }
0x38: {  	s10 =	sld [smem:$0x3FAE]  }
0x39: {  	_ = 	snop;
	(pc) =	sbr.ind lr, $3  }
0x3a: {  	_ = 	snop  }
0x3b: {  	_ = 	snop  }
0x3c: {  	p2 =	seq.s32 s10, $0x1;
	s10 =	sld [smem:$0x3FAD]  }
0x3d: {  	_ =	shalt  }
0x3e: {  	_ =	shalt  }
0x3f: {  	_ =	shalt  }
0x40: {  	_ =	shalt  }
0x41: {  	_ =	shalt  }
0x42: {  	_ =	shalt  }
0x43: {  	_ =	shalt  }
0x44: {  	_ =	shalt  }
0x45: {  	_ =	shalt  }
0x46: {  	_ =	shalt  }
0x47: {  	_ =	shalt  }
0x48: {  	_ =	shalt  }
0x49: {  	_ =	shalt  }
0x4a: {  	_ =	shalt  }
0x4b: {  	_ =	shalt  }
0x4c: {  	_ =	shalt  }
0x4d: {  	_ =	shalt  }
0x4e: {  	_ =	shalt  }
0x4f: {  	_ =	shalt  }
0x50: {  	_ =	shalt  }
0x51: {  	_ =	shalt  }
0x52: {  	_ =	shalt  }
0x53: {  	_ =	shalt  }
0x54: {  	_ =	shalt  }
0x55: {  	_ =	shalt  }
0x56: {  	_ =	shalt  }
0x57: {  	_ =	shalt  }
0x58: {  	_ =	shalt  }
0x59: {  	_ =	shalt  }
0x5a: {  	_ =	shalt  }
0x5b: {  	_ =	shalt  }
0x5c: {  	_ =	shalt  }
0x5d: {  	_ =	shalt  }
0x5e: {  	_ =	shalt  }
0x5f: {  	_ =	shalt  }
0x60: {  	_ =	shalt  }
0x61: {  	_ =	shalt  }
0x62: {  	_ =	shalt  }
0x63: {  	_ =	shalt  }
0x64: {  	_ =	shalt  }
0x65: {  	_ =	shalt  }
0x66: {  	_ =	shalt  }
0x67: {  	_ =	shalt  }
0x68: {  	_ =	shalt  }
0x69: {  	_ =	shalt  }
0x6a: {  	_ =	shalt  }
0x6b: {  	_ =	shalt  }
0x6c: {  	_ =	shalt  }
0x6d: {  	_ =	shalt  }
0x6e: {  	_ =	shalt  }
0x6f: {  	_ =	shalt  }
0x70: {  	_ =	shalt  }
0x71: {  	_ =	shalt  }
0x72: {  	_ =	shalt  }
0x73: {  	_ =	shalt  }
0x74: {  	_ =	shalt  }
0x75: {  	_ =	shalt  }
0x76: {  	_ =	shalt  }
0x77: {  	_ =	shalt  }
0x78: {  	_ =	shalt  }
0x79: {  	_ =	shalt  }
0x7a: {  	_ =	shalt  }
0x7b: {  	_ =	shalt  }
0x7c: {  	_ =	shalt  }
0x7d: {  	_ =	shalt  }
0x7e: {  	_ =	shalt  }
0x7f: {  	_ =	shalt  }
0x80: {  	_ =	shalt  }
0x81: {  	_ =	shalt  }
0x82: {  	_ =	shalt  }
0x83: {  	_ =	shalt  }
0x84: {  	_ =	shalt  }
0x85: {  	_ =	shalt  }
0x86: {  	_ =	shalt  }
0x87: {  	_ =	shalt  }
.Lfunc_end0:
.L_simem_size_0:
called_computation.1_lowered:
.L_overlay_start_0:
0x88: {  	s2 =	sld [smem:$0x3FD9]  }
0x89: {  	s3 =	sld [smem:$0x3FFE];
	_ =	sdelay $0x1  }
0x8a: {  	s1 =	srdreg.scid  }
0x8b: {  	s0 =	sand.u32 $0x1, s1  }
0x8c: {  	s17 =	sshll.u32 s0, $0xA;
	s2 =	sadd.s32 s3, s2  }
0x8d: {  	s2 =	sadd.s32 s2, s17  }
0x8e: {  	[smem:$0x3FB9] =	sst s2  }
0x8f: {  	_ = 	snop  }
0x90: {  	s2 =	sld [smem:$0x3FD0];
	(tm) =	ssettm $0x1  }
0x91: {  	s18 =	sld [smem:$0x3FFB];
	_ =	sdelay $0x3  }
0x92: {  	_ =	strace s18  }
0x93: {  	s3 =	sld [smem:$0x3FFC];
	_ =	sdelay $0x3  }
0x94: {  	_ =	strace s3  }
0x95: {  	s3 =	sld [smem:$0x3FFD];
	_ =	sdelay $0x3  }
0x96: {  	_ =	strace s3  }
0x97: {  	_ =	strace $0x8FFFFFFF  }
0x98: {  	s19 =	sld [smem:$0x3FDB];
	_ =	sdelay $0x1  }
0x99: {  	s4 =	simm.s32 $_scs_section_size  }
0x9a: {  	s5 =	simm.s32 $_size__tile_overlayer_lowered;
	s6 =	simm.s32 $_tile_overlayer_lowered  }
0x9b: {  	s22 =	simm.s32 $0x1BFF;
	s21 =	sshll.u32 s6, $0x1;
	s3 =	sadd.s32 s4, s19  }
0x9c: {  	s7 =	simm.s32 $0x0;
	s20 =	sshll.u32 s5, $0x1;
	s5 =	sadd.s32 s21, s3  }
0x9d: {  	[timem:s7], [sflag:s22] =	dma.local [hbm:s5], s20  }
0x9e: {  	_ =	swait.ge [sflag:s22], s20  }
0x9f: {  	s4 =	ssub.s32 $0x0, s20;
	[sflag:s22] =	ssyncset.done $0x0  }
0xa0: {  	[sflag:s22] =	ssyncadd.s32 s4;
	_ =	sdelay $0x1  }
0xa1: {  	s23 =	simm.s32 $0x1B8B  }
0xa2: {  	_ =	swait.ge [sflag:s23], $0x1  }
0xa3: {  	[sflag:s23] =	ssyncset.done $0x0  }
0xa4: {  	s25 =	simm.s32 $0x1B8E;
	s24 =	sld [smem:$0x3FFE];
	[sflag:s23] =	ssyncadd.s32 $0xFFFFFFFF  }
0xa5: {  	s26 =	simm.s32 $execute0_lowered;
	[smem:$0x3FD2] =	sst s25  }
0xa6: {  	s5 =	sshll.u32 s26, $0x1;
	_ =	strace $0x80000049;
	[dreg:$0x1] =	wrdreg $0xFFFFFFFF  }
0xa7: {  	s28 =	simm.s32 $_size_execute0_lowered;
	s3 =	sadd.s32 s3, s5;
	[dreg:$0x0] =	wrdreg $0x0  }
0xa8: {  	s5 =	sshll.u32 s28, $0x1;
	[dreg:$0x2] =	wrdreg s3  }
0xa9: {  	[dreg:$0x3] =	wrdreg s5  }
0xaa: {  	[dreg:$0x4] =	wrdreg $0xC0  }
0xab: {  	_ =	task [dreg:s7], $0x5FFFF  }
0xac: {  	[dreg:$0x1] =	wrdreg $0xFFFFFFFF  }
0xad: {  	[dreg:$0x0] =	wrdreg $0x60  }
0xae: {  	[dreg:$0x2] =	wrdreg s2  }
0xaf: {  	[dreg:$0x3] =	wrdreg s24  }
0xb0: {  	[dreg:$0x4] =	wrdreg $0x9  }
0xb1: {  	_ =	task.clear_ibuf [dreg:s7], $0x5FFFF;
	_ =	strace $0x90000049  }
0xb2: {  	s29 =	simm.s32 $0x9;
	_ =	strace $0x8000004B  }
0xb3: {  	_ =	swait.ge [sflag:s29], $0x1  }
0xb4: {  	[sflag:s29] =	ssyncadd.s32 $0xFFFFFFFF  }
0xb5: {  	_ =	strace $0x9000004B  }
0xb6: {  	_ =	sfence  }
0xb7: {  	s30 =	sld [smem:$0x0];
	_ =	sdelay $0x2  }
0xb8: {  	s31 =	sshll.u32 s1, $0xD;
	s1 =	sshrl.u32 s1, $0x2  }
0xb9: {  	s3 =	sand.u32 $0x4000, s31;
	s1 =	sadd.s32 s1, s30  }
0xba: {  	s0 =	sor.u32 s3, s0;
	s1 =	sshll.u32 s1, $0x11  }
0xbb: {  	s0 =	sor.u32 s1, s0  }
0xbc: {  	s0 =	sadd.s32 $0x8F2B, s0  }
0xbd: {  	[sflag:s0] =	ssyncadd.remote.s32 $0x1  }
0xbe: {  	_ =	sfence.sel $0xFFFF  }
0xbf: {  	[dreg:$0x0] =	wrdreg $0xFFFFFFFF;
	(pc) =	sbr.abs _section_cstart, $3  }
0xc0: {  	[dreg:$0x1] =	wrdreg $0xFFFFFFFF  }
0xc1: {  	_ =	task.clear_ibuf [dreg:s7], $0x2FFFF;
	_ =	strace $0x9FFFFFFF  }
0xc2: {  	(tm) =	ssettm $0x7FFFFFFF  }
0xc3: {  	_ =	shalt  }
tec
execute0_lowered:
.L_overlay_start_1:
0x0: {  	(tag) =	ssettag $0x1  }
0x1: {  	s1 =	rddreg [dreg:$0x0]  }
0x2: {  	s4 =	rddreg [dreg:$0x1]  }
0x3: {  	s0 =	rddreg [dreg:$0x2]  }
0x4: {  	s3 =	simm.s32 $0x0;
	s5 =	srdreg.scid;
	s2 =	stileid.u32  }
0x5: {  	s9 =	simm.s32 $0x2000;
	s10 =	simm.s32 $0x6000;
	s11 =	simm.s32 $0x1  }
0x6: {  	s12 =	simm.s32 $0x2;
	s13 =	simm.s32 $0xA000;
	s14 =	simm.s32 $0x0  }
0x7: {  	[smem:$0x7FF] =	sst s3;
	s5 =	sand.u32 $0x1, s5;
	s6 =	sshll.u32 s2, $0x1  }
.Ltmp0:
0x8: {  	_ =	strace $0x8000004A;
	s6 =	sor.u32 s5, s6;
	(pc) =	sbr.rel .LBB2_1-.Ltmp0, $4  }
0x9: {  	s5 =	ssub.s32 $0x2, s5;
	s7 =	sshll.u32 s6, $0xA;
	s6 =	sshll.u32 s6, $0xD  }
0xa: {  	s31 =	sshrl.u32 s5, $0x1;
	s7 =	sadd.s32 s7, s4;
	s6 =	sadd.s32 s6, s4  }
0xb: {  	s8 =	ssub.s32 s5, s31;
	s4 =	sadd.s32 $0x2E00, s7;
	s5 =	sadd.s32 $0xAE00, s6  }
0xc: {  	s6 =	smax.u32 s8, $0x1;
	s7 =	simm.s32 $0x3;
	s8 =	simm.s32 $0x80  }
.LBB2_8:
0xd: {  	s14 =	sadd.s32 $0x1, s14  }
0xe: {  	p0 =	sne.s32 s14, s6  }
.Ltmp1:
0xf: {  	_ = 	snop;
	(pc) =	sbr.rel @!p0 .LBB2_9-.Ltmp1, $4  }
0x10: {  	[hbm4b:s5+s3] =	stream.linear.scatter [tilespmem:s13], [sflag:$0x3], $0x10000, $0x38;
	[tilespmem:$0x1A000] =	vst v63  }
0x11: {  	_ =	swait.ge [sflag:s7], $0x10000  }
0x12: {  	[sflag:s7] =	ssyncset.done $0x0  }
0x13: {  	[sflag:s7] =	ssyncadd.s32 $0xFFFF0000  }
.LBB2_1:
0x14: {  	[tilespmem:s3], [sflag:$0x3] =	stream.linear.gather [hbm4b:s4+s3], $0x2000, $0x38;
	[tilespmem:$0x1A000] =	vst v63  }
0x15: {  	_ =	swait.ge [sflag:s7], $0x2000  }
0x16: {  	[sflag:s7] =	ssyncset.done $0x0  }
0x17: {  	[sflag:s7] =	ssyncadd.s32 $0xFFFFE000  }
0x18: {  	[tilespmem:s9], [sflag:$0x1] =	stream.indirect.gather [hbm4b:s1+s8], $0x80, s3, s8, $0xb8;
	[tilespmem:$0x1A000] =	vst v63  }
0x19: {  	s15 =	simm.s32 $0xA070;
	s16 =	simm.s32 $0xA470;
	s17 =	simm.s32 $0x0  }
0x1a: {  	[tilespmem:s10], [sflag:$0x2] =	stream.indirect.gather [hbm4b:s1+s8], $0x80, s8, s8, $0xb8;
	[tilespmem:$0x1A000] =	vst v63  }
.LBB2_2:
0x1b: {  	_ =	swait.ge [sflag:s11], $0x4000  }
0x1c: {  	[sflag:s11] =	ssyncset.done $0x0  }
0x1d: {  	s18 =	simm.s32 $0x2400;
	[sflag:s11] =	ssyncadd.s32 $0xFFFFC000  }
0x1e: {  	v0 =	vld [tilespmem:s18+$0xFFFFFC80]  }
0x1f: {  	v1 =	vld [tilespmem:s18+$0xFFFFFC00]  }
0x20: {  	v2 =	vld [tilespmem:s18+$0xFFFFFD00]  }
0x21: {  	v3 =	vld [tilespmem:s18+$0xFFFFFD80]  }
0x22: {  	v4 =	vld [tilespmem:s18+$0xFFFFFE00]  }
0x23: {  	v5 =	vld [tilespmem:s18+$0xFFFFFE80]  }
0x24: {  	v0 =	vmax.f32 v1, v0;
	v1 =	vld [tilespmem:s18+$0xFFFFFF00]  }
0x25: {  	v0 =	vmax.f32 v0, v2;
	v2 =	vld [tilespmem:s18+$0xFFFFFF80]  }
0x26: {  	v0 =	vmax.f32 v0, v3;
	v3 =	vld [tilespmem:s18+$0x0]  }
0x27: {  	v0 =	vmax.f32 v0, v4;
	v4 =	vld [tilespmem:s18+$0x80]  }
0x28: {  	v0 =	vmax.f32 v0, v5;
	v5 =	vld [tilespmem:s18+$0x100]  }
0x29: {  	v0 =	vmax.f32 v0, v1;
	v1 =	vld [tilespmem:s18+$0x180]  }
0x2a: {  	v0 =	vmax.f32 v0, v2;
	v2 =	vld [tilespmem:s18+$0x200]  }
0x2b: {  	v0 =	vmax.f32 v0, v3;
	v3 =	vld [tilespmem:s18+$0x280]  }
0x2c: {  	v0 =	vmax.f32 v0, v4;
	v4 =	vld [tilespmem:s18+$0x300]  }
0x2d: {  	v6 =	vld [tilespmem:s18+$0x380];
	v5 =	vmax.f32 v0, v5  }
0x2e: {  	v0 =	vmov s15;
	v1 =	vmax.f32 v5, v1  }
0x2f: {  	v1 =	vmax.f32 v1, v2  }
0x30: {  	v1 =	vmax.f32 v1, v3  }
0x31: {  	v1 =	vmax.f32 v1, v4  }
0x32: {  	s19 =	simm.s32 $0x0;
	v1 =	vmax.f32 v1, v6  }
0x33: {  	[tilespmem:v0+s19+$0xFFFFFF90 ss:$0x1] =	vst.idx.msk $0xffff, v1  }
0x34: {  	v1 =	vld [tilespmem:s18+$0xFFFFFC10]  }
0x35: {  	v2 =	vld [tilespmem:s18+$0xFFFFFC90]  }
0x36: {  	v3 =	vld [tilespmem:s18+$0xFFFFFD10]  }
0x37: {  	v4 =	vld [tilespmem:s18+$0xFFFFFD90]  }
0x38: {  	v5 =	vld [tilespmem:s18+$0xFFFFFE10]  }
0x39: {  	v6 =	vld [tilespmem:s18+$0xFFFFFE90]  }
0x3a: {  	v1 =	vmax.f32 v1, v2;
	v2 =	vld [tilespmem:s18+$0xFFFFFF10]  }
0x3b: {  	v1 =	vmax.f32 v1, v3;
	v3 =	vld [tilespmem:s18+$0xFFFFFF90]  }
0x3c: {  	v1 =	vmax.f32 v1, v4;
	v4 =	vld [tilespmem:s18+$0x10]  }
0x3d: {  	v1 =	vmax.f32 v1, v5;
	v5 =	vld [tilespmem:s18+$0x90]  }
0x3e: {  	v1 =	vmax.f32 v1, v6;
	v6 =	vld [tilespmem:s18+$0x110]  }
0x3f: {  	v1 =	vmax.f32 v1, v2;
	v2 =	vld [tilespmem:s18+$0x190]  }
0x40: {  	v1 =	vmax.f32 v1, v3;
	v3 =	vld [tilespmem:s18+$0x210]  }
0x41: {  	v1 =	vmax.f32 v1, v4;
	v4 =	vld [tilespmem:s18+$0x290]  }
0x42: {  	v1 =	vmax.f32 v1, v5;
	v5 =	vld [tilespmem:s18+$0x310]  }
0x43: {  	v1 =	vmax.f32 v1, v6;
	v6 =	vld [tilespmem:s18+$0x390]  }
0x44: {  	v1 =	vmax.f32 v1, v2  }
0x45: {  	v1 =	vmax.f32 v1, v3  }
0x46: {  	v1 =	vmax.f32 v1, v4  }
0x47: {  	v1 =	vmax.f32 v1, v5  }
0x48: {  	v1 =	vmax.f32 v1, v6  }
0x49: {  	[tilespmem:v0+s19+$0xFFFFFFA0 ss:$0x1] =	vst.idx.msk $0xffff, v1  }
0x4a: {  	v1 =	vld [tilespmem:s18+$0xFFFFFC20]  }
0x4b: {  	v2 =	vld [tilespmem:s18+$0xFFFFFCA0]  }
0x4c: {  	v3 =	vld [tilespmem:s18+$0xFFFFFD20]  }
0x4d: {  	v4 =	vld [tilespmem:s18+$0xFFFFFDA0]  }
0x4e: {  	v5 =	vld [tilespmem:s18+$0xFFFFFE20]  }
0x4f: {  	v6 =	vld [tilespmem:s18+$0xFFFFFEA0]  }
0x50: {  	v1 =	vmax.f32 v1, v2;
	v2 =	vld [tilespmem:s18+$0xFFFFFF20]  }
0x51: {  	v1 =	vmax.f32 v1, v3;
	v3 =	vld [tilespmem:s18+$0xFFFFFFA0]  }
0x52: {  	v1 =	vmax.f32 v1, v4;
	v4 =	vld [tilespmem:s18+$0x20]  }
0x53: {  	v1 =	vmax.f32 v1, v5;
	v5 =	vld [tilespmem:s18+$0xA0]  }
0x54: {  	v1 =	vmax.f32 v1, v6;
	v6 =	vld [tilespmem:s18+$0x120]  }
0x55: {  	v1 =	vmax.f32 v1, v2;
	v2 =	vld [tilespmem:s18+$0x1A0]  }
0x56: {  	v1 =	vmax.f32 v1, v3;
	v3 =	vld [tilespmem:s18+$0x220]  }
0x57: {  	v1 =	vmax.f32 v1, v4;
	v4 =	vld [tilespmem:s18+$0x2A0]  }
0x58: {  	v1 =	vmax.f32 v1, v5;
	v5 =	vld [tilespmem:s18+$0x320]  }
0x59: {  	v1 =	vmax.f32 v1, v6;
	v6 =	vld [tilespmem:s18+$0x3A0]  }
0x5a: {  	v1 =	vmax.f32 v1, v2  }
0x5b: {  	v1 =	vmax.f32 v1, v3  }
0x5c: {  	v1 =	vmax.f32 v1, v4  }
0x5d: {  	v1 =	vmax.f32 v1, v5  }
0x5e: {  	v1 =	vmax.f32 v1, v6  }
0x5f: {  	[tilespmem:v0+s19+$0xFFFFFFB0 ss:$0x1] =	vst.idx.msk $0xffff, v1  }
0x60: {  	v1 =	vld [tilespmem:s18+$0xFFFFFC30]  }
0x61: {  	v2 =	vld [tilespmem:s18+$0xFFFFFCB0]  }
0x62: {  	v3 =	vld [tilespmem:s18+$0xFFFFFD30]  }
0x63: {  	v4 =	vld [tilespmem:s18+$0xFFFFFDB0]  }
0x64: {  	v5 =	vld [tilespmem:s18+$0xFFFFFE30]  }
0x65: {  	v6 =	vld [tilespmem:s18+$0xFFFFFEB0]  }
0x66: {  	v1 =	vmax.f32 v1, v2;
	v2 =	vld [tilespmem:s18+$0xFFFFFF30]  }
0x67: {  	v1 =	vmax.f32 v1, v3;
	v3 =	vld [tilespmem:s18+$0xFFFFFFB0]  }
0x68: {  	v1 =	vmax.f32 v1, v4;
	v4 =	vld [tilespmem:s18+$0x30]  }
0x69: {  	v1 =	vmax.f32 v1, v5;
	v5 =	vld [tilespmem:s18+$0xB0]  }
0x6a: {  	v1 =	vmax.f32 v1, v6;
	v6 =	vld [tilespmem:s18+$0x130]  }
0x6b: {  	v1 =	vmax.f32 v1, v2;
	v2 =	vld [tilespmem:s18+$0x1B0]  }
0x6c: {  	v1 =	vmax.f32 v1, v3;
	v3 =	vld [tilespmem:s18+$0x230]  }
0x6d: {  	v1 =	vmax.f32 v1, v4;
	v4 =	vld [tilespmem:s18+$0x2B0]  }
0x6e: {  	v1 =	vmax.f32 v1, v5;
	v5 =	vld [tilespmem:s18+$0x330]  }
0x6f: {  	v1 =	vmax.f32 v1, v6;
	v6 =	vld [tilespmem:s18+$0x3B0]  }
0x70: {  	v1 =	vmax.f32 v1, v2  }
0x71: {  	v1 =	vmax.f32 v1, v3  }
0x72: {  	v1 =	vmax.f32 v1, v4  }
0x73: {  	v1 =	vmax.f32 v1, v5  }
0x74: {  	v1 =	vmax.f32 v1, v6  }
0x75: {  	[tilespmem:v0+s19+$0xFFFFFFC0 ss:$0x1] =	vst.idx.msk $0xffff, v1  }
0x76: {  	v1 =	vld [tilespmem:s18+$0xFFFFFC40]  }
0x77: {  	v2 =	vld [tilespmem:s18+$0xFFFFFCC0]  }
0x78: {  	v3 =	vld [tilespmem:s18+$0xFFFFFD40]  }
0x79: {  	v4 =	vld [tilespmem:s18+$0xFFFFFDC0]  }
0x7a: {  	v5 =	vld [tilespmem:s18+$0xFFFFFE40]  }
0x7b: {  	v6 =	vld [tilespmem:s18+$0xFFFFFEC0]  }
0x7c: {  	v1 =	vmax.f32 v1, v2;
	v2 =	vld [tilespmem:s18+$0xFFFFFF40]  }
0x7d: {  	v1 =	vmax.f32 v1, v3;
	v3 =	vld [tilespmem:s18+$0xFFFFFFC0]  }
0x7e: {  	v1 =	vmax.f32 v1, v4;
	v4 =	vld [tilespmem:s18+$0x40]  }
0x7f: {  	v1 =	vmax.f32 v1, v5;
	v5 =	vld [tilespmem:s18+$0xC0]  }
0x80: {  	v1 =	vmax.f32 v1, v6;
	v6 =	vld [tilespmem:s18+$0x140]  }
0x81: {  	v1 =	vmax.f32 v1, v2;
	v2 =	vld [tilespmem:s18+$0x1C0]  }
0x82: {  	v1 =	vmax.f32 v1, v3;
	v3 =	vld [tilespmem:s18+$0x240]  }
0x83: {  	v1 =	vmax.f32 v1, v4;
	v4 =	vld [tilespmem:s18+$0x2C0]  }
0x84: {  	v1 =	vmax.f32 v1, v5;
	v5 =	vld [tilespmem:s18+$0x340]  }
0x85: {  	v1 =	vmax.f32 v1, v6;
	v6 =	vld [tilespmem:s18+$0x3C0]  }
0x86: {  	v1 =	vmax.f32 v1, v2  }
0x87: {  	v1 =	vmax.f32 v1, v3  }
0x88: {  	v1 =	vmax.f32 v1, v4  }
0x89: {  	v1 =	vmax.f32 v1, v5  }
0x8a: {  	v1 =	vmax.f32 v1, v6  }
0x8b: {  	[tilespmem:v0+s19+$0xFFFFFFD0 ss:$0x1] =	vst.idx.msk $0xffff, v1  }
0x8c: {  	v1 =	vld [tilespmem:s18+$0xFFFFFC50]  }
0x8d: {  	v2 =	vld [tilespmem:s18+$0xFFFFFCD0]  }
0x8e: {  	v3 =	vld [tilespmem:s18+$0xFFFFFD50]  }
0x8f: {  	v4 =	vld [tilespmem:s18+$0xFFFFFDD0]  }
0x90: {  	v5 =	vld [tilespmem:s18+$0xFFFFFE50]  }
0x91: {  	v6 =	vld [tilespmem:s18+$0xFFFFFED0]  }
0x92: {  	v1 =	vmax.f32 v1, v2;
	v2 =	vld [tilespmem:s18+$0xFFFFFF50]  }
0x93: {  	v1 =	vmax.f32 v1, v3;
	v3 =	vld [tilespmem:s18+$0xFFFFFFD0]  }
0x94: {  	v1 =	vmax.f32 v1, v4;
	v4 =	vld [tilespmem:s18+$0x50]  }
0x95: {  	v1 =	vmax.f32 v1, v5;
	v5 =	vld [tilespmem:s18+$0xD0]  }
0x96: {  	v1 =	vmax.f32 v1, v6;
	v6 =	vld [tilespmem:s18+$0x150]  }
0x97: {  	v1 =	vmax.f32 v1, v2;
	v2 =	vld [tilespmem:s18+$0x1D0]  }
0x98: {  	v1 =	vmax.f32 v1, v3;
	v3 =	vld [tilespmem:s18+$0x250]  }
0x99: {  	v1 =	vmax.f32 v1, v4;
	v4 =	vld [tilespmem:s18+$0x2D0]  }
0x9a: {  	v1 =	vmax.f32 v1, v5;
	v5 =	vld [tilespmem:s18+$0x350]  }
0x9b: {  	v1 =	vmax.f32 v1, v6;
	v6 =	vld [tilespmem:s18+$0x3D0]  }
0x9c: {  	v1 =	vmax.f32 v1, v2  }
0x9d: {  	v1 =	vmax.f32 v1, v3  }
0x9e: {  	v1 =	vmax.f32 v1, v4  }
0x9f: {  	v1 =	vmax.f32 v1, v5  }
0xa0: {  	v1 =	vmax.f32 v1, v6  }
0xa1: {  	[tilespmem:v0+s19+$0xFFFFFFE0 ss:$0x1] =	vst.idx.msk $0xffff, v1  }
0xa2: {  	v1 =	vld [tilespmem:s18+$0xFFFFFC60]  }
0xa3: {  	v2 =	vld [tilespmem:s18+$0xFFFFFCE0]  }
0xa4: {  	v3 =	vld [tilespmem:s18+$0xFFFFFD60]  }
0xa5: {  	v4 =	vld [tilespmem:s18+$0xFFFFFDE0]  }
0xa6: {  	v5 =	vld [tilespmem:s18+$0xFFFFFE60]  }
0xa7: {  	v6 =	vld [tilespmem:s18+$0xFFFFFEE0]  }
0xa8: {  	v1 =	vmax.f32 v1, v2;
	v2 =	vld [tilespmem:s18+$0xFFFFFF60]  }
0xa9: {  	v1 =	vmax.f32 v1, v3;
	v3 =	vld [tilespmem:s18+$0xFFFFFFE0]  }
0xaa: {  	v1 =	vmax.f32 v1, v4;
	v4 =	vld [tilespmem:s18+$0x60]  }
0xab: {  	v1 =	vmax.f32 v1, v5;
	v5 =	vld [tilespmem:s18+$0xE0]  }
0xac: {  	v1 =	vmax.f32 v1, v6;
	v6 =	vld [tilespmem:s18+$0x160]  }
0xad: {  	v1 =	vmax.f32 v1, v2;
	v2 =	vld [tilespmem:s18+$0x1E0]  }
0xae: {  	v1 =	vmax.f32 v1, v3;
	v3 =	vld [tilespmem:s18+$0x260]  }
0xaf: {  	v1 =	vmax.f32 v1, v4;
	v4 =	vld [tilespmem:s18+$0x2E0]  }
0xb0: {  	v1 =	vmax.f32 v1, v5;
	v5 =	vld [tilespmem:s18+$0x360]  }
0xb1: {  	v1 =	vmax.f32 v1, v6;
	v6 =	vld [tilespmem:s18+$0x3E0]  }
0xb2: {  	v1 =	vmax.f32 v1, v2  }
0xb3: {  	v1 =	vmax.f32 v1, v3  }
0xb4: {  	v1 =	vmax.f32 v1, v4  }
0xb5: {  	v1 =	vmax.f32 v1, v5  }
0xb6: {  	v1 =	vmax.f32 v1, v6  }
0xb7: {  	[tilespmem:v0+s19+$0xFFFFFFF0 ss:$0x1] =	vst.idx.msk $0xffff, v1  }
0xb8: {  	v1 =	vld [tilespmem:s18+$0xFFFFFC70]  }
0xb9: {  	v2 =	vld [tilespmem:s18+$0xFFFFFCF0]  }
0xba: {  	v3 =	vld [tilespmem:s18+$0xFFFFFD70]  }
0xbb: {  	v4 =	vld [tilespmem:s18+$0xFFFFFDF0]  }
0xbc: {  	v6 =	vld [tilespmem:s18+$0xFFFFFE70]  }
0xbd: {  	v7 =	vld [tilespmem:s18+$0xFFFFFEF0]  }
0xbe: {  	v8 =	vld [tilespmem:s18+$0xFFFFFF70];
	v1 =	vmax.f32 v1, v2  }
0xbf: {  	v9 =	vld [tilespmem:s18+$0xFFFFFFF0];
	v1 =	vmax.f32 v1, v3  }
0xc0: {  	v5 =	vld [tilespmem:s18+$0x70];
	v1 =	vmax.f32 v1, v4  }
0xc1: {  	v2 =	vld [tilespmem:s18+$0xF0];
	v1 =	vmax.f32 v1, v6  }
0xc2: {  	v3 =	vld [tilespmem:s18+$0x170];
	v1 =	vmax.f32 v1, v7  }
0xc3: {  	v4 =	vmax.f32 v1, v8;
	v1 =	vld [tilespmem:s18+$0x1F0]  }
0xc4: {  	s20 =	simm.s32 $0x200;
	s21 =	simm.s32 $0x2400;
	v6 =	vmax.f32 v4, v9;
	v4 =	vld [tilespmem:s18+$0x270]  }
.LBB2_3:
0xc5: {  	p0 =	sne.s32 s20, $0xE00  }
0xc6: {  	v5 =	vmax.f32 v6, v5;
	v6 =	vld [tilespmem:s18+$0x2F0];
	s21 =	sadd.s32 $0x800, s21;
	s22 =	smov.u32 s20;
	s20 =	sadd.s32 $0x200, s20  }
0xc7: {  	v2 =	vmax.f32 v5, v2;
	v5 =	vld [tilespmem:s18+$0x370]  }
0xc8: {  	v2 =	vmax.f32 v2, v3;
	v3 =	vld [tilespmem:s18+$0x3F0];
	s18 =	smov.u32 s21  }
0xc9: {  	v1 =	vmax.f32 v2, v1  }
0xca: {  	v1 =	vmax.f32 v1, v4  }
0xcb: {  	v1 =	vmax.f32 v1, v6  }
0xcc: {  	v1 =	vmax.f32 v1, v5  }
0xcd: {  	v1 =	vmax.f32 v1, v3  }
0xce: {  	[tilespmem:v0+s19+$0x0 ss:$0x1] =	vst.idx.msk $0xffff, v1  }
0xcf: {  	v1 =	vld [tilespmem:s21+$0xFFFFFD00]  }
0xd0: {  	v2 =	vld [tilespmem:s21+$0xFFFFFC80]  }
0xd1: {  	v3 =	vld [tilespmem:s21+$0xFFFFFC00]  }
0xd2: {  	v4 =	vld [tilespmem:s21+$0xFFFFFD80]  }
0xd3: {  	v5 =	vld [tilespmem:s21+$0xFFFFFE00];
	_ =	sdelay $0x1  }
0xd4: {  	v6 =	vld [tilespmem:s21+$0xFFFFFE80]  }
0xd5: {  	v2 =	vmax.f32 v3, v2;
	v3 =	vld [tilespmem:s21+$0xFFFFFF00]  }
0xd6: {  	v1 =	vmax.f32 v2, v1;
	v2 =	vld [tilespmem:s21+$0xFFFFFF80]  }
0xd7: {  	v1 =	vmax.f32 v1, v4;
	v4 =	vld [tilespmem:s21+$0x0]  }
0xd8: {  	v1 =	vmax.f32 v1, v5;
	v5 =	vld [tilespmem:s21+$0x80]  }
0xd9: {  	v1 =	vmax.f32 v1, v6;
	v6 =	vld [tilespmem:s21+$0x100]  }
0xda: {  	v1 =	vmax.f32 v1, v3;
	v3 =	vld [tilespmem:s21+$0x180]  }
0xdb: {  	v1 =	vmax.f32 v1, v2;
	v2 =	vld [tilespmem:s21+$0x200]  }
0xdc: {  	v1 =	vmax.f32 v1, v4;
	v4 =	vld [tilespmem:s21+$0x280]  }
0xdd: {  	v1 =	vmax.f32 v1, v5;
	v5 =	vld [tilespmem:s21+$0x300]  }
0xde: {  	v1 =	vmax.f32 v1, v6;
	v6 =	vld [tilespmem:s21+$0x380]  }
0xdf: {  	v1 =	vmax.f32 v1, v3  }
0xe0: {  	v1 =	vmax.f32 v1, v2  }
0xe1: {  	v1 =	vmax.f32 v1, v4  }
0xe2: {  	v1 =	vmax.f32 v1, v5  }
0xe3: {  	s19 =	sshra.s32 s22, $0x2;
	v1 =	vmax.f32 v1, v6  }
0xe4: {  	[tilespmem:v0+s19+$0xFFFFFF90 ss:$0x1] =	vst.idx.msk $0xffff, v1  }
0xe5: {  	v1 =	vld [tilespmem:s21+$0xFFFFFC10]  }
0xe6: {  	v2 =	vld [tilespmem:s21+$0xFFFFFC90]  }
0xe7: {  	v3 =	vld [tilespmem:s21+$0xFFFFFD10]  }
0xe8: {  	v4 =	vld [tilespmem:s21+$0xFFFFFD90]  }
0xe9: {  	v5 =	vld [tilespmem:s21+$0xFFFFFE10]  }
0xea: {  	v6 =	vld [tilespmem:s21+$0xFFFFFE90]  }
0xeb: {  	v1 =	vmax.f32 v1, v2;
	v2 =	vld [tilespmem:s21+$0xFFFFFF10]  }
0xec: {  	v1 =	vmax.f32 v1, v3;
	v3 =	vld [tilespmem:s21+$0xFFFFFF90]  }
0xed: {  	v1 =	vmax.f32 v1, v4;
	v4 =	vld [tilespmem:s21+$0x10]  }
0xee: {  	v1 =	vmax.f32 v1, v5;
	v5 =	vld [tilespmem:s21+$0x90]  }
0xef: {  	v1 =	vmax.f32 v1, v6;
	v6 =	vld [tilespmem:s21+$0x110]  }
0xf0: {  	v1 =	vmax.f32 v1, v2;
	v2 =	vld [tilespmem:s21+$0x190]  }
0xf1: {  	v1 =	vmax.f32 v1, v3;
	v3 =	vld [tilespmem:s21+$0x210]  }
0xf2: {  	v1 =	vmax.f32 v1, v4;
	v4 =	vld [tilespmem:s21+$0x290]  }
0xf3: {  	v1 =	vmax.f32 v1, v5;
	v5 =	vld [tilespmem:s21+$0x310]  }
0xf4: {  	v1 =	vmax.f32 v1, v6;
	v6 =	vld [tilespmem:s21+$0x390]  }
0xf5: {  	v1 =	vmax.f32 v1, v2  }
0xf6: {  	v1 =	vmax.f32 v1, v3  }
0xf7: {  	v1 =	vmax.f32 v1, v4  }
0xf8: {  	v1 =	vmax.f32 v1, v5  }
0xf9: {  	v1 =	vmax.f32 v1, v6  }
0xfa: {  	[tilespmem:v0+s19+$0xFFFFFFA0 ss:$0x1] =	vst.idx.msk $0xffff, v1  }
0xfb: {  	v1 =	vld [tilespmem:s21+$0xFFFFFC20]  }
0xfc: {  	v2 =	vld [tilespmem:s21+$0xFFFFFCA0]  }
0xfd: {  	v3 =	vld [tilespmem:s21+$0xFFFFFD20]  }
0xfe: {  	v4 =	vld [tilespmem:s21+$0xFFFFFDA0]  }
0xff: {  	v5 =	vld [tilespmem:s21+$0xFFFFFE20]  }
0x100: {  	v6 =	vld [tilespmem:s21+$0xFFFFFEA0]  }
0x101: {  	v1 =	vmax.f32 v1, v2;
	v2 =	vld [tilespmem:s21+$0xFFFFFF20]  }
0x102: {  	v1 =	vmax.f32 v1, v3;
	v3 =	vld [tilespmem:s21+$0xFFFFFFA0]  }
0x103: {  	v1 =	vmax.f32 v1, v4;
	v4 =	vld [tilespmem:s21+$0x20]  }
0x104: {  	v1 =	vmax.f32 v1, v5;
	v5 =	vld [tilespmem:s21+$0xA0]  }
0x105: {  	v1 =	vmax.f32 v1, v6;
	v6 =	vld [tilespmem:s21+$0x120]  }
0x106: {  	v1 =	vmax.f32 v1, v2;
	v2 =	vld [tilespmem:s21+$0x1A0]  }
0x107: {  	v1 =	vmax.f32 v1, v3;
	v3 =	vld [tilespmem:s21+$0x220]  }
0x108: {  	v1 =	vmax.f32 v1, v4;
	v4 =	vld [tilespmem:s21+$0x2A0]  }
0x109: {  	v1 =	vmax.f32 v1, v5;
	v5 =	vld [tilespmem:s21+$0x320]  }
0x10a: {  	v1 =	vmax.f32 v1, v6;
	v6 =	vld [tilespmem:s21+$0x3A0]  }
0x10b: {  	v1 =	vmax.f32 v1, v2  }
0x10c: {  	v1 =	vmax.f32 v1, v3  }
0x10d: {  	v1 =	vmax.f32 v1, v4  }
0x10e: {  	v1 =	vmax.f32 v1, v5  }
0x10f: {  	v1 =	vmax.f32 v1, v6  }
0x110: {  	[tilespmem:v0+s19+$0xFFFFFFB0 ss:$0x1] =	vst.idx.msk $0xffff, v1  }
0x111: {  	v1 =	vld [tilespmem:s21+$0xFFFFFC30]  }
0x112: {  	v2 =	vld [tilespmem:s21+$0xFFFFFCB0]  }
0x113: {  	v3 =	vld [tilespmem:s21+$0xFFFFFD30]  }
0x114: {  	v4 =	vld [tilespmem:s21+$0xFFFFFDB0]  }
0x115: {  	v5 =	vld [tilespmem:s21+$0xFFFFFE30]  }
0x116: {  	v6 =	vld [tilespmem:s21+$0xFFFFFEB0]  }
0x117: {  	v1 =	vmax.f32 v1, v2;
	v2 =	vld [tilespmem:s21+$0xFFFFFF30]  }
0x118: {  	v1 =	vmax.f32 v1, v3;
	v3 =	vld [tilespmem:s21+$0xFFFFFFB0]  }
0x119: {  	v1 =	vmax.f32 v1, v4;
	v4 =	vld [tilespmem:s21+$0x30]  }
0x11a: {  	v1 =	vmax.f32 v1, v5;
	v5 =	vld [tilespmem:s21+$0xB0]  }
0x11b: {  	v1 =	vmax.f32 v1, v6;
	v6 =	vld [tilespmem:s21+$0x130]  }
0x11c: {  	v1 =	vmax.f32 v1, v2;
	v2 =	vld [tilespmem:s21+$0x1B0]  }
0x11d: {  	v1 =	vmax.f32 v1, v3;
	v3 =	vld [tilespmem:s21+$0x230]  }
0x11e: {  	v1 =	vmax.f32 v1, v4;
	v4 =	vld [tilespmem:s21+$0x2B0]  }
0x11f: {  	v1 =	vmax.f32 v1, v5;
	v5 =	vld [tilespmem:s21+$0x330]  }
0x120: {  	v1 =	vmax.f32 v1, v6;
	v6 =	vld [tilespmem:s21+$0x3B0]  }
0x121: {  	v1 =	vmax.f32 v1, v2  }
0x122: {  	v1 =	vmax.f32 v1, v3  }
0x123: {  	v1 =	vmax.f32 v1, v4  }
0x124: {  	v1 =	vmax.f32 v1, v5  }
0x125: {  	v1 =	vmax.f32 v1, v6  }
0x126: {  	[tilespmem:v0+s19+$0xFFFFFFC0 ss:$0x1] =	vst.idx.msk $0xffff, v1  }
0x127: {  	v1 =	vld [tilespmem:s21+$0xFFFFFC40]  }
0x128: {  	v2 =	vld [tilespmem:s21+$0xFFFFFCC0]  }
0x129: {  	v3 =	vld [tilespmem:s21+$0xFFFFFD40]  }
0x12a: {  	v4 =	vld [tilespmem:s21+$0xFFFFFDC0]  }
0x12b: {  	v5 =	vld [tilespmem:s21+$0xFFFFFE40]  }
0x12c: {  	v6 =	vld [tilespmem:s21+$0xFFFFFEC0]  }
0x12d: {  	v1 =	vmax.f32 v1, v2;
	v2 =	vld [tilespmem:s21+$0xFFFFFF40]  }
0x12e: {  	v1 =	vmax.f32 v1, v3;
	v3 =	vld [tilespmem:s21+$0xFFFFFFC0]  }
0x12f: {  	v1 =	vmax.f32 v1, v4;
	v4 =	vld [tilespmem:s21+$0x40]  }
0x130: {  	v1 =	vmax.f32 v1, v5;
	v5 =	vld [tilespmem:s21+$0xC0]  }
0x131: {  	v1 =	vmax.f32 v1, v6;
	v6 =	vld [tilespmem:s21+$0x140]  }
0x132: {  	v1 =	vmax.f32 v1, v2;
	v2 =	vld [tilespmem:s21+$0x1C0]  }
0x133: {  	v1 =	vmax.f32 v1, v3;
	v3 =	vld [tilespmem:s21+$0x240]  }
0x134: {  	v1 =	vmax.f32 v1, v4;
	v4 =	vld [tilespmem:s21+$0x2C0]  }
0x135: {  	v1 =	vmax.f32 v1, v5;
	v5 =	vld [tilespmem:s21+$0x340]  }
0x136: {  	v1 =	vmax.f32 v1, v6;
	v6 =	vld [tilespmem:s21+$0x3C0]  }
0x137: {  	v1 =	vmax.f32 v1, v2  }
0x138: {  	v1 =	vmax.f32 v1, v3  }
0x139: {  	v1 =	vmax.f32 v1, v4  }
0x13a: {  	v1 =	vmax.f32 v1, v5  }
0x13b: {  	v1 =	vmax.f32 v1, v6  }
0x13c: {  	[tilespmem:v0+s19+$0xFFFFFFD0 ss:$0x1] =	vst.idx.msk $0xffff, v1  }
0x13d: {  	v1 =	vld [tilespmem:s21+$0xFFFFFC50]  }
0x13e: {  	v2 =	vld [tilespmem:s21+$0xFFFFFCD0]  }
0x13f: {  	v3 =	vld [tilespmem:s21+$0xFFFFFD50]  }
0x140: {  	v4 =	vld [tilespmem:s21+$0xFFFFFDD0]  }
0x141: {  	v5 =	vld [tilespmem:s21+$0xFFFFFE50]  }
0x142: {  	v6 =	vld [tilespmem:s21+$0xFFFFFED0]  }
0x143: {  	v1 =	vmax.f32 v1, v2;
	v2 =	vld [tilespmem:s21+$0xFFFFFF50]  }
0x144: {  	v1 =	vmax.f32 v1, v3;
	v3 =	vld [tilespmem:s21+$0xFFFFFFD0]  }
0x145: {  	v1 =	vmax.f32 v1, v4;
	v4 =	vld [tilespmem:s21+$0x50]  }
0x146: {  	v1 =	vmax.f32 v1, v5;
	v5 =	vld [tilespmem:s21+$0xD0]  }
0x147: {  	v1 =	vmax.f32 v1, v6;
	v6 =	vld [tilespmem:s21+$0x150]  }
0x148: {  	v1 =	vmax.f32 v1, v2;
	v2 =	vld [tilespmem:s21+$0x1D0]  }
0x149: {  	v1 =	vmax.f32 v1, v3;
	v3 =	vld [tilespmem:s21+$0x250]  }
0x14a: {  	v1 =	vmax.f32 v1, v4;
	v4 =	vld [tilespmem:s21+$0x2D0]  }
0x14b: {  	v1 =	vmax.f32 v1, v5;
	v5 =	vld [tilespmem:s21+$0x350]  }
0x14c: {  	v1 =	vmax.f32 v1, v6;
	v6 =	vld [tilespmem:s21+$0x3D0]  }
0x14d: {  	v1 =	vmax.f32 v1, v2  }
0x14e: {  	v1 =	vmax.f32 v1, v3  }
0x14f: {  	v1 =	vmax.f32 v1, v4  }
0x150: {  	v1 =	vmax.f32 v1, v5  }
0x151: {  	v1 =	vmax.f32 v1, v6  }
0x152: {  	[tilespmem:v0+s19+$0xFFFFFFE0 ss:$0x1] =	vst.idx.msk $0xffff, v1  }
0x153: {  	v1 =	vld [tilespmem:s21+$0xFFFFFC60]  }
0x154: {  	v2 =	vld [tilespmem:s21+$0xFFFFFCE0]  }
0x155: {  	v3 =	vld [tilespmem:s21+$0xFFFFFD60]  }
0x156: {  	v4 =	vld [tilespmem:s21+$0xFFFFFDE0]  }
0x157: {  	v5 =	vld [tilespmem:s21+$0xFFFFFE60]  }
0x158: {  	v6 =	vld [tilespmem:s21+$0xFFFFFEE0]  }
0x159: {  	v1 =	vmax.f32 v1, v2;
	v2 =	vld [tilespmem:s21+$0xFFFFFF60]  }
0x15a: {  	v1 =	vmax.f32 v1, v3;
	v3 =	vld [tilespmem:s21+$0xFFFFFFE0]  }
0x15b: {  	v1 =	vmax.f32 v1, v4;
	v4 =	vld [tilespmem:s21+$0x60]  }
0x15c: {  	v1 =	vmax.f32 v1, v5;
	v5 =	vld [tilespmem:s21+$0xE0]  }
0x15d: {  	v1 =	vmax.f32 v1, v6;
	v6 =	vld [tilespmem:s21+$0x160]  }
0x15e: {  	v1 =	vmax.f32 v1, v2;
	v2 =	vld [tilespmem:s21+$0x1E0]  }
0x15f: {  	v1 =	vmax.f32 v1, v3;
	v3 =	vld [tilespmem:s21+$0x260]  }
0x160: {  	v1 =	vmax.f32 v1, v4;
	v4 =	vld [tilespmem:s21+$0x2E0]  }
0x161: {  	v1 =	vmax.f32 v1, v5;
	v5 =	vld [tilespmem:s21+$0x360]  }
0x162: {  	v1 =	vmax.f32 v1, v6;
	v6 =	vld [tilespmem:s21+$0x3E0]  }
0x163: {  	v1 =	vmax.f32 v1, v2  }
0x164: {  	v1 =	vmax.f32 v1, v3  }
0x165: {  	v1 =	vmax.f32 v1, v4  }
0x166: {  	v1 =	vmax.f32 v1, v5  }
0x167: {  	v1 =	vmax.f32 v1, v6  }
0x168: {  	[tilespmem:v0+s19+$0xFFFFFFF0 ss:$0x1] =	vst.idx.msk $0xffff, v1  }
0x169: {  	v1 =	vld [tilespmem:s21+$0xFFFFFC70]  }
0x16a: {  	v2 =	vld [tilespmem:s21+$0xFFFFFCF0]  }
0x16b: {  	v3 =	vld [tilespmem:s21+$0xFFFFFD70]  }
0x16c: {  	v4 =	vld [tilespmem:s21+$0xFFFFFDF0]  }
0x16d: {  	v6 =	vld [tilespmem:s21+$0xFFFFFE70]  }
0x16e: {  	v7 =	vld [tilespmem:s21+$0xFFFFFEF0]  }
0x16f: {  	v1 =	vmax.f32 v1, v2;
	v8 =	vld [tilespmem:s21+$0xFFFFFF70]  }
0x170: {  	v1 =	vmax.f32 v1, v3;
	v9 =	vld [tilespmem:s21+$0xFFFFFFF0]  }
.Ltmp2:
0x171: {  	v1 =	vmax.f32 v1, v4;
	v5 =	vld [tilespmem:s21+$0x70];
	(pc) =	sbr.rel @p0 .LBB2_3-.Ltmp2, $4  }
0x172: {  	v1 =	vmax.f32 v1, v6;
	v2 =	vld [tilespmem:s21+$0xF0]  }
0x173: {  	v1 =	vmax.f32 v1, v7;
	v3 =	vld [tilespmem:s21+$0x170]  }
0x174: {  	v4 =	vmax.f32 v1, v8;
	v1 =	vld [tilespmem:s21+$0x1F0]  }
0x175: {  	v6 =	vmax.f32 v4, v9;
	v4 =	vld [tilespmem:s21+$0x270]  }
0x176: {  	v5 =	vmax.f32 v6, v5;
	v6 =	vld [tilespmem:s18+$0x2F0]  }
0x177: {  	v2 =	vmax.f32 v5, v2;
	v5 =	vld [tilespmem:s18+$0x370]  }
0x178: {  	v2 =	vmax.f32 v2, v3;
	v3 =	vld [tilespmem:s18+$0x3F0]  }
0x179: {  	v1 =	vmax.f32 v2, v1  }
0x17a: {  	v1 =	vmax.f32 v1, v4  }
0x17b: {  	v1 =	vmax.f32 v1, v6  }
0x17c: {  	p0 =	seq.s32 s17, $0x1F;
	s18 =	sshll.u32 s17, $0xA;
	v1 =	vmax.f32 v1, v5  }
0x17d: {  	s20 =	sshrl.u32 @!p0 s18, $0x2;
	v1 =	vmax.f32 v1, v3  }
0x17e: {  	s21 =	simm.s32 @!p0 $0x2000;
	[tilespmem:v0+s19+$0x0 ss:$0x1] =	vst.idx.msk $0xffff, v1;
	s19 =	sadd.s32 @!p0 $0x100, s20;
	s20 =	simm.s32 @!p0 $0x80  }
0x17f: {  	[tilespmem:s21], [sflag:$0x1] =	stream.indirect.gather @!p0 [hbm4b:s1+s20], $0x80, s19, s20, $0xb8;
	[tilespmem:$0x1A000] =	vst v63  }
0x180: {  	_ =	swait.ge [sflag:s12], $0x4000  }
0x181: {  	[sflag:s12] =	ssyncset.done $0x0  }
0x182: {  	s19 =	simm.s32 $0x6400;
	[sflag:s12] =	ssyncadd.s32 $0xFFFFC000  }
0x183: {  	v0 =	vld [tilespmem:s19+$0xFFFFFC80]  }
0x184: {  	v1 =	vld [tilespmem:s19+$0xFFFFFC00]  }
0x185: {  	v2 =	vld [tilespmem:s19+$0xFFFFFD00]  }
0x186: {  	v3 =	vld [tilespmem:s19+$0xFFFFFD80]  }
0x187: {  	v4 =	vld [tilespmem:s19+$0xFFFFFE00]  }
0x188: {  	v5 =	vld [tilespmem:s19+$0xFFFFFE80]  }
0x189: {  	v0 =	vmax.f32 v1, v0;
	v1 =	vld [tilespmem:s19+$0xFFFFFF00]  }
0x18a: {  	v0 =	vmax.f32 v0, v2;
	v2 =	vld [tilespmem:s19+$0xFFFFFF80]  }
0x18b: {  	v0 =	vmax.f32 v0, v3;
	v3 =	vld [tilespmem:s19+$0x0]  }
0x18c: {  	v0 =	vmax.f32 v0, v4;
	v4 =	vld [tilespmem:s19+$0x80]  }
0x18d: {  	v0 =	vmax.f32 v0, v5;
	v5 =	vld [tilespmem:s19+$0x100]  }
0x18e: {  	v0 =	vmax.f32 v0, v1;
	v1 =	vld [tilespmem:s19+$0x180]  }
0x18f: {  	v0 =	vmax.f32 v0, v2;
	v2 =	vld [tilespmem:s19+$0x200]  }
0x190: {  	v0 =	vmax.f32 v0, v3;
	v3 =	vld [tilespmem:s19+$0x280]  }
0x191: {  	v0 =	vmax.f32 v0, v4;
	v4 =	vld [tilespmem:s19+$0x300]  }
0x192: {  	v6 =	vld [tilespmem:s19+$0x380];
	v5 =	vmax.f32 v0, v5  }
0x193: {  	v0 =	vmov s16;
	v1 =	vmax.f32 v5, v1  }
0x194: {  	v1 =	vmax.f32 v1, v2  }
0x195: {  	v1 =	vmax.f32 v1, v3  }
0x196: {  	v1 =	vmax.f32 v1, v4  }
0x197: {  	s20 =	simm.s32 $0x0;
	v1 =	vmax.f32 v1, v6  }
0x198: {  	[tilespmem:v0+s20+$0xFFFFFF90 ss:$0x1] =	vst.idx.msk $0xffff, v1  }
0x199: {  	v1 =	vld [tilespmem:s19+$0xFFFFFC10]  }
0x19a: {  	v2 =	vld [tilespmem:s19+$0xFFFFFC90]  }
0x19b: {  	v3 =	vld [tilespmem:s19+$0xFFFFFD10]  }
0x19c: {  	v4 =	vld [tilespmem:s19+$0xFFFFFD90]  }
0x19d: {  	v5 =	vld [tilespmem:s19+$0xFFFFFE10]  }
0x19e: {  	v6 =	vld [tilespmem:s19+$0xFFFFFE90]  }
0x19f: {  	v1 =	vmax.f32 v1, v2;
	v2 =	vld [tilespmem:s19+$0xFFFFFF10]  }
0x1a0: {  	v1 =	vmax.f32 v1, v3;
	v3 =	vld [tilespmem:s19+$0xFFFFFF90]  }
0x1a1: {  	v1 =	vmax.f32 v1, v4;
	v4 =	vld [tilespmem:s19+$0x10]  }
0x1a2: {  	v1 =	vmax.f32 v1, v5;
	v5 =	vld [tilespmem:s19+$0x90]  }
0x1a3: {  	v1 =	vmax.f32 v1, v6;
	v6 =	vld [tilespmem:s19+$0x110]  }
0x1a4: {  	v1 =	vmax.f32 v1, v2;
	v2 =	vld [tilespmem:s19+$0x190]  }
0x1a5: {  	v1 =	vmax.f32 v1, v3;
	v3 =	vld [tilespmem:s19+$0x210]  }
0x1a6: {  	v1 =	vmax.f32 v1, v4;
	v4 =	vld [tilespmem:s19+$0x290]  }
0x1a7: {  	v1 =	vmax.f32 v1, v5;
	v5 =	vld [tilespmem:s19+$0x310]  }
0x1a8: {  	v1 =	vmax.f32 v1, v6;
	v6 =	vld [tilespmem:s19+$0x390]  }
0x1a9: {  	v1 =	vmax.f32 v1, v2  }
0x1aa: {  	v1 =	vmax.f32 v1, v3  }
0x1ab: {  	v1 =	vmax.f32 v1, v4  }
0x1ac: {  	v1 =	vmax.f32 v1, v5  }
0x1ad: {  	v1 =	vmax.f32 v1, v6  }
0x1ae: {  	[tilespmem:v0+s20+$0xFFFFFFA0 ss:$0x1] =	vst.idx.msk $0xffff, v1  }
0x1af: {  	v1 =	vld [tilespmem:s19+$0xFFFFFC20]  }
0x1b0: {  	v2 =	vld [tilespmem:s19+$0xFFFFFCA0]  }
0x1b1: {  	v3 =	vld [tilespmem:s19+$0xFFFFFD20]  }
0x1b2: {  	v4 =	vld [tilespmem:s19+$0xFFFFFDA0]  }
0x1b3: {  	v5 =	vld [tilespmem:s19+$0xFFFFFE20]  }
0x1b4: {  	v6 =	vld [tilespmem:s19+$0xFFFFFEA0]  }
0x1b5: {  	v1 =	vmax.f32 v1, v2;
	v2 =	vld [tilespmem:s19+$0xFFFFFF20]  }
0x1b6: {  	v1 =	vmax.f32 v1, v3;
	v3 =	vld [tilespmem:s19+$0xFFFFFFA0]  }
0x1b7: {  	v1 =	vmax.f32 v1, v4;
	v4 =	vld [tilespmem:s19+$0x20]  }
0x1b8: {  	v1 =	vmax.f32 v1, v5;
	v5 =	vld [tilespmem:s19+$0xA0]  }
0x1b9: {  	v1 =	vmax.f32 v1, v6;
	v6 =	vld [tilespmem:s19+$0x120]  }
0x1ba: {  	v1 =	vmax.f32 v1, v2;
	v2 =	vld [tilespmem:s19+$0x1A0]  }
0x1bb: {  	v1 =	vmax.f32 v1, v3;
	v3 =	vld [tilespmem:s19+$0x220]  }
0x1bc: {  	v1 =	vmax.f32 v1, v4;
	v4 =	vld [tilespmem:s19+$0x2A0]  }
0x1bd: {  	v1 =	vmax.f32 v1, v5;
	v5 =	vld [tilespmem:s19+$0x320]  }
0x1be: {  	v1 =	vmax.f32 v1, v6;
	v6 =	vld [tilespmem:s19+$0x3A0]  }
0x1bf: {  	v1 =	vmax.f32 v1, v2  }
0x1c0: {  	v1 =	vmax.f32 v1, v3  }
0x1c1: {  	v1 =	vmax.f32 v1, v4  }
0x1c2: {  	v1 =	vmax.f32 v1, v5  }
0x1c3: {  	v1 =	vmax.f32 v1, v6  }
0x1c4: {  	[tilespmem:v0+s20+$0xFFFFFFB0 ss:$0x1] =	vst.idx.msk $0xffff, v1  }
0x1c5: {  	v1 =	vld [tilespmem:s19+$0xFFFFFC30]  }
0x1c6: {  	v2 =	vld [tilespmem:s19+$0xFFFFFCB0]  }
0x1c7: {  	v3 =	vld [tilespmem:s19+$0xFFFFFD30]  }
0x1c8: {  	v4 =	vld [tilespmem:s19+$0xFFFFFDB0]  }
0x1c9: {  	v5 =	vld [tilespmem:s19+$0xFFFFFE30]  }
0x1ca: {  	v6 =	vld [tilespmem:s19+$0xFFFFFEB0]  }
0x1cb: {  	v1 =	vmax.f32 v1, v2;
	v2 =	vld [tilespmem:s19+$0xFFFFFF30]  }
0x1cc: {  	v1 =	vmax.f32 v1, v3;
	v3 =	vld [tilespmem:s19+$0xFFFFFFB0]  }
0x1cd: {  	v1 =	vmax.f32 v1, v4;
	v4 =	vld [tilespmem:s19+$0x30]  }
0x1ce: {  	v1 =	vmax.f32 v1, v5;
	v5 =	vld [tilespmem:s19+$0xB0]  }
0x1cf: {  	v1 =	vmax.f32 v1, v6;
	v6 =	vld [tilespmem:s19+$0x130]  }
0x1d0: {  	v1 =	vmax.f32 v1, v2;
	v2 =	vld [tilespmem:s19+$0x1B0]  }
0x1d1: {  	v1 =	vmax.f32 v1, v3;
	v3 =	vld [tilespmem:s19+$0x230]  }
0x1d2: {  	v1 =	vmax.f32 v1, v4;
	v4 =	vld [tilespmem:s19+$0x2B0]  }
0x1d3: {  	v1 =	vmax.f32 v1, v5;
	v5 =	vld [tilespmem:s19+$0x330]  }
0x1d4: {  	v1 =	vmax.f32 v1, v6;
	v6 =	vld [tilespmem:s19+$0x3B0]  }
0x1d5: {  	v1 =	vmax.f32 v1, v2  }
0x1d6: {  	v1 =	vmax.f32 v1, v3  }
0x1d7: {  	v1 =	vmax.f32 v1, v4  }
0x1d8: {  	v1 =	vmax.f32 v1, v5  }
0x1d9: {  	v1 =	vmax.f32 v1, v6  }
0x1da: {  	[tilespmem:v0+s20+$0xFFFFFFC0 ss:$0x1] =	vst.idx.msk $0xffff, v1  }
0x1db: {  	v1 =	vld [tilespmem:s19+$0xFFFFFC40]  }
0x1dc: {  	v2 =	vld [tilespmem:s19+$0xFFFFFCC0]  }
0x1dd: {  	v3 =	vld [tilespmem:s19+$0xFFFFFD40]  }
0x1de: {  	v4 =	vld [tilespmem:s19+$0xFFFFFDC0]  }
0x1df: {  	v5 =	vld [tilespmem:s19+$0xFFFFFE40]  }
0x1e0: {  	v6 =	vld [tilespmem:s19+$0xFFFFFEC0]  }
0x1e1: {  	v1 =	vmax.f32 v1, v2;
	v2 =	vld [tilespmem:s19+$0xFFFFFF40]  }
0x1e2: {  	v1 =	vmax.f32 v1, v3;
	v3 =	vld [tilespmem:s19+$0xFFFFFFC0]  }
0x1e3: {  	v1 =	vmax.f32 v1, v4;
	v4 =	vld [tilespmem:s19+$0x40]  }
0x1e4: {  	v1 =	vmax.f32 v1, v5;
	v5 =	vld [tilespmem:s19+$0xC0]  }
0x1e5: {  	v1 =	vmax.f32 v1, v6;
	v6 =	vld [tilespmem:s19+$0x140]  }
0x1e6: {  	v1 =	vmax.f32 v1, v2;
	v2 =	vld [tilespmem:s19+$0x1C0]  }
0x1e7: {  	v1 =	vmax.f32 v1, v3;
	v3 =	vld [tilespmem:s19+$0x240]  }
0x1e8: {  	v1 =	vmax.f32 v1, v4;
	v4 =	vld [tilespmem:s19+$0x2C0]  }
0x1e9: {  	v1 =	vmax.f32 v1, v5;
	v5 =	vld [tilespmem:s19+$0x340]  }
0x1ea: {  	v1 =	vmax.f32 v1, v6;
	v6 =	vld [tilespmem:s19+$0x3C0]  }
0x1eb: {  	v1 =	vmax.f32 v1, v2  }
0x1ec: {  	v1 =	vmax.f32 v1, v3  }
0x1ed: {  	v1 =	vmax.f32 v1, v4  }
0x1ee: {  	v1 =	vmax.f32 v1, v5  }
0x1ef: {  	v1 =	vmax.f32 v1, v6  }
0x1f0: {  	[tilespmem:v0+s20+$0xFFFFFFD0 ss:$0x1] =	vst.idx.msk $0xffff, v1  }
0x1f1: {  	v1 =	vld [tilespmem:s19+$0xFFFFFC50]  }
0x1f2: {  	v2 =	vld [tilespmem:s19+$0xFFFFFCD0]  }
0x1f3: {  	v3 =	vld [tilespmem:s19+$0xFFFFFD50]  }
0x1f4: {  	v4 =	vld [tilespmem:s19+$0xFFFFFDD0]  }
0x1f5: {  	v5 =	vld [tilespmem:s19+$0xFFFFFE50]  }
0x1f6: {  	v6 =	vld [tilespmem:s19+$0xFFFFFED0]  }
0x1f7: {  	v1 =	vmax.f32 v1, v2;
	v2 =	vld [tilespmem:s19+$0xFFFFFF50]  }
0x1f8: {  	v1 =	vmax.f32 v1, v3;
	v3 =	vld [tilespmem:s19+$0xFFFFFFD0]  }
0x1f9: {  	v1 =	vmax.f32 v1, v4;
	v4 =	vld [tilespmem:s19+$0x50]  }
0x1fa: {  	v1 =	vmax.f32 v1, v5;
	v5 =	vld [tilespmem:s19+$0xD0]  }
0x1fb: {  	v1 =	vmax.f32 v1, v6;
	v6 =	vld [tilespmem:s19+$0x150]  }
0x1fc: {  	v1 =	vmax.f32 v1, v2;
	v2 =	vld [tilespmem:s19+$0x1D0]  }
0x1fd: {  	v1 =	vmax.f32 v1, v3;
	v3 =	vld [tilespmem:s19+$0x250]  }
0x1fe: {  	v1 =	vmax.f32 v1, v4;
	v4 =	vld [tilespmem:s19+$0x2D0]  }
0x1ff: {  	v1 =	vmax.f32 v1, v5;
	v5 =	vld [tilespmem:s19+$0x350]  }
0x200: {  	v1 =	vmax.f32 v1, v6;
	v6 =	vld [tilespmem:s19+$0x3D0]  }
0x201: {  	v1 =	vmax.f32 v1, v2  }
0x202: {  	v1 =	vmax.f32 v1, v3  }
0x203: {  	v1 =	vmax.f32 v1, v4  }
0x204: {  	v1 =	vmax.f32 v1, v5  }
0x205: {  	v1 =	vmax.f32 v1, v6  }
0x206: {  	[tilespmem:v0+s20+$0xFFFFFFE0 ss:$0x1] =	vst.idx.msk $0xffff, v1  }
0x207: {  	v1 =	vld [tilespmem:s19+$0xFFFFFC60]  }
0x208: {  	v2 =	vld [tilespmem:s19+$0xFFFFFCE0]  }
0x209: {  	v3 =	vld [tilespmem:s19+$0xFFFFFD60]  }
0x20a: {  	v4 =	vld [tilespmem:s19+$0xFFFFFDE0]  }
0x20b: {  	v5 =	vld [tilespmem:s19+$0xFFFFFE60]  }
0x20c: {  	v6 =	vld [tilespmem:s19+$0xFFFFFEE0]  }
0x20d: {  	v1 =	vmax.f32 v1, v2;
	v2 =	vld [tilespmem:s19+$0xFFFFFF60]  }
0x20e: {  	v1 =	vmax.f32 v1, v3;
	v3 =	vld [tilespmem:s19+$0xFFFFFFE0]  }
0x20f: {  	v1 =	vmax.f32 v1, v4;
	v4 =	vld [tilespmem:s19+$0x60]  }
0x210: {  	v1 =	vmax.f32 v1, v5;
	v5 =	vld [tilespmem:s19+$0xE0]  }
0x211: {  	v1 =	vmax.f32 v1, v6;
	v6 =	vld [tilespmem:s19+$0x160]  }
0x212: {  	v1 =	vmax.f32 v1, v2;
	v2 =	vld [tilespmem:s19+$0x1E0]  }
0x213: {  	v1 =	vmax.f32 v1, v3;
	v3 =	vld [tilespmem:s19+$0x260]  }
0x214: {  	v1 =	vmax.f32 v1, v4;
	v4 =	vld [tilespmem:s19+$0x2E0]  }
0x215: {  	v1 =	vmax.f32 v1, v5;
	v5 =	vld [tilespmem:s19+$0x360]  }
0x216: {  	v1 =	vmax.f32 v1, v6;
	v6 =	vld [tilespmem:s19+$0x3E0]  }
0x217: {  	v1 =	vmax.f32 v1, v2  }
0x218: {  	v1 =	vmax.f32 v1, v3  }
0x219: {  	v1 =	vmax.f32 v1, v4  }
0x21a: {  	v1 =	vmax.f32 v1, v5  }
0x21b: {  	v1 =	vmax.f32 v1, v6  }
0x21c: {  	[tilespmem:v0+s20+$0xFFFFFFF0 ss:$0x1] =	vst.idx.msk $0xffff, v1  }
0x21d: {  	v1 =	vld [tilespmem:s19+$0xFFFFFC70]  }
0x21e: {  	v2 =	vld [tilespmem:s19+$0xFFFFFCF0]  }
0x21f: {  	v3 =	vld [tilespmem:s19+$0xFFFFFD70]  }
0x220: {  	v4 =	vld [tilespmem:s19+$0xFFFFFDF0]  }
0x221: {  	v6 =	vld [tilespmem:s19+$0xFFFFFE70]  }
0x222: {  	v7 =	vld [tilespmem:s19+$0xFFFFFEF0]  }
0x223: {  	v8 =	vld [tilespmem:s19+$0xFFFFFF70];
	v1 =	vmax.f32 v1, v2  }
0x224: {  	v9 =	vld [tilespmem:s19+$0xFFFFFFF0];
	v1 =	vmax.f32 v1, v3  }
0x225: {  	v5 =	vld [tilespmem:s19+$0x70];
	v1 =	vmax.f32 v1, v4  }
0x226: {  	v2 =	vld [tilespmem:s19+$0xF0];
	v1 =	vmax.f32 v1, v6  }
0x227: {  	v3 =	vld [tilespmem:s19+$0x170];
	v1 =	vmax.f32 v1, v7  }
0x228: {  	v4 =	vmax.f32 v1, v8;
	v1 =	vld [tilespmem:s19+$0x1F0]  }
0x229: {  	s22 =	simm.s32 $0x6400;
	s21 =	simm.s32 $0x200;
	v6 =	vmax.f32 v4, v9;
	v4 =	vld [tilespmem:s19+$0x270]  }
.LBB2_5:
0x22a: {  	p1 =	sne.s32 s21, $0xE00  }
0x22b: {  	v5 =	vmax.f32 v6, v5;
	v6 =	vld [tilespmem:s19+$0x2F0];
	s22 =	sadd.s32 $0x800, s22;
	s23 =	smov.u32 s21;
	s21 =	sadd.s32 $0x200, s21  }
0x22c: {  	v2 =	vmax.f32 v5, v2;
	v5 =	vld [tilespmem:s19+$0x370]  }
0x22d: {  	v2 =	vmax.f32 v2, v3;
	v3 =	vld [tilespmem:s19+$0x3F0];
	s19 =	smov.u32 s22  }
0x22e: {  	v1 =	vmax.f32 v2, v1  }
0x22f: {  	v1 =	vmax.f32 v1, v4  }
0x230: {  	v1 =	vmax.f32 v1, v6  }
0x231: {  	v1 =	vmax.f32 v1, v5  }
0x232: {  	v1 =	vmax.f32 v1, v3  }
0x233: {  	[tilespmem:v0+s20+$0x0 ss:$0x1] =	vst.idx.msk $0xffff, v1  }
0x234: {  	v1 =	vld [tilespmem:s22+$0xFFFFFD00]  }
0x235: {  	v2 =	vld [tilespmem:s22+$0xFFFFFC80]  }
0x236: {  	v3 =	vld [tilespmem:s22+$0xFFFFFC00]  }
0x237: {  	v4 =	vld [tilespmem:s22+$0xFFFFFD80]  }
0x238: {  	v5 =	vld [tilespmem:s22+$0xFFFFFE00];
	_ =	sdelay $0x1  }
0x239: {  	v6 =	vld [tilespmem:s22+$0xFFFFFE80]  }
0x23a: {  	v2 =	vmax.f32 v3, v2;
	v3 =	vld [tilespmem:s22+$0xFFFFFF00]  }
0x23b: {  	v1 =	vmax.f32 v2, v1;
	v2 =	vld [tilespmem:s22+$0xFFFFFF80]  }
0x23c: {  	v1 =	vmax.f32 v1, v4;
	v4 =	vld [tilespmem:s22+$0x0]  }
0x23d: {  	v1 =	vmax.f32 v1, v5;
	v5 =	vld [tilespmem:s22+$0x80]  }
0x23e: {  	v1 =	vmax.f32 v1, v6;
	v6 =	vld [tilespmem:s22+$0x100]  }
0x23f: {  	v1 =	vmax.f32 v1, v3;
	v3 =	vld [tilespmem:s22+$0x180]  }
0x240: {  	v1 =	vmax.f32 v1, v2;
	v2 =	vld [tilespmem:s22+$0x200]  }
0x241: {  	v1 =	vmax.f32 v1, v4;
	v4 =	vld [tilespmem:s22+$0x280]  }
0x242: {  	v1 =	vmax.f32 v1, v5;
	v5 =	vld [tilespmem:s22+$0x300]  }
0x243: {  	v1 =	vmax.f32 v1, v6;
	v6 =	vld [tilespmem:s22+$0x380]  }
0x244: {  	v1 =	vmax.f32 v1, v3  }
0x245: {  	v1 =	vmax.f32 v1, v2  }
0x246: {  	v1 =	vmax.f32 v1, v4  }
0x247: {  	v1 =	vmax.f32 v1, v5  }
0x248: {  	s20 =	sshra.s32 s23, $0x2;
	v1 =	vmax.f32 v1, v6  }
0x249: {  	[tilespmem:v0+s20+$0xFFFFFF90 ss:$0x1] =	vst.idx.msk $0xffff, v1  }
0x24a: {  	v1 =	vld [tilespmem:s22+$0xFFFFFC10]  }
0x24b: {  	v2 =	vld [tilespmem:s22+$0xFFFFFC90]  }
0x24c: {  	v3 =	vld [tilespmem:s22+$0xFFFFFD10]  }
0x24d: {  	v4 =	vld [tilespmem:s22+$0xFFFFFD90]  }
0x24e: {  	v5 =	vld [tilespmem:s22+$0xFFFFFE10]  }
0x24f: {  	v6 =	vld [tilespmem:s22+$0xFFFFFE90]  }
0x250: {  	v1 =	vmax.f32 v1, v2;
	v2 =	vld [tilespmem:s22+$0xFFFFFF10]  }
0x251: {  	v1 =	vmax.f32 v1, v3;
	v3 =	vld [tilespmem:s22+$0xFFFFFF90]  }
0x252: {  	v1 =	vmax.f32 v1, v4;
	v4 =	vld [tilespmem:s22+$0x10]  }
0x253: {  	v1 =	vmax.f32 v1, v5;
	v5 =	vld [tilespmem:s22+$0x90]  }
0x254: {  	v1 =	vmax.f32 v1, v6;
	v6 =	vld [tilespmem:s22+$0x110]  }
0x255: {  	v1 =	vmax.f32 v1, v2;
	v2 =	vld [tilespmem:s22+$0x190]  }
0x256: {  	v1 =	vmax.f32 v1, v3;
	v3 =	vld [tilespmem:s22+$0x210]  }
0x257: {  	v1 =	vmax.f32 v1, v4;
	v4 =	vld [tilespmem:s22+$0x290]  }
0x258: {  	v1 =	vmax.f32 v1, v5;
	v5 =	vld [tilespmem:s22+$0x310]  }
0x259: {  	v1 =	vmax.f32 v1, v6;
	v6 =	vld [tilespmem:s22+$0x390]  }
0x25a: {  	v1 =	vmax.f32 v1, v2  }
0x25b: {  	v1 =	vmax.f32 v1, v3  }
0x25c: {  	v1 =	vmax.f32 v1, v4  }
0x25d: {  	v1 =	vmax.f32 v1, v5  }
0x25e: {  	v1 =	vmax.f32 v1, v6  }
0x25f: {  	[tilespmem:v0+s20+$0xFFFFFFA0 ss:$0x1] =	vst.idx.msk $0xffff, v1  }
0x260: {  	v1 =	vld [tilespmem:s22+$0xFFFFFC20]  }
0x261: {  	v2 =	vld [tilespmem:s22+$0xFFFFFCA0]  }
0x262: {  	v3 =	vld [tilespmem:s22+$0xFFFFFD20]  }
0x263: {  	v4 =	vld [tilespmem:s22+$0xFFFFFDA0]  }
0x264: {  	v5 =	vld [tilespmem:s22+$0xFFFFFE20]  }
0x265: {  	v6 =	vld [tilespmem:s22+$0xFFFFFEA0]  }
0x266: {  	v1 =	vmax.f32 v1, v2;
	v2 =	vld [tilespmem:s22+$0xFFFFFF20]  }
0x267: {  	v1 =	vmax.f32 v1, v3;
	v3 =	vld [tilespmem:s22+$0xFFFFFFA0]  }
0x268: {  	v1 =	vmax.f32 v1, v4;
	v4 =	vld [tilespmem:s22+$0x20]  }
0x269: {  	v1 =	vmax.f32 v1, v5;
	v5 =	vld [tilespmem:s22+$0xA0]  }
0x26a: {  	v1 =	vmax.f32 v1, v6;
	v6 =	vld [tilespmem:s22+$0x120]  }
0x26b: {  	v1 =	vmax.f32 v1, v2;
	v2 =	vld [tilespmem:s22+$0x1A0]  }
0x26c: {  	v1 =	vmax.f32 v1, v3;
	v3 =	vld [tilespmem:s22+$0x220]  }
0x26d: {  	v1 =	vmax.f32 v1, v4;
	v4 =	vld [tilespmem:s22+$0x2A0]  }
0x26e: {  	v1 =	vmax.f32 v1, v5;
	v5 =	vld [tilespmem:s22+$0x320]  }
0x26f: {  	v1 =	vmax.f32 v1, v6;
	v6 =	vld [tilespmem:s22+$0x3A0]  }
0x270: {  	v1 =	vmax.f32 v1, v2  }
0x271: {  	v1 =	vmax.f32 v1, v3  }
0x272: {  	v1 =	vmax.f32 v1, v4  }
0x273: {  	v1 =	vmax.f32 v1, v5  }
0x274: {  	v1 =	vmax.f32 v1, v6  }
0x275: {  	[tilespmem:v0+s20+$0xFFFFFFB0 ss:$0x1] =	vst.idx.msk $0xffff, v1  }
0x276: {  	v1 =	vld [tilespmem:s22+$0xFFFFFC30]  }
0x277: {  	v2 =	vld [tilespmem:s22+$0xFFFFFCB0]  }
0x278: {  	v3 =	vld [tilespmem:s22+$0xFFFFFD30]  }
0x279: {  	v4 =	vld [tilespmem:s22+$0xFFFFFDB0]  }
0x27a: {  	v5 =	vld [tilespmem:s22+$0xFFFFFE30]  }
0x27b: {  	v6 =	vld [tilespmem:s22+$0xFFFFFEB0]  }
0x27c: {  	v1 =	vmax.f32 v1, v2;
	v2 =	vld [tilespmem:s22+$0xFFFFFF30]  }
0x27d: {  	v1 =	vmax.f32 v1, v3;
	v3 =	vld [tilespmem:s22+$0xFFFFFFB0]  }
0x27e: {  	v1 =	vmax.f32 v1, v4;
	v4 =	vld [tilespmem:s22+$0x30]  }
0x27f: {  	v1 =	vmax.f32 v1, v5;
	v5 =	vld [tilespmem:s22+$0xB0]  }
0x280: {  	v1 =	vmax.f32 v1, v6;
	v6 =	vld [tilespmem:s22+$0x130]  }
0x281: {  	v1 =	vmax.f32 v1, v2;
	v2 =	vld [tilespmem:s22+$0x1B0]  }
0x282: {  	v1 =	vmax.f32 v1, v3;
	v3 =	vld [tilespmem:s22+$0x230]  }
0x283: {  	v1 =	vmax.f32 v1, v4;
	v4 =	vld [tilespmem:s22+$0x2B0]  }
0x284: {  	v1 =	vmax.f32 v1, v5;
	v5 =	vld [tilespmem:s22+$0x330]  }
0x285: {  	v1 =	vmax.f32 v1, v6;
	v6 =	vld [tilespmem:s22+$0x3B0]  }
0x286: {  	v1 =	vmax.f32 v1, v2  }
0x287: {  	v1 =	vmax.f32 v1, v3  }
0x288: {  	v1 =	vmax.f32 v1, v4  }
0x289: {  	v1 =	vmax.f32 v1, v5  }
0x28a: {  	v1 =	vmax.f32 v1, v6  }
0x28b: {  	[tilespmem:v0+s20+$0xFFFFFFC0 ss:$0x1] =	vst.idx.msk $0xffff, v1  }
0x28c: {  	v1 =	vld [tilespmem:s22+$0xFFFFFC40]  }
0x28d: {  	v2 =	vld [tilespmem:s22+$0xFFFFFCC0]  }
0x28e: {  	v3 =	vld [tilespmem:s22+$0xFFFFFD40]  }
0x28f: {  	v4 =	vld [tilespmem:s22+$0xFFFFFDC0]  }
0x290: {  	v5 =	vld [tilespmem:s22+$0xFFFFFE40]  }
0x291: {  	v6 =	vld [tilespmem:s22+$0xFFFFFEC0]  }
0x292: {  	v1 =	vmax.f32 v1, v2;
	v2 =	vld [tilespmem:s22+$0xFFFFFF40]  }
0x293: {  	v1 =	vmax.f32 v1, v3;
	v3 =	vld [tilespmem:s22+$0xFFFFFFC0]  }
0x294: {  	v1 =	vmax.f32 v1, v4;
	v4 =	vld [tilespmem:s22+$0x40]  }
0x295: {  	v1 =	vmax.f32 v1, v5;
	v5 =	vld [tilespmem:s22+$0xC0]  }
0x296: {  	v1 =	vmax.f32 v1, v6;
	v6 =	vld [tilespmem:s22+$0x140]  }
0x297: {  	v1 =	vmax.f32 v1, v2;
	v2 =	vld [tilespmem:s22+$0x1C0]  }
0x298: {  	v1 =	vmax.f32 v1, v3;
	v3 =	vld [tilespmem:s22+$0x240]  }
0x299: {  	v1 =	vmax.f32 v1, v4;
	v4 =	vld [tilespmem:s22+$0x2C0]  }
0x29a: {  	v1 =	vmax.f32 v1, v5;
	v5 =	vld [tilespmem:s22+$0x340]  }
0x29b: {  	v1 =	vmax.f32 v1, v6;
	v6 =	vld [tilespmem:s22+$0x3C0]  }
0x29c: {  	v1 =	vmax.f32 v1, v2  }
0x29d: {  	v1 =	vmax.f32 v1, v3  }
0x29e: {  	v1 =	vmax.f32 v1, v4  }
0x29f: {  	v1 =	vmax.f32 v1, v5  }
0x2a0: {  	v1 =	vmax.f32 v1, v6  }
0x2a1: {  	[tilespmem:v0+s20+$0xFFFFFFD0 ss:$0x1] =	vst.idx.msk $0xffff, v1  }
0x2a2: {  	v1 =	vld [tilespmem:s22+$0xFFFFFC50]  }
0x2a3: {  	v2 =	vld [tilespmem:s22+$0xFFFFFCD0]  }
0x2a4: {  	v3 =	vld [tilespmem:s22+$0xFFFFFD50]  }
0x2a5: {  	v4 =	vld [tilespmem:s22+$0xFFFFFDD0]  }
0x2a6: {  	v5 =	vld [tilespmem:s22+$0xFFFFFE50]  }
0x2a7: {  	v6 =	vld [tilespmem:s22+$0xFFFFFED0]  }
0x2a8: {  	v1 =	vmax.f32 v1, v2;
	v2 =	vld [tilespmem:s22+$0xFFFFFF50]  }
0x2a9: {  	v1 =	vmax.f32 v1, v3;
	v3 =	vld [tilespmem:s22+$0xFFFFFFD0]  }
0x2aa: {  	v1 =	vmax.f32 v1, v4;
	v4 =	vld [tilespmem:s22+$0x50]  }
0x2ab: {  	v1 =	vmax.f32 v1, v5;
	v5 =	vld [tilespmem:s22+$0xD0]  }
0x2ac: {  	v1 =	vmax.f32 v1, v6;
	v6 =	vld [tilespmem:s22+$0x150]  }
0x2ad: {  	v1 =	vmax.f32 v1, v2;
	v2 =	vld [tilespmem:s22+$0x1D0]  }
0x2ae: {  	v1 =	vmax.f32 v1, v3;
	v3 =	vld [tilespmem:s22+$0x250]  }
0x2af: {  	v1 =	vmax.f32 v1, v4;
	v4 =	vld [tilespmem:s22+$0x2D0]  }
0x2b0: {  	v1 =	vmax.f32 v1, v5;
	v5 =	vld [tilespmem:s22+$0x350]  }
0x2b1: {  	v1 =	vmax.f32 v1, v6;
	v6 =	vld [tilespmem:s22+$0x3D0]  }
0x2b2: {  	v1 =	vmax.f32 v1, v2  }
0x2b3: {  	v1 =	vmax.f32 v1, v3  }
0x2b4: {  	v1 =	vmax.f32 v1, v4  }
0x2b5: {  	v1 =	vmax.f32 v1, v5  }
0x2b6: {  	v1 =	vmax.f32 v1, v6  }
0x2b7: {  	[tilespmem:v0+s20+$0xFFFFFFE0 ss:$0x1] =	vst.idx.msk $0xffff, v1  }
0x2b8: {  	v1 =	vld [tilespmem:s22+$0xFFFFFC60]  }
0x2b9: {  	v2 =	vld [tilespmem:s22+$0xFFFFFCE0]  }
0x2ba: {  	v3 =	vld [tilespmem:s22+$0xFFFFFD60]  }
0x2bb: {  	v4 =	vld [tilespmem:s22+$0xFFFFFDE0]  }
0x2bc: {  	v5 =	vld [tilespmem:s22+$0xFFFFFE60]  }
0x2bd: {  	v6 =	vld [tilespmem:s22+$0xFFFFFEE0]  }
0x2be: {  	v1 =	vmax.f32 v1, v2;
	v2 =	vld [tilespmem:s22+$0xFFFFFF60]  }
0x2bf: {  	v1 =	vmax.f32 v1, v3;
	v3 =	vld [tilespmem:s22+$0xFFFFFFE0]  }
0x2c0: {  	v1 =	vmax.f32 v1, v4;
	v4 =	vld [tilespmem:s22+$0x60]  }
0x2c1: {  	v1 =	vmax.f32 v1, v5;
	v5 =	vld [tilespmem:s22+$0xE0]  }
0x2c2: {  	v1 =	vmax.f32 v1, v6;
	v6 =	vld [tilespmem:s22+$0x160]  }
0x2c3: {  	v1 =	vmax.f32 v1, v2;
	v2 =	vld [tilespmem:s22+$0x1E0]  }
0x2c4: {  	v1 =	vmax.f32 v1, v3;
	v3 =	vld [tilespmem:s22+$0x260]  }
0x2c5: {  	v1 =	vmax.f32 v1, v4;
	v4 =	vld [tilespmem:s22+$0x2E0]  }
0x2c6: {  	v1 =	vmax.f32 v1, v5;
	v5 =	vld [tilespmem:s22+$0x360]  }
0x2c7: {  	v1 =	vmax.f32 v1, v6;
	v6 =	vld [tilespmem:s22+$0x3E0]  }
0x2c8: {  	v1 =	vmax.f32 v1, v2  }
0x2c9: {  	v1 =	vmax.f32 v1, v3  }
0x2ca: {  	v1 =	vmax.f32 v1, v4  }
0x2cb: {  	v1 =	vmax.f32 v1, v5  }
0x2cc: {  	v1 =	vmax.f32 v1, v6  }
0x2cd: {  	[tilespmem:v0+s20+$0xFFFFFFF0 ss:$0x1] =	vst.idx.msk $0xffff, v1  }
0x2ce: {  	v1 =	vld [tilespmem:s22+$0xFFFFFC70]  }
0x2cf: {  	v2 =	vld [tilespmem:s22+$0xFFFFFCF0]  }
0x2d0: {  	v3 =	vld [tilespmem:s22+$0xFFFFFD70]  }
0x2d1: {  	v4 =	vld [tilespmem:s22+$0xFFFFFDF0]  }
0x2d2: {  	v6 =	vld [tilespmem:s22+$0xFFFFFE70]  }
0x2d3: {  	v7 =	vld [tilespmem:s22+$0xFFFFFEF0]  }
0x2d4: {  	v1 =	vmax.f32 v1, v2;
	v8 =	vld [tilespmem:s22+$0xFFFFFF70]  }
0x2d5: {  	v1 =	vmax.f32 v1, v3;
	v9 =	vld [tilespmem:s22+$0xFFFFFFF0]  }
.Ltmp3:
0x2d6: {  	v1 =	vmax.f32 v1, v4;
	v5 =	vld [tilespmem:s22+$0x70];
	(pc) =	sbr.rel @p1 .LBB2_5-.Ltmp3, $4  }
0x2d7: {  	v1 =	vmax.f32 v1, v6;
	v2 =	vld [tilespmem:s22+$0xF0]  }
0x2d8: {  	v1 =	vmax.f32 v1, v7;
	v3 =	vld [tilespmem:s22+$0x170]  }
0x2d9: {  	v4 =	vmax.f32 v1, v8;
	v1 =	vld [tilespmem:s22+$0x1F0]  }
0x2da: {  	v6 =	vmax.f32 v4, v9;
	v4 =	vld [tilespmem:s22+$0x270]  }
0x2db: {  	v5 =	vmax.f32 v6, v5;
	v61 =	vld [tilespmem:s19+$0x2F0]  }
0x2dc: {  	v62 =	vld [tilespmem:s19+$0x370];
	v2 =	vmax.f32 v5, v2  }
0x2dd: {  	v63 =	vld [tilespmem:s19+$0x3F0];
	v2 =	vmax.f32 v2, v3  }
0x2de: {  	v1 =	vmax.f32 v2, v1  }
.Ltmp4:
0x2df: {  	v1 =	vmax.f32 v1, v4;
	(pc) =	sbr.rel @p0 .LBB2_8-.Ltmp4, $4  }
0x2e0: {  	v1 =	vmax.f32 v1, v61  }
0x2e1: {  	v1 =	vmax.f32 v1, v62  }
0x2e2: {  	v1 =	vmax.f32 v1, v63  }
0x2e3: {  	[tilespmem:v0+s20+$0x0 ss:$0x1] =	vst.idx.msk $0xffff, v1  }
.Ltmp5:
0x2e4: {  	(pc) =	sbr.rel .LBB2_2-.Ltmp5, $4  }
0x2e5: {  	_ = 	snop  }
0x2e6: {  	s18 =	sshrl.u32 s18, $0x2;
	s17 =	sadd.s32 $0x1, s17  }
0x2e7: {  	s15 =	sadd.s32 $0x800, s15;
	s16 =	sadd.s32 $0x800, s16;
	s18 =	sadd.s32 $0x180, s18  }
0x2e8: {  	[tilespmem:s10], [sflag:$0x2] =	stream.indirect.gather [hbm4b:s1+s8], $0x80, s18, s8, $0xb8;
	[tilespmem:$0x1A000] =	vst v63  }
.LBB2_9:
0x2e9: {  	_ =	sfence.sel $0x180000  }
0x2ea: {  	[bflag:$0x0] =	sbarrier.arrive $0xFFFF  }
0x2eb: {  	p0 =	sne.s32 s2, $0x0;
	_ =	strace $0x9000004A  }
0x2ec: {  	s0 =	sadd.s32 @!p0 $0x100000, s0;
	[bflag:$0x2] =	sbarrier.arrive $0xFFFF  }
0x2ed: {  	[sflag:s0] =	ssyncadd.tile.s32 @!p0 $0x1;
	_ =	shalt  }
.Lfunc_end2:
_tile_overlayer_lowered:
.L_overlay_start_2:
0x2ee: {  	(tag) =	ssettag $0x2  }
0x2ef: {  	s0 =	rddreg [dreg:$0x0];
	s2 =	stileid.u32  }
0x2f0: {  	s1 =	rddreg [dreg:$0x1];
	p0 =	sne.s32 s2, $0x0  }
0x2f1: {  	s3 =	rddreg [dreg:$0x2];
	[bflag:$0x3] =	sbarrier.arrive $0xFFFF;
	s2 =	simm.s32 @!p0 $0x1C03  }
0x2f2: {  	[timem:s3], [sflag:s2] =	dma.local @!p0 [hbm:s0], s1  }
0x2f3: {  	s0 =	simm.s32 @!p0 $0x3  }
0x2f4: {  	_ =	swait.ge @!p0 [sflag:s0], s1  }
0x2f5: {  	s1 =	ssub.s32 @!p0 $0x0, s1;
	[sflag:s0] =	ssyncset.done @!p0 $0x0  }
0x2f6: {  	[sflag:s0] =	ssyncadd.s32 @!p0 s1  }
0x2f7: {  	[bflag:$0x3] =	sbarrier.arrive $0xFFFF  }
0x2f8: {  	_ =	shalt  }

// kernel: kernel.7.cloned.1.call-start
scs
__scs_entry_jumppad:
0x0: {  	(pc) =	sbr.rel $0x88, $3  }
0x1: {  	(tag) =	ssettag $0x0;
	lr =	simm.s32 $0x1  }
0x2: {  	[smem:$0x3F92] =	sst lr;
	_ =	strace $0xD0000000  }
0x3: {  	_ = 	snop  }
0x4: {  	_ = 	snop  }
0x5: {  	_ = 	snop  }
0x6: {  	_ = 	snop  }
0x7: {  	_ = 	snop  }
__scs_overlays_trampoline_lowered:
0x8: {  	[smem:$0x3FA1] =	sst s0  }
0x9: {  	[smem:$0x3FA2] =	sst s1  }
0xa: {  	[smem:$0x3FA3] =	sst s2  }
0xb: {  	[smem:$0x3FA4] =	sst s3  }
0xc: {  	[smem:$0x3FA5] =	sst s4  }
0xd: {  	[smem:$0x3FA6] =	sst s5  }
0xe: {  	[smem:$0x3FA7] =	sst s6  }
0xf: {  	[smem:$0x3FA8] =	sst s7  }
0x10: {  	[smem:$0x3FA9] =	sst s8  }
0x11: {  	[smem:$0x3FAA] =	sst s9;
	s0 =	simm.s32 @!p0 $0x0  }
0x12: {  	s1 =	sld [smem:$0x3F90];
	s0 =	simm.s32 @p0 $0x1  }
0x13: {  	[smem:$0x3FAB] =	sst s0;
	s0 =	simm.s32 @!p1 $0x0  }
0x14: {  	s2 =	sld [smem:$0x3F8F];
	s0 =	simm.s32 @p1 $0x1  }
0x15: {  	[smem:$0x3FAC] =	sst s0;
	s0 =	simm.s32 @!p2 $0x0  }
0x16: {  	s3 =	sld [smem:$0x3FDB];
	s0 =	simm.s32 @p2 $0x1  }
0x17: {  	s4 =	simm.s32 $0x1BF5;
	[smem:$0x3FAE] =	sst s0  }
0x18: {  	s0 =	sld [smem:$0x3F91];
	_ =	swait.ge [sflag:s4], $0x0  }
0x19: {  	s7 =	sld [smem:$0x3F92]  }
0x1a: {  	s8 =	sadd.s32 $0xFFFFE003, lr  }
0x1b: {  	s9 =	sadd.s32 $0xFFFFFEF7, lr;
	s5 =	simm.s32 $0xFFFFFFFF;
	p2 =	slt.u32 s8, $0xFFFFF086  }
0x1c: {  	p1 =	slt.u32 s9, $0xF7A;
	s5 =	simm.s32 @!p2 $0x0  }
0x1d: {  	s5 =	simm.s32 @p1 $0x1;
	p0 =	seq.s32 s7, s2  }
0x1e: {  	s7 =	smul.u32 @!p0 $0xF7A, s2;
	p2 =	seq.s32 @!p0 s5, $0x0  }
0x1f: {  	s9 =	smul.u32 $0xF7A, s1;
	s8 =	simm.s32 @!p0 $0x1BF5;
	p2 =	por !p2, p0  }
0x20: {  	[sflag:s8] =	ssyncset.s32 @!p0 $0xFFFFF086;
	s6 =	sadd.s32 @!p0 s3, s7;
	s7 =	simm.s32 @!p0 $0x108  }
0x21: {  	s3 =	sadd.s32 s3, s9;
	s6 =	sadd.s32 @!p0 $0x88, s6;
	s7 =	simm.s32 @p2 $0x1082  }
0x22: {  	[simem:s7], [sflag:s8] =	dma.local @!p0 [hbm:s6], $0xF7A  }
0x23: {  	s9 =	sor.u32 $0xD0000000, s2;
	s6 =	simm.s32 $0x108;
	_ =	swait.ge @!p0 [sflag:s8], $0x0  }
0x24: {  	s3 =	sadd.s32 $0x88, s3;
	s6 =	simm.s32 @!p1 $0x1082;
	[sflag:s4] =	ssyncset.s32 $0xFFFFF086  }
0x25: {  	[simem:s6], [sflag:s4] =	dma.local [hbm:s3], $0xF7A  }
0x26: {  	[smem:$0x3F92] =	sst s1;
	(tag) =	ssettag s2;
	_ =	strace s9  }
0x27: {  	s1 =	sld [smem:$0x3FA2]  }
0x28: {  	s2 =	sld [smem:$0x3FA3]  }
0x29: {  	s4 =	sld [smem:$0x3FA5]  }
0x2a: {  	p0 =	seq.s32 s5, $0x0;
	s5 =	sld [smem:$0x3FA6]  }
0x2b: {  	s6 =	sld [smem:$0x3FA7]  }
0x2c: {  	s7 =	sld [smem:$0x3FA8]  }
0x2d: {  	s3 =	simm.s32 $0x108;
	s8 =	sld [smem:$0x3FA9]  }
0x2e: {  	s3 =	simm.s32 @!p0 $0x1082;
	s9 =	sld [smem:$0x3FAA]  }
0x2f: {  	lr =	sadd.s32 s0, s3;
	s0 =	sld [smem:$0x3FA1]  }
0x30: {  	s3 =	sld [smem:$0x3FA4]  }
0x31: {  	[smem:$0x3FAD] =	sst s10  }
0x32: {  	s10 =	sld [smem:$0x3FAB];
	_ =	sdelay $0x3  }
0x33: {  	p0 =	seq.s32 s10, $0x1;
	s10 =	sld [smem:$0x3FAD];
	_ =	sdelay $0x3  }
0x34: {  	[smem:$0x3FAD] =	sst s10  }
0x35: {  	s10 =	sld [smem:$0x3FAC];
	_ =	sdelay $0x3  }
0x36: {  	p1 =	seq.s32 s10, $0x1;
	s10 =	sld [smem:$0x3FAD];
	_ =	sdelay $0x3  }
0x37: {  	[smem:$0x3FAD] =	sst s10  }
0x38: {  	s10 =	sld [smem:$0x3FAE]  }
0x39: {  	_ = 	snop;
	(pc) =	sbr.ind lr, $3  }
0x3a: {  	_ = 	snop  }
0x3b: {  	_ = 	snop  }
0x3c: {  	p2 =	seq.s32 s10, $0x1;
	s10 =	sld [smem:$0x3FAD]  }
0x3d: {  	_ =	shalt  }
0x3e: {  	_ =	shalt  }
0x3f: {  	_ =	shalt  }
0x40: {  	_ =	shalt  }
0x41: {  	_ =	shalt  }
0x42: {  	_ =	shalt  }
0x43: {  	_ =	shalt  }
0x44: {  	_ =	shalt  }
0x45: {  	_ =	shalt  }
0x46: {  	_ =	shalt  }
0x47: {  	_ =	shalt  }
0x48: {  	_ =	shalt  }
0x49: {  	_ =	shalt  }
0x4a: {  	_ =	shalt  }
0x4b: {  	_ =	shalt  }
0x4c: {  	_ =	shalt  }
0x4d: {  	_ =	shalt  }
0x4e: {  	_ =	shalt  }
0x4f: {  	_ =	shalt  }
0x50: {  	_ =	shalt  }
0x51: {  	_ =	shalt  }
0x52: {  	_ =	shalt  }
0x53: {  	_ =	shalt  }
0x54: {  	_ =	shalt  }
0x55: {  	_ =	shalt  }
0x56: {  	_ =	shalt  }
0x57: {  	_ =	shalt  }
0x58: {  	_ =	shalt  }
0x59: {  	_ =	shalt  }
0x5a: {  	_ =	shalt  }
0x5b: {  	_ =	shalt  }
0x5c: {  	_ =	shalt  }
0x5d: {  	_ =	shalt  }
0x5e: {  	_ =	shalt  }
0x5f: {  	_ =	shalt  }
0x60: {  	_ =	shalt  }
0x61: {  	_ =	shalt  }
0x62: {  	_ =	shalt  }
0x63: {  	_ =	shalt  }
0x64: {  	_ =	shalt  }
0x65: {  	_ =	shalt  }
0x66: {  	_ =	shalt  }
0x67: {  	_ =	shalt  }
0x68: {  	_ =	shalt  }
0x69: {  	_ =	shalt  }
0x6a: {  	_ =	shalt  }
0x6b: {  	_ =	shalt  }
0x6c: {  	_ =	shalt  }
0x6d: {  	_ =	shalt  }
0x6e: {  	_ =	shalt  }
0x6f: {  	_ =	shalt  }
0x70: {  	_ =	shalt  }
0x71: {  	_ =	shalt  }
0x72: {  	_ =	shalt  }
0x73: {  	_ =	shalt  }
0x74: {  	_ =	shalt  }
0x75: {  	_ =	shalt  }
0x76: {  	_ =	shalt  }
0x77: {  	_ =	shalt  }
0x78: {  	_ =	shalt  }
0x79: {  	_ =	shalt  }
0x7a: {  	_ =	shalt  }
0x7b: {  	_ =	shalt  }
0x7c: {  	_ =	shalt  }
0x7d: {  	_ =	shalt  }
0x7e: {  	_ =	shalt  }
0x7f: {  	_ =	shalt  }
0x80: {  	_ =	shalt  }
0x81: {  	_ =	shalt  }
0x82: {  	_ =	shalt  }
0x83: {  	_ =	shalt  }
0x84: {  	_ =	shalt  }
0x85: {  	_ =	shalt  }
0x86: {  	_ =	shalt  }
0x87: {  	_ =	shalt  }
.Lfunc_end0:
.L_simem_size_0:
called_computation_lowered:
.L_overlay_start_0:
0x88: {  	s2 =	sld [smem:$0x3FD9]  }
0x89: {  	s3 =	sld [smem:$0x3FFE];
	_ =	sdelay $0x1  }
0x8a: {  	s1 =	srdreg.scid  }
0x8b: {  	s0 =	sand.u32 $0x1, s1  }
0x8c: {  	s17 =	sshll.u32 s0, $0xA;
	s2 =	sadd.s32 s3, s2  }
0x8d: {  	s2 =	sadd.s32 s2, s17  }
0x8e: {  	[smem:$0x3FB9] =	sst s2  }
0x8f: {  	_ = 	snop  }
0x90: {  	s2 =	sld [smem:$0x3FD0];
	(tm) =	ssettm $0x1  }
0x91: {  	s18 =	sld [smem:$0x3FFB];
	_ =	sdelay $0x3  }
0x92: {  	_ =	strace s18  }
0x93: {  	s3 =	sld [smem:$0x3FFC];
	_ =	sdelay $0x3  }
0x94: {  	_ =	strace s3  }
0x95: {  	s3 =	sld [smem:$0x3FFD];
	_ =	sdelay $0x3  }
0x96: {  	_ =	strace s3  }
0x97: {  	_ =	strace $0x8FFFFFFF  }
0x98: {  	s19 =	sld [smem:$0x3FDB];
	_ =	sdelay $0x1  }
0x99: {  	s4 =	simm.s32 $_scs_section_size  }
0x9a: {  	s5 =	simm.s32 $_size__tile_overlayer_lowered;
	s6 =	simm.s32 $_tile_overlayer_lowered  }
0x9b: {  	s22 =	simm.s32 $0x1BFF;
	s21 =	sshll.u32 s6, $0x1;
	s3 =	sadd.s32 s4, s19  }
0x9c: {  	s7 =	simm.s32 $0x0;
	s20 =	sshll.u32 s5, $0x1;
	s5 =	sadd.s32 s21, s3  }
0x9d: {  	[timem:s7], [sflag:s22] =	dma.local [hbm:s5], s20  }
0x9e: {  	_ =	swait.ge [sflag:s22], s20  }
0x9f: {  	s4 =	ssub.s32 $0x0, s20;
	[sflag:s22] =	ssyncset.done $0x0  }
0xa0: {  	[sflag:s22] =	ssyncadd.s32 s4;
	_ =	sdelay $0x1  }
0xa1: {  	s23 =	simm.s32 $0x1B8B  }
0xa2: {  	_ =	swait.ge [sflag:s23], $0x1  }
0xa3: {  	[sflag:s23] =	ssyncset.done $0x0  }
0xa4: {  	s25 =	simm.s32 $0x1B8E;
	s24 =	sld [smem:$0x3FFE];
	[sflag:s23] =	ssyncadd.s32 $0xFFFFFFFF  }
0xa5: {  	s26 =	simm.s32 $execute0_lowered;
	[smem:$0x3FD2] =	sst s25  }
0xa6: {  	s5 =	sshll.u32 s26, $0x1;
	_ =	strace $0x80000046;
	[dreg:$0x1] =	wrdreg $0xFFFFFFFF  }
0xa7: {  	s28 =	simm.s32 $_size_execute0_lowered;
	s3 =	sadd.s32 s3, s5;
	[dreg:$0x0] =	wrdreg $0x0  }
0xa8: {  	s5 =	sshll.u32 s28, $0x1;
	[dreg:$0x2] =	wrdreg s3  }
0xa9: {  	[dreg:$0x3] =	wrdreg s5  }
0xaa: {  	[dreg:$0x4] =	wrdreg $0xC0  }
0xab: {  	_ =	task [dreg:s7], $0x5FFFF  }
0xac: {  	[dreg:$0x1] =	wrdreg $0xFFFFFFFF  }
0xad: {  	[dreg:$0x0] =	wrdreg $0x60  }
0xae: {  	[dreg:$0x2] =	wrdreg s2  }
0xaf: {  	[dreg:$0x3] =	wrdreg s24  }
0xb0: {  	[dreg:$0x4] =	wrdreg $0x9  }
0xb1: {  	_ =	task.clear_ibuf [dreg:s7], $0x5FFFF;
	_ =	strace $0x90000046  }
0xb2: {  	s29 =	simm.s32 $0x9;
	_ =	strace $0x80000048  }
0xb3: {  	_ =	swait.ge [sflag:s29], $0x1  }
0xb4: {  	[sflag:s29] =	ssyncadd.s32 $0xFFFFFFFF  }
0xb5: {  	_ =	strace $0x90000048  }
0xb6: {  	_ =	sfence  }
0xb7: {  	s30 =	sld [smem:$0x0];
	_ =	sdelay $0x2  }
0xb8: {  	s31 =	sshll.u32 s1, $0xD;
	s1 =	sshrl.u32 s1, $0x2  }
0xb9: {  	s3 =	sand.u32 $0x4000, s31;
	s1 =	sadd.s32 s1, s30  }
0xba: {  	s0 =	sor.u32 s3, s0;
	s1 =	sshll.u32 s1, $0x11  }
0xbb: {  	s0 =	sor.u32 s1, s0  }
0xbc: {  	s0 =	sadd.s32 $0x8F2B, s0  }
0xbd: {  	[sflag:s0] =	ssyncadd.remote.s32 $0x1  }
0xbe: {  	_ =	sfence.sel $0xFFFF  }
0xbf: {  	[dreg:$0x0] =	wrdreg $0xFFFFFFFF;
	(pc) =	sbr.abs _section_cstart, $3  }
0xc0: {  	[dreg:$0x1] =	wrdreg $0xFFFFFFFF  }
0xc1: {  	_ =	task.clear_ibuf [dreg:s7], $0x2FFFF;
	_ =	strace $0x9FFFFFFF  }
0xc2: {  	(tm) =	ssettm $0x7FFFFFFF  }
0xc3: {  	_ =	shalt  }
tec
execute0_lowered:
.L_overlay_start_1:
0x0: {  	(tag) =	ssettag $0x1  }
0x1: {  	s1 =	rddreg [dreg:$0x0]  }
0x2: {  	s4 =	rddreg [dreg:$0x1]  }
0x3: {  	s0 =	rddreg [dreg:$0x2]  }
0x4: {  	s3 =	simm.s32 $0x0;
	s5 =	srdreg.scid;
	s2 =	stileid.u32  }
0x5: {  	s9 =	simm.s32 $0x2000;
	s10 =	simm.s32 $0x6000;
	s11 =	simm.s32 $0x1  }
0x6: {  	s12 =	simm.s32 $0x2;
	s13 =	simm.s32 $0xA000;
	s14 =	simm.s32 $0x0  }
0x7: {  	[smem:$0x7FF] =	sst s3;
	s5 =	sand.u32 $0x1, s5;
	s6 =	sshll.u32 s2, $0x1  }
.Ltmp0:
0x8: {  	_ =	strace $0x80000047;
	s6 =	sor.u32 s5, s6;
	(pc) =	sbr.rel .LBB2_1-.Ltmp0, $4  }
0x9: {  	s5 =	ssub.s32 $0x2, s5;
	s7 =	sshll.u32 s6, $0xA;
	s6 =	sshll.u32 s6, $0xD  }
0xa: {  	s31 =	sshrl.u32 s5, $0x1;
	s7 =	sadd.s32 s7, s4;
	s6 =	sadd.s32 s6, s4  }
0xb: {  	s8 =	ssub.s32 s5, s31;
	s4 =	sadd.s32 $0x2E00, s7;
	s5 =	sadd.s32 $0xAE00, s6  }
0xc: {  	s6 =	smax.u32 s8, $0x1;
	s7 =	simm.s32 $0x3;
	s8 =	simm.s32 $0x80  }
.LBB2_8:
0xd: {  	s14 =	sadd.s32 $0x1, s14  }
0xe: {  	p0 =	sne.s32 s14, s6  }
.Ltmp1:
0xf: {  	_ = 	snop;
	(pc) =	sbr.rel @!p0 .LBB2_9-.Ltmp1, $4  }
0x10: {  	[hbm4b:s5+s3] =	stream.linear.scatter [tilespmem:s13], [sflag:$0x3], $0x10000, $0x38;
	[tilespmem:$0x1A000] =	vst v63  }
0x11: {  	_ =	swait.ge [sflag:s7], $0x10000  }
0x12: {  	[sflag:s7] =	ssyncset.done $0x0  }
0x13: {  	[sflag:s7] =	ssyncadd.s32 $0xFFFF0000  }
.LBB2_1:
0x14: {  	[tilespmem:s3], [sflag:$0x3] =	stream.linear.gather [hbm4b:s4+s3], $0x2000, $0x38;
	[tilespmem:$0x1A000] =	vst v63  }
0x15: {  	_ =	swait.ge [sflag:s7], $0x2000  }
0x16: {  	[sflag:s7] =	ssyncset.done $0x0  }
0x17: {  	[sflag:s7] =	ssyncadd.s32 $0xFFFFE000  }
0x18: {  	[tilespmem:s9], [sflag:$0x1] =	stream.indirect.gather [hbm4b:s1+s8], $0x80, s3, s8, $0xb8;
	[tilespmem:$0x1A000] =	vst v63  }
0x19: {  	s15 =	simm.s32 $0xA030;
	s16 =	simm.s32 $0xA430;
	s17 =	simm.s32 $0x0  }
0x1a: {  	[tilespmem:s10], [sflag:$0x2] =	stream.indirect.gather [hbm4b:s1+s8], $0x80, s8, s8, $0xb8;
	[tilespmem:$0x1A000] =	vst v63  }
.LBB2_2:
0x1b: {  	_ =	swait.ge [sflag:s11], $0x4000  }
0x1c: {  	[sflag:s11] =	ssyncset.done $0x0  }
0x1d: {  	s18 =	simm.s32 $0x2400;
	[sflag:s11] =	ssyncadd.s32 $0xFFFFC000  }
0x1e: {  	v0 =	vld [tilespmem:s18+$0xFFFFFC80]  }
0x1f: {  	v1 =	vld [tilespmem:s18+$0xFFFFFC00]  }
0x20: {  	v2 =	vld [tilespmem:s18+$0xFFFFFD00]  }
0x21: {  	v3 =	vld [tilespmem:s18+$0xFFFFFD80]  }
0x22: {  	v4 =	vld [tilespmem:s18+$0xFFFFFE00]  }
0x23: {  	v5 =	vld [tilespmem:s18+$0xFFFFFE80]  }
0x24: {  	v0 =	vmax.f32 v1, v0;
	v1 =	vld [tilespmem:s18+$0xFFFFFF00]  }
0x25: {  	v0 =	vmax.f32 v0, v2;
	v2 =	vld [tilespmem:s18+$0xFFFFFF80]  }
0x26: {  	v0 =	vmax.f32 v0, v3;
	v3 =	vld [tilespmem:s18+$0x0]  }
0x27: {  	v0 =	vmax.f32 v0, v4;
	v4 =	vld [tilespmem:s18+$0x80]  }
0x28: {  	v0 =	vmax.f32 v0, v5;
	v5 =	vld [tilespmem:s18+$0x100]  }
0x29: {  	v0 =	vmax.f32 v0, v1;
	v1 =	vld [tilespmem:s18+$0x180]  }
0x2a: {  	v0 =	vmax.f32 v0, v2;
	v2 =	vld [tilespmem:s18+$0x200]  }
0x2b: {  	v0 =	vmax.f32 v0, v3;
	v3 =	vld [tilespmem:s18+$0x280]  }
0x2c: {  	v0 =	vmax.f32 v0, v4;
	v4 =	vld [tilespmem:s18+$0x300]  }
0x2d: {  	v6 =	vld [tilespmem:s18+$0x380];
	v5 =	vmax.f32 v0, v5  }
0x2e: {  	v0 =	vmov s15;
	v1 =	vmax.f32 v5, v1  }
0x2f: {  	v1 =	vmax.f32 v1, v2  }
0x30: {  	v1 =	vmax.f32 v1, v3  }
0x31: {  	v1 =	vmax.f32 v1, v4  }
0x32: {  	s19 =	simm.s32 $0x0;
	v1 =	vmax.f32 v1, v6  }
0x33: {  	[tilespmem:v0+s19+$0xFFFFFFD0 ss:$0x1] =	vst.idx.msk $0xffff, v1  }
0x34: {  	v1 =	vld [tilespmem:s18+$0xFFFFFC10]  }
0x35: {  	v2 =	vld [tilespmem:s18+$0xFFFFFC90]  }
0x36: {  	v3 =	vld [tilespmem:s18+$0xFFFFFD10]  }
0x37: {  	v4 =	vld [tilespmem:s18+$0xFFFFFD90]  }
0x38: {  	v5 =	vld [tilespmem:s18+$0xFFFFFE10]  }
0x39: {  	v6 =	vld [tilespmem:s18+$0xFFFFFE90]  }
0x3a: {  	v1 =	vmax.f32 v1, v2;
	v2 =	vld [tilespmem:s18+$0xFFFFFF10]  }
0x3b: {  	v1 =	vmax.f32 v1, v3;
	v3 =	vld [tilespmem:s18+$0xFFFFFF90]  }
0x3c: {  	v1 =	vmax.f32 v1, v4;
	v4 =	vld [tilespmem:s18+$0x10]  }
0x3d: {  	v1 =	vmax.f32 v1, v5;
	v5 =	vld [tilespmem:s18+$0x90]  }
0x3e: {  	v1 =	vmax.f32 v1, v6;
	v6 =	vld [tilespmem:s18+$0x110]  }
0x3f: {  	v1 =	vmax.f32 v1, v2;
	v2 =	vld [tilespmem:s18+$0x190]  }
0x40: {  	v1 =	vmax.f32 v1, v3;
	v3 =	vld [tilespmem:s18+$0x210]  }
0x41: {  	v1 =	vmax.f32 v1, v4;
	v4 =	vld [tilespmem:s18+$0x290]  }
0x42: {  	v1 =	vmax.f32 v1, v5;
	v5 =	vld [tilespmem:s18+$0x310]  }
0x43: {  	v1 =	vmax.f32 v1, v6;
	v6 =	vld [tilespmem:s18+$0x390]  }
0x44: {  	v1 =	vmax.f32 v1, v2  }
0x45: {  	v1 =	vmax.f32 v1, v3  }
0x46: {  	v1 =	vmax.f32 v1, v4  }
0x47: {  	v1 =	vmax.f32 v1, v5  }
0x48: {  	v1 =	vmax.f32 v1, v6  }
0x49: {  	[tilespmem:v0+s19+$0xFFFFFFE0 ss:$0x1] =	vst.idx.msk $0xffff, v1  }
0x4a: {  	v1 =	vld [tilespmem:s18+$0xFFFFFC20]  }
0x4b: {  	v2 =	vld [tilespmem:s18+$0xFFFFFCA0]  }
0x4c: {  	v3 =	vld [tilespmem:s18+$0xFFFFFD20]  }
0x4d: {  	v4 =	vld [tilespmem:s18+$0xFFFFFDA0]  }
0x4e: {  	v5 =	vld [tilespmem:s18+$0xFFFFFE20]  }
0x4f: {  	v6 =	vld [tilespmem:s18+$0xFFFFFEA0]  }
0x50: {  	v1 =	vmax.f32 v1, v2;
	v2 =	vld [tilespmem:s18+$0xFFFFFF20]  }
0x51: {  	v1 =	vmax.f32 v1, v3;
	v3 =	vld [tilespmem:s18+$0xFFFFFFA0]  }
0x52: {  	v1 =	vmax.f32 v1, v4;
	v4 =	vld [tilespmem:s18+$0x20]  }
0x53: {  	v1 =	vmax.f32 v1, v5;
	v5 =	vld [tilespmem:s18+$0xA0]  }
0x54: {  	v1 =	vmax.f32 v1, v6;
	v6 =	vld [tilespmem:s18+$0x120]  }
0x55: {  	v1 =	vmax.f32 v1, v2;
	v2 =	vld [tilespmem:s18+$0x1A0]  }
0x56: {  	v1 =	vmax.f32 v1, v3;
	v3 =	vld [tilespmem:s18+$0x220]  }
0x57: {  	v1 =	vmax.f32 v1, v4;
	v4 =	vld [tilespmem:s18+$0x2A0]  }
0x58: {  	v1 =	vmax.f32 v1, v5;
	v5 =	vld [tilespmem:s18+$0x320]  }
0x59: {  	v1 =	vmax.f32 v1, v6;
	v6 =	vld [tilespmem:s18+$0x3A0]  }
0x5a: {  	v1 =	vmax.f32 v1, v2  }
0x5b: {  	v1 =	vmax.f32 v1, v3  }
0x5c: {  	v1 =	vmax.f32 v1, v4  }
0x5d: {  	v1 =	vmax.f32 v1, v5  }
0x5e: {  	v1 =	vmax.f32 v1, v6  }
0x5f: {  	[tilespmem:v0+s19+$0xFFFFFFF0 ss:$0x1] =	vst.idx.msk $0xffff, v1  }
0x60: {  	v1 =	vld [tilespmem:s18+$0xFFFFFC30]  }
0x61: {  	v2 =	vld [tilespmem:s18+$0xFFFFFCB0]  }
0x62: {  	v3 =	vld [tilespmem:s18+$0xFFFFFD30]  }
0x63: {  	v4 =	vld [tilespmem:s18+$0xFFFFFDB0]  }
0x64: {  	v5 =	vld [tilespmem:s18+$0xFFFFFE30]  }
0x65: {  	v6 =	vld [tilespmem:s18+$0xFFFFFEB0]  }
0x66: {  	v1 =	vmax.f32 v1, v2;
	v2 =	vld [tilespmem:s18+$0xFFFFFF30]  }
0x67: {  	v1 =	vmax.f32 v1, v3;
	v3 =	vld [tilespmem:s18+$0xFFFFFFB0]  }
0x68: {  	v1 =	vmax.f32 v1, v4;
	v4 =	vld [tilespmem:s18+$0x30]  }
0x69: {  	v1 =	vmax.f32 v1, v5;
	v5 =	vld [tilespmem:s18+$0xB0]  }
0x6a: {  	v1 =	vmax.f32 v1, v6;
	v6 =	vld [tilespmem:s18+$0x130]  }
0x6b: {  	v7 =	vld [tilespmem:s18+$0x1B0];
	v1 =	vmax.f32 v1, v2  }
0x6c: {  	v1 =	vmax.f32 v1, v3  }
0x6d: {  	v2 =	vld [tilespmem:s18+$0x230];
	v3 =	vmax.f32 v1, v4  }
0x6e: {  	v1 =	vld [tilespmem:s18+$0x2B0];
	v4 =	vmax.f32 v3, v5  }
0x6f: {  	v3 =	vld [tilespmem:s18+$0x330];
	v5 =	vmax.f32 v4, v6  }
0x70: {  	s20 =	simm.s32 $0x200;
	v4 =	vld [tilespmem:s18+$0x3B0];
	v5 =	vmax.f32 v5, v7  }
.LBB2_3:
0x71: {  	p0 =	sne.s32 s20, $0xE00  }
0x72: {  	v2 =	vmax.f32 v5, v2;
	s18 =	sadd.s32 $0x800, s18;
	s21 =	smov.u32 s20;
	s20 =	sadd.s32 $0x200, s20  }
0x73: {  	v1 =	vmax.f32 v2, v1  }
0x74: {  	v1 =	vmax.f32 v1, v3  }
0x75: {  	v1 =	vmax.f32 v1, v4  }
0x76: {  	[tilespmem:v0+s19+$0x0 ss:$0x1] =	vst.idx.msk $0xffff, v1;
	_ =	sdelay $0x1  }
0x77: {  	v1 =	vld [tilespmem:s18+$0xFFFFFC80]  }
0x78: {  	v2 =	vld [tilespmem:s18+$0xFFFFFC00]  }
0x79: {  	v3 =	vld [tilespmem:s18+$0xFFFFFD00]  }
0x7a: {  	v4 =	vld [tilespmem:s18+$0xFFFFFD80]  }
0x7b: {  	v5 =	vld [tilespmem:s18+$0xFFFFFE00]  }
0x7c: {  	v6 =	vld [tilespmem:s18+$0xFFFFFE80]  }
0x7d: {  	v1 =	vmax.f32 v2, v1;
	v2 =	vld [tilespmem:s18+$0xFFFFFF00]  }
0x7e: {  	v1 =	vmax.f32 v1, v3;
	v3 =	vld [tilespmem:s18+$0xFFFFFF80]  }
0x7f: {  	v1 =	vmax.f32 v1, v4;
	v4 =	vld [tilespmem:s18+$0x0]  }
0x80: {  	v1 =	vmax.f32 v1, v5;
	v5 =	vld [tilespmem:s18+$0x80]  }
0x81: {  	v1 =	vmax.f32 v1, v6;
	v6 =	vld [tilespmem:s18+$0x100]  }
0x82: {  	v1 =	vmax.f32 v1, v2;
	v2 =	vld [tilespmem:s18+$0x180]  }
0x83: {  	v1 =	vmax.f32 v1, v3;
	v3 =	vld [tilespmem:s18+$0x200]  }
0x84: {  	v1 =	vmax.f32 v1, v4;
	v4 =	vld [tilespmem:s18+$0x280]  }
0x85: {  	v1 =	vmax.f32 v1, v5;
	v5 =	vld [tilespmem:s18+$0x300]  }
0x86: {  	v1 =	vmax.f32 v1, v6;
	v6 =	vld [tilespmem:s18+$0x380]  }
0x87: {  	v1 =	vmax.f32 v1, v2  }
0x88: {  	v1 =	vmax.f32 v1, v3  }
0x89: {  	v1 =	vmax.f32 v1, v4  }
0x8a: {  	v1 =	vmax.f32 v1, v5  }
0x8b: {  	s19 =	sshra.s32 s21, $0x2;
	v1 =	vmax.f32 v1, v6  }
0x8c: {  	[tilespmem:v0+s19+$0xFFFFFFD0 ss:$0x1] =	vst.idx.msk $0xffff, v1  }
0x8d: {  	v1 =	vld [tilespmem:s18+$0xFFFFFC10]  }
0x8e: {  	v2 =	vld [tilespmem:s18+$0xFFFFFC90]  }
0x8f: {  	v3 =	vld [tilespmem:s18+$0xFFFFFD10]  }
0x90: {  	v4 =	vld [tilespmem:s18+$0xFFFFFD90]  }
0x91: {  	v5 =	vld [tilespmem:s18+$0xFFFFFE10]  }
0x92: {  	v6 =	vld [tilespmem:s18+$0xFFFFFE90]  }
0x93: {  	v1 =	vmax.f32 v1, v2;
	v2 =	vld [tilespmem:s18+$0xFFFFFF10]  }
0x94: {  	v1 =	vmax.f32 v1, v3;
	v3 =	vld [tilespmem:s18+$0xFFFFFF90]  }
0x95: {  	v1 =	vmax.f32 v1, v4;
	v4 =	vld [tilespmem:s18+$0x10]  }
0x96: {  	v1 =	vmax.f32 v1, v5;
	v5 =	vld [tilespmem:s18+$0x90]  }
0x97: {  	v1 =	vmax.f32 v1, v6;
	v6 =	vld [tilespmem:s18+$0x110]  }
0x98: {  	v1 =	vmax.f32 v1, v2;
	v2 =	vld [tilespmem:s18+$0x190]  }
0x99: {  	v1 =	vmax.f32 v1, v3;
	v3 =	vld [tilespmem:s18+$0x210]  }
0x9a: {  	v1 =	vmax.f32 v1, v4;
	v4 =	vld [tilespmem:s18+$0x290]  }
0x9b: {  	v1 =	vmax.f32 v1, v5;
	v5 =	vld [tilespmem:s18+$0x310]  }
0x9c: {  	v1 =	vmax.f32 v1, v6;
	v6 =	vld [tilespmem:s18+$0x390]  }
0x9d: {  	v1 =	vmax.f32 v1, v2  }
0x9e: {  	v1 =	vmax.f32 v1, v3  }
0x9f: {  	v1 =	vmax.f32 v1, v4  }
0xa0: {  	v1 =	vmax.f32 v1, v5  }
0xa1: {  	v1 =	vmax.f32 v1, v6  }
0xa2: {  	[tilespmem:v0+s19+$0xFFFFFFE0 ss:$0x1] =	vst.idx.msk $0xffff, v1  }
0xa3: {  	v1 =	vld [tilespmem:s18+$0xFFFFFC20]  }
0xa4: {  	v2 =	vld [tilespmem:s18+$0xFFFFFCA0]  }
0xa5: {  	v3 =	vld [tilespmem:s18+$0xFFFFFD20]  }
0xa6: {  	v4 =	vld [tilespmem:s18+$0xFFFFFDA0]  }
0xa7: {  	v5 =	vld [tilespmem:s18+$0xFFFFFE20]  }
0xa8: {  	v6 =	vld [tilespmem:s18+$0xFFFFFEA0]  }
0xa9: {  	v1 =	vmax.f32 v1, v2;
	v2 =	vld [tilespmem:s18+$0xFFFFFF20]  }
0xaa: {  	v1 =	vmax.f32 v1, v3;
	v3 =	vld [tilespmem:s18+$0xFFFFFFA0]  }
0xab: {  	v1 =	vmax.f32 v1, v4;
	v4 =	vld [tilespmem:s18+$0x20]  }
0xac: {  	v1 =	vmax.f32 v1, v5;
	v5 =	vld [tilespmem:s18+$0xA0]  }
0xad: {  	v1 =	vmax.f32 v1, v6;
	v6 =	vld [tilespmem:s18+$0x120]  }
0xae: {  	v1 =	vmax.f32 v1, v2;
	v2 =	vld [tilespmem:s18+$0x1A0]  }
0xaf: {  	v1 =	vmax.f32 v1, v3;
	v3 =	vld [tilespmem:s18+$0x220]  }
0xb0: {  	v1 =	vmax.f32 v1, v4;
	v4 =	vld [tilespmem:s18+$0x2A0]  }
0xb1: {  	v1 =	vmax.f32 v1, v5;
	v5 =	vld [tilespmem:s18+$0x320]  }
0xb2: {  	v1 =	vmax.f32 v1, v6;
	v6 =	vld [tilespmem:s18+$0x3A0]  }
0xb3: {  	v1 =	vmax.f32 v1, v2  }
0xb4: {  	v1 =	vmax.f32 v1, v3  }
0xb5: {  	v1 =	vmax.f32 v1, v4  }
0xb6: {  	v1 =	vmax.f32 v1, v5  }
0xb7: {  	v1 =	vmax.f32 v1, v6  }
0xb8: {  	[tilespmem:v0+s19+$0xFFFFFFF0 ss:$0x1] =	vst.idx.msk $0xffff, v1  }
0xb9: {  	v1 =	vld [tilespmem:s18+$0xFFFFFC30]  }
0xba: {  	v2 =	vld [tilespmem:s18+$0xFFFFFCB0]  }
0xbb: {  	v3 =	vld [tilespmem:s18+$0xFFFFFD30]  }
0xbc: {  	v4 =	vld [tilespmem:s18+$0xFFFFFDB0]  }
0xbd: {  	v5 =	vld [tilespmem:s18+$0xFFFFFE30]  }
0xbe: {  	v6 =	vld [tilespmem:s18+$0xFFFFFEB0]  }
0xbf: {  	v1 =	vmax.f32 v1, v2;
	v2 =	vld [tilespmem:s18+$0xFFFFFF30]  }
0xc0: {  	v1 =	vmax.f32 v1, v3;
	v3 =	vld [tilespmem:s18+$0xFFFFFFB0]  }
0xc1: {  	v1 =	vmax.f32 v1, v4;
	v4 =	vld [tilespmem:s18+$0x30]  }
0xc2: {  	v1 =	vmax.f32 v1, v5;
	v5 =	vld [tilespmem:s18+$0xB0]  }
0xc3: {  	v1 =	vmax.f32 v1, v6;
	v6 =	vld [tilespmem:s18+$0x130]  }
0xc4: {  	v1 =	vmax.f32 v1, v2;
	v7 =	vld [tilespmem:s18+$0x1B0]  }
.Ltmp2:
0xc5: {  	v1 =	vmax.f32 v1, v3;
	v2 =	vld [tilespmem:s18+$0x230];
	(pc) =	sbr.rel @p0 .LBB2_3-.Ltmp2, $4  }
0xc6: {  	v3 =	vmax.f32 v1, v4;
	v1 =	vld [tilespmem:s18+$0x2B0]  }
0xc7: {  	v4 =	vmax.f32 v3, v5;
	v3 =	vld [tilespmem:s18+$0x330]  }
0xc8: {  	v5 =	vmax.f32 v4, v6;
	v4 =	vld [tilespmem:s18+$0x3B0]  }
0xc9: {  	v5 =	vmax.f32 v5, v7  }
0xca: {  	v2 =	vmax.f32 v5, v2  }
0xcb: {  	v1 =	vmax.f32 v2, v1  }
0xcc: {  	s18 =	sshll.u32 s17, $0xA;
	p0 =	seq.s32 s17, $0x1F;
	v1 =	vmax.f32 v1, v3  }
0xcd: {  	s20 =	sshrl.u32 @!p0 s18, $0x2;
	v1 =	vmax.f32 v1, v4  }
0xce: {  	s21 =	simm.s32 @!p0 $0x2000;
	[tilespmem:v0+s19+$0x0 ss:$0x1] =	vst.idx.msk $0xffff, v1;
	s19 =	sadd.s32 @!p0 $0x100, s20;
	s20 =	simm.s32 @!p0 $0x80  }
0xcf: {  	[tilespmem:s21], [sflag:$0x1] =	stream.indirect.gather @!p0 [hbm4b:s1+s20], $0x80, s19, s20, $0xb8;
	[tilespmem:$0x1A000] =	vst v63  }
0xd0: {  	_ =	swait.ge [sflag:s12], $0x4000  }
0xd1: {  	[sflag:s12] =	ssyncset.done $0x0  }
0xd2: {  	s19 =	simm.s32 $0x6400;
	[sflag:s12] =	ssyncadd.s32 $0xFFFFC000  }
0xd3: {  	v0 =	vld [tilespmem:s19+$0xFFFFFC80]  }
0xd4: {  	v1 =	vld [tilespmem:s19+$0xFFFFFC00]  }
0xd5: {  	v2 =	vld [tilespmem:s19+$0xFFFFFD00]  }
0xd6: {  	v3 =	vld [tilespmem:s19+$0xFFFFFD80]  }
0xd7: {  	v4 =	vld [tilespmem:s19+$0xFFFFFE00]  }
0xd8: {  	v5 =	vld [tilespmem:s19+$0xFFFFFE80]  }
0xd9: {  	v0 =	vmax.f32 v1, v0;
	v1 =	vld [tilespmem:s19+$0xFFFFFF00]  }
0xda: {  	v0 =	vmax.f32 v0, v2;
	v2 =	vld [tilespmem:s19+$0xFFFFFF80]  }
0xdb: {  	v0 =	vmax.f32 v0, v3;
	v3 =	vld [tilespmem:s19+$0x0]  }
0xdc: {  	v0 =	vmax.f32 v0, v4;
	v4 =	vld [tilespmem:s19+$0x80]  }
0xdd: {  	v0 =	vmax.f32 v0, v5;
	v5 =	vld [tilespmem:s19+$0x100]  }
0xde: {  	v0 =	vmax.f32 v0, v1;
	v1 =	vld [tilespmem:s19+$0x180]  }
0xdf: {  	v0 =	vmax.f32 v0, v2;
	v2 =	vld [tilespmem:s19+$0x200]  }
0xe0: {  	v0 =	vmax.f32 v0, v3;
	v3 =	vld [tilespmem:s19+$0x280]  }
0xe1: {  	v0 =	vmax.f32 v0, v4;
	v4 =	vld [tilespmem:s19+$0x300]  }
0xe2: {  	v6 =	vld [tilespmem:s19+$0x380];
	v5 =	vmax.f32 v0, v5  }
0xe3: {  	v0 =	vmov s16;
	v1 =	vmax.f32 v5, v1  }
0xe4: {  	v1 =	vmax.f32 v1, v2  }
0xe5: {  	v1 =	vmax.f32 v1, v3  }
0xe6: {  	v1 =	vmax.f32 v1, v4  }
0xe7: {  	s20 =	simm.s32 $0x0;
	v1 =	vmax.f32 v1, v6  }
0xe8: {  	[tilespmem:v0+s20+$0xFFFFFFD0 ss:$0x1] =	vst.idx.msk $0xffff, v1  }
0xe9: {  	v1 =	vld [tilespmem:s19+$0xFFFFFC10]  }
0xea: {  	v2 =	vld [tilespmem:s19+$0xFFFFFC90]  }
0xeb: {  	v3 =	vld [tilespmem:s19+$0xFFFFFD10]  }
0xec: {  	v4 =	vld [tilespmem:s19+$0xFFFFFD90]  }
0xed: {  	v5 =	vld [tilespmem:s19+$0xFFFFFE10]  }
0xee: {  	v6 =	vld [tilespmem:s19+$0xFFFFFE90]  }
0xef: {  	v1 =	vmax.f32 v1, v2;
	v2 =	vld [tilespmem:s19+$0xFFFFFF10]  }
0xf0: {  	v1 =	vmax.f32 v1, v3;
	v3 =	vld [tilespmem:s19+$0xFFFFFF90]  }
0xf1: {  	v1 =	vmax.f32 v1, v4;
	v4 =	vld [tilespmem:s19+$0x10]  }
0xf2: {  	v1 =	vmax.f32 v1, v5;
	v5 =	vld [tilespmem:s19+$0x90]  }
0xf3: {  	v1 =	vmax.f32 v1, v6;
	v6 =	vld [tilespmem:s19+$0x110]  }
0xf4: {  	v1 =	vmax.f32 v1, v2;
	v2 =	vld [tilespmem:s19+$0x190]  }
0xf5: {  	v1 =	vmax.f32 v1, v3;
	v3 =	vld [tilespmem:s19+$0x210]  }
0xf6: {  	v1 =	vmax.f32 v1, v4;
	v4 =	vld [tilespmem:s19+$0x290]  }
0xf7: {  	v1 =	vmax.f32 v1, v5;
	v5 =	vld [tilespmem:s19+$0x310]  }
0xf8: {  	v1 =	vmax.f32 v1, v6;
	v6 =	vld [tilespmem:s19+$0x390]  }
0xf9: {  	v1 =	vmax.f32 v1, v2  }
0xfa: {  	v1 =	vmax.f32 v1, v3  }
0xfb: {  	v1 =	vmax.f32 v1, v4  }
0xfc: {  	v1 =	vmax.f32 v1, v5  }
0xfd: {  	v1 =	vmax.f32 v1, v6  }
0xfe: {  	[tilespmem:v0+s20+$0xFFFFFFE0 ss:$0x1] =	vst.idx.msk $0xffff, v1  }
0xff: {  	v1 =	vld [tilespmem:s19+$0xFFFFFC20]  }
0x100: {  	v2 =	vld [tilespmem:s19+$0xFFFFFCA0]  }
0x101: {  	v3 =	vld [tilespmem:s19+$0xFFFFFD20]  }
0x102: {  	v4 =	vld [tilespmem:s19+$0xFFFFFDA0]  }
0x103: {  	v5 =	vld [tilespmem:s19+$0xFFFFFE20]  }
0x104: {  	v6 =	vld [tilespmem:s19+$0xFFFFFEA0]  }
0x105: {  	v1 =	vmax.f32 v1, v2;
	v2 =	vld [tilespmem:s19+$0xFFFFFF20]  }
0x106: {  	v1 =	vmax.f32 v1, v3;
	v3 =	vld [tilespmem:s19+$0xFFFFFFA0]  }
0x107: {  	v1 =	vmax.f32 v1, v4;
	v4 =	vld [tilespmem:s19+$0x20]  }
0x108: {  	v1 =	vmax.f32 v1, v5;
	v5 =	vld [tilespmem:s19+$0xA0]  }
0x109: {  	v1 =	vmax.f32 v1, v6;
	v6 =	vld [tilespmem:s19+$0x120]  }
0x10a: {  	v1 =	vmax.f32 v1, v2;
	v2 =	vld [tilespmem:s19+$0x1A0]  }
0x10b: {  	v1 =	vmax.f32 v1, v3;
	v3 =	vld [tilespmem:s19+$0x220]  }
0x10c: {  	v1 =	vmax.f32 v1, v4;
	v4 =	vld [tilespmem:s19+$0x2A0]  }
0x10d: {  	v1 =	vmax.f32 v1, v5;
	v5 =	vld [tilespmem:s19+$0x320]  }
0x10e: {  	v1 =	vmax.f32 v1, v6;
	v6 =	vld [tilespmem:s19+$0x3A0]  }
0x10f: {  	v1 =	vmax.f32 v1, v2  }
0x110: {  	v1 =	vmax.f32 v1, v3  }
0x111: {  	v1 =	vmax.f32 v1, v4  }
0x112: {  	v1 =	vmax.f32 v1, v5  }
0x113: {  	v1 =	vmax.f32 v1, v6  }
0x114: {  	[tilespmem:v0+s20+$0xFFFFFFF0 ss:$0x1] =	vst.idx.msk $0xffff, v1  }
0x115: {  	v1 =	vld [tilespmem:s19+$0xFFFFFC30]  }
0x116: {  	v2 =	vld [tilespmem:s19+$0xFFFFFCB0]  }
0x117: {  	v3 =	vld [tilespmem:s19+$0xFFFFFD30]  }
0x118: {  	v4 =	vld [tilespmem:s19+$0xFFFFFDB0]  }
0x119: {  	v5 =	vld [tilespmem:s19+$0xFFFFFE30]  }
0x11a: {  	v6 =	vld [tilespmem:s19+$0xFFFFFEB0]  }
0x11b: {  	v1 =	vmax.f32 v1, v2;
	v2 =	vld [tilespmem:s19+$0xFFFFFF30]  }
0x11c: {  	v1 =	vmax.f32 v1, v3;
	v3 =	vld [tilespmem:s19+$0xFFFFFFB0]  }
0x11d: {  	v1 =	vmax.f32 v1, v4;
	v4 =	vld [tilespmem:s19+$0x30]  }
0x11e: {  	v1 =	vmax.f32 v1, v5;
	v5 =	vld [tilespmem:s19+$0xB0]  }
0x11f: {  	v1 =	vmax.f32 v1, v6;
	v6 =	vld [tilespmem:s19+$0x130]  }
0x120: {  	v7 =	vld [tilespmem:s19+$0x1B0];
	v1 =	vmax.f32 v1, v2  }
0x121: {  	v1 =	vmax.f32 v1, v3  }
0x122: {  	v2 =	vld [tilespmem:s19+$0x230];
	v3 =	vmax.f32 v1, v4  }
0x123: {  	v1 =	vld [tilespmem:s19+$0x2B0];
	v4 =	vmax.f32 v3, v5  }
0x124: {  	v3 =	vld [tilespmem:s19+$0x330];
	v5 =	vmax.f32 v4, v6  }
0x125: {  	s21 =	simm.s32 $0x200;
	v4 =	vld [tilespmem:s19+$0x3B0];
	v5 =	vmax.f32 v5, v7  }
.LBB2_5:
0x126: {  	p1 =	sne.s32 s21, $0xE00  }
0x127: {  	v2 =	vmax.f32 v5, v2;
	s19 =	sadd.s32 $0x800, s19;
	s22 =	smov.u32 s21;
	s21 =	sadd.s32 $0x200, s21  }
0x128: {  	v1 =	vmax.f32 v2, v1  }
0x129: {  	v1 =	vmax.f32 v1, v3  }
0x12a: {  	v1 =	vmax.f32 v1, v4  }
0x12b: {  	[tilespmem:v0+s20+$0x0 ss:$0x1] =	vst.idx.msk $0xffff, v1;
	_ =	sdelay $0x1  }
0x12c: {  	v1 =	vld [tilespmem:s19+$0xFFFFFC80]  }
0x12d: {  	v2 =	vld [tilespmem:s19+$0xFFFFFC00]  }
0x12e: {  	v3 =	vld [tilespmem:s19+$0xFFFFFD00]  }
0x12f: {  	v4 =	vld [tilespmem:s19+$0xFFFFFD80]  }
0x130: {  	v5 =	vld [tilespmem:s19+$0xFFFFFE00]  }
0x131: {  	v6 =	vld [tilespmem:s19+$0xFFFFFE80]  }
0x132: {  	v1 =	vmax.f32 v2, v1;
	v2 =	vld [tilespmem:s19+$0xFFFFFF00]  }
0x133: {  	v1 =	vmax.f32 v1, v3;
	v3 =	vld [tilespmem:s19+$0xFFFFFF80]  }
0x134: {  	v1 =	vmax.f32 v1, v4;
	v4 =	vld [tilespmem:s19+$0x0]  }
0x135: {  	v1 =	vmax.f32 v1, v5;
	v5 =	vld [tilespmem:s19+$0x80]  }
0x136: {  	v1 =	vmax.f32 v1, v6;
	v6 =	vld [tilespmem:s19+$0x100]  }
0x137: {  	v1 =	vmax.f32 v1, v2;
	v2 =	vld [tilespmem:s19+$0x180]  }
0x138: {  	v1 =	vmax.f32 v1, v3;
	v3 =	vld [tilespmem:s19+$0x200]  }
0x139: {  	v1 =	vmax.f32 v1, v4;
	v4 =	vld [tilespmem:s19+$0x280]  }
0x13a: {  	v1 =	vmax.f32 v1, v5;
	v5 =	vld [tilespmem:s19+$0x300]  }
0x13b: {  	v1 =	vmax.f32 v1, v6;
	v6 =	vld [tilespmem:s19+$0x380]  }
0x13c: {  	v1 =	vmax.f32 v1, v2  }
0x13d: {  	v1 =	vmax.f32 v1, v3  }
0x13e: {  	v1 =	vmax.f32 v1, v4  }
0x13f: {  	v1 =	vmax.f32 v1, v5  }
0x140: {  	s20 =	sshra.s32 s22, $0x2;
	v1 =	vmax.f32 v1, v6  }
0x141: {  	[tilespmem:v0+s20+$0xFFFFFFD0 ss:$0x1] =	vst.idx.msk $0xffff, v1  }
0x142: {  	v1 =	vld [tilespmem:s19+$0xFFFFFC10]  }
0x143: {  	v2 =	vld [tilespmem:s19+$0xFFFFFC90]  }
0x144: {  	v3 =	vld [tilespmem:s19+$0xFFFFFD10]  }
0x145: {  	v4 =	vld [tilespmem:s19+$0xFFFFFD90]  }
0x146: {  	v5 =	vld [tilespmem:s19+$0xFFFFFE10]  }
0x147: {  	v6 =	vld [tilespmem:s19+$0xFFFFFE90]  }
0x148: {  	v1 =	vmax.f32 v1, v2;
	v2 =	vld [tilespmem:s19+$0xFFFFFF10]  }
0x149: {  	v1 =	vmax.f32 v1, v3;
	v3 =	vld [tilespmem:s19+$0xFFFFFF90]  }
0x14a: {  	v1 =	vmax.f32 v1, v4;
	v4 =	vld [tilespmem:s19+$0x10]  }
0x14b: {  	v1 =	vmax.f32 v1, v5;
	v5 =	vld [tilespmem:s19+$0x90]  }
0x14c: {  	v1 =	vmax.f32 v1, v6;
	v6 =	vld [tilespmem:s19+$0x110]  }
0x14d: {  	v1 =	vmax.f32 v1, v2;
	v2 =	vld [tilespmem:s19+$0x190]  }
0x14e: {  	v1 =	vmax.f32 v1, v3;
	v3 =	vld [tilespmem:s19+$0x210]  }
0x14f: {  	v1 =	vmax.f32 v1, v4;
	v4 =	vld [tilespmem:s19+$0x290]  }
0x150: {  	v1 =	vmax.f32 v1, v5;
	v5 =	vld [tilespmem:s19+$0x310]  }
0x151: {  	v1 =	vmax.f32 v1, v6;
	v6 =	vld [tilespmem:s19+$0x390]  }
0x152: {  	v1 =	vmax.f32 v1, v2  }
0x153: {  	v1 =	vmax.f32 v1, v3  }
0x154: {  	v1 =	vmax.f32 v1, v4  }
0x155: {  	v1 =	vmax.f32 v1, v5  }
0x156: {  	v1 =	vmax.f32 v1, v6  }
0x157: {  	[tilespmem:v0+s20+$0xFFFFFFE0 ss:$0x1] =	vst.idx.msk $0xffff, v1  }
0x158: {  	v1 =	vld [tilespmem:s19+$0xFFFFFC20]  }
0x159: {  	v2 =	vld [tilespmem:s19+$0xFFFFFCA0]  }
0x15a: {  	v3 =	vld [tilespmem:s19+$0xFFFFFD20]  }
0x15b: {  	v4 =	vld [tilespmem:s19+$0xFFFFFDA0]  }
0x15c: {  	v5 =	vld [tilespmem:s19+$0xFFFFFE20]  }
0x15d: {  	v6 =	vld [tilespmem:s19+$0xFFFFFEA0]  }
0x15e: {  	v1 =	vmax.f32 v1, v2;
	v2 =	vld [tilespmem:s19+$0xFFFFFF20]  }
0x15f: {  	v1 =	vmax.f32 v1, v3;
	v3 =	vld [tilespmem:s19+$0xFFFFFFA0]  }
0x160: {  	v1 =	vmax.f32 v1, v4;
	v4 =	vld [tilespmem:s19+$0x20]  }
0x161: {  	v1 =	vmax.f32 v1, v5;
	v5 =	vld [tilespmem:s19+$0xA0]  }
0x162: {  	v1 =	vmax.f32 v1, v6;
	v6 =	vld [tilespmem:s19+$0x120]  }
0x163: {  	v1 =	vmax.f32 v1, v2;
	v2 =	vld [tilespmem:s19+$0x1A0]  }
0x164: {  	v1 =	vmax.f32 v1, v3;
	v3 =	vld [tilespmem:s19+$0x220]  }
0x165: {  	v1 =	vmax.f32 v1, v4;
	v4 =	vld [tilespmem:s19+$0x2A0]  }
0x166: {  	v1 =	vmax.f32 v1, v5;
	v5 =	vld [tilespmem:s19+$0x320]  }
0x167: {  	v1 =	vmax.f32 v1, v6;
	v6 =	vld [tilespmem:s19+$0x3A0]  }
0x168: {  	v1 =	vmax.f32 v1, v2  }
0x169: {  	v1 =	vmax.f32 v1, v3  }
0x16a: {  	v1 =	vmax.f32 v1, v4  }
0x16b: {  	v1 =	vmax.f32 v1, v5  }
0x16c: {  	v1 =	vmax.f32 v1, v6  }
0x16d: {  	[tilespmem:v0+s20+$0xFFFFFFF0 ss:$0x1] =	vst.idx.msk $0xffff, v1  }
0x16e: {  	v1 =	vld [tilespmem:s19+$0xFFFFFC30]  }
0x16f: {  	v2 =	vld [tilespmem:s19+$0xFFFFFCB0]  }
0x170: {  	v3 =	vld [tilespmem:s19+$0xFFFFFD30]  }
0x171: {  	v4 =	vld [tilespmem:s19+$0xFFFFFDB0]  }
0x172: {  	v5 =	vld [tilespmem:s19+$0xFFFFFE30]  }
0x173: {  	v6 =	vld [tilespmem:s19+$0xFFFFFEB0]  }
0x174: {  	v1 =	vmax.f32 v1, v2;
	v2 =	vld [tilespmem:s19+$0xFFFFFF30]  }
0x175: {  	v1 =	vmax.f32 v1, v3;
	v3 =	vld [tilespmem:s19+$0xFFFFFFB0]  }
0x176: {  	v1 =	vmax.f32 v1, v4;
	v4 =	vld [tilespmem:s19+$0x30]  }
0x177: {  	v1 =	vmax.f32 v1, v5;
	v5 =	vld [tilespmem:s19+$0xB0]  }
0x178: {  	v1 =	vmax.f32 v1, v6;
	v6 =	vld [tilespmem:s19+$0x130]  }
0x179: {  	v1 =	vmax.f32 v1, v2;
	v7 =	vld [tilespmem:s19+$0x1B0]  }
.Ltmp3:
0x17a: {  	v1 =	vmax.f32 v1, v3;
	v2 =	vld [tilespmem:s19+$0x230];
	(pc) =	sbr.rel @p1 .LBB2_5-.Ltmp3, $4  }
0x17b: {  	v3 =	vmax.f32 v1, v4;
	v1 =	vld [tilespmem:s19+$0x2B0]  }
0x17c: {  	v4 =	vmax.f32 v3, v5;
	v3 =	vld [tilespmem:s19+$0x330]  }
0x17d: {  	v5 =	vmax.f32 v4, v6;
	v4 =	vld [tilespmem:s19+$0x3B0]  }
0x17e: {  	v5 =	vmax.f32 v5, v7  }
.Ltmp4:
0x17f: {  	v2 =	vmax.f32 v5, v2;
	(pc) =	sbr.rel @p0 .LBB2_8-.Ltmp4, $4  }
0x180: {  	v1 =	vmax.f32 v2, v1  }
0x181: {  	v1 =	vmax.f32 v1, v3  }
0x182: {  	v1 =	vmax.f32 v1, v4  }
0x183: {  	[tilespmem:v0+s20+$0x0 ss:$0x1] =	vst.idx.msk $0xffff, v1  }
.Ltmp5:
0x184: {  	(pc) =	sbr.rel .LBB2_2-.Ltmp5, $4  }
0x185: {  	_ = 	snop  }
0x186: {  	s18 =	sshrl.u32 s18, $0x2;
	s17 =	sadd.s32 $0x1, s17  }
0x187: {  	s15 =	sadd.s32 $0x800, s15;
	s16 =	sadd.s32 $0x800, s16;
	s18 =	sadd.s32 $0x180, s18  }
0x188: {  	[tilespmem:s10], [sflag:$0x2] =	stream.indirect.gather [hbm4b:s1+s8], $0x80, s18, s8, $0xb8;
	[tilespmem:$0x1A000] =	vst v63  }
.LBB2_9:
0x189: {  	_ =	sfence.sel $0x180000  }
0x18a: {  	[bflag:$0x0] =	sbarrier.arrive $0xFFFF  }
0x18b: {  	p0 =	sne.s32 s2, $0x0;
	_ =	strace $0x90000047  }
0x18c: {  	s0 =	sadd.s32 @!p0 $0x100000, s0;
	[bflag:$0x2] =	sbarrier.arrive $0xFFFF  }
0x18d: {  	[sflag:s0] =	ssyncadd.tile.s32 @!p0 $0x1;
	_ =	shalt  }
.Lfunc_end2:
_tile_overlayer_lowered:
.L_overlay_start_2:
0x18e: {  	(tag) =	ssettag $0x2  }
0x18f: {  	s0 =	rddreg [dreg:$0x0];
	s2 =	stileid.u32  }
0x190: {  	s1 =	rddreg [dreg:$0x1];
	p0 =	sne.s32 s2, $0x0  }
0x191: {  	s3 =	rddreg [dreg:$0x2];
	[bflag:$0x3] =	sbarrier.arrive $0xFFFF;
	s2 =	simm.s32 @!p0 $0x1C03  }
0x192: {  	[timem:s3], [sflag:s2] =	dma.local @!p0 [hbm:s0], s1  }
0x193: {  	s0 =	simm.s32 @!p0 $0x3  }
0x194: {  	_ =	swait.ge @!p0 [sflag:s0], s1  }
0x195: {  	s1 =	ssub.s32 @!p0 $0x0, s1;
	[sflag:s0] =	ssyncset.done @!p0 $0x0  }
0x196: {  	[sflag:s0] =	ssyncadd.s32 @!p0 s1  }
0x197: {  	[bflag:$0x3] =	sbarrier.arrive $0xFFFF  }
0x198: {  	_ =	shalt  }

</sc_bundles>
